<compile_context>
chip_gen: v7x
topology: tpu7x:2x2x1
jax: 0.10.2.dev20260603
libtpu: 0.0.44.dev20260713+nightly
codegen_flags: <defaults>
</compile_context>

<pallas_src>
import functools

import jax
import jax.numpy as jnp
from jax import lax
from jax.experimental import pallas as pl
from jax.experimental.pallas import tpu as pltpu
from jax.experimental.pallas import tpu_sc as plsc

F32 = jnp.float32
NW = 32
CH = 128

import numpy as _np

_xs = _np.linspace(0.0, _np.pi, 20001)
_A = _np.stack([(_xs ** 2) ** i for i in range(6)], axis=1)
_COSC = _np.linalg.lstsq(_A, _np.cos(_xs), rcond=None)[0]
_INV2PI = float(1.0 / (2.0 * _np.pi))
_TWOPI = float(2.0 * _np.pi)


def _fast_cos(y):
    k = jnp.round(y * _INV2PI)
    r = y - k * _TWOPI
    r2 = r * r
    acc = jnp.full_like(r2, float(_COSC[5]))
    for i in (4, 3, 2, 1, 0):
        acc = acc * r2 + float(_COSC[i])
    return acc



def _sc_mesh():
    return plsc.VectorSubcoreMesh(core_axis_name="c", subcore_axis_name="s")


def _wave(cpw):
    return cpw if cpw <= 6 else 6


@functools.cache
def _make_multi_gather(specs, narrow_layout):
    n_tables = max(ts for ts, d, n in specs) + 1
    cpws = []
    for ts, d_row, n in specs:
        assert n % (NW * CH) == 0
        cpws.append(n // (NW * CH))
    max_cpw = max(cpws)
    max_wide = max((_wave(c) for (ts, d, n), c in zip(specs, cpws)
                    if d == 128), default=1)
    max_narrow = max((_wave(c) for (ts, d, n), c in zip(specs, cpws)
                      if d != 128), default=1)
    params = (pltpu.CompilerParams(use_tc_tiling_on_sc=False)
              if narrow_layout else None)

    scratch = [pltpu.VMEM((max_cpw, CH), jnp.int32),
               pltpu.VMEM((max_wide * CH, 128), F32),
               pltpu.VMEM((max_narrow * CH, 16), F32)]
    scratch += [pltpu.SemaphoreType.DMA] * 6

    @functools.partial(
        pl.kernel,
        out_type=tuple(jax.ShapeDtypeStruct((n, d_row), F32)
                       for ts, d_row, n in specs),
        compiler_params=params,
        mesh=_sc_mesh(),
        scratch_types=scratch,
    )
    def k(*refs):
        g = len(specs)
        tables = refs[:n_tables]
        idxs = refs[n_tables:n_tables + g]
        outs = refs[n_tables + g:n_tables + 2 * g]
        idx_v, rows_w, rows_n = refs[n_tables + 2 * g:n_tables + 2 * g + 3]
        sems = refs[n_tables + 2 * g + 3:]
        wid = lax.axis_index("s") * 2 + lax.axis_index("c")

        for gi, (tslot, d_row, n) in enumerate(specs):
            cpw = cpws[gi]
            wv = _wave(cpw)
            rows_v = rows_w if d_row == 128 else rows_n
            base = wid * (cpw * CH)
            pltpu.sync_copy(idxs[gi].at[wid], idx_v.at[pl.ds(0, cpw)])

            def wave_body(w, carry, gi=gi, tslot=tslot, cpw=cpw, wv=wv,
                          rows_v=rows_v, base=base, d_row=d_row):
                cps = []
                for j in range(wv):
                    cps.append(pltpu.async_copy(
                        tables[tslot].at[idx_v.at[w * wv + j]],
                        rows_v.at[pl.ds(j * CH, CH)], sems[j]))
                for cp in cps:
                    cp.wait()
                pltpu.sync_copy(
                    rows_v.at[pl.ds(0, wv * CH)],
                    outs[gi].at[pl.ds(base + w * wv * CH, wv * CH)])
                return carry

            lax.fori_loop(0, cpw // wv, wave_body, 0)

    return k


def _sc_gathers(*pairs):
    tables = []
    slots = []
    for t, _ in pairs:
        for si, u in enumerate(tables):
            if u is t:
                slots.append(si)
                break
        else:
            slots.append(len(tables))
            tables.append(t)
    specs = tuple((s, t.shape[1], i.shape[0])
                  for s, (t, i) in zip(slots, pairs))
    narrow = any(t.shape[1] != 128 for t in tables)
    k = _make_multi_gather(specs, narrow)
    args = list(tables)
    args += [i.reshape(NW, i.shape[0] // (NW * CH), CH).astype(jnp.int32)
             for _, i in pairs]
    out = k(*args)
    return out if len(pairs) > 1 else (out,)


@functools.cache
def _make_scatter(V, d_row, n):
    assert n % (NW * CH) == 0
    cpw = n // (NW * CH)

    @functools.partial(
        pl.kernel,
        out_type=(),
        mesh=_sc_mesh(),
        scratch_types=[
            pltpu.VMEM((cpw, CH), jnp.int32),
            pltpu.VMEM((CH, d_row), F32),
            pltpu.SemaphoreType.DMA,
        ],
    )
    def k(t_hbm, idx_hbm, rows_hbm, idx_v, rows_v, sem):
        wid = lax.axis_index("s") * 2 + lax.axis_index("c")
        base = wid * (cpw * CH)
        pltpu.sync_copy(idx_hbm.at[wid], idx_v)

        def body(i, carry):
            pltpu.sync_copy(rows_hbm.at[pl.ds(base + i * CH, CH)], rows_v)
            pltpu.async_copy(rows_v, t_hbm.at[idx_v.at[i]], sem).wait()
            return carry

        lax.fori_loop(0, cpw, body, 0)

    return k


def _sc_scatter_inplace(t_ref, idx, rows):
    n = idx.shape[0]
    k = _make_scatter(t_ref.shape[0], t_ref.shape[1], n)
    k(t_ref, idx.reshape(NW, n // (NW * CH), CH).astype(jnp.int32), rows)



def _tc_transpose3(nbr, nei, ntm):
    m, kk = nbr.shape
    bm = 512
    grid = m // bm

    def body(a_ref, b_ref, c_ref, oa_ref, ob_ref, oc_ref):
        oa_ref[...] = a_ref[...].T
        ob_ref[...] = b_ref[...].T
        oc_ref[...] = c_ref[...].T

    return pl.pallas_call(
        body,
        grid=(grid,),
        in_specs=[pl.BlockSpec((bm, kk), lambda i: (i, 0))] * 3,
        out_specs=[pl.BlockSpec((kk, bm), lambda i: (0, i))] * 3,
        out_shape=[jax.ShapeDtypeStruct((kk, m), nbr.dtype),
                   jax.ShapeDtypeStruct((kk, m), nei.dtype),
                   jax.ShapeDtypeStruct((kk, m), ntm.dtype)],
    )(nbr, nei, ntm)


def _tc_build_table(nf, mem, npad):
    n_rows, d = nf.shape
    bm = 512
    grid = npad // bm

    def body(nf_ref, mem_ref, o_ref):
        o_ref[...] = nf_ref[...] + mem_ref[...]

    return pl.pallas_call(
        body,
        grid=(grid,),
        in_specs=[
            pl.BlockSpec((bm, d), lambda i: (i, 0)),
            pl.BlockSpec((bm, d), lambda i: (i, 0)),
        ],
        out_specs=pl.BlockSpec((bm, d), lambda i: (i, 0)),
        out_shape=jax.ShapeDtypeStruct((npad, d), F32),
    )(nf, mem)


def _tc_message_gru(mem_sd, nf_sd, ef, et, time_w2, time_b2, w_a, w_b, w_ef,
                    w_te, sh_bias, gru_wih, gru_whh, gib, ghb):
    _, b, d = mem_sd.shape
    de = ef.shape[1]
    msg = w_a.shape[1]
    bm = 512
    grid = b // bm

    def body(mem_ref, nf_ref, ef_ref, et_ref, tw_ref, tb_ref, wa_ref, wb_ref,
             wef_ref, wte_ref, shb_ref, wih_ref, whh_ref, gib_ref, ghb_ref,
             o_ref):
        te = _fast_cos(et_ref[...] * tw_ref[...] + tb_ref[...])
        shared = (
            jnp.dot(ef_ref[...], wef_ref[...], preferred_element_type=F32)
            + jnp.dot(te, wte_ref[...], preferred_element_type=F32)
            + shb_ref[...]
        )
        ms = mem_ref[0]
        md = mem_ref[1]
        a_s = jnp.dot(ms, wa_ref[...], preferred_element_type=F32)
        b_s = jnp.dot(ms, wb_ref[...], preferred_element_type=F32)
        a_d = jnp.dot(md, wa_ref[...], preferred_element_type=F32)
        b_d = jnp.dot(md, wb_ref[...], preferred_element_type=F32)
        wih = wih_ref[...]
        whh = whh_ref[...]

        def gru(msg_pre, h):
            x = jax.nn.relu(msg_pre)
            gi = lax.dot_general(x, wih, (((1,), (1,)), ((), ())),
                                 preferred_element_type=F32) + gib_ref[...]
            gh = lax.dot_general(h, whh, (((1,), (1,)), ((), ())),
                                 preferred_element_type=F32) + ghb_ref[...]
            r = jax.nn.sigmoid(gi[:, :d] + gh[:, :d])
            z = jax.nn.sigmoid(gi[:, d:2 * d] + gh[:, d:2 * d])
            nn = jnp.tanh(gi[:, 2 * d:] + r * gh[:, 2 * d:])
            return (1.0 - z) * nn + z * h

        o_ref[0] = gru(a_s + b_d + shared, ms) + nf_ref[0]
        o_ref[1] = gru(a_d + b_s + shared, md) + nf_ref[1]

    full = lambda shape: pl.BlockSpec(shape, lambda i: tuple(0 for _ in shape))
    return pl.pallas_call(
        body,
        grid=(grid,),
        in_specs=[
            pl.BlockSpec((2, bm, d), lambda i: (0, i, 0)),
            pl.BlockSpec((2, bm, d), lambda i: (0, i, 0)),
            pl.BlockSpec((bm, de), lambda i: (i, 0)),
            pl.BlockSpec((bm, 1), lambda i: (i, 0)),
            full((1, d)), full((1, d)),
            full((d, msg)), full((d, msg)), full((de, msg)), full((d, msg)),
            full((1, msg)),
            full((3 * d, msg)), full((3 * d, d)),
            full((1, 3 * d)), full((1, 3 * d)),
        ],
        out_specs=pl.BlockSpec((2, bm, d), lambda i: (0, i, 0)),
        out_shape=jax.ShapeDtypeStruct((2, b, d), F32),
    )(mem_sd, nf_sd, ef, et, time_w2, time_b2, w_a, w_b, w_ef, w_te, sh_bias,
      gru_wih, gru_whh, gib, ghb)


def _tc_attention(feat, nf_node, knbr3, nef3, dt2, time_w2, time_b2,
                  wq_f, q_bias, wnf_cat, wef_cat, wte_cat,
                  wo, mw1a, mw1b, mb1, mw2, mb2):
    m, d = feat.shape
    kk = knbr3.shape[0]
    de = nef3.shape[2]
    hd = d // 2
    bm = 128
    grid = m // bm

    def body(feat_ref, nfn_ref, knbr_ref, nef_ref, dt_ref, tw_ref,
             tb_ref, wqf_ref, qb_ref, wnf_ref, wef_ref, wte_ref,
             wo_ref, mw1a_ref, mw1b_ref, mb1_ref, mw2_ref, mb2_ref, o_ref):
        q = jnp.dot(feat_ref[...], wqf_ref[...],
                    preferred_element_type=F32) + qb_ref[...]
        dt3 = dt_ref[...][:, :, None]
        te3 = _fast_cos(dt3 * tw_ref[...].reshape(1, 1, d)
                        + tb_ref[...].reshape(1, 1, d))
        te2 = te3.reshape(kk * bm, d)
        kn2 = knbr_ref[...].reshape(kk * bm, d)
        nf2 = nef_ref[...].reshape(kk * bm, de)
        kv = (jnp.dot(kn2, wnf_ref[...], preferred_element_type=F32)
              + jnp.dot(nf2, wef_ref[...], preferred_element_type=F32)
              + jnp.dot(te2, wte_ref[...], preferred_element_type=F32))
        k3 = kv[:, :d].reshape(kk, bm, d)
        v3 = kv[:, d:].reshape(kk, bm, d)
        prod = k3 * q[None, :, :]
        scale = 1.0 / (float(hd) ** 0.5)
        outs = []
        for h in range(2):
            lg = jnp.sum(prod[:, :, h * hd:(h + 1) * hd], axis=-1,
                         keepdims=True) * scale
            mx = jnp.max(lg, axis=0, keepdims=True)
            e = jnp.exp(lg - mx)
            att = e / jnp.sum(e, axis=0, keepdims=True)
            outs.append(jnp.sum(att * v3[:, :, h * hd:(h + 1) * hd],
                                axis=0))
        o = jnp.concatenate(outs, axis=-1)
        oo = jnp.dot(o, wo_ref[...], preferred_element_type=F32)
        h1 = jax.nn.relu(
            jnp.dot(oo, mw1a_ref[...], preferred_element_type=F32)
            + jnp.dot(nfn_ref[...], mw1b_ref[...], preferred_element_type=F32)
            + mb1_ref[...])
        o_ref[...] = jnp.dot(h1, mw2_ref[...],
                             preferred_element_type=F32) + mb2_ref[...]

    full = lambda shape: pl.BlockSpec(shape, lambda i: tuple(0 for _ in shape))
    return pl.pallas_call(
        body,
        grid=(grid,),
        in_specs=[
            pl.BlockSpec((bm, d), lambda i: (i, 0)),
            pl.BlockSpec((bm, d), lambda i: (i, 0)),
            pl.BlockSpec((kk, bm, d), lambda i: (0, i, 0)),
            pl.BlockSpec((kk, bm, de), lambda i: (0, i, 0)),
            pl.BlockSpec((kk, bm), lambda i: (0, i)),
            full((1, d)), full((1, d)),
            full((d, d)), full((1, d)),
            full((d, 2 * d)), full((de, 2 * d)), full((d, 2 * d)),
            full((d, d)), full((d, d)), full((d, d)), full((1, d)),
            full((d, d)), full((1, d)),
        ],
        out_specs=pl.BlockSpec((bm, d), lambda i: (i, 0)),
        out_shape=jax.ShapeDtypeStruct((m, d), F32),
    )(feat, nf_node, knbr3, nef3, dt2, time_w2, time_b2, wq_f, q_bias,
      wnf_cat, wef_cat, wte_cat, wo, mw1a, mw1b, mb1, mw2, mb2)


def _tc_affinity(emb3, a1a, a1b, ab1, a2, ab2):
    _, b, d = emb3.shape
    bm = 512
    grid = b // bm

    def body(e_ref, a1a_ref, a1b_ref, ab1_ref, a2_ref, ab2_ref, o_ref):
        se = jnp.dot(e_ref[0], a1a_ref[...], preferred_element_type=F32)
        hp = jax.nn.relu(
            se + jnp.dot(e_ref[1], a1b_ref[...], preferred_element_type=F32)
            + ab1_ref[...])
        hn = jax.nn.relu(
            se + jnp.dot(e_ref[2], a1b_ref[...], preferred_element_type=F32)
            + ab1_ref[...])
        o_ref[0] = jnp.dot(hp, a2_ref[...],
                           preferred_element_type=F32) + ab2_ref[...]
        o_ref[1] = jnp.dot(hn, a2_ref[...],
                           preferred_element_type=F32) + ab2_ref[...]

    full = lambda shape: pl.BlockSpec(shape, lambda i: tuple(0 for _ in shape))
    return pl.pallas_call(
        body,
        grid=(grid,),
        in_specs=[
            pl.BlockSpec((3, bm, d), lambda i: (0, i, 0)),
            full((d, d)), full((d, d)), full((1, d)), full((d, 1)),
            full((1, 1)),
        ],
        out_specs=pl.BlockSpec((2, bm, 1), lambda i: (0, i, 0)),
        out_shape=jax.ShapeDtypeStruct((2, b, 1), F32),
    )(emb3, a1a, a1b, ab1, a2, ab2)



def kernel(source_nodes, destination_nodes, negative_nodes, edge_times,
           edge_idxs, neighbors, neighbor_edge_idxs, neighbor_times,
           node_features, edge_features, memory, time_w, time_b,
           num_w1, num_b1, num_w2, num_b2, msg_W, msg_b,
           gru_wih, gru_whh, gru_bih, gru_bhh,
           Wq, Wk, Wv, Wo, merge_W1, merge_b1, merge_W2, merge_b2,
           aff_W1, aff_b1, aff_W2, aff_b2):
    n_nodes, d = memory.shape
    b = source_nodes.shape[0]
    m, kk = neighbors.shape
    de = edge_features.shape[1]
    npad = ((n_nodes + 1 + 511) // 512) * 512

    time_w2 = time_w.reshape(1, d)
    time_b2 = time_b.reshape(1, d)

    cat_idx = jnp.concatenate([source_nodes, destination_nodes])
    nodes = jnp.concatenate([source_nodes, destination_nodes, negative_nodes])
    mem_sd, nf_sd, ef_e = _sc_gathers(
        (memory, cat_idx), (node_features, cat_idx),
        (edge_features, edge_idxs))
    mem_sd = mem_sd.reshape(2, b, d)
    nf_sd = nf_sd.reshape(2, b, d)
    nbr_t, nei_t, ntm_t = _tc_transpose3(
        neighbors, neighbor_edge_idxs, neighbor_times)
    nf_node, nef = _sc_gathers(
        (node_features, nodes), (edge_features, nei_t.reshape(m * kk)))

    ne = (jax.nn.relu(num_w1[0, 0] + num_b1[0]) * num_w2[0, 0] + num_b2[0])
    sh_bias = (ne * msg_W[2 * d + de + d] + msg_b).reshape(1, -1)

    upd2 = _tc_message_gru(
        mem_sd, nf_sd, ef_e, edge_times.reshape(b, 1), time_w2, time_b2,
        msg_W[:d], msg_W[d:2 * d], msg_W[2 * d:2 * d + de],
        msg_W[2 * d + de:2 * d + de + d], sh_bias,
        gru_wih, gru_whh, gru_bih.reshape(1, -1), gru_bhh.reshape(1, -1),
    ).reshape(2 * b, d)

    pos = jnp.arange(1, 2 * b + 1, dtype=jnp.int32)
    last = jnp.zeros((n_nodes,), jnp.int32).at[cat_idx].max(pos)
    win = last[cat_idx] == pos
    scat_idx = jnp.where(win, cat_idx, n_nodes)

    t0 = _tc_build_table(node_features, memory, npad)
    t_ref = jax.new_ref(t0)
    _sc_scatter_inplace(t_ref, scat_idx, upd2)

    feat, knbr = _sc_gathers((t_ref, nodes), (t_ref, nbr_t.reshape(m * kk)))

    ts = jnp.concatenate([edge_times, edge_times, edge_times])
    dt2 = ts[None, :] - ntm_t
    q_bias = (jnp.cos(time_b).reshape(1, d) @ Wq[d:]).reshape(1, d)
    wnf_cat = jnp.concatenate([Wk[:d], Wv[:d]], axis=1)
    wef_cat = jnp.concatenate([Wk[d:d + de], Wv[d:d + de]], axis=1)
    wte_cat = jnp.concatenate([Wk[d + de:], Wv[d + de:]], axis=1)

    emb = _tc_attention(
        feat, nf_node, knbr.reshape(kk, m, d), nef.reshape(kk, m, de),
        dt2, time_w2, time_b2,
        Wq[:d], q_bias, wnf_cat, wef_cat, wte_cat, Wo,
        merge_W1[:d], merge_W1[d:], merge_b1.reshape(1, d),
        merge_W2, merge_b2.reshape(1, d))

    out2 = _tc_affinity(
        emb.reshape(3, b, d), aff_W1[:d], aff_W1[d:],
        aff_b1.reshape(1, d), aff_W2, aff_b2.reshape(1, 1))
    return out2.reshape(2 * b, 1)

# --- scband reference (transcript-rebuilt; emitter-appended) ---
"""Pipeline reference for scband-tgn-34230889349755 (READ-ONLY COPY).

The authoritative reference and input builder live on the scoring server;
editing this copy changes nothing except your own understanding.
"""

import jax, jax.numpy as jnp
import numpy as np

N = 50000; D = 128; DE = 16; ET = 800000; B = 4096; K = 20
MSG = 100; RAW = 2 * D + DE + D + 1; H = 2; HD = D // H; M = 3 * B


def setup_inputs(seed: int = 0) -> dict:
    key = jax.random.key(seed)
    ks = jax.random.split(key, 40)
    f = jax.random.normal; u = jax.random.uniform; ri = jax.random.randint
    inp = {}
    inp["source_nodes"] = ri(ks[0], (B,), 0, N)
    inp["destination_nodes"] = ri(ks[1], (B,), 0, N)
    inp["negative_nodes"] = ri(ks[2], (B,), 0, N)
    inp["edge_times"] = u(ks[3], (B,), minval=0.0, maxval=1000.0)
    inp["edge_idxs"] = ri(ks[4], (B,), 0, ET)
    inp["neighbors"] = ri(ks[5], (M, K), 0, N)
    inp["neighbor_edge_idxs"] = ri(ks[6], (M, K), 0, ET)
    inp["neighbor_times"] = u(ks[7], (M, K), minval=0.0, maxval=1000.0)
    inp["node_features"] = f(ks[8], (N, D)) * 0.1
    inp["edge_features"] = f(ks[9], (ET, DE)) * 0.1
    inp["memory"] = f(ks[10], (N, D)) * 0.1
    inp["time_w"] = (1.0 / (10.0 ** jnp.linspace(0.0, 9.0, D))).astype(jnp.float32)
    inp["time_b"] = jnp.zeros((D,), jnp.float32)
    inp["num_w1"] = f(ks[11], (1, 1))
    inp["num_b1"] = jnp.zeros((1,))
    inp["num_w2"] = f(ks[12], (1, 1))
    inp["num_b2"] = jnp.zeros((1,))
    inp["msg_W"] = f(ks[13], (RAW, MSG)) * (1.0 / np.sqrt(RAW))
    inp["msg_b"] = jnp.zeros((MSG,))
    inp["gru_wih"] = f(ks[14], (3 * D, MSG)) * (1.0 / np.sqrt(MSG))
    inp["gru_whh"] = f(ks[15], (3 * D, D)) * (1.0 / np.sqrt(D))
    inp["gru_bih"] = jnp.zeros((3 * D,))
    inp["gru_bhh"] = jnp.zeros((3 * D,))
    inp["Wq"] = f(ks[16], (2 * D, D)) * (1.0 / np.sqrt(2 * D))
    inp["Wk"] = f(ks[17], (D + DE + D, D)) * (1.0 / np.sqrt(D + DE + D))
    inp["Wv"] = f(ks[18], (D + DE + D, D)) * (1.0 / np.sqrt(D + DE + D))
    inp["Wo"] = f(ks[19], (D, D)) * (1.0 / np.sqrt(D))
    inp["merge_W1"] = f(ks[20], (2 * D, D)) * (1.0 / np.sqrt(2 * D))
    inp["merge_b1"] = jnp.zeros((D,))
    inp["merge_W2"] = f(ks[21], (D, D)) * (1.0 / np.sqrt(D))
    inp["merge_b2"] = jnp.zeros((D,))
    inp["aff_W1"] = f(ks[22], (2 * D, D)) * (1.0 / np.sqrt(2 * D))
    inp["aff_b1"] = jnp.zeros((D,))
    inp["aff_W2"] = f(ks[23], (D, 1)) * (1.0 / np.sqrt(D))
    inp["aff_b2"] = jnp.zeros((1,))
    return inp


def reference(source_nodes, destination_nodes, negative_nodes, edge_times, edge_idxs,
              neighbors, neighbor_edge_idxs, neighbor_times,
              node_features, edge_features, memory, time_w, time_b,
              num_w1, num_b1, num_w2, num_b2, msg_W, msg_b,
              gru_wih, gru_whh, gru_bih, gru_bhh,
              Wq, Wk, Wv, Wo, merge_W1, merge_b1, merge_W2, merge_b2,
              aff_W1, aff_b1, aff_W2, aff_b2):
    def time_enc(t):
        return jnp.cos(t[..., None] * time_w + time_b)

    def gru(x, h):
        gi = x @ gru_wih.T + gru_bih
        gh = h @ gru_whh.T + gru_bhh
        ir, iz, inn = jnp.split(gi, 3, axis=-1)
        hr, hz, hn = jnp.split(gh, 3, axis=-1)
        r = jax.nn.sigmoid(ir + hr)
        z = jax.nn.sigmoid(iz + hz)
        n = jnp.tanh(inn + r * hn)
        return (1.0 - z) * n + z * h

    # --- message computation + memory update (TGN memory path) ---
    mem_s = memory[source_nodes]
    mem_d = memory[destination_nodes]
    ef = edge_features[edge_idxs]
    te = time_enc(edge_times)
    ne = jax.nn.relu(jnp.ones((edge_times.shape[0], 1)) @ num_w1 + num_b1) @ num_w2 + num_b2
    raw_s = jnp.concatenate([mem_s, mem_d, ef, te, ne], axis=-1)
    raw_d = jnp.concatenate([mem_d, mem_s, ef, te, ne], axis=-1)
    msg_s = jax.nn.relu(raw_s @ msg_W + msg_b)
    msg_d = jax.nn.relu(raw_d @ msg_W + msg_b)
    memory2 = memory.at[source_nodes].set(gru(msg_s, mem_s)).at[destination_nodes].set(gru(msg_d, mem_d))

    # --- temporal graph attention embedding (1 layer, 2 heads) ---
    nodes = jnp.concatenate([source_nodes, destination_nodes, negative_nodes])
    ts = jnp.concatenate([edge_times, edge_times, edge_times])
    feat = node_features[nodes] + memory2[nodes]
    q_in = jnp.concatenate([feat, time_enc(jnp.zeros_like(ts))], axis=-1)
    nf = node_features[neighbors] + memory2[neighbors]
    nef = edge_features[neighbor_edge_idxs]
    k_in = jnp.concatenate([nf, nef, time_enc(ts[:, None] - neighbor_times)], axis=-1)
    Mq = nodes.shape[0]
    q = (q_in @ Wq).reshape(Mq, H, HD)
    k = (k_in @ Wk).reshape(Mq, K, H, HD)
    v = (k_in @ Wv).reshape(Mq, K, H, HD)
    att = jax.nn.softmax(jnp.einsum('nhd,nkhd->nhk', q, k) / jnp.sqrt(float(HD)), axis=-1)
    out = jnp.einsum('nhk,nkhd->nhd', att, v).reshape(Mq, D) @ Wo
    h1 = jax.nn.relu(jnp.concatenate([out, node_features[nodes]], axis=-1) @ merge_W1 + merge_b1)
    emb = h1 @ merge_W2 + merge_b2

    # --- affinity scores (MergeLayer) ---
    se, de, nege = emb[:B], emb[B:2 * B], emb[2 * B:]
    pos = jax.nn.relu(jnp.concatenate([se, de], axis=-1) @ aff_W1 + aff_b1) @ aff_W2 + aff_b2
    neg = jax.nn.relu(jnp.concatenate([se, nege], axis=-1) @ aff_W1 + aff_b1) @ aff_W2 + aff_b2
    return jnp.concatenate([pos, neg], axis=0)

if __name__ == "__main__":
    import jax
    _d = setup_inputs()
    print(jax.jit(kernel)(*tuple(_d.values())))

</pallas_src>

<mosaic_0001>
#map = affine_map<(d0, d1) -> (0, 0)>
#map1 = affine_map<(d0, d1) -> (0, 0, 0)>
module attributes {stable_mosaic.version = 14 : i64} {
  func.func @new_body(%arg0: i32, %arg1: i32, %arg2: memref<50176x128xf32, #tpu.memory_space<hbm>>, %arg3: memref<32x2x128xi32, #tpu.memory_space<hbm>>, %arg4: memref<8192x128xf32, #tpu.memory_space<hbm>>, %arg5: memref<50176x128xf32, #tpu.memory_space<hbm>>, %arg6: memref<2x128xi32, #tpu.memory_space<vmem>>, %arg7: memref<128x128xf32, #tpu.memory_space<vmem>>, %arg8: memref<!tpu.dma_semaphore, #tpu.memory_space<semaphore_mem>>) attributes {dimension_semantics = [#tpu.dimension_semantics<core_parallel>, #tpu.dimension_semantics<subcore_parallel>], iteration_bounds = array<i64: 2, 16>, scalar_prefetch = 0 : i64, scratch_operands = 3 : i64, tpu.core_type = #tpu.core_type<sc_vector_subcore>, window_params = [{transform_indices = #map}, {transform_indices = #map1}, {transform_indices = #map}, {transform_indices = #map}]} {
    %mul3A = arith.constant 2 : i32
    %mul3A_0 = arith.muli %arg1, %mul3A : i32
    %add3A = arith.addi %mul3A_0, %arg0 : i32
    %mul3A_1 = arith.constant 256 : i32
    %mul3A_2 = arith.muli %add3A, %mul3A_1 : i32
    "tpu.region"() ({
      %run_scoped3A = tpu.sem_alloc : memref<!tpu.dma_semaphore, #tpu.memory_space<semaphore_mem>>
      %dma_start3A = arith.constant 0 : i32
      %dma_start3A_8 = arith.constant 0 : i32
      %dma_start3A_9 = tpu.memref_slice %arg3[%add3A, %dma_start3A, %dma_start3A_8] : memref<32x2x128xi32, #tpu.memory_space<hbm>> -> memref<1x2x128xi32, #tpu.memory_space<hbm>>
      %dma_start3A_10 = tpu.memref_squeeze %dma_start3A_9 : memref<1x2x128xi32, #tpu.memory_space<hbm>> -> memref<2x128xi32, #tpu.memory_space<hbm>>
      %dma_start3A_11 = arith.constant 0 : i32
      %dma_start3A_12 = arith.constant 0 : i32
      %dma_start3A_13 = tpu.memref_slice %arg3[%add3A, %dma_start3A_11, %dma_start3A_12] : memref<32x2x128xi32, #tpu.memory_space<hbm>> -> memref<1x2x128xi32, #tpu.memory_space<hbm>>
      %dma_start3A_14 = tpu.memref_squeeze %dma_start3A_13 : memref<1x2x128xi32, #tpu.memory_space<hbm>> -> memref<2x128xi32, #tpu.memory_space<hbm>>
      tpu.enqueue_dma source(%dma_start3A_14 : memref<2x128xi32, #tpu.memory_space<hbm>>) target(%arg6 : memref<2x128xi32, #tpu.memory_space<vmem>>) target_semaphore(%run_scoped3A : memref<!tpu.dma_semaphore, #tpu.memory_space<semaphore_mem>>)
      %dma_wait3A = arith.constant 0 : i32
      %dma_wait3A_15 = arith.constant 0 : i32
      %dma_wait3A_16 = tpu.memref_slice %arg3[%add3A, %dma_wait3A, %dma_wait3A_15] : memref<32x2x128xi32, #tpu.memory_space<hbm>> -> memref<1x2x128xi32, #tpu.memory_space<hbm>>
      %dma_wait3A_17 = tpu.memref_squeeze %dma_wait3A_16 : memref<1x2x128xi32, #tpu.memory_space<hbm>> -> memref<2x128xi32, #tpu.memory_space<hbm>>
      %dma_wait3A_18 = arith.constant 0 : i32
      %dma_wait3A_19 = arith.constant 0 : i32
      %dma_wait3A_20 = tpu.memref_slice %arg3[%add3A, %dma_wait3A_18, %dma_wait3A_19] : memref<32x2x128xi32, #tpu.memory_space<hbm>> -> memref<1x2x128xi32, #tpu.memory_space<hbm>>
      %dma_wait3A_21 = tpu.memref_squeeze %dma_wait3A_20 : memref<1x2x128xi32, #tpu.memory_space<hbm>> -> memref<2x128xi32, #tpu.memory_space<hbm>>
      tpu.wait_dma2 semaphore(%run_scoped3A : memref<!tpu.dma_semaphore, #tpu.memory_space<semaphore_mem>>) src(%dma_wait3A_21 : memref<2x128xi32, #tpu.memory_space<hbm>>) dst(%arg6 : memref<2x128xi32, #tpu.memory_space<vmem>>)
      tpu.yield
    }) : () -> ()
    %scan3A = arith.constant 0 : i32
    %scan3A_3 = arith.constant 0 : i32
    %scan3A_4 = arith.constant 2 : i32
    %scan3A_5 = arith.addi %scan3A_3, %scan3A_4 : i32
    %scan3A_6 = arith.constant 1 : i32
    scf.for %scan3A_8 = %scan3A_3 to %scan3A_5 step %scan3A_6  : i32 {
      %mul3A_9 = arith.constant 128 : i32
      %mul3A_10 = arith.muli %scan3A_8, %mul3A_9 : i32
      %add3A_11 = arith.addi %mul3A_2, %mul3A_10 : i32
      "tpu.region"() ({
        %run_scoped3A = tpu.sem_alloc : memref<!tpu.dma_semaphore, #tpu.memory_space<semaphore_mem>>
        %dma_start3A_22 = arith.constant 0 : i32
        %dma_start3A_23 = tpu.memref_slice %arg4[%add3A_11, %dma_start3A_22] : memref<8192x128xf32, #tpu.memory_space<hbm>> -> memref<128x128xf32, #tpu.memory_space<hbm>>
        %dma_start3A_24 = arith.constant 0 : i32
        %dma_start3A_25 = tpu.memref_slice %arg4[%add3A_11, %dma_start3A_24] : memref<8192x128xf32, #tpu.memory_space<hbm>> -> memref<128x128xf32, #tpu.memory_space<hbm>>
        tpu.enqueue_dma source(%dma_start3A_25 : memref<128x128xf32, #tpu.memory_space<hbm>>) target(%arg7 : memref<128x128xf32, #tpu.memory_space<vmem>>) target_semaphore(%run_scoped3A : memref<!tpu.dma_semaphore, #tpu.memory_space<semaphore_mem>>)
        %dma_wait3A_26 = arith.constant 0 : i32
        %dma_wait3A_27 = tpu.memref_slice %arg4[%add3A_11, %dma_wait3A_26] : memref<8192x128xf32, #tpu.memory_space<hbm>> -> memref<128x128xf32, #tpu.memory_space<hbm>>
        %dma_wait3A_28 = arith.constant 0 : i32
        %dma_wait3A_29 = tpu.memref_slice %arg4[%add3A_11, %dma_wait3A_28] : memref<8192x128xf32, #tpu.memory_space<hbm>> -> memref<128x128xf32, #tpu.memory_space<hbm>>
        tpu.wait_dma2 semaphore(%run_scoped3A : memref<!tpu.dma_semaphore, #tpu.memory_space<semaphore_mem>>) src(%dma_wait3A_29 : memref<128x128xf32, #tpu.memory_space<hbm>>) dst(%arg7 : memref<128x128xf32, #tpu.memory_space<vmem>>)
        tpu.yield
      }) : () -> ()
      %dma_start3A = arith.constant 0 : i32
      %dma_start3A_12 = tpu.memref_slice %arg6[%scan3A_8, %dma_start3A] : memref<2x128xi32, #tpu.memory_space<vmem>> -> memref<1x128xi32, #tpu.memory_space<vmem>>
      %dma_start3A_13 = tpu.memref_squeeze %dma_start3A_12 : memref<1x128xi32, #tpu.memory_space<vmem>> -> memref<128xi32, #tpu.memory_space<vmem>>
      %dma_start3A_14 = arith.constant 0 : i32
      %dma_start3A_15 = arith.constant 0 : i32
      %dma_start3A_16 = tpu.memref_slice %arg2[%dma_start3A_14, %dma_start3A_15] : memref<50176x128xf32, #tpu.memory_space<hbm>> -> memref<50176x128xf32, #tpu.memory_space<hbm>>
      tpu.enqueue_indirect_dma source(%arg7 : memref<128x128xf32, #tpu.memory_space<vmem>>) target(%dma_start3A_16 : memref<50176x128xf32, #tpu.memory_space<hbm>>) offsets(%dma_start3A_13 : memref<128xi32, #tpu.memory_space<vmem>>) semaphore(%arg8 : memref<!tpu.dma_semaphore, #tpu.memory_space<semaphore_mem>>)
      %dma_wait3A = arith.constant 0 : i32
      %dma_wait3A_17 = tpu.memref_slice %arg6[%scan3A_8, %dma_wait3A] : memref<2x128xi32, #tpu.memory_space<vmem>> -> memref<1x128xi32, #tpu.memory_space<vmem>>
      %dma_wait3A_18 = tpu.memref_squeeze %dma_wait3A_17 : memref<1x128xi32, #tpu.memory_space<vmem>> -> memref<128xi32, #tpu.memory_space<vmem>>
      %dma_wait3A_19 = arith.constant 0 : i32
      %dma_wait3A_20 = arith.constant 0 : i32
      %dma_wait3A_21 = tpu.memref_slice %arg2[%dma_wait3A_19, %dma_wait3A_20] : memref<50176x128xf32, #tpu.memory_space<hbm>> -> memref<50176x128xf32, #tpu.memory_space<hbm>>
      tpu.wait_indirect_dma semaphore(%arg8 : memref<!tpu.dma_semaphore, #tpu.memory_space<semaphore_mem>>) src(%arg7 : memref<128x128xf32, #tpu.memory_space<vmem>>) dst(%dma_wait3A_21 : memref<50176x128xf32, #tpu.memory_space<hbm>>)
    }
    %scan3A_7 = arith.constant 2 : i32
    return
  }
}

#map = affine_map<(d0, d1) -> (0, 0)>
#map1 = affine_map<(d0, d1) -> (0, 0, 0)>
module attributes {stable_mosaic.version = 14 : i64} {
  func.func @k(%arg0: i32, %arg1: i32, %arg2: memref<50000x128xf32, #tpu.memory_space<hbm>>, %arg3: memref<50000x128xf32, #tpu.memory_space<hbm>>, %arg4: memref<800000x16xf32, #tpu.memory_space<hbm>>, %arg5: memref<32x2x128xi32, #tpu.memory_space<hbm>>, %arg6: memref<32x2x128xi32, #tpu.memory_space<hbm>>, %arg7: memref<32x1x128xi32, #tpu.memory_space<hbm>>, %arg8: memref<8192x128xf32, #tpu.memory_space<hbm>>, %arg9: memref<8192x128xf32, #tpu.memory_space<hbm>>, %arg10: memref<4096x16xf32, #tpu.memory_space<hbm>>, %arg11: memref<2x128xi32, #tpu.memory_space<vmem>>, %arg12: memref<256x128xf32, #tpu.memory_space<vmem>>, %arg13: memref<128x16xf32, #tpu.memory_space<vmem>>, %arg14: memref<!tpu.dma_semaphore, #tpu.memory_space<semaphore_mem>>, %arg15: memref<!tpu.dma_semaphore, #tpu.memory_space<semaphore_mem>>, %arg16: memref<!tpu.dma_semaphore, #tpu.memory_space<semaphore_mem>>, %arg17: memref<!tpu.dma_semaphore, #tpu.memory_space<semaphore_mem>>, %arg18: memref<!tpu.dma_semaphore, #tpu.memory_space<semaphore_mem>>, %arg19: memref<!tpu.dma_semaphore, #tpu.memory_space<semaphore_mem>>) attributes {dimension_semantics = [#tpu.dimension_semantics<core_parallel>, #tpu.dimension_semantics<subcore_parallel>], iteration_bounds = array<i64: 2, 16>, scalar_prefetch = 0 : i64, scratch_operands = 9 : i64, tpu.core_type = #tpu.core_type<sc_vector_subcore>, window_params = [{transform_indices = #map}, {transform_indices = #map}, {transform_indices = #map}, {transform_indices = #map1}, {transform_indices = #map1}, {transform_indices = #map1}, {transform_indices = #map}, {transform_indices = #map}, {transform_indices = #map}]} {
    %mul3A = arith.constant 2 : i32
    %mul3A_0 = arith.muli %arg1, %mul3A : i32
    %add3A = arith.addi %mul3A_0, %arg0 : i32
    %mul3A_1 = arith.constant 256 : i32
    %mul3A_2 = arith.muli %add3A, %mul3A_1 : i32
    "tpu.region"() ({
      %run_scoped3A = tpu.sem_alloc : memref<!tpu.dma_semaphore, #tpu.memory_space<semaphore_mem>>
      %dma_start3A_138 = arith.constant 0 : i32
      %dma_start3A_139 = arith.constant 0 : i32
      %dma_start3A_140 = tpu.memref_slice %arg11[%dma_start3A_138, %dma_start3A_139] : memref<2x128xi32, #tpu.memory_space<vmem>> -> memref<2x128xi32, #tpu.memory_space<vmem>>
      %dma_start3A_141 = arith.constant 0 : i32
      %dma_start3A_142 = arith.constant 0 : i32
      %dma_start3A_143 = tpu.memref_slice %arg5[%add3A, %dma_start3A_141, %dma_start3A_142] : memref<32x2x128xi32, #tpu.memory_space<hbm>> -> memref<1x2x128xi32, #tpu.memory_space<hbm>>
      %dma_start3A_144 = tpu.memref_squeeze %dma_start3A_143 : memref<1x2x128xi32, #tpu.memory_space<hbm>> -> memref<2x128xi32, #tpu.memory_space<hbm>>
      %dma_start3A_145 = arith.constant 0 : i32
      %dma_start3A_146 = arith.constant 0 : i32
      %dma_start3A_147 = tpu.memref_slice %arg11[%dma_start3A_145, %dma_start3A_146] : memref<2x128xi32, #tpu.memory_space<vmem>> -> memref<2x128xi32, #tpu.memory_space<vmem>>
      %dma_start3A_148 = arith.constant 0 : i32
      %dma_start3A_149 = arith.constant 0 : i32
      %dma_start3A_150 = tpu.memref_slice %arg5[%add3A, %dma_start3A_148, %dma_start3A_149] : memref<32x2x128xi32, #tpu.memory_space<hbm>> -> memref<1x2x128xi32, #tpu.memory_space<hbm>>
      %dma_start3A_151 = tpu.memref_squeeze %dma_start3A_150 : memref<1x2x128xi32, #tpu.memory_space<hbm>> -> memref<2x128xi32, #tpu.memory_space<hbm>>
      tpu.enqueue_dma source(%dma_start3A_151 : memref<2x128xi32, #tpu.memory_space<hbm>>) target(%dma_start3A_147 : memref<2x128xi32, #tpu.memory_space<vmem>>) target_semaphore(%run_scoped3A : memref<!tpu.dma_semaphore, #tpu.memory_space<semaphore_mem>>)
      %dma_wait3A_152 = arith.constant 0 : i32
      %dma_wait3A_153 = arith.constant 0 : i32
      %dma_wait3A_154 = tpu.memref_slice %arg11[%dma_wait3A_152, %dma_wait3A_153] : memref<2x128xi32, #tpu.memory_space<vmem>> -> memref<2x128xi32, #tpu.memory_space<vmem>>
      %dma_wait3A_155 = arith.constant 0 : i32
      %dma_wait3A_156 = arith.constant 0 : i32
      %dma_wait3A_157 = tpu.memref_slice %arg5[%add3A, %dma_wait3A_155, %dma_wait3A_156] : memref<32x2x128xi32, #tpu.memory_space<hbm>> -> memref<1x2x128xi32, #tpu.memory_space<hbm>>
      %dma_wait3A_158 = tpu.memref_squeeze %dma_wait3A_157 : memref<1x2x128xi32, #tpu.memory_space<hbm>> -> memref<2x128xi32, #tpu.memory_space<hbm>>
      %dma_wait3A_159 = arith.constant 0 : i32
      %dma_wait3A_160 = arith.constant 0 : i32
      %dma_wait3A_161 = tpu.memref_slice %arg11[%dma_wait3A_159, %dma_wait3A_160] : memref<2x128xi32, #tpu.memory_space<vmem>> -> memref<2x128xi32, #tpu.memory_space<vmem>>
      %dma_wait3A_162 = arith.constant 0 : i32
      %dma_wait3A_163 = arith.constant 0 : i32
      %dma_wait3A_164 = tpu.memref_slice %arg5[%add3A, %dma_wait3A_162, %dma_wait3A_163] : memref<32x2x128xi32, #tpu.memory_space<hbm>> -> memref<1x2x128xi32, #tpu.memory_space<hbm>>
      %dma_wait3A_165 = tpu.memref_squeeze %dma_wait3A_164 : memref<1x2x128xi32, #tpu.memory_space<hbm>> -> memref<2x128xi32, #tpu.memory_space<hbm>>
      tpu.wait_dma2 semaphore(%run_scoped3A : memref<!tpu.dma_semaphore, #tpu.memory_space<semaphore_mem>>) src(%dma_wait3A_165 : memref<2x128xi32, #tpu.memory_space<hbm>>) dst(%dma_wait3A_161 : memref<2x128xi32, #tpu.memory_space<vmem>>)
      tpu.yield
    }) : () -> ()
    %scan3A = arith.constant 0 : i32
    %scan3A_3 = arith.constant 0 : i32
    %mul3A_4 = arith.constant 2 : i32
    %mul3A_5 = arith.muli %scan3A_3, %mul3A_4 : i32
    %add3A_6 = arith.constant 0 : i32
    %add3A_7 = arith.addi %mul3A_5, %add3A_6 : i32
    %dma_start3A = arith.constant 0 : i32
    %dma_start3A_8 = arith.constant 0 : i32
    %dma_start3A_9 = tpu.memref_slice %arg12[%dma_start3A, %dma_start3A_8] : memref<256x128xf32, #tpu.memory_space<vmem>> -> memref<128x128xf32, #tpu.memory_space<vmem>>
    %dma_start3A_10 = arith.constant 0 : i32
    %dma_start3A_11 = tpu.memref_slice %arg11[%add3A_7, %dma_start3A_10] : memref<2x128xi32, #tpu.memory_space<vmem>> -> memref<1x128xi32, #tpu.memory_space<vmem>>
    %dma_start3A_12 = tpu.memref_squeeze %dma_start3A_11 : memref<1x128xi32, #tpu.memory_space<vmem>> -> memref<128xi32, #tpu.memory_space<vmem>>
    %dma_start3A_13 = arith.constant 0 : i32
    %dma_start3A_14 = arith.constant 0 : i32
    %dma_start3A_15 = tpu.memref_slice %arg2[%dma_start3A_13, %dma_start3A_14] : memref<50000x128xf32, #tpu.memory_space<hbm>> -> memref<50000x128xf32, #tpu.memory_space<hbm>>
    tpu.enqueue_indirect_dma source(%dma_start3A_15 : memref<50000x128xf32, #tpu.memory_space<hbm>>) target(%dma_start3A_9 : memref<128x128xf32, #tpu.memory_space<vmem>>) offsets(%dma_start3A_12 : memref<128xi32, #tpu.memory_space<vmem>>) semaphore(%arg14 : memref<!tpu.dma_semaphore, #tpu.memory_space<semaphore_mem>>)
    %mul3A_16 = arith.constant 2 : i32
    %mul3A_17 = arith.muli %scan3A_3, %mul3A_16 : i32
    %add3A_18 = arith.constant 1 : i32
    %add3A_19 = arith.addi %mul3A_17, %add3A_18 : i32
    %dma_start3A_20 = arith.constant 128 : i32
    %dma_start3A_21 = arith.constant 0 : i32
    %dma_start3A_22 = tpu.memref_slice %arg12[%dma_start3A_20, %dma_start3A_21] : memref<256x128xf32, #tpu.memory_space<vmem>> -> memref<128x128xf32, #tpu.memory_space<vmem>>
    %dma_start3A_23 = arith.constant 0 : i32
    %dma_start3A_24 = tpu.memref_slice %arg11[%add3A_19, %dma_start3A_23] : memref<2x128xi32, #tpu.memory_space<vmem>> -> memref<1x128xi32, #tpu.memory_space<vmem>>
    %dma_start3A_25 = tpu.memref_squeeze %dma_start3A_24 : memref<1x128xi32, #tpu.memory_space<vmem>> -> memref<128xi32, #tpu.memory_space<vmem>>
    %dma_start3A_26 = arith.constant 0 : i32
    %dma_start3A_27 = arith.constant 0 : i32
    %dma_start3A_28 = tpu.memref_slice %arg2[%dma_start3A_26, %dma_start3A_27] : memref<50000x128xf32, #tpu.memory_space<hbm>> -> memref<50000x128xf32, #tpu.memory_space<hbm>>
    tpu.enqueue_indirect_dma source(%dma_start3A_28 : memref<50000x128xf32, #tpu.memory_space<hbm>>) target(%dma_start3A_22 : memref<128x128xf32, #tpu.memory_space<vmem>>) offsets(%dma_start3A_25 : memref<128xi32, #tpu.memory_space<vmem>>) semaphore(%arg15 : memref<!tpu.dma_semaphore, #tpu.memory_space<semaphore_mem>>)
    %dma_wait3A = arith.constant 0 : i32
    %dma_wait3A_29 = arith.constant 0 : i32
    %dma_wait3A_30 = tpu.memref_slice %arg12[%dma_wait3A, %dma_wait3A_29] : memref<256x128xf32, #tpu.memory_space<vmem>> -> memref<128x128xf32, #tpu.memory_space<vmem>>
    %dma_wait3A_31 = arith.constant 0 : i32
    %dma_wait3A_32 = tpu.memref_slice %arg11[%add3A_7, %dma_wait3A_31] : memref<2x128xi32, #tpu.memory_space<vmem>> -> memref<1x128xi32, #tpu.memory_space<vmem>>
    %dma_wait3A_33 = tpu.memref_squeeze %dma_wait3A_32 : memref<1x128xi32, #tpu.memory_space<vmem>> -> memref<128xi32, #tpu.memory_space<vmem>>
    %dma_wait3A_34 = arith.constant 0 : i32
    %dma_wait3A_35 = arith.constant 0 : i32
    %dma_wait3A_36 = tpu.memref_slice %arg2[%dma_wait3A_34, %dma_wait3A_35] : memref<50000x128xf32, #tpu.memory_space<hbm>> -> memref<50000x128xf32, #tpu.memory_space<hbm>>
    tpu.wait_indirect_dma semaphore(%arg14 : memref<!tpu.dma_semaphore, #tpu.memory_space<semaphore_mem>>) src(%dma_wait3A_36 : memref<50000x128xf32, #tpu.memory_space<hbm>>) dst(%dma_wait3A_30 : memref<128x128xf32, #tpu.memory_space<vmem>>)
    %dma_wait3A_37 = arith.constant 128 : i32
    %dma_wait3A_38 = arith.constant 0 : i32
    %dma_wait3A_39 = tpu.memref_slice %arg12[%dma_wait3A_37, %dma_wait3A_38] : memref<256x128xf32, #tpu.memory_space<vmem>> -> memref<128x128xf32, #tpu.memory_space<vmem>>
    %dma_wait3A_40 = arith.constant 0 : i32
    %dma_wait3A_41 = tpu.memref_slice %arg11[%add3A_19, %dma_wait3A_40] : memref<2x128xi32, #tpu.memory_space<vmem>> -> memref<1x128xi32, #tpu.memory_space<vmem>>
    %dma_wait3A_42 = tpu.memref_squeeze %dma_wait3A_41 : memref<1x128xi32, #tpu.memory_space<vmem>> -> memref<128xi32, #tpu.memory_space<vmem>>
    %dma_wait3A_43 = arith.constant 0 : i32
    %dma_wait3A_44 = arith.constant 0 : i32
    %dma_wait3A_45 = tpu.memref_slice %arg2[%dma_wait3A_43, %dma_wait3A_44] : memref<50000x128xf32, #tpu.memory_space<hbm>> -> memref<50000x128xf32, #tpu.memory_space<hbm>>
    tpu.wait_indirect_dma semaphore(%arg15 : memref<!tpu.dma_semaphore, #tpu.memory_space<semaphore_mem>>) src(%dma_wait3A_45 : memref<50000x128xf32, #tpu.memory_space<hbm>>) dst(%dma_wait3A_39 : memref<128x128xf32, #tpu.memory_space<vmem>>)
    %mul3A_46 = arith.constant 2 : i32
    %mul3A_47 = arith.muli %scan3A_3, %mul3A_46 : i32
    %mul3A_48 = arith.constant 128 : i32
    %mul3A_49 = arith.muli %mul3A_47, %mul3A_48 : i32
    %add3A_50 = arith.addi %mul3A_2, %mul3A_49 : i32
    "tpu.region"() ({
      %run_scoped3A = tpu.sem_alloc : memref<!tpu.dma_semaphore, #tpu.memory_space<semaphore_mem>>
      %dma_start3A_138 = arith.constant 0 : i32
      %dma_start3A_139 = arith.constant 0 : i32
      %dma_start3A_140 = tpu.memref_slice %arg12[%dma_start3A_138, %dma_start3A_139] : memref<256x128xf32, #tpu.memory_space<vmem>> -> memref<256x128xf32, #tpu.memory_space<vmem>>
      %dma_start3A_141 = arith.constant 0 : i32
      %dma_start3A_142 = tpu.memref_slice %arg8[%add3A_50, %dma_start3A_141] : memref<8192x128xf32, #tpu.memory_space<hbm>> -> memref<256x128xf32, #tpu.memory_space<hbm>>
      %dma_start3A_143 = arith.constant 0 : i32
      %dma_start3A_144 = tpu.memref_slice %arg8[%add3A_50, %dma_start3A_143] : memref<8192x128xf32, #tpu.memory_space<hbm>> -> memref<256x128xf32, #tpu.memory_space<hbm>>
      %dma_start3A_145 = arith.constant 0 : i32
      %dma_start3A_146 = arith.constant 0 : i32
      %dma_start3A_147 = tpu.memref_slice %arg12[%dma_start3A_145, %dma_start3A_146] : memref<256x128xf32, #tpu.memory_space<vmem>> -> memref<256x128xf32, #tpu.memory_space<vmem>>
      tpu.enqueue_dma source(%dma_start3A_147 : memref<256x128xf32, #tpu.memory_space<vmem>>) target(%dma_start3A_144 : memref<256x128xf32, #tpu.memory_space<hbm>>) target_semaphore(%run_scoped3A : memref<!tpu.dma_semaphore, #tpu.memory_space<semaphore_mem>>)
      %dma_wait3A_148 = arith.constant 0 : i32
      %dma_wait3A_149 = arith.constant 0 : i32
      %dma_wait3A_150 = tpu.memref_slice %arg12[%dma_wait3A_148, %dma_wait3A_149] : memref<256x128xf32, #tpu.memory_space<vmem>> -> memref<256x128xf32, #tpu.memory_space<vmem>>
      %dma_wait3A_151 = arith.constant 0 : i32
      %dma_wait3A_152 = tpu.memref_slice %arg8[%add3A_50, %dma_wait3A_151] : memref<8192x128xf32, #tpu.memory_space<hbm>> -> memref<256x128xf32, #tpu.memory_space<hbm>>
      %dma_wait3A_153 = arith.constant 0 : i32
      %dma_wait3A_154 = tpu.memref_slice %arg8[%add3A_50, %dma_wait3A_153] : memref<8192x128xf32, #tpu.memory_space<hbm>> -> memref<256x128xf32, #tpu.memory_space<hbm>>
      %dma_wait3A_155 = arith.constant 0 : i32
      %dma_wait3A_156 = arith.constant 0 : i32
      %dma_wait3A_157 = tpu.memref_slice %arg12[%dma_wait3A_155, %dma_wait3A_156] : memref<256x128xf32, #tpu.memory_space<vmem>> -> memref<256x128xf32, #tpu.memory_space<vmem>>
      tpu.wait_dma2 semaphore(%run_scoped3A : memref<!tpu.dma_semaphore, #tpu.memory_space<semaphore_mem>>) src(%dma_wait3A_157 : memref<256x128xf32, #tpu.memory_space<vmem>>) dst(%dma_wait3A_154 : memref<256x128xf32, #tpu.memory_space<hbm>>)
      tpu.yield
    }) : () -> ()
    %scan3A_51 = arith.constant 1 : i32
    %mul3A_52 = arith.constant 256 : i32
    %mul3A_53 = arith.muli %add3A, %mul3A_52 : i32
    "tpu.region"() ({
      %run_scoped3A = tpu.sem_alloc : memref<!tpu.dma_semaphore, #tpu.memory_space<semaphore_mem>>
      %dma_start3A_138 = arith.constant 0 : i32
      %dma_start3A_139 = arith.constant 0 : i32
      %dma_start3A_140 = tpu.memref_slice %arg11[%dma_start3A_138, %dma_start3A_139] : memref<2x128xi32, #tpu.memory_space<vmem>> -> memref<2x128xi32, #tpu.memory_space<vmem>>
      %dma_start3A_141 = arith.constant 0 : i32
      %dma_start3A_142 = arith.constant 0 : i32
      %dma_start3A_143 = tpu.memref_slice %arg6[%add3A, %dma_start3A_141, %dma_start3A_142] : memref<32x2x128xi32, #tpu.memory_space<hbm>> -> memref<1x2x128xi32, #tpu.memory_space<hbm>>
      %dma_start3A_144 = tpu.memref_squeeze %dma_start3A_143 : memref<1x2x128xi32, #tpu.memory_space<hbm>> -> memref<2x128xi32, #tpu.memory_space<hbm>>
      %dma_start3A_145 = arith.constant 0 : i32
      %dma_start3A_146 = arith.constant 0 : i32
      %dma_start3A_147 = tpu.memref_slice %arg11[%dma_start3A_145, %dma_start3A_146] : memref<2x128xi32, #tpu.memory_space<vmem>> -> memref<2x128xi32, #tpu.memory_space<vmem>>
      %dma_start3A_148 = arith.constant 0 : i32
      %dma_start3A_149 = arith.constant 0 : i32
      %dma_start3A_150 = tpu.memref_slice %arg6[%add3A, %dma_start3A_148, %dma_start3A_149] : memref<32x2x128xi32, #tpu.memory_space<hbm>> -> memref<1x2x128xi32, #tpu.memory_space<hbm>>
      %dma_start3A_151 = tpu.memref_squeeze %dma_start3A_150 : memref<1x2x128xi32, #tpu.memory_space<hbm>> -> memref<2x128xi32, #tpu.memory_space<hbm>>
      tpu.enqueue_dma source(%dma_start3A_151 : memref<2x128xi32, #tpu.memory_space<hbm>>) target(%dma_start3A_147 : memref<2x128xi32, #tpu.memory_space<vmem>>) target_semaphore(%run_scoped3A : memref<!tpu.dma_semaphore, #tpu.memory_space<semaphore_mem>>)
      %dma_wait3A_152 = arith.constant 0 : i32
      %dma_wait3A_153 = arith.constant 0 : i32
      %dma_wait3A_154 = tpu.memref_slice %arg11[%dma_wait3A_152, %dma_wait3A_153] : memref<2x128xi32, #tpu.memory_space<vmem>> -> memref<2x128xi32, #tpu.memory_space<vmem>>
      %dma_wait3A_155 = arith.constant 0 : i32
      %dma_wait3A_156 = arith.constant 0 : i32
      %dma_wait3A_157 = tpu.memref_slice %arg6[%add3A, %dma_wait3A_155, %dma_wait3A_156] : memref<32x2x128xi32, #tpu.memory_space<hbm>> -> memref<1x2x128xi32, #tpu.memory_space<hbm>>
      %dma_wait3A_158 = tpu.memref_squeeze %dma_wait3A_157 : memref<1x2x128xi32, #tpu.memory_space<hbm>> -> memref<2x128xi32, #tpu.memory_space<hbm>>
      %dma_wait3A_159 = arith.constant 0 : i32
      %dma_wait3A_160 = arith.constant 0 : i32
      %dma_wait3A_161 = tpu.memref_slice %arg11[%dma_wait3A_159, %dma_wait3A_160] : memref<2x128xi32, #tpu.memory_space<vmem>> -> memref<2x128xi32, #tpu.memory_space<vmem>>
      %dma_wait3A_162 = arith.constant 0 : i32
      %dma_wait3A_163 = arith.constant 0 : i32
      %dma_wait3A_164 = tpu.memref_slice %arg6[%add3A, %dma_wait3A_162, %dma_wait3A_163] : memref<32x2x128xi32, #tpu.memory_space<hbm>> -> memref<1x2x128xi32, #tpu.memory_space<hbm>>
      %dma_wait3A_165 = tpu.memref_squeeze %dma_wait3A_164 : memref<1x2x128xi32, #tpu.memory_space<hbm>> -> memref<2x128xi32, #tpu.memory_space<hbm>>
      tpu.wait_dma2 semaphore(%run_scoped3A : memref<!tpu.dma_semaphore, #tpu.memory_space<semaphore_mem>>) src(%dma_wait3A_165 : memref<2x128xi32, #tpu.memory_space<hbm>>) dst(%dma_wait3A_161 : memref<2x128xi32, #tpu.memory_space<vmem>>)
      tpu.yield
    }) : () -> ()
    %scan3A_54 = arith.constant 0 : i32
    %scan3A_55 = arith.constant 0 : i32
    %mul3A_56 = arith.constant 2 : i32
    %mul3A_57 = arith.muli %scan3A_55, %mul3A_56 : i32
    %add3A_58 = arith.constant 0 : i32
    %add3A_59 = arith.addi %mul3A_57, %add3A_58 : i32
    %dma_start3A_60 = arith.constant 0 : i32
    %dma_start3A_61 = arith.constant 0 : i32
    %dma_start3A_62 = tpu.memref_slice %arg12[%dma_start3A_60, %dma_start3A_61] : memref<256x128xf32, #tpu.memory_space<vmem>> -> memref<128x128xf32, #tpu.memory_space<vmem>>
    %dma_start3A_63 = arith.constant 0 : i32
    %dma_start3A_64 = tpu.memref_slice %arg11[%add3A_59, %dma_start3A_63] : memref<2x128xi32, #tpu.memory_space<vmem>> -> memref<1x128xi32, #tpu.memory_space<vmem>>
    %dma_start3A_65 = tpu.memref_squeeze %dma_start3A_64 : memref<1x128xi32, #tpu.memory_space<vmem>> -> memref<128xi32, #tpu.memory_space<vmem>>
    %dma_start3A_66 = arith.constant 0 : i32
    %dma_start3A_67 = arith.constant 0 : i32
    %dma_start3A_68 = tpu.memref_slice %arg3[%dma_start3A_66, %dma_start3A_67] : memref<50000x128xf32, #tpu.memory_space<hbm>> -> memref<50000x128xf32, #tpu.memory_space<hbm>>
    tpu.enqueue_indirect_dma source(%dma_start3A_68 : memref<50000x128xf32, #tpu.memory_space<hbm>>) target(%dma_start3A_62 : memref<128x128xf32, #tpu.memory_space<vmem>>) offsets(%dma_start3A_65 : memref<128xi32, #tpu.memory_space<vmem>>) semaphore(%arg14 : memref<!tpu.dma_semaphore, #tpu.memory_space<semaphore_mem>>)
    %mul3A_69 = arith.constant 2 : i32
    %mul3A_70 = arith.muli %scan3A_55, %mul3A_69 : i32
    %add3A_71 = arith.constant 1 : i32
    %add3A_72 = arith.addi %mul3A_70, %add3A_71 : i32
    %dma_start3A_73 = arith.constant 128 : i32
    %dma_start3A_74 = arith.constant 0 : i32
    %dma_start3A_75 = tpu.memref_slice %arg12[%dma_start3A_73, %dma_start3A_74] : memref<256x128xf32, #tpu.memory_space<vmem>> -> memref<128x128xf32, #tpu.memory_space<vmem>>
    %dma_start3A_76 = arith.constant 0 : i32
    %dma_start3A_77 = tpu.memref_slice %arg11[%add3A_72, %dma_start3A_76] : memref<2x128xi32, #tpu.memory_space<vmem>> -> memref<1x128xi32, #tpu.memory_space<vmem>>
    %dma_start3A_78 = tpu.memref_squeeze %dma_start3A_77 : memref<1x128xi32, #tpu.memory_space<vmem>> -> memref<128xi32, #tpu.memory_space<vmem>>
    %dma_start3A_79 = arith.constant 0 : i32
    %dma_start3A_80 = arith.constant 0 : i32
    %dma_start3A_81 = tpu.memref_slice %arg3[%dma_start3A_79, %dma_start3A_80] : memref<50000x128xf32, #tpu.memory_space<hbm>> -> memref<50000x128xf32, #tpu.memory_space<hbm>>
    tpu.enqueue_indirect_dma source(%dma_start3A_81 : memref<50000x128xf32, #tpu.memory_space<hbm>>) target(%dma_start3A_75 : memref<128x128xf32, #tpu.memory_space<vmem>>) offsets(%dma_start3A_78 : memref<128xi32, #tpu.memory_space<vmem>>) semaphore(%arg15 : memref<!tpu.dma_semaphore, #tpu.memory_space<semaphore_mem>>)
    %dma_wait3A_82 = arith.constant 0 : i32
    %dma_wait3A_83 = arith.constant 0 : i32
    %dma_wait3A_84 = tpu.memref_slice %arg12[%dma_wait3A_82, %dma_wait3A_83] : memref<256x128xf32, #tpu.memory_space<vmem>> -> memref<128x128xf32, #tpu.memory_space<vmem>>
    %dma_wait3A_85 = arith.constant 0 : i32
    %dma_wait3A_86 = tpu.memref_slice %arg11[%add3A_59, %dma_wait3A_85] : memref<2x128xi32, #tpu.memory_space<vmem>> -> memref<1x128xi32, #tpu.memory_space<vmem>>
    %dma_wait3A_87 = tpu.memref_squeeze %dma_wait3A_86 : memref<1x128xi32, #tpu.memory_space<vmem>> -> memref<128xi32, #tpu.memory_space<vmem>>
    %dma_wait3A_88 = arith.constant 0 : i32
    %dma_wait3A_89 = arith.constant 0 : i32
    %dma_wait3A_90 = tpu.memref_slice %arg3[%dma_wait3A_88, %dma_wait3A_89] : memref<50000x128xf32, #tpu.memory_space<hbm>> -> memref<50000x128xf32, #tpu.memory_space<hbm>>
    tpu.wait_indirect_dma semaphore(%arg14 : memref<!tpu.dma_semaphore, #tpu.memory_space<semaphore_mem>>) src(%dma_wait3A_90 : memref<50000x128xf32, #tpu.memory_space<hbm>>) dst(%dma_wait3A_84 : memref<128x128xf32, #tpu.memory_space<vmem>>)
    %dma_wait3A_91 = arith.constant 128 : i32
    %dma_wait3A_92 = arith.constant 0 : i32
    %dma_wait3A_93 = tpu.memref_slice %arg12[%dma_wait3A_91, %dma_wait3A_92] : memref<256x128xf32, #tpu.memory_space<vmem>> -> memref<128x128xf32, #tpu.memory_space<vmem>>
    %dma_wait3A_94 = arith.constant 0 : i32
    %dma_wait3A_95 = tpu.memref_slice %arg11[%add3A_72, %dma_wait3A_94] : memref<2x128xi32, #tpu.memory_space<vmem>> -> memref<1x128xi32, #tpu.memory_space<vmem>>
    %dma_wait3A_96 = tpu.memref_squeeze %dma_wait3A_95 : memref<1x128xi32, #tpu.memory_space<vmem>> -> memref<128xi32, #tpu.memory_space<vmem>>
    %dma_wait3A_97 = arith.constant 0 : i32
    %dma_wait3A_98 = arith.constant 0 : i32
    %dma_wait3A_99 = tpu.memref_slice %arg3[%dma_wait3A_97, %dma_wait3A_98] : memref<50000x128xf32, #tpu.memory_space<hbm>> -> memref<50000x128xf32, #tpu.memory_space<hbm>>
    tpu.wait_indirect_dma semaphore(%arg15 : memref<!tpu.dma_semaphore, #tpu.memory_space<semaphore_mem>>) src(%dma_wait3A_99 : memref<50000x128xf32, #tpu.memory_space<hbm>>) dst(%dma_wait3A_93 : memref<128x128xf32, #tpu.memory_space<vmem>>)
    %mul3A_100 = arith.constant 2 : i32
    %mul3A_101 = arith.muli %scan3A_55, %mul3A_100 : i32
    %mul3A_102 = arith.constant 128 : i32
    %mul3A_103 = arith.muli %mul3A_101, %mul3A_102 : i32
    %add3A_104 = arith.addi %mul3A_53, %mul3A_103 : i32
    "tpu.region"() ({
      %run_scoped3A = tpu.sem_alloc : memref<!tpu.dma_semaphore, #tpu.memory_space<semaphore_mem>>
      %dma_start3A_138 = arith.constant 0 : i32
      %dma_start3A_139 = arith.constant 0 : i32
      %dma_start3A_140 = tpu.memref_slice %arg12[%dma_start3A_138, %dma_start3A_139] : memref<256x128xf32, #tpu.memory_space<vmem>> -> memref<256x128xf32, #tpu.memory_space<vmem>>
      %dma_start3A_141 = arith.constant 0 : i32
      %dma_start3A_142 = tpu.memref_slice %arg9[%add3A_104, %dma_start3A_141] : memref<8192x128xf32, #tpu.memory_space<hbm>> -> memref<256x128xf32, #tpu.memory_space<hbm>>
      %dma_start3A_143 = arith.constant 0 : i32
      %dma_start3A_144 = tpu.memref_slice %arg9[%add3A_104, %dma_start3A_143] : memref<8192x128xf32, #tpu.memory_space<hbm>> -> memref<256x128xf32, #tpu.memory_space<hbm>>
      %dma_start3A_145 = arith.constant 0 : i32
      %dma_start3A_146 = arith.constant 0 : i32
      %dma_start3A_147 = tpu.memref_slice %arg12[%dma_start3A_145, %dma_start3A_146] : memref<256x128xf32, #tpu.memory_space<vmem>> -> memref<256x128xf32, #tpu.memory_space<vmem>>
      tpu.enqueue_dma source(%dma_start3A_147 : memref<256x128xf32, #tpu.memory_space<vmem>>) target(%dma_start3A_144 : memref<256x128xf32, #tpu.memory_space<hbm>>) target_semaphore(%run_scoped3A : memref<!tpu.dma_semaphore, #tpu.memory_space<semaphore_mem>>)
      %dma_wait3A_148 = arith.constant 0 : i32
      %dma_wait3A_149 = arith.constant 0 : i32
      %dma_wait3A_150 = tpu.memref_slice %arg12[%dma_wait3A_148, %dma_wait3A_149] : memref<256x128xf32, #tpu.memory_space<vmem>> -> memref<256x128xf32, #tpu.memory_space<vmem>>
      %dma_wait3A_151 = arith.constant 0 : i32
      %dma_wait3A_152 = tpu.memref_slice %arg9[%add3A_104, %dma_wait3A_151] : memref<8192x128xf32, #tpu.memory_space<hbm>> -> memref<256x128xf32, #tpu.memory_space<hbm>>
      %dma_wait3A_153 = arith.constant 0 : i32
      %dma_wait3A_154 = tpu.memref_slice %arg9[%add3A_104, %dma_wait3A_153] : memref<8192x128xf32, #tpu.memory_space<hbm>> -> memref<256x128xf32, #tpu.memory_space<hbm>>
      %dma_wait3A_155 = arith.constant 0 : i32
      %dma_wait3A_156 = arith.constant 0 : i32
      %dma_wait3A_157 = tpu.memref_slice %arg12[%dma_wait3A_155, %dma_wait3A_156] : memref<256x128xf32, #tpu.memory_space<vmem>> -> memref<256x128xf32, #tpu.memory_space<vmem>>
      tpu.wait_dma2 semaphore(%run_scoped3A : memref<!tpu.dma_semaphore, #tpu.memory_space<semaphore_mem>>) src(%dma_wait3A_157 : memref<256x128xf32, #tpu.memory_space<vmem>>) dst(%dma_wait3A_154 : memref<256x128xf32, #tpu.memory_space<hbm>>)
      tpu.yield
    }) : () -> ()
    %scan3A_105 = arith.constant 1 : i32
    %mul3A_106 = arith.constant 128 : i32
    %mul3A_107 = arith.muli %add3A, %mul3A_106 : i32
    "tpu.region"() ({
      %run_scoped3A = tpu.sem_alloc : memref<!tpu.dma_semaphore, #tpu.memory_space<semaphore_mem>>
      %dma_start3A_138 = arith.constant 0 : i32
      %dma_start3A_139 = arith.constant 0 : i32
      %dma_start3A_140 = tpu.memref_slice %arg11[%dma_start3A_138, %dma_start3A_139] : memref<2x128xi32, #tpu.memory_space<vmem>> -> memref<1x128xi32, #tpu.memory_space<vmem>>
      %dma_start3A_141 = arith.constant 0 : i32
      %dma_start3A_142 = arith.constant 0 : i32
      %dma_start3A_143 = tpu.memref_slice %arg7[%add3A, %dma_start3A_141, %dma_start3A_142] : memref<32x1x128xi32, #tpu.memory_space<hbm>> -> memref<1x1x128xi32, #tpu.memory_space<hbm>>
      %dma_start3A_144 = tpu.memref_squeeze %dma_start3A_143 : memref<1x1x128xi32, #tpu.memory_space<hbm>> -> memref<1x128xi32, #tpu.memory_space<hbm>>
      %dma_start3A_145 = arith.constant 0 : i32
      %dma_start3A_146 = arith.constant 0 : i32
      %dma_start3A_147 = tpu.memref_slice %arg11[%dma_start3A_145, %dma_start3A_146] : memref<2x128xi32, #tpu.memory_space<vmem>> -> memref<1x128xi32, #tpu.memory_space<vmem>>
      %dma_start3A_148 = arith.constant 0 : i32
      %dma_start3A_149 = arith.constant 0 : i32
      %dma_start3A_150 = tpu.memref_slice %arg7[%add3A, %dma_start3A_148, %dma_start3A_149] : memref<32x1x128xi32, #tpu.memory_space<hbm>> -> memref<1x1x128xi32, #tpu.memory_space<hbm>>
      %dma_start3A_151 = tpu.memref_squeeze %dma_start3A_150 : memref<1x1x128xi32, #tpu.memory_space<hbm>> -> memref<1x128xi32, #tpu.memory_space<hbm>>
      tpu.enqueue_dma source(%dma_start3A_151 : memref<1x128xi32, #tpu.memory_space<hbm>>) target(%dma_start3A_147 : memref<1x128xi32, #tpu.memory_space<vmem>>) target_semaphore(%run_scoped3A : memref<!tpu.dma_semaphore, #tpu.memory_space<semaphore_mem>>)
      %dma_wait3A_152 = arith.constant 0 : i32
      %dma_wait3A_153 = arith.constant 0 : i32
      %dma_wait3A_154 = tpu.memref_slice %arg11[%dma_wait3A_152, %dma_wait3A_153] : memref<2x128xi32, #tpu.memory_space<vmem>> -> memref<1x128xi32, #tpu.memory_space<vmem>>
      %dma_wait3A_155 = arith.constant 0 : i32
      %dma_wait3A_156 = arith.constant 0 : i32
      %dma_wait3A_157 = tpu.memref_slice %arg7[%add3A, %dma_wait3A_155, %dma_wait3A_156] : memref<32x1x128xi32, #tpu.memory_space<hbm>> -> memref<1x1x128xi32, #tpu.memory_space<hbm>>
      %dma_wait3A_158 = tpu.memref_squeeze %dma_wait3A_157 : memref<1x1x128xi32, #tpu.memory_space<hbm>> -> memref<1x128xi32, #tpu.memory_space<hbm>>
      %dma_wait3A_159 = arith.constant 0 : i32
      %dma_wait3A_160 = arith.constant 0 : i32
      %dma_wait3A_161 = tpu.memref_slice %arg11[%dma_wait3A_159, %dma_wait3A_160] : memref<2x128xi32, #tpu.memory_space<vmem>> -> memref<1x128xi32, #tpu.memory_space<vmem>>
      %dma_wait3A_162 = arith.constant 0 : i32
      %dma_wait3A_163 = arith.constant 0 : i32
      %dma_wait3A_164 = tpu.memref_slice %arg7[%add3A, %dma_wait3A_162, %dma_wait3A_163] : memref<32x1x128xi32, #tpu.memory_space<hbm>> -> memref<1x1x128xi32, #tpu.memory_space<hbm>>
      %dma_wait3A_165 = tpu.memref_squeeze %dma_wait3A_164 : memref<1x1x128xi32, #tpu.memory_space<hbm>> -> memref<1x128xi32, #tpu.memory_space<hbm>>
      tpu.wait_dma2 semaphore(%run_scoped3A : memref<!tpu.dma_semaphore, #tpu.memory_space<semaphore_mem>>) src(%dma_wait3A_165 : memref<1x128xi32, #tpu.memory_space<hbm>>) dst(%dma_wait3A_161 : memref<1x128xi32, #tpu.memory_space<vmem>>)
      tpu.yield
    }) : () -> ()
    %scan3A_108 = arith.constant 0 : i32
    %scan3A_109 = arith.constant 0 : i32
    %mul3A_110 = arith.constant 1 : i32
    %mul3A_111 = arith.muli %scan3A_109, %mul3A_110 : i32
    %add3A_112 = arith.constant 0 : i32
    %add3A_113 = arith.addi %mul3A_111, %add3A_112 : i32
    %dma_start3A_114 = arith.constant 0 : i32
    %dma_start3A_115 = arith.constant 0 : i32
    %dma_start3A_116 = tpu.memref_slice %arg13[%dma_start3A_114, %dma_start3A_115] : memref<128x16xf32, #tpu.memory_space<vmem>> -> memref<128x16xf32, #tpu.memory_space<vmem>>
    %dma_start3A_117 = arith.constant 0 : i32
    %dma_start3A_118 = tpu.memref_slice %arg11[%add3A_113, %dma_start3A_117] : memref<2x128xi32, #tpu.memory_space<vmem>> -> memref<1x128xi32, #tpu.memory_space<vmem>>
    %dma_start3A_119 = tpu.memref_squeeze %dma_start3A_118 : memref<1x128xi32, #tpu.memory_space<vmem>> -> memref<128xi32, #tpu.memory_space<vmem>>
    %dma_start3A_120 = arith.constant 0 : i32
    %dma_start3A_121 = arith.constant 0 : i32
    %dma_start3A_122 = tpu.memref_slice %arg4[%dma_start3A_120, %dma_start3A_121] : memref<800000x16xf32, #tpu.memory_space<hbm>> -> memref<800000x16xf32, #tpu.memory_space<hbm>>
    tpu.enqueue_indirect_dma source(%dma_start3A_122 : memref<800000x16xf32, #tpu.memory_space<hbm>>) target(%dma_start3A_116 : memref<128x16xf32, #tpu.memory_space<vmem>>) offsets(%dma_start3A_119 : memref<128xi32, #tpu.memory_space<vmem>>) semaphore(%arg14 : memref<!tpu.dma_semaphore, #tpu.memory_space<semaphore_mem>>)
    %dma_wait3A_123 = arith.constant 0 : i32
    %dma_wait3A_124 = arith.constant 0 : i32
    %dma_wait3A_125 = tpu.memref_slice %arg13[%dma_wait3A_123, %dma_wait3A_124] : memref<128x16xf32, #tpu.memory_space<vmem>> -> memref<128x16xf32, #tpu.memory_space<vmem>>
    %dma_wait3A_126 = arith.constant 0 : i32
    %dma_wait3A_127 = tpu.memref_slice %arg11[%add3A_113, %dma_wait3A_126] : memref<2x128xi32, #tpu.memory_space<vmem>> -> memref<1x128xi32, #tpu.memory_space<vmem>>
    %dma_wait3A_128 = tpu.memref_squeeze %dma_wait3A_127 : memref<1x128xi32, #tpu.memory_space<vmem>> -> memref<128xi32, #tpu.memory_space<vmem>>
    %dma_wait3A_129 = arith.constant 0 : i32
    %dma_wait3A_130 = arith.constant 0 : i32
    %dma_wait3A_131 = tpu.memref_slice %arg4[%dma_wait3A_129, %dma_wait3A_130] : memref<800000x16xf32, #tpu.memory_space<hbm>> -> memref<800000x16xf32, #tpu.memory_space<hbm>>
    tpu.wait_indirect_dma semaphore(%arg14 : memref<!tpu.dma_semaphore, #tpu.memory_space<semaphore_mem>>) src(%dma_wait3A_131 : memref<800000x16xf32, #tpu.memory_space<hbm>>) dst(%dma_wait3A_125 : memref<128x16xf32, #tpu.memory_space<vmem>>)
    %mul3A_132 = arith.constant 1 : i32
    %mul3A_133 = arith.muli %scan3A_109, %mul3A_132 : i32
    %mul3A_134 = arith.constant 128 : i32
    %mul3A_135 = arith.muli %mul3A_133, %mul3A_134 : i32
    %add3A_136 = arith.addi %mul3A_107, %mul3A_135 : i32
    "tpu.region"() ({
      %run_scoped3A = tpu.sem_alloc : memref<!tpu.dma_semaphore, #tpu.memory_space<semaphore_mem>>
      %dma_start3A_138 = arith.constant 0 : i32
      %dma_start3A_139 = arith.constant 0 : i32
      %dma_start3A_140 = tpu.memref_slice %arg13[%dma_start3A_138, %dma_start3A_139] : memref<128x16xf32, #tpu.memory_space<vmem>> -> memref<128x16xf32, #tpu.memory_space<vmem>>
      %dma_start3A_141 = arith.constant 0 : i32
      %dma_start3A_142 = tpu.memref_slice %arg10[%add3A_136, %dma_start3A_141] : memref<4096x16xf32, #tpu.memory_space<hbm>> -> memref<128x16xf32, #tpu.memory_space<hbm>>
      %dma_start3A_143 = arith.constant 0 : i32
      %dma_start3A_144 = tpu.memref_slice %arg10[%add3A_136, %dma_start3A_143] : memref<4096x16xf32, #tpu.memory_space<hbm>> -> memref<128x16xf32, #tpu.memory_space<hbm>>
      %dma_start3A_145 = arith.constant 0 : i32
      %dma_start3A_146 = arith.constant 0 : i32
      %dma_start3A_147 = tpu.memref_slice %arg13[%dma_start3A_145, %dma_start3A_146] : memref<128x16xf32, #tpu.memory_space<vmem>> -> memref<128x16xf32, #tpu.memory_space<vmem>>
      tpu.enqueue_dma source(%dma_start3A_147 : memref<128x16xf32, #tpu.memory_space<vmem>>) target(%dma_start3A_144 : memref<128x16xf32, #tpu.memory_space<hbm>>) target_semaphore(%run_scoped3A : memref<!tpu.dma_semaphore, #tpu.memory_space<semaphore_mem>>)
      %dma_wait3A_148 = arith.constant 0 : i32
      %dma_wait3A_149 = arith.constant 0 : i32
      %dma_wait3A_150 = tpu.memref_slice %arg13[%dma_wait3A_148, %dma_wait3A_149] : memref<128x16xf32, #tpu.memory_space<vmem>> -> memref<128x16xf32, #tpu.memory_space<vmem>>
      %dma_wait3A_151 = arith.constant 0 : i32
      %dma_wait3A_152 = tpu.memref_slice %arg10[%add3A_136, %dma_wait3A_151] : memref<4096x16xf32, #tpu.memory_space<hbm>> -> memref<128x16xf32, #tpu.memory_space<hbm>>
      %dma_wait3A_153 = arith.constant 0 : i32
      %dma_wait3A_154 = tpu.memref_slice %arg10[%add3A_136, %dma_wait3A_153] : memref<4096x16xf32, #tpu.memory_space<hbm>> -> memref<128x16xf32, #tpu.memory_space<hbm>>
      %dma_wait3A_155 = arith.constant 0 : i32
      %dma_wait3A_156 = arith.constant 0 : i32
      %dma_wait3A_157 = tpu.memref_slice %arg13[%dma_wait3A_155, %dma_wait3A_156] : memref<128x16xf32, #tpu.memory_space<vmem>> -> memref<128x16xf32, #tpu.memory_space<vmem>>
      tpu.wait_dma2 semaphore(%run_scoped3A : memref<!tpu.dma_semaphore, #tpu.memory_space<semaphore_mem>>) src(%dma_wait3A_157 : memref<128x16xf32, #tpu.memory_space<vmem>>) dst(%dma_wait3A_154 : memref<128x16xf32, #tpu.memory_space<hbm>>)
      tpu.yield
    }) : () -> ()
    %scan3A_137 = arith.constant 1 : i32
    return
  }
}

#map = affine_map<(d0, d1) -> (0, 0)>
#map1 = affine_map<(d0, d1) -> (0, 0, 0)>
module attributes {stable_mosaic.version = 14 : i64} {
  func.func @new_body(%arg0: i32, %arg1: i32, %arg2: memref<50176x128xf32, #tpu.memory_space<hbm>>, %arg3: memref<32x3x128xi32, #tpu.memory_space<hbm>>, %arg4: memref<32x60x128xi32, #tpu.memory_space<hbm>>, %arg5: memref<12288x128xf32, #tpu.memory_space<hbm>>, %arg6: memref<245760x128xf32, #tpu.memory_space<hbm>>, %arg7: memref<50176x128xf32, #tpu.memory_space<hbm>>, %arg8: memref<60x128xi32, #tpu.memory_space<vmem>>, %arg9: memref<768x128xf32, #tpu.memory_space<vmem>>, %arg10: memref<128x16xf32, #tpu.memory_space<vmem>>, %arg11: memref<!tpu.dma_semaphore, #tpu.memory_space<semaphore_mem>>, %arg12: memref<!tpu.dma_semaphore, #tpu.memory_space<semaphore_mem>>, %arg13: memref<!tpu.dma_semaphore, #tpu.memory_space<semaphore_mem>>, %arg14: memref<!tpu.dma_semaphore, #tpu.memory_space<semaphore_mem>>, %arg15: memref<!tpu.dma_semaphore, #tpu.memory_space<semaphore_mem>>, %arg16: memref<!tpu.dma_semaphore, #tpu.memory_space<semaphore_mem>>) attributes {dimension_semantics = [#tpu.dimension_semantics<core_parallel>, #tpu.dimension_semantics<subcore_parallel>], iteration_bounds = array<i64: 2, 16>, scalar_prefetch = 0 : i64, scratch_operands = 9 : i64, tpu.core_type = #tpu.core_type<sc_vector_subcore>, window_params = [{transform_indices = #map}, {transform_indices = #map1}, {transform_indices = #map1}, {transform_indices = #map}, {transform_indices = #map}, {transform_indices = #map}]} {
    %mul3A = arith.constant 2 : i32
    %mul3A_0 = arith.muli %arg1, %mul3A : i32
    %add3A = arith.addi %mul3A_0, %arg0 : i32
    %mul3A_1 = arith.constant 384 : i32
    %mul3A_2 = arith.muli %add3A, %mul3A_1 : i32
    "tpu.region"() ({
      %run_scoped3A = tpu.sem_alloc : memref<!tpu.dma_semaphore, #tpu.memory_space<semaphore_mem>>
      %dma_start3A_82 = arith.constant 0 : i32
      %dma_start3A_83 = arith.constant 0 : i32
      %dma_start3A_84 = tpu.memref_slice %arg8[%dma_start3A_82, %dma_start3A_83] : memref<60x128xi32, #tpu.memory_space<vmem>> -> memref<3x128xi32, #tpu.memory_space<vmem>>
      %dma_start3A_85 = arith.constant 0 : i32
      %dma_start3A_86 = arith.constant 0 : i32
      %dma_start3A_87 = tpu.memref_slice %arg3[%add3A, %dma_start3A_85, %dma_start3A_86] : memref<32x3x128xi32, #tpu.memory_space<hbm>> -> memref<1x3x128xi32, #tpu.memory_space<hbm>>
      %dma_start3A_88 = tpu.memref_squeeze %dma_start3A_87 : memref<1x3x128xi32, #tpu.memory_space<hbm>> -> memref<3x128xi32, #tpu.memory_space<hbm>>
      %dma_start3A_89 = arith.constant 0 : i32
      %dma_start3A_90 = arith.constant 0 : i32
      %dma_start3A_91 = tpu.memref_slice %arg8[%dma_start3A_89, %dma_start3A_90] : memref<60x128xi32, #tpu.memory_space<vmem>> -> memref<3x128xi32, #tpu.memory_space<vmem>>
      %dma_start3A_92 = arith.constant 0 : i32
      %dma_start3A_93 = arith.constant 0 : i32
      %dma_start3A_94 = tpu.memref_slice %arg3[%add3A, %dma_start3A_92, %dma_start3A_93] : memref<32x3x128xi32, #tpu.memory_space<hbm>> -> memref<1x3x128xi32, #tpu.memory_space<hbm>>
      %dma_start3A_95 = tpu.memref_squeeze %dma_start3A_94 : memref<1x3x128xi32, #tpu.memory_space<hbm>> -> memref<3x128xi32, #tpu.memory_space<hbm>>
      tpu.enqueue_dma source(%dma_start3A_95 : memref<3x128xi32, #tpu.memory_space<hbm>>) target(%dma_start3A_91 : memref<3x128xi32, #tpu.memory_space<vmem>>) target_semaphore(%run_scoped3A : memref<!tpu.dma_semaphore, #tpu.memory_space<semaphore_mem>>)
      %dma_wait3A_96 = arith.constant 0 : i32
      %dma_wait3A_97 = arith.constant 0 : i32
      %dma_wait3A_98 = tpu.memref_slice %arg8[%dma_wait3A_96, %dma_wait3A_97] : memref<60x128xi32, #tpu.memory_space<vmem>> -> memref<3x128xi32, #tpu.memory_space<vmem>>
      %dma_wait3A_99 = arith.constant 0 : i32
      %dma_wait3A_100 = arith.constant 0 : i32
      %dma_wait3A_101 = tpu.memref_slice %arg3[%add3A, %dma_wait3A_99, %dma_wait3A_100] : memref<32x3x128xi32, #tpu.memory_space<hbm>> -> memref<1x3x128xi32, #tpu.memory_space<hbm>>
      %dma_wait3A_102 = tpu.memref_squeeze %dma_wait3A_101 : memref<1x3x128xi32, #tpu.memory_space<hbm>> -> memref<3x128xi32, #tpu.memory_space<hbm>>
      %dma_wait3A_103 = arith.constant 0 : i32
      %dma_wait3A_104 = arith.constant 0 : i32
      %dma_wait3A_105 = tpu.memref_slice %arg8[%dma_wait3A_103, %dma_wait3A_104] : memref<60x128xi32, #tpu.memory_space<vmem>> -> memref<3x128xi32, #tpu.memory_space<vmem>>
      %dma_wait3A_106 = arith.constant 0 : i32
      %dma_wait3A_107 = arith.constant 0 : i32
      %dma_wait3A_108 = tpu.memref_slice %arg3[%add3A, %dma_wait3A_106, %dma_wait3A_107] : memref<32x3x128xi32, #tpu.memory_space<hbm>> -> memref<1x3x128xi32, #tpu.memory_space<hbm>>
      %dma_wait3A_109 = tpu.memref_squeeze %dma_wait3A_108 : memref<1x3x128xi32, #tpu.memory_space<hbm>> -> memref<3x128xi32, #tpu.memory_space<hbm>>
      tpu.wait_dma2 semaphore(%run_scoped3A : memref<!tpu.dma_semaphore, #tpu.memory_space<semaphore_mem>>) src(%dma_wait3A_109 : memref<3x128xi32, #tpu.memory_space<hbm>>) dst(%dma_wait3A_105 : memref<3x128xi32, #tpu.memory_space<vmem>>)
      tpu.yield
    }) : () -> ()
    %scan3A = arith.constant 0 : i32
    %scan3A_3 = arith.constant 0 : i32
    %mul3A_4 = arith.constant 3 : i32
    %mul3A_5 = arith.muli %scan3A_3, %mul3A_4 : i32
    %add3A_6 = arith.constant 0 : i32
    %add3A_7 = arith.addi %mul3A_5, %add3A_6 : i32
    %dma_start3A = arith.constant 0 : i32
    %dma_start3A_8 = arith.constant 0 : i32
    %dma_start3A_9 = tpu.memref_slice %arg9[%dma_start3A, %dma_start3A_8] : memref<768x128xf32, #tpu.memory_space<vmem>> -> memref<128x128xf32, #tpu.memory_space<vmem>>
    %dma_start3A_10 = arith.constant 0 : i32
    %dma_start3A_11 = tpu.memref_slice %arg8[%add3A_7, %dma_start3A_10] : memref<60x128xi32, #tpu.memory_space<vmem>> -> memref<1x128xi32, #tpu.memory_space<vmem>>
    %dma_start3A_12 = tpu.memref_squeeze %dma_start3A_11 : memref<1x128xi32, #tpu.memory_space<vmem>> -> memref<128xi32, #tpu.memory_space<vmem>>
    %dma_start3A_13 = arith.constant 0 : i32
    %dma_start3A_14 = arith.constant 0 : i32
    %dma_start3A_15 = tpu.memref_slice %arg2[%dma_start3A_13, %dma_start3A_14] : memref<50176x128xf32, #tpu.memory_space<hbm>> -> memref<50176x128xf32, #tpu.memory_space<hbm>>
    tpu.enqueue_indirect_dma source(%dma_start3A_15 : memref<50176x128xf32, #tpu.memory_space<hbm>>) target(%dma_start3A_9 : memref<128x128xf32, #tpu.memory_space<vmem>>) offsets(%dma_start3A_12 : memref<128xi32, #tpu.memory_space<vmem>>) semaphore(%arg11 : memref<!tpu.dma_semaphore, #tpu.memory_space<semaphore_mem>>)
    %mul3A_16 = arith.constant 3 : i32
    %mul3A_17 = arith.muli %scan3A_3, %mul3A_16 : i32
    %add3A_18 = arith.constant 1 : i32
    %add3A_19 = arith.addi %mul3A_17, %add3A_18 : i32
    %dma_start3A_20 = arith.constant 128 : i32
    %dma_start3A_21 = arith.constant 0 : i32
    %dma_start3A_22 = tpu.memref_slice %arg9[%dma_start3A_20, %dma_start3A_21] : memref<768x128xf32, #tpu.memory_space<vmem>> -> memref<128x128xf32, #tpu.memory_space<vmem>>
    %dma_start3A_23 = arith.constant 0 : i32
    %dma_start3A_24 = tpu.memref_slice %arg8[%add3A_19, %dma_start3A_23] : memref<60x128xi32, #tpu.memory_space<vmem>> -> memref<1x128xi32, #tpu.memory_space<vmem>>
    %dma_start3A_25 = tpu.memref_squeeze %dma_start3A_24 : memref<1x128xi32, #tpu.memory_space<vmem>> -> memref<128xi32, #tpu.memory_space<vmem>>
    %dma_start3A_26 = arith.constant 0 : i32
    %dma_start3A_27 = arith.constant 0 : i32
    %dma_start3A_28 = tpu.memref_slice %arg2[%dma_start3A_26, %dma_start3A_27] : memref<50176x128xf32, #tpu.memory_space<hbm>> -> memref<50176x128xf32, #tpu.memory_space<hbm>>
    tpu.enqueue_indirect_dma source(%dma_start3A_28 : memref<50176x128xf32, #tpu.memory_space<hbm>>) target(%dma_start3A_22 : memref<128x128xf32, #tpu.memory_space<vmem>>) offsets(%dma_start3A_25 : memref<128xi32, #tpu.memory_space<vmem>>) semaphore(%arg12 : memref<!tpu.dma_semaphore, #tpu.memory_space<semaphore_mem>>)
    %mul3A_29 = arith.constant 3 : i32
    %mul3A_30 = arith.muli %scan3A_3, %mul3A_29 : i32
    %add3A_31 = arith.constant 2 : i32
    %add3A_32 = arith.addi %mul3A_30, %add3A_31 : i32
    %dma_start3A_33 = arith.constant 256 : i32
    %dma_start3A_34 = arith.constant 0 : i32
    %dma_start3A_35 = tpu.memref_slice %arg9[%dma_start3A_33, %dma_start3A_34] : memref<768x128xf32, #tpu.memory_space<vmem>> -> memref<128x128xf32, #tpu.memory_space<vmem>>
    %dma_start3A_36 = arith.constant 0 : i32
    %dma_start3A_37 = tpu.memref_slice %arg8[%add3A_32, %dma_start3A_36] : memref<60x128xi32, #tpu.memory_space<vmem>> -> memref<1x128xi32, #tpu.memory_space<vmem>>
    %dma_start3A_38 = tpu.memref_squeeze %dma_start3A_37 : memref<1x128xi32, #tpu.memory_space<vmem>> -> memref<128xi32, #tpu.memory_space<vmem>>
    %dma_start3A_39 = arith.constant 0 : i32
    %dma_start3A_40 = arith.constant 0 : i32
    %dma_start3A_41 = tpu.memref_slice %arg2[%dma_start3A_39, %dma_start3A_40] : memref<50176x128xf32, #tpu.memory_space<hbm>> -> memref<50176x128xf32, #tpu.memory_space<hbm>>
    tpu.enqueue_indirect_dma source(%dma_start3A_41 : memref<50176x128xf32, #tpu.memory_space<hbm>>) target(%dma_start3A_35 : memref<128x128xf32, #tpu.memory_space<vmem>>) offsets(%dma_start3A_38 : memref<128xi32, #tpu.memory_space<vmem>>) semaphore(%arg13 : memref<!tpu.dma_semaphore, #tpu.memory_space<semaphore_mem>>)
    %dma_wait3A = arith.constant 0 : i32
    %dma_wait3A_42 = arith.constant 0 : i32
    %dma_wait3A_43 = tpu.memref_slice %arg9[%dma_wait3A, %dma_wait3A_42] : memref<768x128xf32, #tpu.memory_space<vmem>> -> memref<128x128xf32, #tpu.memory_space<vmem>>
    %dma_wait3A_44 = arith.constant 0 : i32
    %dma_wait3A_45 = tpu.memref_slice %arg8[%add3A_7, %dma_wait3A_44] : memref<60x128xi32, #tpu.memory_space<vmem>> -> memref<1x128xi32, #tpu.memory_space<vmem>>
    %dma_wait3A_46 = tpu.memref_squeeze %dma_wait3A_45 : memref<1x128xi32, #tpu.memory_space<vmem>> -> memref<128xi32, #tpu.memory_space<vmem>>
    %dma_wait3A_47 = arith.constant 0 : i32
    %dma_wait3A_48 = arith.constant 0 : i32
    %dma_wait3A_49 = tpu.memref_slice %arg2[%dma_wait3A_47, %dma_wait3A_48] : memref<50176x128xf32, #tpu.memory_space<hbm>> -> memref<50176x128xf32, #tpu.memory_space<hbm>>
    tpu.wait_indirect_dma semaphore(%arg11 : memref<!tpu.dma_semaphore, #tpu.memory_space<semaphore_mem>>) src(%dma_wait3A_49 : memref<50176x128xf32, #tpu.memory_space<hbm>>) dst(%dma_wait3A_43 : memref<128x128xf32, #tpu.memory_space<vmem>>)
    %dma_wait3A_50 = arith.constant 128 : i32
    %dma_wait3A_51 = arith.constant 0 : i32
    %dma_wait3A_52 = tpu.memref_slice %arg9[%dma_wait3A_50, %dma_wait3A_51] : memref<768x128xf32, #tpu.memory_space<vmem>> -> memref<128x128xf32, #tpu.memory_space<vmem>>
    %dma_wait3A_53 = arith.constant 0 : i32
    %dma_wait3A_54 = tpu.memref_slice %arg8[%add3A_19, %dma_wait3A_53] : memref<60x128xi32, #tpu.memory_space<vmem>> -> memref<1x128xi32, #tpu.memory_space<vmem>>
    %dma_wait3A_55 = tpu.memref_squeeze %dma_wait3A_54 : memref<1x128xi32, #tpu.memory_space<vmem>> -> memref<128xi32, #tpu.memory_space<vmem>>
    %dma_wait3A_56 = arith.constant 0 : i32
    %dma_wait3A_57 = arith.constant 0 : i32
    %dma_wait3A_58 = tpu.memref_slice %arg2[%dma_wait3A_56, %dma_wait3A_57] : memref<50176x128xf32, #tpu.memory_space<hbm>> -> memref<50176x128xf32, #tpu.memory_space<hbm>>
    tpu.wait_indirect_dma semaphore(%arg12 : memref<!tpu.dma_semaphore, #tpu.memory_space<semaphore_mem>>) src(%dma_wait3A_58 : memref<50176x128xf32, #tpu.memory_space<hbm>>) dst(%dma_wait3A_52 : memref<128x128xf32, #tpu.memory_space<vmem>>)
    %dma_wait3A_59 = arith.constant 256 : i32
    %dma_wait3A_60 = arith.constant 0 : i32
    %dma_wait3A_61 = tpu.memref_slice %arg9[%dma_wait3A_59, %dma_wait3A_60] : memref<768x128xf32, #tpu.memory_space<vmem>> -> memref<128x128xf32, #tpu.memory_space<vmem>>
    %dma_wait3A_62 = arith.constant 0 : i32
    %dma_wait3A_63 = tpu.memref_slice %arg8[%add3A_32, %dma_wait3A_62] : memref<60x128xi32, #tpu.memory_space<vmem>> -> memref<1x128xi32, #tpu.memory_space<vmem>>
    %dma_wait3A_64 = tpu.memref_squeeze %dma_wait3A_63 : memref<1x128xi32, #tpu.memory_space<vmem>> -> memref<128xi32, #tpu.memory_space<vmem>>
    %dma_wait3A_65 = arith.constant 0 : i32
    %dma_wait3A_66 = arith.constant 0 : i32
    %dma_wait3A_67 = tpu.memref_slice %arg2[%dma_wait3A_65, %dma_wait3A_66] : memref<50176x128xf32, #tpu.memory_space<hbm>> -> memref<50176x128xf32, #tpu.memory_space<hbm>>
    tpu.wait_indirect_dma semaphore(%arg13 : memref<!tpu.dma_semaphore, #tpu.memory_space<semaphore_mem>>) src(%dma_wait3A_67 : memref<50176x128xf32, #tpu.memory_space<hbm>>) dst(%dma_wait3A_61 : memref<128x128xf32, #tpu.memory_space<vmem>>)
    %mul3A_68 = arith.constant 3 : i32
    %mul3A_69 = arith.muli %scan3A_3, %mul3A_68 : i32
    %mul3A_70 = arith.constant 128 : i32
    %mul3A_71 = arith.muli %mul3A_69, %mul3A_70 : i32
    %add3A_72 = arith.addi %mul3A_2, %mul3A_71 : i32
    "tpu.region"() ({
      %run_scoped3A = tpu.sem_alloc : memref<!tpu.dma_semaphore, #tpu.memory_space<semaphore_mem>>
      %dma_start3A_82 = arith.constant 0 : i32
      %dma_start3A_83 = arith.constant 0 : i32
      %dma_start3A_84 = tpu.memref_slice %arg9[%dma_start3A_82, %dma_start3A_83] : memref<768x128xf32, #tpu.memory_space<vmem>> -> memref<384x128xf32, #tpu.memory_space<vmem>>
      %dma_start3A_85 = arith.constant 0 : i32
      %dma_start3A_86 = tpu.memref_slice %arg5[%add3A_72, %dma_start3A_85] : memref<12288x128xf32, #tpu.memory_space<hbm>> -> memref<384x128xf32, #tpu.memory_space<hbm>>
      %dma_start3A_87 = arith.constant 0 : i32
      %dma_start3A_88 = tpu.memref_slice %arg5[%add3A_72, %dma_start3A_87] : memref<12288x128xf32, #tpu.memory_space<hbm>> -> memref<384x128xf32, #tpu.memory_space<hbm>>
      %dma_start3A_89 = arith.constant 0 : i32
      %dma_start3A_90 = arith.constant 0 : i32
      %dma_start3A_91 = tpu.memref_slice %arg9[%dma_start3A_89, %dma_start3A_90] : memref<768x128xf32, #tpu.memory_space<vmem>> -> memref<384x128xf32, #tpu.memory_space<vmem>>
      tpu.enqueue_dma source(%dma_start3A_91 : memref<384x128xf32, #tpu.memory_space<vmem>>) target(%dma_start3A_88 : memref<384x128xf32, #tpu.memory_space<hbm>>) target_semaphore(%run_scoped3A : memref<!tpu.dma_semaphore, #tpu.memory_space<semaphore_mem>>)
      %dma_wait3A_92 = arith.constant 0 : i32
      %dma_wait3A_93 = arith.constant 0 : i32
      %dma_wait3A_94 = tpu.memref_slice %arg9[%dma_wait3A_92, %dma_wait3A_93] : memref<768x128xf32, #tpu.memory_space<vmem>> -> memref<384x128xf32, #tpu.memory_space<vmem>>
      %dma_wait3A_95 = arith.constant 0 : i32
      %dma_wait3A_96 = tpu.memref_slice %arg5[%add3A_72, %dma_wait3A_95] : memref<12288x128xf32, #tpu.memory_space<hbm>> -> memref<384x128xf32, #tpu.memory_space<hbm>>
      %dma_wait3A_97 = arith.constant 0 : i32
      %dma_wait3A_98 = tpu.memref_slice %arg5[%add3A_72, %dma_wait3A_97] : memref<12288x128xf32, #tpu.memory_space<hbm>> -> memref<384x128xf32, #tpu.memory_space<hbm>>
      %dma_wait3A_99 = arith.constant 0 : i32
      %dma_wait3A_100 = arith.constant 0 : i32
      %dma_wait3A_101 = tpu.memref_slice %arg9[%dma_wait3A_99, %dma_wait3A_100] : memref<768x128xf32, #tpu.memory_space<vmem>> -> memref<384x128xf32, #tpu.memory_space<vmem>>
      tpu.wait_dma2 semaphore(%run_scoped3A : memref<!tpu.dma_semaphore, #tpu.memory_space<semaphore_mem>>) src(%dma_wait3A_101 : memref<384x128xf32, #tpu.memory_space<vmem>>) dst(%dma_wait3A_98 : memref<384x128xf32, #tpu.memory_space<hbm>>)
      tpu.yield
    }) : () -> ()
    %scan3A_73 = arith.constant 1 : i32
    %mul3A_74 = arith.constant 7680 : i32
    %mul3A_75 = arith.muli %add3A, %mul3A_74 : i32
    "tpu.region"() ({
      %run_scoped3A = tpu.sem_alloc : memref<!tpu.dma_semaphore, #tpu.memory_space<semaphore_mem>>
      %dma_start3A_82 = arith.constant 0 : i32
      %dma_start3A_83 = arith.constant 0 : i32
      %dma_start3A_84 = tpu.memref_slice %arg8[%dma_start3A_82, %dma_start3A_83] : memref<60x128xi32, #tpu.memory_space<vmem>> -> memref<60x128xi32, #tpu.memory_space<vmem>>
      %dma_start3A_85 = arith.constant 0 : i32
      %dma_start3A_86 = arith.constant 0 : i32
      %dma_start3A_87 = tpu.memref_slice %arg4[%add3A, %dma_start3A_85, %dma_start3A_86] : memref<32x60x128xi32, #tpu.memory_space<hbm>> -> memref<1x60x128xi32, #tpu.memory_space<hbm>>
      %dma_start3A_88 = tpu.memref_squeeze %dma_start3A_87 : memref<1x60x128xi32, #tpu.memory_space<hbm>> -> memref<60x128xi32, #tpu.memory_space<hbm>>
      %dma_start3A_89 = arith.constant 0 : i32
      %dma_start3A_90 = arith.constant 0 : i32
      %dma_start3A_91 = tpu.memref_slice %arg8[%dma_start3A_89, %dma_start3A_90] : memref<60x128xi32, #tpu.memory_space<vmem>> -> memref<60x128xi32, #tpu.memory_space<vmem>>
      %dma_start3A_92 = arith.constant 0 : i32
      %dma_start3A_93 = arith.constant 0 : i32
      %dma_start3A_94 = tpu.memref_slice %arg4[%add3A, %dma_start3A_92, %dma_start3A_93] : memref<32x60x128xi32, #tpu.memory_space<hbm>> -> memref<1x60x128xi32, #tpu.memory_space<hbm>>
      %dma_start3A_95 = tpu.memref_squeeze %dma_start3A_94 : memref<1x60x128xi32, #tpu.memory_space<hbm>> -> memref<60x128xi32, #tpu.memory_space<hbm>>
      tpu.enqueue_dma source(%dma_start3A_95 : memref<60x128xi32, #tpu.memory_space<hbm>>) target(%dma_start3A_91 : memref<60x128xi32, #tpu.memory_space<vmem>>) target_semaphore(%run_scoped3A : memref<!tpu.dma_semaphore, #tpu.memory_space<semaphore_mem>>)
      %dma_wait3A_96 = arith.constant 0 : i32
      %dma_wait3A_97 = arith.constant 0 : i32
      %dma_wait3A_98 = tpu.memref_slice %arg8[%dma_wait3A_96, %dma_wait3A_97] : memref<60x128xi32, #tpu.memory_space<vmem>> -> memref<60x128xi32, #tpu.memory_space<vmem>>
      %dma_wait3A_99 = arith.constant 0 : i32
      %dma_wait3A_100 = arith.constant 0 : i32
      %dma_wait3A_101 = tpu.memref_slice %arg4[%add3A, %dma_wait3A_99, %dma_wait3A_100] : memref<32x60x128xi32, #tpu.memory_space<hbm>> -> memref<1x60x128xi32, #tpu.memory_space<hbm>>
      %dma_wait3A_102 = tpu.memref_squeeze %dma_wait3A_101 : memref<1x60x128xi32, #tpu.memory_space<hbm>> -> memref<60x128xi32, #tpu.memory_space<hbm>>
      %dma_wait3A_103 = arith.constant 0 : i32
      %dma_wait3A_104 = arith.constant 0 : i32
      %dma_wait3A_105 = tpu.memref_slice %arg8[%dma_wait3A_103, %dma_wait3A_104] : memref<60x128xi32, #tpu.memory_space<vmem>> -> memref<60x128xi32, #tpu.memory_space<vmem>>
      %dma_wait3A_106 = arith.constant 0 : i32
      %dma_wait3A_107 = arith.constant 0 : i32
      %dma_wait3A_108 = tpu.memref_slice %arg4[%add3A, %dma_wait3A_106, %dma_wait3A_107] : memref<32x60x128xi32, #tpu.memory_space<hbm>> -> memref<1x60x128xi32, #tpu.memory_space<hbm>>
      %dma_wait3A_109 = tpu.memref_squeeze %dma_wait3A_108 : memref<1x60x128xi32, #tpu.memory_space<hbm>> -> memref<60x128xi32, #tpu.memory_space<hbm>>
      tpu.wait_dma2 semaphore(%run_scoped3A : memref<!tpu.dma_semaphore, #tpu.memory_space<semaphore_mem>>) src(%dma_wait3A_109 : memref<60x128xi32, #tpu.memory_space<hbm>>) dst(%dma_wait3A_105 : memref<60x128xi32, #tpu.memory_space<vmem>>)
      tpu.yield
    }) : () -> ()
    %scan3A_76 = arith.constant 0 : i32
    %scan3A_77 = arith.constant 0 : i32
    %scan3A_78 = arith.constant 10 : i32
    %scan3A_79 = arith.addi %scan3A_77, %scan3A_78 : i32
    %scan3A_80 = arith.constant 1 : i32
    scf.for %scan3A_82 = %scan3A_77 to %scan3A_79 step %scan3A_80  : i32 {
      %mul3A_83 = arith.constant 6 : i32
      %mul3A_84 = arith.muli %scan3A_82, %mul3A_83 : i32
      %add3A_85 = arith.constant 0 : i32
      %add3A_86 = arith.addi %mul3A_84, %add3A_85 : i32
      %dma_start3A_87 = arith.constant 0 : i32
      %dma_start3A_88 = arith.constant 0 : i32
      %dma_start3A_89 = tpu.memref_slice %arg9[%dma_start3A_87, %dma_start3A_88] : memref<768x128xf32, #tpu.memory_space<vmem>> -> memref<128x128xf32, #tpu.memory_space<vmem>>
      %dma_start3A_90 = arith.constant 0 : i32
      %dma_start3A_91 = tpu.memref_slice %arg8[%add3A_86, %dma_start3A_90] : memref<60x128xi32, #tpu.memory_space<vmem>> -> memref<1x128xi32, #tpu.memory_space<vmem>>
      %dma_start3A_92 = tpu.memref_squeeze %dma_start3A_91 : memref<1x128xi32, #tpu.memory_space<vmem>> -> memref<128xi32, #tpu.memory_space<vmem>>
      %dma_start3A_93 = arith.constant 0 : i32
      %dma_start3A_94 = arith.constant 0 : i32
      %dma_start3A_95 = tpu.memref_slice %arg2[%dma_start3A_93, %dma_start3A_94] : memref<50176x128xf32, #tpu.memory_space<hbm>> -> memref<50176x128xf32, #tpu.memory_space<hbm>>
      tpu.enqueue_indirect_dma source(%dma_start3A_95 : memref<50176x128xf32, #tpu.memory_space<hbm>>) target(%dma_start3A_89 : memref<128x128xf32, #tpu.memory_space<vmem>>) offsets(%dma_start3A_92 : memref<128xi32, #tpu.memory_space<vmem>>) semaphore(%arg11 : memref<!tpu.dma_semaphore, #tpu.memory_space<semaphore_mem>>)
      %mul3A_96 = arith.constant 6 : i32
      %mul3A_97 = arith.muli %scan3A_82, %mul3A_96 : i32
      %add3A_98 = arith.constant 1 : i32
      %add3A_99 = arith.addi %mul3A_97, %add3A_98 : i32
      %dma_start3A_100 = arith.constant 128 : i32
      %dma_start3A_101 = arith.constant 0 : i32
      %dma_start3A_102 = tpu.memref_slice %arg9[%dma_start3A_100, %dma_start3A_101] : memref<768x128xf32, #tpu.memory_space<vmem>> -> memref<128x128xf32, #tpu.memory_space<vmem>>
      %dma_start3A_103 = arith.constant 0 : i32
      %dma_start3A_104 = tpu.memref_slice %arg8[%add3A_99, %dma_start3A_103] : memref<60x128xi32, #tpu.memory_space<vmem>> -> memref<1x128xi32, #tpu.memory_space<vmem>>
      %dma_start3A_105 = tpu.memref_squeeze %dma_start3A_104 : memref<1x128xi32, #tpu.memory_space<vmem>> -> memref<128xi32, #tpu.memory_space<vmem>>
      %dma_start3A_106 = arith.constant 0 : i32
      %dma_start3A_107 = arith.constant 0 : i32
      %dma_start3A_108 = tpu.memref_slice %arg2[%dma_start3A_106, %dma_start3A_107] : memref<50176x128xf32, #tpu.memory_space<hbm>> -> memref<50176x128xf32, #tpu.memory_space<hbm>>
      tpu.enqueue_indirect_dma source(%dma_start3A_108 : memref<50176x128xf32, #tpu.memory_space<hbm>>) target(%dma_start3A_102 : memref<128x128xf32, #tpu.memory_space<vmem>>) offsets(%dma_start3A_105 : memref<128xi32, #tpu.memory_space<vmem>>) semaphore(%arg12 : memref<!tpu.dma_semaphore, #tpu.memory_space<semaphore_mem>>)
      %mul3A_109 = arith.constant 6 : i32
      %mul3A_110 = arith.muli %scan3A_82, %mul3A_109 : i32
      %add3A_111 = arith.constant 2 : i32
      %add3A_112 = arith.addi %mul3A_110, %add3A_111 : i32
      %dma_start3A_113 = arith.constant 256 : i32
      %dma_start3A_114 = arith.constant 0 : i32
      %dma_start3A_115 = tpu.memref_slice %arg9[%dma_start3A_113, %dma_start3A_114] : memref<768x128xf32, #tpu.memory_space<vmem>> -> memref<128x128xf32, #tpu.memory_space<vmem>>
      %dma_start3A_116 = arith.constant 0 : i32
      %dma_start3A_117 = tpu.memref_slice %arg8[%add3A_112, %dma_start3A_116] : memref<60x128xi32, #tpu.memory_space<vmem>> -> memref<1x128xi32, #tpu.memory_space<vmem>>
      %dma_start3A_118 = tpu.memref_squeeze %dma_start3A_117 : memref<1x128xi32, #tpu.memory_space<vmem>> -> memref<128xi32, #tpu.memory_space<vmem>>
      %dma_start3A_119 = arith.constant 0 : i32
      %dma_start3A_120 = arith.constant 0 : i32
      %dma_start3A_121 = tpu.memref_slice %arg2[%dma_start3A_119, %dma_start3A_120] : memref<50176x128xf32, #tpu.memory_space<hbm>> -> memref<50176x128xf32, #tpu.memory_space<hbm>>
      tpu.enqueue_indirect_dma source(%dma_start3A_121 : memref<50176x128xf32, #tpu.memory_space<hbm>>) target(%dma_start3A_115 : memref<128x128xf32, #tpu.memory_space<vmem>>) offsets(%dma_start3A_118 : memref<128xi32, #tpu.memory_space<vmem>>) semaphore(%arg13 : memref<!tpu.dma_semaphore, #tpu.memory_space<semaphore_mem>>)
      %mul3A_122 = arith.constant 6 : i32
      %mul3A_123 = arith.muli %scan3A_82, %mul3A_122 : i32
      %add3A_124 = arith.constant 3 : i32
      %add3A_125 = arith.addi %mul3A_123, %add3A_124 : i32
      %dma_start3A_126 = arith.constant 384 : i32
      %dma_start3A_127 = arith.constant 0 : i32
      %dma_start3A_128 = tpu.memref_slice %arg9[%dma_start3A_126, %dma_start3A_127] : memref<768x128xf32, #tpu.memory_space<vmem>> -> memref<128x128xf32, #tpu.memory_space<vmem>>
      %dma_start3A_129 = arith.constant 0 : i32
      %dma_start3A_130 = tpu.memref_slice %arg8[%add3A_125, %dma_start3A_129] : memref<60x128xi32, #tpu.memory_space<vmem>> -> memref<1x128xi32, #tpu.memory_space<vmem>>
      %dma_start3A_131 = tpu.memref_squeeze %dma_start3A_130 : memref<1x128xi32, #tpu.memory_space<vmem>> -> memref<128xi32, #tpu.memory_space<vmem>>
      %dma_start3A_132 = arith.constant 0 : i32
      %dma_start3A_133 = arith.constant 0 : i32
      %dma_start3A_134 = tpu.memref_slice %arg2[%dma_start3A_132, %dma_start3A_133] : memref<50176x128xf32, #tpu.memory_space<hbm>> -> memref<50176x128xf32, #tpu.memory_space<hbm>>
      tpu.enqueue_indirect_dma source(%dma_start3A_134 : memref<50176x128xf32, #tpu.memory_space<hbm>>) target(%dma_start3A_128 : memref<128x128xf32, #tpu.memory_space<vmem>>) offsets(%dma_start3A_131 : memref<128xi32, #tpu.memory_space<vmem>>) semaphore(%arg14 : memref<!tpu.dma_semaphore, #tpu.memory_space<semaphore_mem>>)
      %mul3A_135 = arith.constant 6 : i32
      %mul3A_136 = arith.muli %scan3A_82, %mul3A_135 : i32
      %add3A_137 = arith.constant 4 : i32
      %add3A_138 = arith.addi %mul3A_136, %add3A_137 : i32
      %dma_start3A_139 = arith.constant 512 : i32
      %dma_start3A_140 = arith.constant 0 : i32
      %dma_start3A_141 = tpu.memref_slice %arg9[%dma_start3A_139, %dma_start3A_140] : memref<768x128xf32, #tpu.memory_space<vmem>> -> memref<128x128xf32, #tpu.memory_space<vmem>>
      %dma_start3A_142 = arith.constant 0 : i32
      %dma_start3A_143 = tpu.memref_slice %arg8[%add3A_138, %dma_start3A_142] : memref<60x128xi32, #tpu.memory_space<vmem>> -> memref<1x128xi32, #tpu.memory_space<vmem>>
      %dma_start3A_144 = tpu.memref_squeeze %dma_start3A_143 : memref<1x128xi32, #tpu.memory_space<vmem>> -> memref<128xi32, #tpu.memory_space<vmem>>
      %dma_start3A_145 = arith.constant 0 : i32
      %dma_start3A_146 = arith.constant 0 : i32
      %dma_start3A_147 = tpu.memref_slice %arg2[%dma_start3A_145, %dma_start3A_146] : memref<50176x128xf32, #tpu.memory_space<hbm>> -> memref<50176x128xf32, #tpu.memory_space<hbm>>
      tpu.enqueue_indirect_dma source(%dma_start3A_147 : memref<50176x128xf32, #tpu.memory_space<hbm>>) target(%dma_start3A_141 : memref<128x128xf32, #tpu.memory_space<vmem>>) offsets(%dma_start3A_144 : memref<128xi32, #tpu.memory_space<vmem>>) semaphore(%arg15 : memref<!tpu.dma_semaphore, #tpu.memory_space<semaphore_mem>>)
      %mul3A_148 = arith.constant 6 : i32
      %mul3A_149 = arith.muli %scan3A_82, %mul3A_148 : i32
      %add3A_150 = arith.constant 5 : i32
      %add3A_151 = arith.addi %mul3A_149, %add3A_150 : i32
      %dma_start3A_152 = arith.constant 640 : i32
      %dma_start3A_153 = arith.constant 0 : i32
      %dma_start3A_154 = tpu.memref_slice %arg9[%dma_start3A_152, %dma_start3A_153] : memref<768x128xf32, #tpu.memory_space<vmem>> -> memref<128x128xf32, #tpu.memory_space<vmem>>
      %dma_start3A_155 = arith.constant 0 : i32
      %dma_start3A_156 = tpu.memref_slice %arg8[%add3A_151, %dma_start3A_155] : memref<60x128xi32, #tpu.memory_space<vmem>> -> memref<1x128xi32, #tpu.memory_space<vmem>>
      %dma_start3A_157 = tpu.memref_squeeze %dma_start3A_156 : memref<1x128xi32, #tpu.memory_space<vmem>> -> memref<128xi32, #tpu.memory_space<vmem>>
      %dma_start3A_158 = arith.constant 0 : i32
      %dma_start3A_159 = arith.constant 0 : i32
      %dma_start3A_160 = tpu.memref_slice %arg2[%dma_start3A_158, %dma_start3A_159] : memref<50176x128xf32, #tpu.memory_space<hbm>> -> memref<50176x128xf32, #tpu.memory_space<hbm>>
      tpu.enqueue_indirect_dma source(%dma_start3A_160 : memref<50176x128xf32, #tpu.memory_space<hbm>>) target(%dma_start3A_154 : memref<128x128xf32, #tpu.memory_space<vmem>>) offsets(%dma_start3A_157 : memref<128xi32, #tpu.memory_space<vmem>>) semaphore(%arg16 : memref<!tpu.dma_semaphore, #tpu.memory_space<semaphore_mem>>)
      %dma_wait3A_161 = arith.constant 0 : i32
      %dma_wait3A_162 = arith.constant 0 : i32
      %dma_wait3A_163 = tpu.memref_slice %arg9[%dma_wait3A_161, %dma_wait3A_162] : memref<768x128xf32, #tpu.memory_space<vmem>> -> memref<128x128xf32, #tpu.memory_space<vmem>>
      %dma_wait3A_164 = arith.constant 0 : i32
      %dma_wait3A_165 = tpu.memref_slice %arg8[%add3A_86, %dma_wait3A_164] : memref<60x128xi32, #tpu.memory_space<vmem>> -> memref<1x128xi32, #tpu.memory_space<vmem>>
      %dma_wait3A_166 = tpu.memref_squeeze %dma_wait3A_165 : memref<1x128xi32, #tpu.memory_space<vmem>> -> memref<128xi32, #tpu.memory_space<vmem>>
      %dma_wait3A_167 = arith.constant 0 : i32
      %dma_wait3A_168 = arith.constant 0 : i32
      %dma_wait3A_169 = tpu.memref_slice %arg2[%dma_wait3A_167, %dma_wait3A_168] : memref<50176x128xf32, #tpu.memory_space<hbm>> -> memref<50176x128xf32, #tpu.memory_space<hbm>>
      tpu.wait_indirect_dma semaphore(%arg11 : memref<!tpu.dma_semaphore, #tpu.memory_space<semaphore_mem>>) src(%dma_wait3A_169 : memref<50176x128xf32, #tpu.memory_space<hbm>>) dst(%dma_wait3A_163 : memref<128x128xf32, #tpu.memory_space<vmem>>)
      %dma_wait3A_170 = arith.constant 128 : i32
      %dma_wait3A_171 = arith.constant 0 : i32
      %dma_wait3A_172 = tpu.memref_slice %arg9[%dma_wait3A_170, %dma_wait3A_171] : memref<768x128xf32, #tpu.memory_space<vmem>> -> memref<128x128xf32, #tpu.memory_space<vmem>>
      %dma_wait3A_173 = arith.constant 0 : i32
      %dma_wait3A_174 = tpu.memref_slice %arg8[%add3A_99, %dma_wait3A_173] : memref<60x128xi32, #tpu.memory_space<vmem>> -> memref<1x128xi32, #tpu.memory_space<vmem>>
      %dma_wait3A_175 = tpu.memref_squeeze %dma_wait3A_174 : memref<1x128xi32, #tpu.memory_space<vmem>> -> memref<128xi32, #tpu.memory_space<vmem>>
      %dma_wait3A_176 = arith.constant 0 : i32
      %dma_wait3A_177 = arith.constant 0 : i32
      %dma_wait3A_178 = tpu.memref_slice %arg2[%dma_wait3A_176, %dma_wait3A_177] : memref<50176x128xf32, #tpu.memory_space<hbm>> -> memref<50176x128xf32, #tpu.memory_space<hbm>>
      tpu.wait_indirect_dma semaphore(%arg12 : memref<!tpu.dma_semaphore, #tpu.memory_space<semaphore_mem>>) src(%dma_wait3A_178 : memref<50176x128xf32, #tpu.memory_space<hbm>>) dst(%dma_wait3A_172 : memref<128x128xf32, #tpu.memory_space<vmem>>)
      %dma_wait3A_179 = arith.constant 256 : i32
      %dma_wait3A_180 = arith.constant 0 : i32
      %dma_wait3A_181 = tpu.memref_slice %arg9[%dma_wait3A_179, %dma_wait3A_180] : memref<768x128xf32, #tpu.memory_space<vmem>> -> memref<128x128xf32, #tpu.memory_space<vmem>>
      %dma_wait3A_182 = arith.constant 0 : i32
      %dma_wait3A_183 = tpu.memref_slice %arg8[%add3A_112, %dma_wait3A_182] : memref<60x128xi32, #tpu.memory_space<vmem>> -> memref<1x128xi32, #tpu.memory_space<vmem>>
      %dma_wait3A_184 = tpu.memref_squeeze %dma_wait3A_183 : memref<1x128xi32, #tpu.memory_space<vmem>> -> memref<128xi32, #tpu.memory_space<vmem>>
      %dma_wait3A_185 = arith.constant 0 : i32
      %dma_wait3A_186 = arith.constant 0 : i32
      %dma_wait3A_187 = tpu.memref_slice %arg2[%dma_wait3A_185, %dma_wait3A_186] : memref<50176x128xf32, #tpu.memory_space<hbm>> -> memref<50176x128xf32, #tpu.memory_space<hbm>>
      tpu.wait_indirect_dma semaphore(%arg13 : memref<!tpu.dma_semaphore, #tpu.memory_space<semaphore_mem>>) src(%dma_wait3A_187 : memref<50176x128xf32, #tpu.memory_space<hbm>>) dst(%dma_wait3A_181 : memref<128x128xf32, #tpu.memory_space<vmem>>)
      %dma_wait3A_188 = arith.constant 384 : i32
      %dma_wait3A_189 = arith.constant 0 : i32
      %dma_wait3A_190 = tpu.memref_slice %arg9[%dma_wait3A_188, %dma_wait3A_189] : memref<768x128xf32, #tpu.memory_space<vmem>> -> memref<128x128xf32, #tpu.memory_space<vmem>>
      %dma_wait3A_191 = arith.constant 0 : i32
      %dma_wait3A_192 = tpu.memref_slice %arg8[%add3A_125, %dma_wait3A_191] : memref<60x128xi32, #tpu.memory_space<vmem>> -> memref<1x128xi32, #tpu.memory_space<vmem>>
      %dma_wait3A_193 = tpu.memref_squeeze %dma_wait3A_192 : memref<1x128xi32, #tpu.memory_space<vmem>> -> memref<128xi32, #tpu.memory_space<vmem>>
      %dma_wait3A_194 = arith.constant 0 : i32
      %dma_wait3A_195 = arith.constant 0 : i32
      %dma_wait3A_196 = tpu.memref_slice %arg2[%dma_wait3A_194, %dma_wait3A_195] : memref<50176x128xf32, #tpu.memory_space<hbm>> -> memref<50176x128xf32, #tpu.memory_space<hbm>>
      tpu.wait_indirect_dma semaphore(%arg14 : memref<!tpu.dma_semaphore, #tpu.memory_space<semaphore_mem>>) src(%dma_wait3A_196 : memref<50176x128xf32, #tpu.memory_space<hbm>>) dst(%dma_wait3A_190 : memref<128x128xf32, #tpu.memory_space<vmem>>)
      %dma_wait3A_197 = arith.constant 512 : i32
      %dma_wait3A_198 = arith.constant 0 : i32
      %dma_wait3A_199 = tpu.memref_slice %arg9[%dma_wait3A_197, %dma_wait3A_198] : memref<768x128xf32, #tpu.memory_space<vmem>> -> memref<128x128xf32, #tpu.memory_space<vmem>>
      %dma_wait3A_200 = arith.constant 0 : i32
      %dma_wait3A_201 = tpu.memref_slice %arg8[%add3A_138, %dma_wait3A_200] : memref<60x128xi32, #tpu.memory_space<vmem>> -> memref<1x128xi32, #tpu.memory_space<vmem>>
      %dma_wait3A_202 = tpu.memref_squeeze %dma_wait3A_201 : memref<1x128xi32, #tpu.memory_space<vmem>> -> memref<128xi32, #tpu.memory_space<vmem>>
      %dma_wait3A_203 = arith.constant 0 : i32
      %dma_wait3A_204 = arith.constant 0 : i32
      %dma_wait3A_205 = tpu.memref_slice %arg2[%dma_wait3A_203, %dma_wait3A_204] : memref<50176x128xf32, #tpu.memory_space<hbm>> -> memref<50176x128xf32, #tpu.memory_space<hbm>>
      tpu.wait_indirect_dma semaphore(%arg15 : memref<!tpu.dma_semaphore, #tpu.memory_space<semaphore_mem>>) src(%dma_wait3A_205 : memref<50176x128xf32, #tpu.memory_space<hbm>>) dst(%dma_wait3A_199 : memref<128x128xf32, #tpu.memory_space<vmem>>)
      %dma_wait3A_206 = arith.constant 640 : i32
      %dma_wait3A_207 = arith.constant 0 : i32
      %dma_wait3A_208 = tpu.memref_slice %arg9[%dma_wait3A_206, %dma_wait3A_207] : memref<768x128xf32, #tpu.memory_space<vmem>> -> memref<128x128xf32, #tpu.memory_space<vmem>>
      %dma_wait3A_209 = arith.constant 0 : i32
      %dma_wait3A_210 = tpu.memref_slice %arg8[%add3A_151, %dma_wait3A_209] : memref<60x128xi32, #tpu.memory_space<vmem>> -> memref<1x128xi32, #tpu.memory_space<vmem>>
      %dma_wait3A_211 = tpu.memref_squeeze %dma_wait3A_210 : memref<1x128xi32, #tpu.memory_space<vmem>> -> memref<128xi32, #tpu.memory_space<vmem>>
      %dma_wait3A_212 = arith.constant 0 : i32
      %dma_wait3A_213 = arith.constant 0 : i32
      %dma_wait3A_214 = tpu.memref_slice %arg2[%dma_wait3A_212, %dma_wait3A_213] : memref<50176x128xf32, #tpu.memory_space<hbm>> -> memref<50176x128xf32, #tpu.memory_space<hbm>>
      tpu.wait_indirect_dma semaphore(%arg16 : memref<!tpu.dma_semaphore, #tpu.memory_space<semaphore_mem>>) src(%dma_wait3A_214 : memref<50176x128xf32, #tpu.memory_space<hbm>>) dst(%dma_wait3A_208 : memref<128x128xf32, #tpu.memory_space<vmem>>)
      %mul3A_215 = arith.constant 6 : i32
      %mul3A_216 = arith.muli %scan3A_82, %mul3A_215 : i32
      %mul3A_217 = arith.constant 128 : i32
      %mul3A_218 = arith.muli %mul3A_216, %mul3A_217 : i32
      %add3A_219 = arith.addi %mul3A_75, %mul3A_218 : i32
      "tpu.region"() ({
        %run_scoped3A = tpu.sem_alloc : memref<!tpu.dma_semaphore, #tpu.memory_space<semaphore_mem>>
        %dma_start3A_220 = arith.constant 0 : i32
        %dma_start3A_221 = arith.constant 0 : i32
        %dma_start3A_222 = tpu.memref_slice %arg9[%dma_start3A_220, %dma_start3A_221] : memref<768x128xf32, #tpu.memory_space<vmem>> -> memref<768x128xf32, #tpu.memory_space<vmem>>
        %dma_start3A_223 = arith.constant 0 : i32
        %dma_start3A_224 = tpu.memref_slice %arg6[%add3A_219, %dma_start3A_223] : memref<245760x128xf32, #tpu.memory_space<hbm>> -> memref<768x128xf32, #tpu.memory_space<hbm>>
        %dma_start3A_225 = arith.constant 0 : i32
        %dma_start3A_226 = tpu.memref_slice %arg6[%add3A_219, %dma_start3A_225] : memref<245760x128xf32, #tpu.memory_space<hbm>> -> memref<768x128xf32, #tpu.memory_space<hbm>>
        %dma_start3A_227 = arith.constant 0 : i32
        %dma_start3A_228 = arith.constant 0 : i32
        %dma_start3A_229 = tpu.memref_slice %arg9[%dma_start3A_227, %dma_start3A_228] : memref<768x128xf32, #tpu.memory_space<vmem>> -> memref<768x128xf32, #tpu.memory_space<vmem>>
        tpu.enqueue_dma source(%dma_start3A_229 : memref<768x128xf32, #tpu.memory_space<vmem>>) target(%dma_start3A_226 : memref<768x128xf32, #tpu.memory_space<hbm>>) target_semaphore(%run_scoped3A : memref<!tpu.dma_semaphore, #tpu.memory_space<semaphore_mem>>)
        %dma_wait3A_230 = arith.constant 0 : i32
        %dma_wait3A_231 = arith.constant 0 : i32
        %dma_wait3A_232 = tpu.memref_slice %arg9[%dma_wait3A_230, %dma_wait3A_231] : memref<768x128xf32, #tpu.memory_space<vmem>> -> memref<768x128xf32, #tpu.memory_space<vmem>>
        %dma_wait3A_233 = arith.constant 0 : i32
        %dma_wait3A_234 = tpu.memref_slice %arg6[%add3A_219, %dma_wait3A_233] : memref<245760x128xf32, #tpu.memory_space<hbm>> -> memref<768x128xf32, #tpu.memory_space<hbm>>
        %dma_wait3A_235 = arith.constant 0 : i32
        %dma_wait3A_236 = tpu.memref_slice %arg6[%add3A_219, %dma_wait3A_235] : memref<245760x128xf32, #tpu.memory_space<hbm>> -> memref<768x128xf32, #tpu.memory_space<hbm>>
        %dma_wait3A_237 = arith.constant 0 : i32
        %dma_wait3A_238 = arith.constant 0 : i32
        %dma_wait3A_239 = tpu.memref_slice %arg9[%dma_wait3A_237, %dma_wait3A_238] : memref<768x128xf32, #tpu.memory_space<vmem>> -> memref<768x128xf32, #tpu.memory_space<vmem>>
        tpu.wait_dma2 semaphore(%run_scoped3A : memref<!tpu.dma_semaphore, #tpu.memory_space<semaphore_mem>>) src(%dma_wait3A_239 : memref<768x128xf32, #tpu.memory_space<vmem>>) dst(%dma_wait3A_236 : memref<768x128xf32, #tpu.memory_space<hbm>>)
        tpu.yield
      }) : () -> ()
    }
    %scan3A_81 = arith.constant 10 : i32
    return
  }
}

#map = affine_map<(d0, d1) -> (0, 0)>
#map1 = affine_map<(d0, d1) -> (0, 0, 0)>
module attributes {stable_mosaic.version = 14 : i64} {
  func.func @k(%arg0: i32, %arg1: i32, %arg2: memref<50000x128xf32, #tpu.memory_space<hbm>>, %arg3: memref<800000x16xf32, #tpu.memory_space<hbm>>, %arg4: memref<32x3x128xi32, #tpu.memory_space<hbm>>, %arg5: memref<32x60x128xi32, #tpu.memory_space<hbm>>, %arg6: memref<12288x128xf32, #tpu.memory_space<hbm>>, %arg7: memref<245760x16xf32, #tpu.memory_space<hbm>>, %arg8: memref<60x128xi32, #tpu.memory_space<vmem>>, %arg9: memref<384x128xf32, #tpu.memory_space<vmem>>, %arg10: memref<768x16xf32, #tpu.memory_space<vmem>>, %arg11: memref<!tpu.dma_semaphore, #tpu.memory_space<semaphore_mem>>, %arg12: memref<!tpu.dma_semaphore, #tpu.memory_space<semaphore_mem>>, %arg13: memref<!tpu.dma_semaphore, #tpu.memory_space<semaphore_mem>>, %arg14: memref<!tpu.dma_semaphore, #tpu.memory_space<semaphore_mem>>, %arg15: memref<!tpu.dma_semaphore, #tpu.memory_space<semaphore_mem>>, %arg16: memref<!tpu.dma_semaphore, #tpu.memory_space<semaphore_mem>>) attributes {dimension_semantics = [#tpu.dimension_semantics<core_parallel>, #tpu.dimension_semantics<subcore_parallel>], iteration_bounds = array<i64: 2, 16>, scalar_prefetch = 0 : i64, scratch_operands = 9 : i64, tpu.core_type = #tpu.core_type<sc_vector_subcore>, window_params = [{transform_indices = #map}, {transform_indices = #map}, {transform_indices = #map1}, {transform_indices = #map1}, {transform_indices = #map}, {transform_indices = #map}]} {
    %mul3A = arith.constant 2 : i32
    %mul3A_0 = arith.muli %arg1, %mul3A : i32
    %add3A = arith.addi %mul3A_0, %arg0 : i32
    %mul3A_1 = arith.constant 384 : i32
    %mul3A_2 = arith.muli %add3A, %mul3A_1 : i32
    "tpu.region"() ({
      %run_scoped3A = tpu.sem_alloc : memref<!tpu.dma_semaphore, #tpu.memory_space<semaphore_mem>>
      %dma_start3A_82 = arith.constant 0 : i32
      %dma_start3A_83 = arith.constant 0 : i32
      %dma_start3A_84 = tpu.memref_slice %arg8[%dma_start3A_82, %dma_start3A_83] : memref<60x128xi32, #tpu.memory_space<vmem>> -> memref<3x128xi32, #tpu.memory_space<vmem>>
      %dma_start3A_85 = arith.constant 0 : i32
      %dma_start3A_86 = arith.constant 0 : i32
      %dma_start3A_87 = tpu.memref_slice %arg4[%add3A, %dma_start3A_85, %dma_start3A_86] : memref<32x3x128xi32, #tpu.memory_space<hbm>> -> memref<1x3x128xi32, #tpu.memory_space<hbm>>
      %dma_start3A_88 = tpu.memref_squeeze %dma_start3A_87 : memref<1x3x128xi32, #tpu.memory_space<hbm>> -> memref<3x128xi32, #tpu.memory_space<hbm>>
      %dma_start3A_89 = arith.constant 0 : i32
      %dma_start3A_90 = arith.constant 0 : i32
      %dma_start3A_91 = tpu.memref_slice %arg8[%dma_start3A_89, %dma_start3A_90] : memref<60x128xi32, #tpu.memory_space<vmem>> -> memref<3x128xi32, #tpu.memory_space<vmem>>
      %dma_start3A_92 = arith.constant 0 : i32
      %dma_start3A_93 = arith.constant 0 : i32
      %dma_start3A_94 = tpu.memref_slice %arg4[%add3A, %dma_start3A_92, %dma_start3A_93] : memref<32x3x128xi32, #tpu.memory_space<hbm>> -> memref<1x3x128xi32, #tpu.memory_space<hbm>>
      %dma_start3A_95 = tpu.memref_squeeze %dma_start3A_94 : memref<1x3x128xi32, #tpu.memory_space<hbm>> -> memref<3x128xi32, #tpu.memory_space<hbm>>
      tpu.enqueue_dma source(%dma_start3A_95 : memref<3x128xi32, #tpu.memory_space<hbm>>) target(%dma_start3A_91 : memref<3x128xi32, #tpu.memory_space<vmem>>) target_semaphore(%run_scoped3A : memref<!tpu.dma_semaphore, #tpu.memory_space<semaphore_mem>>)
      %dma_wait3A_96 = arith.constant 0 : i32
      %dma_wait3A_97 = arith.constant 0 : i32
      %dma_wait3A_98 = tpu.memref_slice %arg8[%dma_wait3A_96, %dma_wait3A_97] : memref<60x128xi32, #tpu.memory_space<vmem>> -> memref<3x128xi32, #tpu.memory_space<vmem>>
      %dma_wait3A_99 = arith.constant 0 : i32
      %dma_wait3A_100 = arith.constant 0 : i32
      %dma_wait3A_101 = tpu.memref_slice %arg4[%add3A, %dma_wait3A_99, %dma_wait3A_100] : memref<32x3x128xi32, #tpu.memory_space<hbm>> -> memref<1x3x128xi32, #tpu.memory_space<hbm>>
      %dma_wait3A_102 = tpu.memref_squeeze %dma_wait3A_101 : memref<1x3x128xi32, #tpu.memory_space<hbm>> -> memref<3x128xi32, #tpu.memory_space<hbm>>
      %dma_wait3A_103 = arith.constant 0 : i32
      %dma_wait3A_104 = arith.constant 0 : i32
      %dma_wait3A_105 = tpu.memref_slice %arg8[%dma_wait3A_103, %dma_wait3A_104] : memref<60x128xi32, #tpu.memory_space<vmem>> -> memref<3x128xi32, #tpu.memory_space<vmem>>
      %dma_wait3A_106 = arith.constant 0 : i32
      %dma_wait3A_107 = arith.constant 0 : i32
      %dma_wait3A_108 = tpu.memref_slice %arg4[%add3A, %dma_wait3A_106, %dma_wait3A_107] : memref<32x3x128xi32, #tpu.memory_space<hbm>> -> memref<1x3x128xi32, #tpu.memory_space<hbm>>
      %dma_wait3A_109 = tpu.memref_squeeze %dma_wait3A_108 : memref<1x3x128xi32, #tpu.memory_space<hbm>> -> memref<3x128xi32, #tpu.memory_space<hbm>>
      tpu.wait_dma2 semaphore(%run_scoped3A : memref<!tpu.dma_semaphore, #tpu.memory_space<semaphore_mem>>) src(%dma_wait3A_109 : memref<3x128xi32, #tpu.memory_space<hbm>>) dst(%dma_wait3A_105 : memref<3x128xi32, #tpu.memory_space<vmem>>)
      tpu.yield
    }) : () -> ()
    %scan3A = arith.constant 0 : i32
    %scan3A_3 = arith.constant 0 : i32
    %mul3A_4 = arith.constant 3 : i32
    %mul3A_5 = arith.muli %scan3A_3, %mul3A_4 : i32
    %add3A_6 = arith.constant 0 : i32
    %add3A_7 = arith.addi %mul3A_5, %add3A_6 : i32
    %dma_start3A = arith.constant 0 : i32
    %dma_start3A_8 = arith.constant 0 : i32
    %dma_start3A_9 = tpu.memref_slice %arg9[%dma_start3A, %dma_start3A_8] : memref<384x128xf32, #tpu.memory_space<vmem>> -> memref<128x128xf32, #tpu.memory_space<vmem>>
    %dma_start3A_10 = arith.constant 0 : i32
    %dma_start3A_11 = tpu.memref_slice %arg8[%add3A_7, %dma_start3A_10] : memref<60x128xi32, #tpu.memory_space<vmem>> -> memref<1x128xi32, #tpu.memory_space<vmem>>
    %dma_start3A_12 = tpu.memref_squeeze %dma_start3A_11 : memref<1x128xi32, #tpu.memory_space<vmem>> -> memref<128xi32, #tpu.memory_space<vmem>>
    %dma_start3A_13 = arith.constant 0 : i32
    %dma_start3A_14 = arith.constant 0 : i32
    %dma_start3A_15 = tpu.memref_slice %arg2[%dma_start3A_13, %dma_start3A_14] : memref<50000x128xf32, #tpu.memory_space<hbm>> -> memref<50000x128xf32, #tpu.memory_space<hbm>>
    tpu.enqueue_indirect_dma source(%dma_start3A_15 : memref<50000x128xf32, #tpu.memory_space<hbm>>) target(%dma_start3A_9 : memref<128x128xf32, #tpu.memory_space<vmem>>) offsets(%dma_start3A_12 : memref<128xi32, #tpu.memory_space<vmem>>) semaphore(%arg11 : memref<!tpu.dma_semaphore, #tpu.memory_space<semaphore_mem>>)
    %mul3A_16 = arith.constant 3 : i32
    %mul3A_17 = arith.muli %scan3A_3, %mul3A_16 : i32
    %add3A_18 = arith.constant 1 : i32
    %add3A_19 = arith.addi %mul3A_17, %add3A_18 : i32
    %dma_start3A_20 = arith.constant 128 : i32
    %dma_start3A_21 = arith.constant 0 : i32
    %dma_start3A_22 = tpu.memref_slice %arg9[%dma_start3A_20, %dma_start3A_21] : memref<384x128xf32, #tpu.memory_space<vmem>> -> memref<128x128xf32, #tpu.memory_space<vmem>>
    %dma_start3A_23 = arith.constant 0 : i32
    %dma_start3A_24 = tpu.memref_slice %arg8[%add3A_19, %dma_start3A_23] : memref<60x128xi32, #tpu.memory_space<vmem>> -> memref<1x128xi32, #tpu.memory_space<vmem>>
    %dma_start3A_25 = tpu.memref_squeeze %dma_start3A_24 : memref<1x128xi32, #tpu.memory_space<vmem>> -> memref<128xi32, #tpu.memory_space<vmem>>
    %dma_start3A_26 = arith.constant 0 : i32
    %dma_start3A_27 = arith.constant 0 : i32
    %dma_start3A_28 = tpu.memref_slice %arg2[%dma_start3A_26, %dma_start3A_27] : memref<50000x128xf32, #tpu.memory_space<hbm>> -> memref<50000x128xf32, #tpu.memory_space<hbm>>
    tpu.enqueue_indirect_dma source(%dma_start3A_28 : memref<50000x128xf32, #tpu.memory_space<hbm>>) target(%dma_start3A_22 : memref<128x128xf32, #tpu.memory_space<vmem>>) offsets(%dma_start3A_25 : memref<128xi32, #tpu.memory_space<vmem>>) semaphore(%arg12 : memref<!tpu.dma_semaphore, #tpu.memory_space<semaphore_mem>>)
    %mul3A_29 = arith.constant 3 : i32
    %mul3A_30 = arith.muli %scan3A_3, %mul3A_29 : i32
    %add3A_31 = arith.constant 2 : i32
    %add3A_32 = arith.addi %mul3A_30, %add3A_31 : i32
    %dma_start3A_33 = arith.constant 256 : i32
    %dma_start3A_34 = arith.constant 0 : i32
    %dma_start3A_35 = tpu.memref_slice %arg9[%dma_start3A_33, %dma_start3A_34] : memref<384x128xf32, #tpu.memory_space<vmem>> -> memref<128x128xf32, #tpu.memory_space<vmem>>
    %dma_start3A_36 = arith.constant 0 : i32
    %dma_start3A_37 = tpu.memref_slice %arg8[%add3A_32, %dma_start3A_36] : memref<60x128xi32, #tpu.memory_space<vmem>> -> memref<1x128xi32, #tpu.memory_space<vmem>>
    %dma_start3A_38 = tpu.memref_squeeze %dma_start3A_37 : memref<1x128xi32, #tpu.memory_space<vmem>> -> memref<128xi32, #tpu.memory_space<vmem>>
    %dma_start3A_39 = arith.constant 0 : i32
    %dma_start3A_40 = arith.constant 0 : i32
    %dma_start3A_41 = tpu.memref_slice %arg2[%dma_start3A_39, %dma_start3A_40] : memref<50000x128xf32, #tpu.memory_space<hbm>> -> memref<50000x128xf32, #tpu.memory_space<hbm>>
    tpu.enqueue_indirect_dma source(%dma_start3A_41 : memref<50000x128xf32, #tpu.memory_space<hbm>>) target(%dma_start3A_35 : memref<128x128xf32, #tpu.memory_space<vmem>>) offsets(%dma_start3A_38 : memref<128xi32, #tpu.memory_space<vmem>>) semaphore(%arg13 : memref<!tpu.dma_semaphore, #tpu.memory_space<semaphore_mem>>)
    %dma_wait3A = arith.constant 0 : i32
    %dma_wait3A_42 = arith.constant 0 : i32
    %dma_wait3A_43 = tpu.memref_slice %arg9[%dma_wait3A, %dma_wait3A_42] : memref<384x128xf32, #tpu.memory_space<vmem>> -> memref<128x128xf32, #tpu.memory_space<vmem>>
    %dma_wait3A_44 = arith.constant 0 : i32
    %dma_wait3A_45 = tpu.memref_slice %arg8[%add3A_7, %dma_wait3A_44] : memref<60x128xi32, #tpu.memory_space<vmem>> -> memref<1x128xi32, #tpu.memory_space<vmem>>
    %dma_wait3A_46 = tpu.memref_squeeze %dma_wait3A_45 : memref<1x128xi32, #tpu.memory_space<vmem>> -> memref<128xi32, #tpu.memory_space<vmem>>
    %dma_wait3A_47 = arith.constant 0 : i32
    %dma_wait3A_48 = arith.constant 0 : i32
    %dma_wait3A_49 = tpu.memref_slice %arg2[%dma_wait3A_47, %dma_wait3A_48] : memref<50000x128xf32, #tpu.memory_space<hbm>> -> memref<50000x128xf32, #tpu.memory_space<hbm>>
    tpu.wait_indirect_dma semaphore(%arg11 : memref<!tpu.dma_semaphore, #tpu.memory_space<semaphore_mem>>) src(%dma_wait3A_49 : memref<50000x128xf32, #tpu.memory_space<hbm>>) dst(%dma_wait3A_43 : memref<128x128xf32, #tpu.memory_space<vmem>>)
    %dma_wait3A_50 = arith.constant 128 : i32
    %dma_wait3A_51 = arith.constant 0 : i32
    %dma_wait3A_52 = tpu.memref_slice %arg9[%dma_wait3A_50, %dma_wait3A_51] : memref<384x128xf32, #tpu.memory_space<vmem>> -> memref<128x128xf32, #tpu.memory_space<vmem>>
    %dma_wait3A_53 = arith.constant 0 : i32
    %dma_wait3A_54 = tpu.memref_slice %arg8[%add3A_19, %dma_wait3A_53] : memref<60x128xi32, #tpu.memory_space<vmem>> -> memref<1x128xi32, #tpu.memory_space<vmem>>
    %dma_wait3A_55 = tpu.memref_squeeze %dma_wait3A_54 : memref<1x128xi32, #tpu.memory_space<vmem>> -> memref<128xi32, #tpu.memory_space<vmem>>
    %dma_wait3A_56 = arith.constant 0 : i32
    %dma_wait3A_57 = arith.constant 0 : i32
    %dma_wait3A_58 = tpu.memref_slice %arg2[%dma_wait3A_56, %dma_wait3A_57] : memref<50000x128xf32, #tpu.memory_space<hbm>> -> memref<50000x128xf32, #tpu.memory_space<hbm>>
    tpu.wait_indirect_dma semaphore(%arg12 : memref<!tpu.dma_semaphore, #tpu.memory_space<semaphore_mem>>) src(%dma_wait3A_58 : memref<50000x128xf32, #tpu.memory_space<hbm>>) dst(%dma_wait3A_52 : memref<128x128xf32, #tpu.memory_space<vmem>>)
    %dma_wait3A_59 = arith.constant 256 : i32
    %dma_wait3A_60 = arith.constant 0 : i32
    %dma_wait3A_61 = tpu.memref_slice %arg9[%dma_wait3A_59, %dma_wait3A_60] : memref<384x128xf32, #tpu.memory_space<vmem>> -> memref<128x128xf32, #tpu.memory_space<vmem>>
    %dma_wait3A_62 = arith.constant 0 : i32
    %dma_wait3A_63 = tpu.memref_slice %arg8[%add3A_32, %dma_wait3A_62] : memref<60x128xi32, #tpu.memory_space<vmem>> -> memref<1x128xi32, #tpu.memory_space<vmem>>
    %dma_wait3A_64 = tpu.memref_squeeze %dma_wait3A_63 : memref<1x128xi32, #tpu.memory_space<vmem>> -> memref<128xi32, #tpu.memory_space<vmem>>
    %dma_wait3A_65 = arith.constant 0 : i32
    %dma_wait3A_66 = arith.constant 0 : i32
    %dma_wait3A_67 = tpu.memref_slice %arg2[%dma_wait3A_65, %dma_wait3A_66] : memref<50000x128xf32, #tpu.memory_space<hbm>> -> memref<50000x128xf32, #tpu.memory_space<hbm>>
    tpu.wait_indirect_dma semaphore(%arg13 : memref<!tpu.dma_semaphore, #tpu.memory_space<semaphore_mem>>) src(%dma_wait3A_67 : memref<50000x128xf32, #tpu.memory_space<hbm>>) dst(%dma_wait3A_61 : memref<128x128xf32, #tpu.memory_space<vmem>>)
    %mul3A_68 = arith.constant 3 : i32
    %mul3A_69 = arith.muli %scan3A_3, %mul3A_68 : i32
    %mul3A_70 = arith.constant 128 : i32
    %mul3A_71 = arith.muli %mul3A_69, %mul3A_70 : i32
    %add3A_72 = arith.addi %mul3A_2, %mul3A_71 : i32
    "tpu.region"() ({
      %run_scoped3A = tpu.sem_alloc : memref<!tpu.dma_semaphore, #tpu.memory_space<semaphore_mem>>
      %dma_start3A_82 = arith.constant 0 : i32
      %dma_start3A_83 = arith.constant 0 : i32
      %dma_start3A_84 = tpu.memref_slice %arg9[%dma_start3A_82, %dma_start3A_83] : memref<384x128xf32, #tpu.memory_space<vmem>> -> memref<384x128xf32, #tpu.memory_space<vmem>>
      %dma_start3A_85 = arith.constant 0 : i32
      %dma_start3A_86 = tpu.memref_slice %arg6[%add3A_72, %dma_start3A_85] : memref<12288x128xf32, #tpu.memory_space<hbm>> -> memref<384x128xf32, #tpu.memory_space<hbm>>
      %dma_start3A_87 = arith.constant 0 : i32
      %dma_start3A_88 = tpu.memref_slice %arg6[%add3A_72, %dma_start3A_87] : memref<12288x128xf32, #tpu.memory_space<hbm>> -> memref<384x128xf32, #tpu.memory_space<hbm>>
      %dma_start3A_89 = arith.constant 0 : i32
      %dma_start3A_90 = arith.constant 0 : i32
      %dma_start3A_91 = tpu.memref_slice %arg9[%dma_start3A_89, %dma_start3A_90] : memref<384x128xf32, #tpu.memory_space<vmem>> -> memref<384x128xf32, #tpu.memory_space<vmem>>
      tpu.enqueue_dma source(%dma_start3A_91 : memref<384x128xf32, #tpu.memory_space<vmem>>) target(%dma_start3A_88 : memref<384x128xf32, #tpu.memory_space<hbm>>) target_semaphore(%run_scoped3A : memref<!tpu.dma_semaphore, #tpu.memory_space<semaphore_mem>>)
      %dma_wait3A_92 = arith.constant 0 : i32
      %dma_wait3A_93 = arith.constant 0 : i32
      %dma_wait3A_94 = tpu.memref_slice %arg9[%dma_wait3A_92, %dma_wait3A_93] : memref<384x128xf32, #tpu.memory_space<vmem>> -> memref<384x128xf32, #tpu.memory_space<vmem>>
      %dma_wait3A_95 = arith.constant 0 : i32
      %dma_wait3A_96 = tpu.memref_slice %arg6[%add3A_72, %dma_wait3A_95] : memref<12288x128xf32, #tpu.memory_space<hbm>> -> memref<384x128xf32, #tpu.memory_space<hbm>>
      %dma_wait3A_97 = arith.constant 0 : i32
      %dma_wait3A_98 = tpu.memref_slice %arg6[%add3A_72, %dma_wait3A_97] : memref<12288x128xf32, #tpu.memory_space<hbm>> -> memref<384x128xf32, #tpu.memory_space<hbm>>
      %dma_wait3A_99 = arith.constant 0 : i32
      %dma_wait3A_100 = arith.constant 0 : i32
      %dma_wait3A_101 = tpu.memref_slice %arg9[%dma_wait3A_99, %dma_wait3A_100] : memref<384x128xf32, #tpu.memory_space<vmem>> -> memref<384x128xf32, #tpu.memory_space<vmem>>
      tpu.wait_dma2 semaphore(%run_scoped3A : memref<!tpu.dma_semaphore, #tpu.memory_space<semaphore_mem>>) src(%dma_wait3A_101 : memref<384x128xf32, #tpu.memory_space<vmem>>) dst(%dma_wait3A_98 : memref<384x128xf32, #tpu.memory_space<hbm>>)
      tpu.yield
    }) : () -> ()
    %scan3A_73 = arith.constant 1 : i32
    %mul3A_74 = arith.constant 7680 : i32
    %mul3A_75 = arith.muli %add3A, %mul3A_74 : i32
    "tpu.region"() ({
      %run_scoped3A = tpu.sem_alloc : memref<!tpu.dma_semaphore, #tpu.memory_space<semaphore_mem>>
      %dma_start3A_82 = arith.constant 0 : i32
      %dma_start3A_83 = arith.constant 0 : i32
      %dma_start3A_84 = tpu.memref_slice %arg8[%dma_start3A_82, %dma_start3A_83] : memref<60x128xi32, #tpu.memory_space<vmem>> -> memref<60x128xi32, #tpu.memory_space<vmem>>
      %dma_start3A_85 = arith.constant 0 : i32
      %dma_start3A_86 = arith.constant 0 : i32
      %dma_start3A_87 = tpu.memref_slice %arg5[%add3A, %dma_start3A_85, %dma_start3A_86] : memref<32x60x128xi32, #tpu.memory_space<hbm>> -> memref<1x60x128xi32, #tpu.memory_space<hbm>>
      %dma_start3A_88 = tpu.memref_squeeze %dma_start3A_87 : memref<1x60x128xi32, #tpu.memory_space<hbm>> -> memref<60x128xi32, #tpu.memory_space<hbm>>
      %dma_start3A_89 = arith.constant 0 : i32
      %dma_start3A_90 = arith.constant 0 : i32
      %dma_start3A_91 = tpu.memref_slice %arg8[%dma_start3A_89, %dma_start3A_90] : memref<60x128xi32, #tpu.memory_space<vmem>> -> memref<60x128xi32, #tpu.memory_space<vmem>>
      %dma_start3A_92 = arith.constant 0 : i32
      %dma_start3A_93 = arith.constant 0 : i32
      %dma_start3A_94 = tpu.memref_slice %arg5[%add3A, %dma_start3A_92, %dma_start3A_93] : memref<32x60x128xi32, #tpu.memory_space<hbm>> -> memref<1x60x128xi32, #tpu.memory_space<hbm>>
      %dma_start3A_95 = tpu.memref_squeeze %dma_start3A_94 : memref<1x60x128xi32, #tpu.memory_space<hbm>> -> memref<60x128xi32, #tpu.memory_space<hbm>>
      tpu.enqueue_dma source(%dma_start3A_95 : memref<60x128xi32, #tpu.memory_space<hbm>>) target(%dma_start3A_91 : memref<60x128xi32, #tpu.memory_space<vmem>>) target_semaphore(%run_scoped3A : memref<!tpu.dma_semaphore, #tpu.memory_space<semaphore_mem>>)
      %dma_wait3A_96 = arith.constant 0 : i32
      %dma_wait3A_97 = arith.constant 0 : i32
      %dma_wait3A_98 = tpu.memref_slice %arg8[%dma_wait3A_96, %dma_wait3A_97] : memref<60x128xi32, #tpu.memory_space<vmem>> -> memref<60x128xi32, #tpu.memory_space<vmem>>
      %dma_wait3A_99 = arith.constant 0 : i32
      %dma_wait3A_100 = arith.constant 0 : i32
      %dma_wait3A_101 = tpu.memref_slice %arg5[%add3A, %dma_wait3A_99, %dma_wait3A_100] : memref<32x60x128xi32, #tpu.memory_space<hbm>> -> memref<1x60x128xi32, #tpu.memory_space<hbm>>
      %dma_wait3A_102 = tpu.memref_squeeze %dma_wait3A_101 : memref<1x60x128xi32, #tpu.memory_space<hbm>> -> memref<60x128xi32, #tpu.memory_space<hbm>>
      %dma_wait3A_103 = arith.constant 0 : i32
      %dma_wait3A_104 = arith.constant 0 : i32
      %dma_wait3A_105 = tpu.memref_slice %arg8[%dma_wait3A_103, %dma_wait3A_104] : memref<60x128xi32, #tpu.memory_space<vmem>> -> memref<60x128xi32, #tpu.memory_space<vmem>>
      %dma_wait3A_106 = arith.constant 0 : i32
      %dma_wait3A_107 = arith.constant 0 : i32
      %dma_wait3A_108 = tpu.memref_slice %arg5[%add3A, %dma_wait3A_106, %dma_wait3A_107] : memref<32x60x128xi32, #tpu.memory_space<hbm>> -> memref<1x60x128xi32, #tpu.memory_space<hbm>>
      %dma_wait3A_109 = tpu.memref_squeeze %dma_wait3A_108 : memref<1x60x128xi32, #tpu.memory_space<hbm>> -> memref<60x128xi32, #tpu.memory_space<hbm>>
      tpu.wait_dma2 semaphore(%run_scoped3A : memref<!tpu.dma_semaphore, #tpu.memory_space<semaphore_mem>>) src(%dma_wait3A_109 : memref<60x128xi32, #tpu.memory_space<hbm>>) dst(%dma_wait3A_105 : memref<60x128xi32, #tpu.memory_space<vmem>>)
      tpu.yield
    }) : () -> ()
    %scan3A_76 = arith.constant 0 : i32
    %scan3A_77 = arith.constant 0 : i32
    %scan3A_78 = arith.constant 10 : i32
    %scan3A_79 = arith.addi %scan3A_77, %scan3A_78 : i32
    %scan3A_80 = arith.constant 1 : i32
    scf.for %scan3A_82 = %scan3A_77 to %scan3A_79 step %scan3A_80  : i32 {
      %mul3A_83 = arith.constant 6 : i32
      %mul3A_84 = arith.muli %scan3A_82, %mul3A_83 : i32
      %add3A_85 = arith.constant 0 : i32
      %add3A_86 = arith.addi %mul3A_84, %add3A_85 : i32
      %dma_start3A_87 = arith.constant 0 : i32
      %dma_start3A_88 = arith.constant 0 : i32
      %dma_start3A_89 = tpu.memref_slice %arg10[%dma_start3A_87, %dma_start3A_88] : memref<768x16xf32, #tpu.memory_space<vmem>> -> memref<128x16xf32, #tpu.memory_space<vmem>>
      %dma_start3A_90 = arith.constant 0 : i32
      %dma_start3A_91 = tpu.memref_slice %arg8[%add3A_86, %dma_start3A_90] : memref<60x128xi32, #tpu.memory_space<vmem>> -> memref<1x128xi32, #tpu.memory_space<vmem>>
      %dma_start3A_92 = tpu.memref_squeeze %dma_start3A_91 : memref<1x128xi32, #tpu.memory_space<vmem>> -> memref<128xi32, #tpu.memory_space<vmem>>
      %dma_start3A_93 = arith.constant 0 : i32
      %dma_start3A_94 = arith.constant 0 : i32
      %dma_start3A_95 = tpu.memref_slice %arg3[%dma_start3A_93, %dma_start3A_94] : memref<800000x16xf32, #tpu.memory_space<hbm>> -> memref<800000x16xf32, #tpu.memory_space<hbm>>
      tpu.enqueue_indirect_dma source(%dma_start3A_95 : memref<800000x16xf32, #tpu.memory_space<hbm>>) target(%dma_start3A_89 : memref<128x16xf32, #tpu.memory_space<vmem>>) offsets(%dma_start3A_92 : memref<128xi32, #tpu.memory_space<vmem>>) semaphore(%arg11 : memref<!tpu.dma_semaphore, #tpu.memory_space<semaphore_mem>>)
      %mul3A_96 = arith.constant 6 : i32
      %mul3A_97 = arith.muli %scan3A_82, %mul3A_96 : i32
      %add3A_98 = arith.constant 1 : i32
      %add3A_99 = arith.addi %mul3A_97, %add3A_98 : i32
      %dma_start3A_100 = arith.constant 128 : i32
      %dma_start3A_101 = arith.constant 0 : i32
      %dma_start3A_102 = tpu.memref_slice %arg10[%dma_start3A_100, %dma_start3A_101] : memref<768x16xf32, #tpu.memory_space<vmem>> -> memref<128x16xf32, #tpu.memory_space<vmem>>
      %dma_start3A_103 = arith.constant 0 : i32
      %dma_start3A_104 = tpu.memref_slice %arg8[%add3A_99, %dma_start3A_103] : memref<60x128xi32, #tpu.memory_space<vmem>> -> memref<1x128xi32, #tpu.memory_space<vmem>>
      %dma_start3A_105 = tpu.memref_squeeze %dma_start3A_104 : memref<1x128xi32, #tpu.memory_space<vmem>> -> memref<128xi32, #tpu.memory_space<vmem>>
      %dma_start3A_106 = arith.constant 0 : i32
      %dma_start3A_107 = arith.constant 0 : i32
      %dma_start3A_108 = tpu.memref_slice %arg3[%dma_start3A_106, %dma_start3A_107] : memref<800000x16xf32, #tpu.memory_space<hbm>> -> memref<800000x16xf32, #tpu.memory_space<hbm>>
      tpu.enqueue_indirect_dma source(%dma_start3A_108 : memref<800000x16xf32, #tpu.memory_space<hbm>>) target(%dma_start3A_102 : memref<128x16xf32, #tpu.memory_space<vmem>>) offsets(%dma_start3A_105 : memref<128xi32, #tpu.memory_space<vmem>>) semaphore(%arg12 : memref<!tpu.dma_semaphore, #tpu.memory_space<semaphore_mem>>)
      %mul3A_109 = arith.constant 6 : i32
      %mul3A_110 = arith.muli %scan3A_82, %mul3A_109 : i32
      %add3A_111 = arith.constant 2 : i32
      %add3A_112 = arith.addi %mul3A_110, %add3A_111 : i32
      %dma_start3A_113 = arith.constant 256 : i32
      %dma_start3A_114 = arith.constant 0 : i32
      %dma_start3A_115 = tpu.memref_slice %arg10[%dma_start3A_113, %dma_start3A_114] : memref<768x16xf32, #tpu.memory_space<vmem>> -> memref<128x16xf32, #tpu.memory_space<vmem>>
      %dma_start3A_116 = arith.constant 0 : i32
      %dma_start3A_117 = tpu.memref_slice %arg8[%add3A_112, %dma_start3A_116] : memref<60x128xi32, #tpu.memory_space<vmem>> -> memref<1x128xi32, #tpu.memory_space<vmem>>
      %dma_start3A_118 = tpu.memref_squeeze %dma_start3A_117 : memref<1x128xi32, #tpu.memory_space<vmem>> -> memref<128xi32, #tpu.memory_space<vmem>>
      %dma_start3A_119 = arith.constant 0 : i32
      %dma_start3A_120 = arith.constant 0 : i32
      %dma_start3A_121 = tpu.memref_slice %arg3[%dma_start3A_119, %dma_start3A_120] : memref<800000x16xf32, #tpu.memory_space<hbm>> -> memref<800000x16xf32, #tpu.memory_space<hbm>>
      tpu.enqueue_indirect_dma source(%dma_start3A_121 : memref<800000x16xf32, #tpu.memory_space<hbm>>) target(%dma_start3A_115 : memref<128x16xf32, #tpu.memory_space<vmem>>) offsets(%dma_start3A_118 : memref<128xi32, #tpu.memory_space<vmem>>) semaphore(%arg13 : memref<!tpu.dma_semaphore, #tpu.memory_space<semaphore_mem>>)
      %mul3A_122 = arith.constant 6 : i32
      %mul3A_123 = arith.muli %scan3A_82, %mul3A_122 : i32
      %add3A_124 = arith.constant 3 : i32
      %add3A_125 = arith.addi %mul3A_123, %add3A_124 : i32
      %dma_start3A_126 = arith.constant 384 : i32
      %dma_start3A_127 = arith.constant 0 : i32
      %dma_start3A_128 = tpu.memref_slice %arg10[%dma_start3A_126, %dma_start3A_127] : memref<768x16xf32, #tpu.memory_space<vmem>> -> memref<128x16xf32, #tpu.memory_space<vmem>>
      %dma_start3A_129 = arith.constant 0 : i32
      %dma_start3A_130 = tpu.memref_slice %arg8[%add3A_125, %dma_start3A_129] : memref<60x128xi32, #tpu.memory_space<vmem>> -> memref<1x128xi32, #tpu.memory_space<vmem>>
      %dma_start3A_131 = tpu.memref_squeeze %dma_start3A_130 : memref<1x128xi32, #tpu.memory_space<vmem>> -> memref<128xi32, #tpu.memory_space<vmem>>
      %dma_start3A_132 = arith.constant 0 : i32
      %dma_start3A_133 = arith.constant 0 : i32
      %dma_start3A_134 = tpu.memref_slice %arg3[%dma_start3A_132, %dma_start3A_133] : memref<800000x16xf32, #tpu.memory_space<hbm>> -> memref<800000x16xf32, #tpu.memory_space<hbm>>
      tpu.enqueue_indirect_dma source(%dma_start3A_134 : memref<800000x16xf32, #tpu.memory_space<hbm>>) target(%dma_start3A_128 : memref<128x16xf32, #tpu.memory_space<vmem>>) offsets(%dma_start3A_131 : memref<128xi32, #tpu.memory_space<vmem>>) semaphore(%arg14 : memref<!tpu.dma_semaphore, #tpu.memory_space<semaphore_mem>>)
      %mul3A_135 = arith.constant 6 : i32
      %mul3A_136 = arith.muli %scan3A_82, %mul3A_135 : i32
      %add3A_137 = arith.constant 4 : i32
      %add3A_138 = arith.addi %mul3A_136, %add3A_137 : i32
      %dma_start3A_139 = arith.constant 512 : i32
      %dma_start3A_140 = arith.constant 0 : i32
      %dma_start3A_141 = tpu.memref_slice %arg10[%dma_start3A_139, %dma_start3A_140] : memref<768x16xf32, #tpu.memory_space<vmem>> -> memref<128x16xf32, #tpu.memory_space<vmem>>
      %dma_start3A_142 = arith.constant 0 : i32
      %dma_start3A_143 = tpu.memref_slice %arg8[%add3A_138, %dma_start3A_142] : memref<60x128xi32, #tpu.memory_space<vmem>> -> memref<1x128xi32, #tpu.memory_space<vmem>>
      %dma_start3A_144 = tpu.memref_squeeze %dma_start3A_143 : memref<1x128xi32, #tpu.memory_space<vmem>> -> memref<128xi32, #tpu.memory_space<vmem>>
      %dma_start3A_145 = arith.constant 0 : i32
      %dma_start3A_146 = arith.constant 0 : i32
      %dma_start3A_147 = tpu.memref_slice %arg3[%dma_start3A_145, %dma_start3A_146] : memref<800000x16xf32, #tpu.memory_space<hbm>> -> memref<800000x16xf32, #tpu.memory_space<hbm>>
      tpu.enqueue_indirect_dma source(%dma_start3A_147 : memref<800000x16xf32, #tpu.memory_space<hbm>>) target(%dma_start3A_141 : memref<128x16xf32, #tpu.memory_space<vmem>>) offsets(%dma_start3A_144 : memref<128xi32, #tpu.memory_space<vmem>>) semaphore(%arg15 : memref<!tpu.dma_semaphore, #tpu.memory_space<semaphore_mem>>)
      %mul3A_148 = arith.constant 6 : i32
      %mul3A_149 = arith.muli %scan3A_82, %mul3A_148 : i32
      %add3A_150 = arith.constant 5 : i32
      %add3A_151 = arith.addi %mul3A_149, %add3A_150 : i32
      %dma_start3A_152 = arith.constant 640 : i32
      %dma_start3A_153 = arith.constant 0 : i32
      %dma_start3A_154 = tpu.memref_slice %arg10[%dma_start3A_152, %dma_start3A_153] : memref<768x16xf32, #tpu.memory_space<vmem>> -> memref<128x16xf32, #tpu.memory_space<vmem>>
      %dma_start3A_155 = arith.constant 0 : i32
      %dma_start3A_156 = tpu.memref_slice %arg8[%add3A_151, %dma_start3A_155] : memref<60x128xi32, #tpu.memory_space<vmem>> -> memref<1x128xi32, #tpu.memory_space<vmem>>
      %dma_start3A_157 = tpu.memref_squeeze %dma_start3A_156 : memref<1x128xi32, #tpu.memory_space<vmem>> -> memref<128xi32, #tpu.memory_space<vmem>>
      %dma_start3A_158 = arith.constant 0 : i32
      %dma_start3A_159 = arith.constant 0 : i32
      %dma_start3A_160 = tpu.memref_slice %arg3[%dma_start3A_158, %dma_start3A_159] : memref<800000x16xf32, #tpu.memory_space<hbm>> -> memref<800000x16xf32, #tpu.memory_space<hbm>>
      tpu.enqueue_indirect_dma source(%dma_start3A_160 : memref<800000x16xf32, #tpu.memory_space<hbm>>) target(%dma_start3A_154 : memref<128x16xf32, #tpu.memory_space<vmem>>) offsets(%dma_start3A_157 : memref<128xi32, #tpu.memory_space<vmem>>) semaphore(%arg16 : memref<!tpu.dma_semaphore, #tpu.memory_space<semaphore_mem>>)
      %dma_wait3A_161 = arith.constant 0 : i32
      %dma_wait3A_162 = arith.constant 0 : i32
      %dma_wait3A_163 = tpu.memref_slice %arg10[%dma_wait3A_161, %dma_wait3A_162] : memref<768x16xf32, #tpu.memory_space<vmem>> -> memref<128x16xf32, #tpu.memory_space<vmem>>
      %dma_wait3A_164 = arith.constant 0 : i32
      %dma_wait3A_165 = tpu.memref_slice %arg8[%add3A_86, %dma_wait3A_164] : memref<60x128xi32, #tpu.memory_space<vmem>> -> memref<1x128xi32, #tpu.memory_space<vmem>>
      %dma_wait3A_166 = tpu.memref_squeeze %dma_wait3A_165 : memref<1x128xi32, #tpu.memory_space<vmem>> -> memref<128xi32, #tpu.memory_space<vmem>>
      %dma_wait3A_167 = arith.constant 0 : i32
      %dma_wait3A_168 = arith.constant 0 : i32
      %dma_wait3A_169 = tpu.memref_slice %arg3[%dma_wait3A_167, %dma_wait3A_168] : memref<800000x16xf32, #tpu.memory_space<hbm>> -> memref<800000x16xf32, #tpu.memory_space<hbm>>
      tpu.wait_indirect_dma semaphore(%arg11 : memref<!tpu.dma_semaphore, #tpu.memory_space<semaphore_mem>>) src(%dma_wait3A_169 : memref<800000x16xf32, #tpu.memory_space<hbm>>) dst(%dma_wait3A_163 : memref<128x16xf32, #tpu.memory_space<vmem>>)
      %dma_wait3A_170 = arith.constant 128 : i32
      %dma_wait3A_171 = arith.constant 0 : i32
      %dma_wait3A_172 = tpu.memref_slice %arg10[%dma_wait3A_170, %dma_wait3A_171] : memref<768x16xf32, #tpu.memory_space<vmem>> -> memref<128x16xf32, #tpu.memory_space<vmem>>
      %dma_wait3A_173 = arith.constant 0 : i32
      %dma_wait3A_174 = tpu.memref_slice %arg8[%add3A_99, %dma_wait3A_173] : memref<60x128xi32, #tpu.memory_space<vmem>> -> memref<1x128xi32, #tpu.memory_space<vmem>>
      %dma_wait3A_175 = tpu.memref_squeeze %dma_wait3A_174 : memref<1x128xi32, #tpu.memory_space<vmem>> -> memref<128xi32, #tpu.memory_space<vmem>>
      %dma_wait3A_176 = arith.constant 0 : i32
      %dma_wait3A_177 = arith.constant 0 : i32
      %dma_wait3A_178 = tpu.memref_slice %arg3[%dma_wait3A_176, %dma_wait3A_177] : memref<800000x16xf32, #tpu.memory_space<hbm>> -> memref<800000x16xf32, #tpu.memory_space<hbm>>
      tpu.wait_indirect_dma semaphore(%arg12 : memref<!tpu.dma_semaphore, #tpu.memory_space<semaphore_mem>>) src(%dma_wait3A_178 : memref<800000x16xf32, #tpu.memory_space<hbm>>) dst(%dma_wait3A_172 : memref<128x16xf32, #tpu.memory_space<vmem>>)
      %dma_wait3A_179 = arith.constant 256 : i32
      %dma_wait3A_180 = arith.constant 0 : i32
      %dma_wait3A_181 = tpu.memref_slice %arg10[%dma_wait3A_179, %dma_wait3A_180] : memref<768x16xf32, #tpu.memory_space<vmem>> -> memref<128x16xf32, #tpu.memory_space<vmem>>
      %dma_wait3A_182 = arith.constant 0 : i32
      %dma_wait3A_183 = tpu.memref_slice %arg8[%add3A_112, %dma_wait3A_182] : memref<60x128xi32, #tpu.memory_space<vmem>> -> memref<1x128xi32, #tpu.memory_space<vmem>>
      %dma_wait3A_184 = tpu.memref_squeeze %dma_wait3A_183 : memref<1x128xi32, #tpu.memory_space<vmem>> -> memref<128xi32, #tpu.memory_space<vmem>>
      %dma_wait3A_185 = arith.constant 0 : i32
      %dma_wait3A_186 = arith.constant 0 : i32
      %dma_wait3A_187 = tpu.memref_slice %arg3[%dma_wait3A_185, %dma_wait3A_186] : memref<800000x16xf32, #tpu.memory_space<hbm>> -> memref<800000x16xf32, #tpu.memory_space<hbm>>
      tpu.wait_indirect_dma semaphore(%arg13 : memref<!tpu.dma_semaphore, #tpu.memory_space<semaphore_mem>>) src(%dma_wait3A_187 : memref<800000x16xf32, #tpu.memory_space<hbm>>) dst(%dma_wait3A_181 : memref<128x16xf32, #tpu.memory_space<vmem>>)
      %dma_wait3A_188 = arith.constant 384 : i32
      %dma_wait3A_189 = arith.constant 0 : i32
      %dma_wait3A_190 = tpu.memref_slice %arg10[%dma_wait3A_188, %dma_wait3A_189] : memref<768x16xf32, #tpu.memory_space<vmem>> -> memref<128x16xf32, #tpu.memory_space<vmem>>
      %dma_wait3A_191 = arith.constant 0 : i32
      %dma_wait3A_192 = tpu.memref_slice %arg8[%add3A_125, %dma_wait3A_191] : memref<60x128xi32, #tpu.memory_space<vmem>> -> memref<1x128xi32, #tpu.memory_space<vmem>>
      %dma_wait3A_193 = tpu.memref_squeeze %dma_wait3A_192 : memref<1x128xi32, #tpu.memory_space<vmem>> -> memref<128xi32, #tpu.memory_space<vmem>>
      %dma_wait3A_194 = arith.constant 0 : i32
      %dma_wait3A_195 = arith.constant 0 : i32
      %dma_wait3A_196 = tpu.memref_slice %arg3[%dma_wait3A_194, %dma_wait3A_195] : memref<800000x16xf32, #tpu.memory_space<hbm>> -> memref<800000x16xf32, #tpu.memory_space<hbm>>
      tpu.wait_indirect_dma semaphore(%arg14 : memref<!tpu.dma_semaphore, #tpu.memory_space<semaphore_mem>>) src(%dma_wait3A_196 : memref<800000x16xf32, #tpu.memory_space<hbm>>) dst(%dma_wait3A_190 : memref<128x16xf32, #tpu.memory_space<vmem>>)
      %dma_wait3A_197 = arith.constant 512 : i32
      %dma_wait3A_198 = arith.constant 0 : i32
      %dma_wait3A_199 = tpu.memref_slice %arg10[%dma_wait3A_197, %dma_wait3A_198] : memref<768x16xf32, #tpu.memory_space<vmem>> -> memref<128x16xf32, #tpu.memory_space<vmem>>
      %dma_wait3A_200 = arith.constant 0 : i32
      %dma_wait3A_201 = tpu.memref_slice %arg8[%add3A_138, %dma_wait3A_200] : memref<60x128xi32, #tpu.memory_space<vmem>> -> memref<1x128xi32, #tpu.memory_space<vmem>>
      %dma_wait3A_202 = tpu.memref_squeeze %dma_wait3A_201 : memref<1x128xi32, #tpu.memory_space<vmem>> -> memref<128xi32, #tpu.memory_space<vmem>>
      %dma_wait3A_203 = arith.constant 0 : i32
      %dma_wait3A_204 = arith.constant 0 : i32
      %dma_wait3A_205 = tpu.memref_slice %arg3[%dma_wait3A_203, %dma_wait3A_204] : memref<800000x16xf32, #tpu.memory_space<hbm>> -> memref<800000x16xf32, #tpu.memory_space<hbm>>
      tpu.wait_indirect_dma semaphore(%arg15 : memref<!tpu.dma_semaphore, #tpu.memory_space<semaphore_mem>>) src(%dma_wait3A_205 : memref<800000x16xf32, #tpu.memory_space<hbm>>) dst(%dma_wait3A_199 : memref<128x16xf32, #tpu.memory_space<vmem>>)
      %dma_wait3A_206 = arith.constant 640 : i32
      %dma_wait3A_207 = arith.constant 0 : i32
      %dma_wait3A_208 = tpu.memref_slice %arg10[%dma_wait3A_206, %dma_wait3A_207] : memref<768x16xf32, #tpu.memory_space<vmem>> -> memref<128x16xf32, #tpu.memory_space<vmem>>
      %dma_wait3A_209 = arith.constant 0 : i32
      %dma_wait3A_210 = tpu.memref_slice %arg8[%add3A_151, %dma_wait3A_209] : memref<60x128xi32, #tpu.memory_space<vmem>> -> memref<1x128xi32, #tpu.memory_space<vmem>>
      %dma_wait3A_211 = tpu.memref_squeeze %dma_wait3A_210 : memref<1x128xi32, #tpu.memory_space<vmem>> -> memref<128xi32, #tpu.memory_space<vmem>>
      %dma_wait3A_212 = arith.constant 0 : i32
      %dma_wait3A_213 = arith.constant 0 : i32
      %dma_wait3A_214 = tpu.memref_slice %arg3[%dma_wait3A_212, %dma_wait3A_213] : memref<800000x16xf32, #tpu.memory_space<hbm>> -> memref<800000x16xf32, #tpu.memory_space<hbm>>
      tpu.wait_indirect_dma semaphore(%arg16 : memref<!tpu.dma_semaphore, #tpu.memory_space<semaphore_mem>>) src(%dma_wait3A_214 : memref<800000x16xf32, #tpu.memory_space<hbm>>) dst(%dma_wait3A_208 : memref<128x16xf32, #tpu.memory_space<vmem>>)
      %mul3A_215 = arith.constant 6 : i32
      %mul3A_216 = arith.muli %scan3A_82, %mul3A_215 : i32
      %mul3A_217 = arith.constant 128 : i32
      %mul3A_218 = arith.muli %mul3A_216, %mul3A_217 : i32
      %add3A_219 = arith.addi %mul3A_75, %mul3A_218 : i32
      "tpu.region"() ({
        %run_scoped3A = tpu.sem_alloc : memref<!tpu.dma_semaphore, #tpu.memory_space<semaphore_mem>>
        %dma_start3A_220 = arith.constant 0 : i32
        %dma_start3A_221 = arith.constant 0 : i32
        %dma_start3A_222 = tpu.memref_slice %arg10[%dma_start3A_220, %dma_start3A_221] : memref<768x16xf32, #tpu.memory_space<vmem>> -> memref<768x16xf32, #tpu.memory_space<vmem>>
        %dma_start3A_223 = arith.constant 0 : i32
        %dma_start3A_224 = tpu.memref_slice %arg7[%add3A_219, %dma_start3A_223] : memref<245760x16xf32, #tpu.memory_space<hbm>> -> memref<768x16xf32, #tpu.memory_space<hbm>>
        %dma_start3A_225 = arith.constant 0 : i32
        %dma_start3A_226 = tpu.memref_slice %arg7[%add3A_219, %dma_start3A_225] : memref<245760x16xf32, #tpu.memory_space<hbm>> -> memref<768x16xf32, #tpu.memory_space<hbm>>
        %dma_start3A_227 = arith.constant 0 : i32
        %dma_start3A_228 = arith.constant 0 : i32
        %dma_start3A_229 = tpu.memref_slice %arg10[%dma_start3A_227, %dma_start3A_228] : memref<768x16xf32, #tpu.memory_space<vmem>> -> memref<768x16xf32, #tpu.memory_space<vmem>>
        tpu.enqueue_dma source(%dma_start3A_229 : memref<768x16xf32, #tpu.memory_space<vmem>>) target(%dma_start3A_226 : memref<768x16xf32, #tpu.memory_space<hbm>>) target_semaphore(%run_scoped3A : memref<!tpu.dma_semaphore, #tpu.memory_space<semaphore_mem>>)
        %dma_wait3A_230 = arith.constant 0 : i32
        %dma_wait3A_231 = arith.constant 0 : i32
        %dma_wait3A_232 = tpu.memref_slice %arg10[%dma_wait3A_230, %dma_wait3A_231] : memref<768x16xf32, #tpu.memory_space<vmem>> -> memref<768x16xf32, #tpu.memory_space<vmem>>
        %dma_wait3A_233 = arith.constant 0 : i32
        %dma_wait3A_234 = tpu.memref_slice %arg7[%add3A_219, %dma_wait3A_233] : memref<245760x16xf32, #tpu.memory_space<hbm>> -> memref<768x16xf32, #tpu.memory_space<hbm>>
        %dma_wait3A_235 = arith.constant 0 : i32
        %dma_wait3A_236 = tpu.memref_slice %arg7[%add3A_219, %dma_wait3A_235] : memref<245760x16xf32, #tpu.memory_space<hbm>> -> memref<768x16xf32, #tpu.memory_space<hbm>>
        %dma_wait3A_237 = arith.constant 0 : i32
        %dma_wait3A_238 = arith.constant 0 : i32
        %dma_wait3A_239 = tpu.memref_slice %arg10[%dma_wait3A_237, %dma_wait3A_238] : memref<768x16xf32, #tpu.memory_space<vmem>> -> memref<768x16xf32, #tpu.memory_space<vmem>>
        tpu.wait_dma2 semaphore(%run_scoped3A : memref<!tpu.dma_semaphore, #tpu.memory_space<semaphore_mem>>) src(%dma_wait3A_239 : memref<768x16xf32, #tpu.memory_space<vmem>>) dst(%dma_wait3A_236 : memref<768x16xf32, #tpu.memory_space<hbm>>)
        tpu.yield
      }) : () -> ()
    }
    %scan3A_81 = arith.constant 10 : i32
    return
  }
}

module attributes {stable_mosaic.version = 14 : i64} {
  func.func @body(%arg0: i32, %arg1: memref<512x128xf32, #tpu.memory_space<vmem>>, %arg2: memref<512x128xf32, #tpu.memory_space<vmem>>, %arg3: memref<512x128xf32, #tpu.memory_space<vmem>>) attributes {dimension_semantics = [#tpu.dimension_semantics<arbitrary>], iteration_bounds = array<i64: 98>, scalar_prefetch = 0 : i64, scratch_operands = 0 : i64, tpu.core_type = #tpu.core_type<tc>, window_params = [{transform_indices = @transform_0, window_bounds = array<i64: 512, 128>}, {transform_indices = @transform_1, window_bounds = array<i64: 512, 128>}, {transform_indices = @transform_2, window_bounds = array<i64: 512, 128>}]} {
    %get3A = arith.constant 0 : index
    %get3A_0 = arith.constant 0 : index
    %get3A_1 = vector.load %arg1[%get3A, %get3A_0] : memref<512x128xf32, #tpu.memory_space<vmem>>, vector<512x128xf32>
    %get3A_2 = arith.constant 0 : index
    %get3A_3 = arith.constant 0 : index
    %get3A_4 = vector.load %arg2[%get3A_2, %get3A_3] : memref<512x128xf32, #tpu.memory_space<vmem>>, vector<512x128xf32>
    %add3A = arith.addf %get3A_1, %get3A_4 : vector<512x128xf32>
    %swap3A = arith.constant 0 : index
    %swap3A_5 = arith.constant 0 : index
    %swap3A_6 = vector.load %arg3[%swap3A, %swap3A_5] : memref<512x128xf32, #tpu.memory_space<vmem>>, vector<512x128xf32>
    tpu.vector_store %arg3[%swap3A, %swap3A_5], %add3A {strides = array<i32>} : memref<512x128xf32, #tpu.memory_space<vmem>>, vector<512x128xf32>,
    return
  }
  func.func @transform_0(%arg0: i32) -> (i32, i32) {
    %c0_i32 = arith.constant 0 : i32
    %c0_i32_0 = arith.constant 0 : i32
    return %arg0, %c0_i32 : i32, i32
  }
  func.func @transform_1(%arg0: i32) -> (i32, i32) {
    %c0_i32 = arith.constant 0 : i32
    %c0_i32_0 = arith.constant 0 : i32
    return %arg0, %c0_i32 : i32, i32
  }
  func.func @transform_2(%arg0: i32) -> (i32, i32) {
    %c0_i32 = arith.constant 0 : i32
    %c0_i32_0 = arith.constant 0 : i32
    return %arg0, %c0_i32 : i32, i32
  }
}

module attributes {stable_mosaic.version = 14 : i64} {
  func.func @body(%arg0: i32, %arg1: memref<2x512x128xf32, #tpu.memory_space<vmem>>, %arg2: memref<2x512x128xf32, #tpu.memory_space<vmem>>, %arg3: memref<512x16xf32, #tpu.memory_space<vmem>>, %arg4: memref<512x1xf32, #tpu.memory_space<vmem>>, %arg5: memref<1x128xf32, #tpu.memory_space<vmem>>, %arg6: memref<1x128xf32, #tpu.memory_space<vmem>>, %arg7: memref<128x100xf32, #tpu.memory_space<vmem>>, %arg8: memref<128x100xf32, #tpu.memory_space<vmem>>, %arg9: memref<16x100xf32, #tpu.memory_space<vmem>>, %arg10: memref<128x100xf32, #tpu.memory_space<vmem>>, %arg11: memref<1x100xf32, #tpu.memory_space<vmem>>, %arg12: memref<384x100xf32, #tpu.memory_space<vmem>>, %arg13: memref<384x128xf32, #tpu.memory_space<vmem>>, %arg14: memref<1x384xf32, #tpu.memory_space<vmem>>, %arg15: memref<1x384xf32, #tpu.memory_space<vmem>>, %arg16: memref<2x512x128xf32, #tpu.memory_space<vmem>>) attributes {dimension_semantics = [#tpu.dimension_semantics<arbitrary>], iteration_bounds = array<i64: 8>, scalar_prefetch = 0 : i64, scratch_operands = 0 : i64, tpu.core_type = #tpu.core_type<tc>, window_params = [{transform_indices = @transform_0, window_bounds = array<i64: 2, 512, 128>}, {transform_indices = @transform_1, window_bounds = array<i64: 2, 512, 128>}, {transform_indices = @transform_2, window_bounds = array<i64: 512, 16>}, {transform_indices = @transform_3, window_bounds = array<i64: 512, 1>}, {pipeline_mode = #tpu.pipeline_mode<synchronous>, transform_indices = @transform_4, window_bounds = array<i64: 1, 128>}, {pipeline_mode = #tpu.pipeline_mode<synchronous>, transform_indices = @transform_5, window_bounds = array<i64: 1, 128>}, {pipeline_mode = #tpu.pipeline_mode<synchronous>, transform_indices = @transform_6, window_bounds = array<i64: 128, 100>}, {pipeline_mode = #tpu.pipeline_mode<synchronous>, transform_indices = @transform_7, window_bounds = array<i64: 128, 100>}, {pipeline_mode = #tpu.pipeline_mode<synchronous>, transform_indices = @transform_8, window_bounds = array<i64: 16, 100>}, {pipeline_mode = #tpu.pipeline_mode<synchronous>, transform_indices = @transform_9, window_bounds = array<i64: 128, 100>}, {pipeline_mode = #tpu.pipeline_mode<synchronous>, transform_indices = @transform_10, window_bounds = array<i64: 1, 100>}, {pipeline_mode = #tpu.pipeline_mode<synchronous>, transform_indices = @transform_11, window_bounds = array<i64: 384, 100>}, {pipeline_mode = #tpu.pipeline_mode<synchronous>, transform_indices = @transform_12, window_bounds = array<i64: 384, 128>}, {pipeline_mode = #tpu.pipeline_mode<synchronous>, transform_indices = @transform_13, window_bounds = array<i64: 1, 384>}, {pipeline_mode = #tpu.pipeline_mode<synchronous>, transform_indices = @transform_14, window_bounds = array<i64: 1, 384>}, {transform_indices = @transform_15, window_bounds = array<i64: 2, 512, 128>}]} {
    %get3A = arith.constant 0 : index
    %get3A_0 = arith.constant 0 : index
    %get3A_1 = vector.load %arg4[%get3A, %get3A_0] : memref<512x1xf32, #tpu.memory_space<vmem>>, vector<512x1xf32>
    %get3A_2 = arith.constant 0 : index
    %get3A_3 = arith.constant 0 : index
    %get3A_4 = vector.load %arg5[%get3A_2, %get3A_3] : memref<1x128xf32, #tpu.memory_space<vmem>>, vector<1x128xf32>
    %mul3A = vector.broadcast %get3A_1 : vector<512x1xf32> to vector<512x128xf32>
    %mul3A_5 = vector.broadcast %get3A_4 : vector<1x128xf32> to vector<512x128xf32>
    %mul3A_6 = arith.mulf %mul3A, %mul3A_5 : vector<512x128xf32>
    %get3A_7 = arith.constant 0 : index
    %get3A_8 = arith.constant 0 : index
    %get3A_9 = vector.load %arg6[%get3A_7, %get3A_8] : memref<1x128xf32, #tpu.memory_space<vmem>>, vector<1x128xf32>
    %add3A = vector.broadcast %get3A_9 : vector<1x128xf32> to vector<512x128xf32>
    %add3A_10 = arith.addf %mul3A_6, %add3A : vector<512x128xf32>
    %mul3A_11 = arith.constant 0.159154937 : f32
    %mul3A_12 = vector.broadcast %mul3A_11 : f32 to vector<512x128xf32>
    %mul3A_13 = arith.mulf %add3A_10, %mul3A_12 : vector<512x128xf32>
    %round3A = math.roundeven %mul3A_13 : vector<512x128xf32>
    %mul3A_14 = arith.constant 6.28318548 : f32
    %mul3A_15 = vector.broadcast %mul3A_14 : f32 to vector<512x128xf32>
    %mul3A_16 = arith.mulf %round3A, %mul3A_15 : vector<512x128xf32>
    %sub3A = arith.subf %add3A_10, %mul3A_16 : vector<512x128xf32>
    %mul3A_17 = arith.mulf %sub3A, %sub3A : vector<512x128xf32>
    %broadcast_in_dim3A = arith.constant -2.21939501E-7 : f32
    %broadcast_in_dim3A_18 = vector.broadcast %broadcast_in_dim3A : f32 to vector<512x128xf32>
    %mul3A_19 = arith.mulf %broadcast_in_dim3A_18, %mul3A_17 : vector<512x128xf32>
    %add3A_20 = arith.constant 2.42531933E-5 : f32
    %add3A_21 = vector.broadcast %add3A_20 : f32 to vector<512x128xf32>
    %add3A_22 = arith.addf %mul3A_19, %add3A_21 : vector<512x128xf32>
    %mul3A_23 = arith.mulf %add3A_22, %mul3A_17 : vector<512x128xf32>
    %add3A_24 = arith.constant -0.0013862747 : f32
    %add3A_25 = vector.broadcast %add3A_24 : f32 to vector<512x128xf32>
    %add3A_26 = arith.addf %mul3A_23, %add3A_25 : vector<512x128xf32>
    %mul3A_27 = arith.mulf %add3A_26, %mul3A_17 : vector<512x128xf32>
    %add3A_28 = arith.constant 0.0416610315 : f32
    %add3A_29 = vector.broadcast %add3A_28 : f32 to vector<512x128xf32>
    %add3A_30 = arith.addf %mul3A_27, %add3A_29 : vector<512x128xf32>
    %mul3A_31 = arith.mulf %add3A_30, %mul3A_17 : vector<512x128xf32>
    %add3A_32 = arith.constant -0.499995589 : f32
    %add3A_33 = vector.broadcast %add3A_32 : f32 to vector<512x128xf32>
    %add3A_34 = arith.addf %mul3A_31, %add3A_33 : vector<512x128xf32>
    %mul3A_35 = arith.mulf %add3A_34, %mul3A_17 : vector<512x128xf32>
    %add3A_36 = arith.constant 0.999999463 : f32
    %add3A_37 = vector.broadcast %add3A_36 : f32 to vector<512x128xf32>
    %add3A_38 = arith.addf %mul3A_35, %add3A_37 : vector<512x128xf32>
    %get3A_39 = arith.constant 0 : index
    %get3A_40 = arith.constant 0 : index
    %get3A_41 = vector.load %arg3[%get3A_39, %get3A_40] : memref<512x16xf32, #tpu.memory_space<vmem>>, vector<512x16xf32>
    %get3A_42 = arith.constant 0 : index
    %get3A_43 = arith.constant 0 : index
    %get3A_44 = vector.load %arg9[%get3A_42, %get3A_43] : memref<16x100xf32, #tpu.memory_space<vmem>>, vector<16x100xf32>
    %dot_general3A = arith.constant dense<0.000000e+00> : vector<512x100xf32>
    %dot_general3A_45 = tpu.matmul %get3A_41, %get3A_44, %dot_general3A {dimension_numbers = #tpu.dot_dimension_numbers<[1], [0], [0], [1], [0, 0, 1, 1], [], []>, transpose_lhs_hint = false} : vector<512x16xf32>, vector<16x100xf32>, vector<512x100xf32> -> vector<512x100xf32>
    %get3A_46 = arith.constant 0 : index
    %get3A_47 = arith.constant 0 : index
    %get3A_48 = vector.load %arg10[%get3A_46, %get3A_47] : memref<128x100xf32, #tpu.memory_space<vmem>>, vector<128x100xf32>
    %dot_general3A_49 = arith.constant dense<0.000000e+00> : vector<512x100xf32>
    %dot_general3A_50 = tpu.matmul %add3A_38, %get3A_48, %dot_general3A_49 {dimension_numbers = #tpu.dot_dimension_numbers<[1], [0], [0], [1], [0, 0, 1, 1], [], []>, transpose_lhs_hint = false} : vector<512x128xf32>, vector<128x100xf32>, vector<512x100xf32> -> vector<512x100xf32>
    %add3A_51 = arith.addf %dot_general3A_45, %dot_general3A_50 : vector<512x100xf32>
    %get3A_52 = arith.constant 0 : index
    %get3A_53 = arith.constant 0 : index
    %get3A_54 = vector.load %arg11[%get3A_52, %get3A_53] : memref<1x100xf32, #tpu.memory_space<vmem>>, vector<1x100xf32>
    %add3A_55 = vector.broadcast %get3A_54 : vector<1x100xf32> to vector<512x100xf32>
    %add3A_56 = arith.addf %add3A_51, %add3A_55 : vector<512x100xf32>
    %get3A_57 = arith.constant 0 : index
    %get3A_58 = arith.constant 0 : index
    %get3A_59 = arith.constant 0 : index
    %get3A_60 = vector.load %arg1[%get3A_57, %get3A_58, %get3A_59] : memref<2x512x128xf32, #tpu.memory_space<vmem>>, vector<1x512x128xf32>
    %get3A_61 = vector.shape_cast %get3A_60 : vector<1x512x128xf32> to vector<512x128xf32>
    %get3A_62 = arith.constant 1 : index
    %get3A_63 = arith.constant 0 : index
    %get3A_64 = arith.constant 0 : index
    %get3A_65 = vector.load %arg1[%get3A_62, %get3A_63, %get3A_64] : memref<2x512x128xf32, #tpu.memory_space<vmem>>, vector<1x512x128xf32>
    %get3A_66 = vector.shape_cast %get3A_65 : vector<1x512x128xf32> to vector<512x128xf32>
    %get3A_67 = arith.constant 0 : index
    %get3A_68 = arith.constant 0 : index
    %get3A_69 = vector.load %arg7[%get3A_67, %get3A_68] : memref<128x100xf32, #tpu.memory_space<vmem>>, vector<128x100xf32>
    %dot_general3A_70 = arith.constant dense<0.000000e+00> : vector<512x100xf32>
    %dot_general3A_71 = tpu.matmul %get3A_61, %get3A_69, %dot_general3A_70 {dimension_numbers = #tpu.dot_dimension_numbers<[1], [0], [0], [1], [0, 0, 1, 1], [], []>, transpose_lhs_hint = false} : vector<512x128xf32>, vector<128x100xf32>, vector<512x100xf32> -> vector<512x100xf32>
    %get3A_72 = arith.constant 0 : index
    %get3A_73 = arith.constant 0 : index
    %get3A_74 = vector.load %arg8[%get3A_72, %get3A_73] : memref<128x100xf32, #tpu.memory_space<vmem>>, vector<128x100xf32>
    %dot_general3A_75 = arith.constant dense<0.000000e+00> : vector<512x100xf32>
    %dot_general3A_76 = tpu.matmul %get3A_61, %get3A_74, %dot_general3A_75 {dimension_numbers = #tpu.dot_dimension_numbers<[1], [0], [0], [1], [0, 0, 1, 1], [], []>, transpose_lhs_hint = false} : vector<512x128xf32>, vector<128x100xf32>, vector<512x100xf32> -> vector<512x100xf32>
    %get3A_77 = arith.constant 0 : index
    %get3A_78 = arith.constant 0 : index
    %get3A_79 = vector.load %arg7[%get3A_77, %get3A_78] : memref<128x100xf32, #tpu.memory_space<vmem>>, vector<128x100xf32>
    %dot_general3A_80 = arith.constant dense<0.000000e+00> : vector<512x100xf32>
    %dot_general3A_81 = tpu.matmul %get3A_66, %get3A_79, %dot_general3A_80 {dimension_numbers = #tpu.dot_dimension_numbers<[1], [0], [0], [1], [0, 0, 1, 1], [], []>, transpose_lhs_hint = false} : vector<512x128xf32>, vector<128x100xf32>, vector<512x100xf32> -> vector<512x100xf32>
    %get3A_82 = arith.constant 0 : index
    %get3A_83 = arith.constant 0 : index
    %get3A_84 = vector.load %arg8[%get3A_82, %get3A_83] : memref<128x100xf32, #tpu.memory_space<vmem>>, vector<128x100xf32>
    %dot_general3A_85 = arith.constant dense<0.000000e+00> : vector<512x100xf32>
    %dot_general3A_86 = tpu.matmul %get3A_66, %get3A_84, %dot_general3A_85 {dimension_numbers = #tpu.dot_dimension_numbers<[1], [0], [0], [1], [0, 0, 1, 1], [], []>, transpose_lhs_hint = false} : vector<512x128xf32>, vector<128x100xf32>, vector<512x100xf32> -> vector<512x100xf32>
    %get3A_87 = arith.constant 0 : index
    %get3A_88 = arith.constant 0 : index
    %get3A_89 = vector.load %arg12[%get3A_87, %get3A_88] : memref<384x100xf32, #tpu.memory_space<vmem>>, vector<384x100xf32>
    %get3A_90 = arith.constant 0 : index
    %get3A_91 = arith.constant 0 : index
    %get3A_92 = vector.load %arg13[%get3A_90, %get3A_91] : memref<384x128xf32, #tpu.memory_space<vmem>>, vector<384x128xf32>
    %add3A_93 = arith.addf %dot_general3A_71, %dot_general3A_86 : vector<512x100xf32>
    %add3A_94 = arith.addf %add3A_93, %add3A_56 : vector<512x100xf32>
    %max3A = arith.constant 0.000000e+00 : f32
    %max3A_95 = vector.broadcast %max3A : f32 to vector<512x100xf32>
    %max3A_96 = arith.maximumf %add3A_94, %max3A_95 : vector<512x100xf32>
    %dot_general3A_97 = arith.constant dense<0.000000e+00> : vector<512x384xf32>
    %dot_general3A_98 = tpu.matmul %max3A_96, %get3A_89, %dot_general3A_97 {dimension_numbers = #tpu.dot_dimension_numbers<[1], [1], [0], [0], [0, 0, 1, 0], [], []>, transpose_lhs_hint = false} : vector<512x100xf32>, vector<384x100xf32>, vector<512x384xf32> -> vector<512x384xf32>
    %get3A_99 = arith.constant 0 : index
    %get3A_100 = arith.constant 0 : index
    %get3A_101 = vector.load %arg14[%get3A_99, %get3A_100] : memref<1x384xf32, #tpu.memory_space<vmem>>, vector<1x384xf32>
    %add3A_102 = vector.broadcast %get3A_101 : vector<1x384xf32> to vector<512x384xf32>
    %add3A_103 = arith.addf %dot_general3A_98, %add3A_102 : vector<512x384xf32>
    %dot_general3A_104 = arith.constant dense<0.000000e+00> : vector<512x384xf32>
    %dot_general3A_105 = tpu.matmul %get3A_61, %get3A_92, %dot_general3A_104 {dimension_numbers = #tpu.dot_dimension_numbers<[1], [1], [0], [0], [0, 0, 1, 0], [], []>, transpose_lhs_hint = false} : vector<512x128xf32>, vector<384x128xf32>, vector<512x384xf32> -> vector<512x384xf32>
    %get3A_106 = arith.constant 0 : index
    %get3A_107 = arith.constant 0 : index
    %get3A_108 = vector.load %arg15[%get3A_106, %get3A_107] : memref<1x384xf32, #tpu.memory_space<vmem>>, vector<1x384xf32>
    %add3A_109 = vector.broadcast %get3A_108 : vector<1x384xf32> to vector<512x384xf32>
    %add3A_110 = arith.addf %dot_general3A_105, %add3A_109 : vector<512x384xf32>
    %slice3A = vector.extract_strided_slice %add3A_103 {offsets = [0, 0], sizes = [512, 128], strides = [1, 1]} : vector<512x384xf32> to vector<512x128xf32>
    %slice3A_111 = vector.extract_strided_slice %add3A_110 {offsets = [0, 0], sizes = [512, 128], strides = [1, 1]} : vector<512x384xf32> to vector<512x128xf32>
    %add3A_112 = arith.addf %slice3A, %slice3A_111 : vector<512x128xf32>
    %logistic3A = arith.negf %add3A_112 : vector<512x128xf32>
    %logistic3A_113 = math.exp %logistic3A : vector<512x128xf32>
    %logistic3A_114 = arith.constant 1.000000e+00 : f32
    %logistic3A_115 = vector.broadcast %logistic3A_114 : f32 to vector<512x128xf32>
    %logistic3A_116 = arith.addf %logistic3A_115, %logistic3A_113 : vector<512x128xf32>
    %logistic3A_117 = arith.divf %logistic3A_115, %logistic3A_116 : vector<512x128xf32>
    %slice3A_118 = vector.extract_strided_slice %add3A_103 {offsets = [0, 128], sizes = [512, 128], strides = [1, 1]} : vector<512x384xf32> to vector<512x128xf32>
    %slice3A_119 = vector.extract_strided_slice %add3A_110 {offsets = [0, 128], sizes = [512, 128], strides = [1, 1]} : vector<512x384xf32> to vector<512x128xf32>
    %add3A_120 = arith.addf %slice3A_118, %slice3A_119 : vector<512x128xf32>
    %logistic3A_121 = arith.negf %add3A_120 : vector<512x128xf32>
    %logistic3A_122 = math.exp %logistic3A_121 : vector<512x128xf32>
    %logistic3A_123 = arith.constant 1.000000e+00 : f32
    %logistic3A_124 = vector.broadcast %logistic3A_123 : f32 to vector<512x128xf32>
    %logistic3A_125 = arith.addf %logistic3A_124, %logistic3A_122 : vector<512x128xf32>
    %logistic3A_126 = arith.divf %logistic3A_124, %logistic3A_125 : vector<512x128xf32>
    %slice3A_127 = vector.extract_strided_slice %add3A_103 {offsets = [0, 256], sizes = [512, 128], strides = [1, 1]} : vector<512x384xf32> to vector<512x128xf32>
    %slice3A_128 = vector.extract_strided_slice %add3A_110 {offsets = [0, 256], sizes = [512, 128], strides = [1, 1]} : vector<512x384xf32> to vector<512x128xf32>
    %mul3A_129 = arith.mulf %logistic3A_117, %slice3A_128 : vector<512x128xf32>
    %add3A_130 = arith.addf %slice3A_127, %mul3A_129 : vector<512x128xf32>
    %tanh3A = math.tanh %add3A_130 : vector<512x128xf32>
    %sub3A_131 = arith.constant 1.000000e+00 : f32
    %sub3A_132 = vector.broadcast %sub3A_131 : f32 to vector<512x128xf32>
    %sub3A_133 = arith.subf %sub3A_132, %logistic3A_126 : vector<512x128xf32>
    %mul3A_134 = arith.mulf %sub3A_133, %tanh3A : vector<512x128xf32>
    %mul3A_135 = arith.mulf %logistic3A_126, %get3A_61 : vector<512x128xf32>
    %add3A_136 = arith.addf %mul3A_134, %mul3A_135 : vector<512x128xf32>
    %get3A_137 = arith.constant 0 : index
    %get3A_138 = arith.constant 0 : index
    %get3A_139 = arith.constant 0 : index
    %get3A_140 = vector.load %arg2[%get3A_137, %get3A_138, %get3A_139] : memref<2x512x128xf32, #tpu.memory_space<vmem>>, vector<1x512x128xf32>
    %get3A_141 = vector.shape_cast %get3A_140 : vector<1x512x128xf32> to vector<512x128xf32>
    %add3A_142 = arith.addf %add3A_136, %get3A_141 : vector<512x128xf32>
    %swap3A = arith.constant 0 : index
    %swap3A_143 = arith.constant 0 : index
    %swap3A_144 = arith.constant 0 : index
    %swap3A_145 = vector.load %arg16[%swap3A, %swap3A_143, %swap3A_144] : memref<2x512x128xf32, #tpu.memory_space<vmem>>, vector<1x512x128xf32>
    %swap3A_146 = vector.shape_cast %swap3A_145 : vector<1x512x128xf32> to vector<512x128xf32>
    %swap3A_147 = vector.shape_cast %add3A_142 : vector<512x128xf32> to vector<1x512x128xf32>
    tpu.vector_store %arg16[%swap3A, %swap3A_143, %swap3A_144], %swap3A_147 {strides = array<i32>} : memref<2x512x128xf32, #tpu.memory_space<vmem>>, vector<1x512x128xf32>,
    %add3A_148 = arith.addf %dot_general3A_81, %dot_general3A_76 : vector<512x100xf32>
    %add3A_149 = arith.addf %add3A_148, %add3A_56 : vector<512x100xf32>
    %max3A_150 = arith.constant 0.000000e+00 : f32
    %max3A_151 = vector.broadcast %max3A_150 : f32 to vector<512x100xf32>
    %max3A_152 = arith.maximumf %add3A_149, %max3A_151 : vector<512x100xf32>
    %dot_general3A_153 = arith.constant dense<0.000000e+00> : vector<512x384xf32>
    %dot_general3A_154 = tpu.matmul %max3A_152, %get3A_89, %dot_general3A_153 {dimension_numbers = #tpu.dot_dimension_numbers<[1], [1], [0], [0], [0, 0, 1, 0], [], []>, transpose_lhs_hint = false} : vector<512x100xf32>, vector<384x100xf32>, vector<512x384xf32> -> vector<512x384xf32>
    %get3A_155 = arith.constant 0 : index
    %get3A_156 = arith.constant 0 : index
    %get3A_157 = vector.load %arg14[%get3A_155, %get3A_156] : memref<1x384xf32, #tpu.memory_space<vmem>>, vector<1x384xf32>
    %add3A_158 = vector.broadcast %get3A_157 : vector<1x384xf32> to vector<512x384xf32>
    %add3A_159 = arith.addf %dot_general3A_154, %add3A_158 : vector<512x384xf32>
    %dot_general3A_160 = arith.constant dense<0.000000e+00> : vector<512x384xf32>
    %dot_general3A_161 = tpu.matmul %get3A_66, %get3A_92, %dot_general3A_160 {dimension_numbers = #tpu.dot_dimension_numbers<[1], [1], [0], [0], [0, 0, 1, 0], [], []>, transpose_lhs_hint = false} : vector<512x128xf32>, vector<384x128xf32>, vector<512x384xf32> -> vector<512x384xf32>
    %get3A_162 = arith.constant 0 : index
    %get3A_163 = arith.constant 0 : index
    %get3A_164 = vector.load %arg15[%get3A_162, %get3A_163] : memref<1x384xf32, #tpu.memory_space<vmem>>, vector<1x384xf32>
    %add3A_165 = vector.broadcast %get3A_164 : vector<1x384xf32> to vector<512x384xf32>
    %add3A_166 = arith.addf %dot_general3A_161, %add3A_165 : vector<512x384xf32>
    %slice3A_167 = vector.extract_strided_slice %add3A_159 {offsets = [0, 0], sizes = [512, 128], strides = [1, 1]} : vector<512x384xf32> to vector<512x128xf32>
    %slice3A_168 = vector.extract_strided_slice %add3A_166 {offsets = [0, 0], sizes = [512, 128], strides = [1, 1]} : vector<512x384xf32> to vector<512x128xf32>
    %add3A_169 = arith.addf %slice3A_167, %slice3A_168 : vector<512x128xf32>
    %logistic3A_170 = arith.negf %add3A_169 : vector<512x128xf32>
    %logistic3A_171 = math.exp %logistic3A_170 : vector<512x128xf32>
    %logistic3A_172 = arith.constant 1.000000e+00 : f32
    %logistic3A_173 = vector.broadcast %logistic3A_172 : f32 to vector<512x128xf32>
    %logistic3A_174 = arith.addf %logistic3A_173, %logistic3A_171 : vector<512x128xf32>
    %logistic3A_175 = arith.divf %logistic3A_173, %logistic3A_174 : vector<512x128xf32>
    %slice3A_176 = vector.extract_strided_slice %add3A_159 {offsets = [0, 128], sizes = [512, 128], strides = [1, 1]} : vector<512x384xf32> to vector<512x128xf32>
    %slice3A_177 = vector.extract_strided_slice %add3A_166 {offsets = [0, 128], sizes = [512, 128], strides = [1, 1]} : vector<512x384xf32> to vector<512x128xf32>
    %add3A_178 = arith.addf %slice3A_176, %slice3A_177 : vector<512x128xf32>
    %logistic3A_179 = arith.negf %add3A_178 : vector<512x128xf32>
    %logistic3A_180 = math.exp %logistic3A_179 : vector<512x128xf32>
    %logistic3A_181 = arith.constant 1.000000e+00 : f32
    %logistic3A_182 = vector.broadcast %logistic3A_181 : f32 to vector<512x128xf32>
    %logistic3A_183 = arith.addf %logistic3A_182, %logistic3A_180 : vector<512x128xf32>
    %logistic3A_184 = arith.divf %logistic3A_182, %logistic3A_183 : vector<512x128xf32>
    %slice3A_185 = vector.extract_strided_slice %add3A_159 {offsets = [0, 256], sizes = [512, 128], strides = [1, 1]} : vector<512x384xf32> to vector<512x128xf32>
    %slice3A_186 = vector.extract_strided_slice %add3A_166 {offsets = [0, 256], sizes = [512, 128], strides = [1, 1]} : vector<512x384xf32> to vector<512x128xf32>
    %mul3A_187 = arith.mulf %logistic3A_175, %slice3A_186 : vector<512x128xf32>
    %add3A_188 = arith.addf %slice3A_185, %mul3A_187 : vector<512x128xf32>
    %tanh3A_189 = math.tanh %add3A_188 : vector<512x128xf32>
    %sub3A_190 = arith.constant 1.000000e+00 : f32
    %sub3A_191 = vector.broadcast %sub3A_190 : f32 to vector<512x128xf32>
    %sub3A_192 = arith.subf %sub3A_191, %logistic3A_184 : vector<512x128xf32>
    %mul3A_193 = arith.mulf %sub3A_192, %tanh3A_189 : vector<512x128xf32>
    %mul3A_194 = arith.mulf %logistic3A_184, %get3A_66 : vector<512x128xf32>
    %add3A_195 = arith.addf %mul3A_193, %mul3A_194 : vector<512x128xf32>
    %get3A_196 = arith.constant 1 : index
    %get3A_197 = arith.constant 0 : index
    %get3A_198 = arith.constant 0 : index
    %get3A_199 = vector.load %arg2[%get3A_196, %get3A_197, %get3A_198] : memref<2x512x128xf32, #tpu.memory_space<vmem>>, vector<1x512x128xf32>
    %get3A_200 = vector.shape_cast %get3A_199 : vector<1x512x128xf32> to vector<512x128xf32>
    %add3A_201 = arith.addf %add3A_195, %get3A_200 : vector<512x128xf32>
    %swap3A_202 = arith.constant 1 : index
    %swap3A_203 = arith.constant 0 : index
    %swap3A_204 = arith.constant 0 : index
    %swap3A_205 = vector.load %arg16[%swap3A_202, %swap3A_203, %swap3A_204] : memref<2x512x128xf32, #tpu.memory_space<vmem>>, vector<1x512x128xf32>
    %swap3A_206 = vector.shape_cast %swap3A_205 : vector<1x512x128xf32> to vector<512x128xf32>
    %swap3A_207 = vector.shape_cast %add3A_201 : vector<512x128xf32> to vector<1x512x128xf32>
    tpu.vector_store %arg16[%swap3A_202, %swap3A_203, %swap3A_204], %swap3A_207 {strides = array<i32>} : memref<2x512x128xf32, #tpu.memory_space<vmem>>, vector<1x512x128xf32>,
    return
  }
  func.func @transform_0(%arg0: i32) -> (i32, i32, i32) {
    %c0_i32 = arith.constant 0 : i32
    %c0_i32_0 = arith.constant 0 : i32
    %c0_i32_1 = arith.constant 0 : i32
    return %c0_i32, %arg0, %c0_i32_0 : i32, i32, i32
  }
  func.func @transform_1(%arg0: i32) -> (i32, i32, i32) {
    %c0_i32 = arith.constant 0 : i32
    %c0_i32_0 = arith.constant 0 : i32
    %c0_i32_1 = arith.constant 0 : i32
    return %c0_i32, %arg0, %c0_i32_0 : i32, i32, i32
  }
  func.func @transform_2(%arg0: i32) -> (i32, i32) {
    %c0_i32 = arith.constant 0 : i32
    %c0_i32_0 = arith.constant 0 : i32
    return %arg0, %c0_i32 : i32, i32
  }
  func.func @transform_3(%arg0: i32) -> (i32, i32) {
    %c0_i32 = arith.constant 0 : i32
    %c0_i32_0 = arith.constant 0 : i32
    return %arg0, %c0_i32 : i32, i32
  }
  func.func @transform_4(%arg0: i32) -> (i32, i32) {
    %c0_i32 = arith.constant 0 : i32
    %c0_i32_0 = arith.constant 0 : i32
    %c0_i32_1 = arith.constant 0 : i32
    return %c0_i32, %c0_i32_0 : i32, i32
  }
  func.func @transform_5(%arg0: i32) -> (i32, i32) {
    %c0_i32 = arith.constant 0 : i32
    %c0_i32_0 = arith.constant 0 : i32
    %c0_i32_1 = arith.constant 0 : i32
    return %c0_i32, %c0_i32_0 : i32, i32
  }
  func.func @transform_6(%arg0: i32) -> (i32, i32) {
    %c0_i32 = arith.constant 0 : i32
    %c0_i32_0 = arith.constant 0 : i32
    %c0_i32_1 = arith.constant 0 : i32
    return %c0_i32, %c0_i32_0 : i32, i32
  }
  func.func @transform_7(%arg0: i32) -> (i32, i32) {
    %c0_i32 = arith.constant 0 : i32
    %c0_i32_0 = arith.constant 0 : i32
    %c0_i32_1 = arith.constant 0 : i32
    return %c0_i32, %c0_i32_0 : i32, i32
  }
  func.func @transform_8(%arg0: i32) -> (i32, i32) {
    %c0_i32 = arith.constant 0 : i32
    %c0_i32_0 = arith.constant 0 : i32
    %c0_i32_1 = arith.constant 0 : i32
    return %c0_i32, %c0_i32_0 : i32, i32
  }
  func.func @transform_9(%arg0: i32) -> (i32, i32) {
    %c0_i32 = arith.constant 0 : i32
    %c0_i32_0 = arith.constant 0 : i32
    %c0_i32_1 = arith.constant 0 : i32
    return %c0_i32, %c0_i32_0 : i32, i32
  }
  func.func @transform_10(%arg0: i32) -> (i32, i32) {
    %c0_i32 = arith.constant 0 : i32
    %c0_i32_0 = arith.constant 0 : i32
    %c0_i32_1 = arith.constant 0 : i32
    return %c0_i32, %c0_i32_0 : i32, i32
  }
  func.func @transform_11(%arg0: i32) -> (i32, i32) {
    %c0_i32 = arith.constant 0 : i32
    %c0_i32_0 = arith.constant 0 : i32
    %c0_i32_1 = arith.constant 0 : i32
    return %c0_i32, %c0_i32_0 : i32, i32
  }
  func.func @transform_12(%arg0: i32) -> (i32, i32) {
    %c0_i32 = arith.constant 0 : i32
    %c0_i32_0 = arith.constant 0 : i32
    %c0_i32_1 = arith.constant 0 : i32
    return %c0_i32, %c0_i32_0 : i32, i32
  }
  func.func @transform_13(%arg0: i32) -> (i32, i32) {
    %c0_i32 = arith.constant 0 : i32
    %c0_i32_0 = arith.constant 0 : i32
    %c0_i32_1 = arith.constant 0 : i32
    return %c0_i32, %c0_i32_0 : i32, i32
  }
  func.func @transform_14(%arg0: i32) -> (i32, i32) {
    %c0_i32 = arith.constant 0 : i32
    %c0_i32_0 = arith.constant 0 : i32
    %c0_i32_1 = arith.constant 0 : i32
    return %c0_i32, %c0_i32_0 : i32, i32
  }
  func.func @transform_15(%arg0: i32) -> (i32, i32, i32) {
    %c0_i32 = arith.constant 0 : i32
    %c0_i32_0 = arith.constant 0 : i32
    %c0_i32_1 = arith.constant 0 : i32
    return %c0_i32, %arg0, %c0_i32_0 : i32, i32, i32
  }
}

module attributes {stable_mosaic.version = 14 : i64} {
  func.func @body(%arg0: i32, %arg1: memref<512x20xi32, #tpu.memory_space<vmem>>, %arg2: memref<512x20xi32, #tpu.memory_space<vmem>>, %arg3: memref<512x20xf32, #tpu.memory_space<vmem>>, %arg4: memref<20x512xi32, #tpu.memory_space<vmem>>, %arg5: memref<20x512xi32, #tpu.memory_space<vmem>>, %arg6: memref<20x512xf32, #tpu.memory_space<vmem>>) attributes {dimension_semantics = [#tpu.dimension_semantics<arbitrary>], iteration_bounds = array<i64: 24>, scalar_prefetch = 0 : i64, scratch_operands = 0 : i64, tpu.core_type = #tpu.core_type<tc>, window_params = [{transform_indices = @transform_0, window_bounds = array<i64: 512, 20>}, {transform_indices = @transform_1, window_bounds = array<i64: 512, 20>}, {transform_indices = @transform_2, window_bounds = array<i64: 512, 20>}, {transform_indices = @transform_3, window_bounds = array<i64: 20, 512>}, {transform_indices = @transform_4, window_bounds = array<i64: 20, 512>}, {transform_indices = @transform_5, window_bounds = array<i64: 20, 512>}]} {
    %get3A = arith.constant 0 : index
    %get3A_0 = arith.constant 0 : index
    %get3A_1 = vector.load %arg1[%get3A, %get3A_0] : memref<512x20xi32, #tpu.memory_space<vmem>>, vector<512x20xi32>
    %transpose3A = tpu.transpose %get3A_1, [1, 0] : vector<512x20xi32> -> vector<20x512xi32>
    %swap3A = arith.constant 0 : index
    %swap3A_2 = arith.constant 0 : index
    %swap3A_3 = vector.load %arg4[%swap3A, %swap3A_2] : memref<20x512xi32, #tpu.memory_space<vmem>>, vector<20x512xi32>
    tpu.vector_store %arg4[%swap3A, %swap3A_2], %transpose3A {strides = array<i32>} : memref<20x512xi32, #tpu.memory_space<vmem>>, vector<20x512xi32>,
    %get3A_4 = arith.constant 0 : index
    %get3A_5 = arith.constant 0 : index
    %get3A_6 = vector.load %arg2[%get3A_4, %get3A_5] : memref<512x20xi32, #tpu.memory_space<vmem>>, vector<512x20xi32>
    %transpose3A_7 = tpu.transpose %get3A_6, [1, 0] : vector<512x20xi32> -> vector<20x512xi32>
    %swap3A_8 = arith.constant 0 : index
    %swap3A_9 = arith.constant 0 : index
    %swap3A_10 = vector.load %arg5[%swap3A_8, %swap3A_9] : memref<20x512xi32, #tpu.memory_space<vmem>>, vector<20x512xi32>
    tpu.vector_store %arg5[%swap3A_8, %swap3A_9], %transpose3A_7 {strides = array<i32>} : memref<20x512xi32, #tpu.memory_space<vmem>>, vector<20x512xi32>,
    %get3A_11 = arith.constant 0 : index
    %get3A_12 = arith.constant 0 : index
    %get3A_13 = vector.load %arg3[%get3A_11, %get3A_12] : memref<512x20xf32, #tpu.memory_space<vmem>>, vector<512x20xf32>
    %transpose3A_14 = tpu.transpose %get3A_13, [1, 0] : vector<512x20xf32> -> vector<20x512xf32>
    %swap3A_15 = arith.constant 0 : index
    %swap3A_16 = arith.constant 0 : index
    %swap3A_17 = vector.load %arg6[%swap3A_15, %swap3A_16] : memref<20x512xf32, #tpu.memory_space<vmem>>, vector<20x512xf32>
    tpu.vector_store %arg6[%swap3A_15, %swap3A_16], %transpose3A_14 {strides = array<i32>} : memref<20x512xf32, #tpu.memory_space<vmem>>, vector<20x512xf32>,
    return
  }
  func.func @transform_0(%arg0: i32) -> (i32, i32) {
    %c0_i32 = arith.constant 0 : i32
    %c0_i32_0 = arith.constant 0 : i32
    return %arg0, %c0_i32 : i32, i32
  }
  func.func @transform_1(%arg0: i32) -> (i32, i32) {
    %c0_i32 = arith.constant 0 : i32
    %c0_i32_0 = arith.constant 0 : i32
    return %arg0, %c0_i32 : i32, i32
  }
  func.func @transform_2(%arg0: i32) -> (i32, i32) {
    %c0_i32 = arith.constant 0 : i32
    %c0_i32_0 = arith.constant 0 : i32
    return %arg0, %c0_i32 : i32, i32
  }
  func.func @transform_3(%arg0: i32) -> (i32, i32) {
    %c0_i32 = arith.constant 0 : i32
    %c0_i32_0 = arith.constant 0 : i32
    return %c0_i32, %arg0 : i32, i32
  }
  func.func @transform_4(%arg0: i32) -> (i32, i32) {
    %c0_i32 = arith.constant 0 : i32
    %c0_i32_0 = arith.constant 0 : i32
    return %c0_i32, %arg0 : i32, i32
  }
  func.func @transform_5(%arg0: i32) -> (i32, i32) {
    %c0_i32 = arith.constant 0 : i32
    %c0_i32_0 = arith.constant 0 : i32
    return %c0_i32, %arg0 : i32, i32
  }
}

module attributes {stable_mosaic.version = 14 : i64} {
  func.func @body(%arg0: i32, %arg1: memref<128x128xf32, #tpu.memory_space<vmem>>, %arg2: memref<128x128xf32, #tpu.memory_space<vmem>>, %arg3: memref<20x128x128xf32, #tpu.memory_space<vmem>>, %arg4: memref<20x128x16xf32, #tpu.memory_space<vmem>>, %arg5: memref<20x128xf32, #tpu.memory_space<vmem>>, %arg6: memref<1x128xf32, #tpu.memory_space<vmem>>, %arg7: memref<1x128xf32, #tpu.memory_space<vmem>>, %arg8: memref<128x128xf32, #tpu.memory_space<vmem>>, %arg9: memref<1x128xf32, #tpu.memory_space<vmem>>, %arg10: memref<128x256xf32, #tpu.memory_space<vmem>>, %arg11: memref<16x256xf32, #tpu.memory_space<vmem>>, %arg12: memref<128x256xf32, #tpu.memory_space<vmem>>, %arg13: memref<128x128xf32, #tpu.memory_space<vmem>>, %arg14: memref<128x128xf32, #tpu.memory_space<vmem>>, %arg15: memref<128x128xf32, #tpu.memory_space<vmem>>, %arg16: memref<1x128xf32, #tpu.memory_space<vmem>>, %arg17: memref<128x128xf32, #tpu.memory_space<vmem>>, %arg18: memref<1x128xf32, #tpu.memory_space<vmem>>, %arg19: memref<128x128xf32, #tpu.memory_space<vmem>>) attributes {dimension_semantics = [#tpu.dimension_semantics<arbitrary>], iteration_bounds = array<i64: 96>, scalar_prefetch = 0 : i64, scratch_operands = 0 : i64, tpu.core_type = #tpu.core_type<tc>, window_params = [{transform_indices = @transform_0, window_bounds = array<i64: 128, 128>}, {transform_indices = @transform_1, window_bounds = array<i64: 128, 128>}, {transform_indices = @transform_2, window_bounds = array<i64: 20, 128, 128>}, {transform_indices = @transform_3, window_bounds = array<i64: 20, 128, 16>}, {transform_indices = @transform_4, window_bounds = array<i64: 20, 128>}, {pipeline_mode = #tpu.pipeline_mode<synchronous>, transform_indices = @transform_5, window_bounds = array<i64: 1, 128>}, {pipeline_mode = #tpu.pipeline_mode<synchronous>, transform_indices = @transform_6, window_bounds = array<i64: 1, 128>}, {pipeline_mode = #tpu.pipeline_mode<synchronous>, transform_indices = @transform_7, window_bounds = array<i64: 128, 128>}, {pipeline_mode = #tpu.pipeline_mode<synchronous>, transform_indices = @transform_8, window_bounds = array<i64: 1, 128>}, {pipeline_mode = #tpu.pipeline_mode<synchronous>, transform_indices = @transform_9, window_bounds = array<i64: 128, 256>}, {pipeline_mode = #tpu.pipeline_mode<synchronous>, transform_indices = @transform_10, window_bounds = array<i64: 16, 256>}, {pipeline_mode = #tpu.pipeline_mode<synchronous>, transform_indices = @transform_11, window_bounds = array<i64: 128, 256>}, {pipeline_mode = #tpu.pipeline_mode<synchronous>, transform_indices = @transform_12, window_bounds = array<i64: 128, 128>}, {pipeline_mode = #tpu.pipeline_mode<synchronous>, transform_indices = @transform_13, window_bounds = array<i64: 128, 128>}, {pipeline_mode = #tpu.pipeline_mode<synchronous>, transform_indices = @transform_14, window_bounds = array<i64: 128, 128>}, {pipeline_mode = #tpu.pipeline_mode<synchronous>, transform_indices = @transform_15, window_bounds = array<i64: 1, 128>}, {pipeline_mode = #tpu.pipeline_mode<synchronous>, transform_indices = @transform_16, window_bounds = array<i64: 128, 128>}, {pipeline_mode = #tpu.pipeline_mode<synchronous>, transform_indices = @transform_17, window_bounds = array<i64: 1, 128>}, {transform_indices = @transform_18, window_bounds = array<i64: 128, 128>}]} {
    %get3A = arith.constant 0 : index
    %get3A_0 = arith.constant 0 : index
    %get3A_1 = vector.load %arg1[%get3A, %get3A_0] : memref<128x128xf32, #tpu.memory_space<vmem>>, vector<128x128xf32>
    %get3A_2 = arith.constant 0 : index
    %get3A_3 = arith.constant 0 : index
    %get3A_4 = vector.load %arg8[%get3A_2, %get3A_3] : memref<128x128xf32, #tpu.memory_space<vmem>>, vector<128x128xf32>
    %dot_general3A = arith.constant dense<0.000000e+00> : vector<128x128xf32>
    %dot_general3A_5 = tpu.matmul %get3A_1, %get3A_4, %dot_general3A {dimension_numbers = #tpu.dot_dimension_numbers<[1], [0], [0], [1], [0, 0, 1, 1], [], []>, transpose_lhs_hint = false} : vector<128x128xf32>, vector<128x128xf32>, vector<128x128xf32> -> vector<128x128xf32>
    %get3A_6 = arith.constant 0 : index
    %get3A_7 = arith.constant 0 : index
    %get3A_8 = vector.load %arg9[%get3A_6, %get3A_7] : memref<1x128xf32, #tpu.memory_space<vmem>>, vector<1x128xf32>
    %add3A = vector.broadcast %get3A_8 : vector<1x128xf32> to vector<128x128xf32>
    %add3A_9 = arith.addf %dot_general3A_5, %add3A : vector<128x128xf32>
    %get3A_10 = arith.constant 0 : index
    %get3A_11 = arith.constant 0 : index
    %get3A_12 = vector.load %arg5[%get3A_10, %get3A_11] : memref<20x128xf32, #tpu.memory_space<vmem>>, vector<20x128xf32>
    %broadcast_in_dim3A = vector.shape_cast %get3A_12 : vector<20x128xf32> to vector<20x128x1xf32>
    %get3A_13 = arith.constant 0 : index
    %get3A_14 = arith.constant 0 : index
    %get3A_15 = vector.load %arg6[%get3A_13, %get3A_14] : memref<1x128xf32, #tpu.memory_space<vmem>>, vector<1x128xf32>
    %reshape3A = vector.shape_cast %get3A_15 : vector<1x128xf32> to vector<1x1x128xf32>
    %mul3A = vector.broadcast %broadcast_in_dim3A : vector<20x128x1xf32> to vector<20x128x128xf32>
    %mul3A_16 = vector.broadcast %reshape3A : vector<1x1x128xf32> to vector<20x128x128xf32>
    %mul3A_17 = arith.mulf %mul3A, %mul3A_16 : vector<20x128x128xf32>
    %get3A_18 = arith.constant 0 : index
    %get3A_19 = arith.constant 0 : index
    %get3A_20 = vector.load %arg7[%get3A_18, %get3A_19] : memref<1x128xf32, #tpu.memory_space<vmem>>, vector<1x128xf32>
    %reshape3A_21 = vector.shape_cast %get3A_20 : vector<1x128xf32> to vector<1x1x128xf32>
    %add3A_22 = vector.broadcast %reshape3A_21 : vector<1x1x128xf32> to vector<20x128x128xf32>
    %add3A_23 = arith.addf %mul3A_17, %add3A_22 : vector<20x128x128xf32>
    %mul3A_24 = arith.constant 0.159154937 : f32
    %mul3A_25 = vector.broadcast %mul3A_24 : f32 to vector<20x128x128xf32>
    %mul3A_26 = arith.mulf %add3A_23, %mul3A_25 : vector<20x128x128xf32>
    %round3A = math.roundeven %mul3A_26 : vector<20x128x128xf32>
    %mul3A_27 = arith.constant 6.28318548 : f32
    %mul3A_28 = vector.broadcast %mul3A_27 : f32 to vector<20x128x128xf32>
    %mul3A_29 = arith.mulf %round3A, %mul3A_28 : vector<20x128x128xf32>
    %sub3A = arith.subf %add3A_23, %mul3A_29 : vector<20x128x128xf32>
    %mul3A_30 = arith.mulf %sub3A, %sub3A : vector<20x128x128xf32>
    %broadcast_in_dim3A_31 = arith.constant -2.21939501E-7 : f32
    %broadcast_in_dim3A_32 = vector.broadcast %broadcast_in_dim3A_31 : f32 to vector<20x128x128xf32>
    %mul3A_33 = arith.mulf %broadcast_in_dim3A_32, %mul3A_30 : vector<20x128x128xf32>
    %add3A_34 = arith.constant 2.42531933E-5 : f32
    %add3A_35 = vector.broadcast %add3A_34 : f32 to vector<20x128x128xf32>
    %add3A_36 = arith.addf %mul3A_33, %add3A_35 : vector<20x128x128xf32>
    %mul3A_37 = arith.mulf %add3A_36, %mul3A_30 : vector<20x128x128xf32>
    %add3A_38 = arith.constant -0.0013862747 : f32
    %add3A_39 = vector.broadcast %add3A_38 : f32 to vector<20x128x128xf32>
    %add3A_40 = arith.addf %mul3A_37, %add3A_39 : vector<20x128x128xf32>
    %mul3A_41 = arith.mulf %add3A_40, %mul3A_30 : vector<20x128x128xf32>
    %add3A_42 = arith.constant 0.0416610315 : f32
    %add3A_43 = vector.broadcast %add3A_42 : f32 to vector<20x128x128xf32>
    %add3A_44 = arith.addf %mul3A_41, %add3A_43 : vector<20x128x128xf32>
    %mul3A_45 = arith.mulf %add3A_44, %mul3A_30 : vector<20x128x128xf32>
    %add3A_46 = arith.constant -0.499995589 : f32
    %add3A_47 = vector.broadcast %add3A_46 : f32 to vector<20x128x128xf32>
    %add3A_48 = arith.addf %mul3A_45, %add3A_47 : vector<20x128x128xf32>
    %mul3A_49 = arith.mulf %add3A_48, %mul3A_30 : vector<20x128x128xf32>
    %add3A_50 = arith.constant 0.999999463 : f32
    %add3A_51 = vector.broadcast %add3A_50 : f32 to vector<20x128x128xf32>
    %add3A_52 = arith.addf %mul3A_49, %add3A_51 : vector<20x128x128xf32>
    %reshape3A_53 = vector.shape_cast %add3A_52 : vector<20x128x128xf32> to vector<2560x128xf32>
    %get3A_54 = arith.constant 0 : index
    %get3A_55 = arith.constant 0 : index
    %get3A_56 = arith.constant 0 : index
    %get3A_57 = vector.load %arg3[%get3A_54, %get3A_55, %get3A_56] : memref<20x128x128xf32, #tpu.memory_space<vmem>>, vector<20x128x128xf32>
    %reshape3A_58 = vector.shape_cast %get3A_57 : vector<20x128x128xf32> to vector<2560x128xf32>
    %get3A_59 = arith.constant 0 : index
    %get3A_60 = arith.constant 0 : index
    %get3A_61 = arith.constant 0 : index
    %get3A_62 = vector.load %arg4[%get3A_59, %get3A_60, %get3A_61] : memref<20x128x16xf32, #tpu.memory_space<vmem>>, vector<20x128x16xf32>
    %reshape3A_63 = vector.shape_cast %get3A_62 : vector<20x128x16xf32> to vector<2560x16xf32>
    %get3A_64 = arith.constant 0 : index
    %get3A_65 = arith.constant 0 : index
    %get3A_66 = vector.load %arg10[%get3A_64, %get3A_65] : memref<128x256xf32, #tpu.memory_space<vmem>>, vector<128x256xf32>
    %dot_general3A_67 = arith.constant dense<0.000000e+00> : vector<2560x256xf32>
    %dot_general3A_68 = tpu.matmul %reshape3A_58, %get3A_66, %dot_general3A_67 {dimension_numbers = #tpu.dot_dimension_numbers<[1], [0], [0], [1], [0, 0, 1, 1], [], []>, transpose_lhs_hint = false} : vector<2560x128xf32>, vector<128x256xf32>, vector<2560x256xf32> -> vector<2560x256xf32>
    %get3A_69 = arith.constant 0 : index
    %get3A_70 = arith.constant 0 : index
    %get3A_71 = vector.load %arg11[%get3A_69, %get3A_70] : memref<16x256xf32, #tpu.memory_space<vmem>>, vector<16x256xf32>
    %dot_general3A_72 = arith.constant dense<0.000000e+00> : vector<2560x256xf32>
    %dot_general3A_73 = tpu.matmul %reshape3A_63, %get3A_71, %dot_general3A_72 {dimension_numbers = #tpu.dot_dimension_numbers<[1], [0], [0], [1], [0, 0, 1, 1], [], []>, transpose_lhs_hint = false} : vector<2560x16xf32>, vector<16x256xf32>, vector<2560x256xf32> -> vector<2560x256xf32>
    %add3A_74 = arith.addf %dot_general3A_68, %dot_general3A_73 : vector<2560x256xf32>
    %get3A_75 = arith.constant 0 : index
    %get3A_76 = arith.constant 0 : index
    %get3A_77 = vector.load %arg12[%get3A_75, %get3A_76] : memref<128x256xf32, #tpu.memory_space<vmem>>, vector<128x256xf32>
    %dot_general3A_78 = arith.constant dense<0.000000e+00> : vector<2560x256xf32>
    %dot_general3A_79 = tpu.matmul %reshape3A_53, %get3A_77, %dot_general3A_78 {dimension_numbers = #tpu.dot_dimension_numbers<[1], [0], [0], [1], [0, 0, 1, 1], [], []>, transpose_lhs_hint = false} : vector<2560x128xf32>, vector<128x256xf32>, vector<2560x256xf32> -> vector<2560x256xf32>
    %add3A_80 = arith.addf %add3A_74, %dot_general3A_79 : vector<2560x256xf32>
    %slice3A = vector.extract_strided_slice %add3A_80 {offsets = [0, 0], sizes = [2560, 128], strides = [1, 1]} : vector<2560x256xf32> to vector<2560x128xf32>
    %reshape3A_81 = vector.shape_cast %slice3A : vector<2560x128xf32> to vector<20x128x128xf32>
    %slice3A_82 = vector.extract_strided_slice %add3A_80 {offsets = [0, 128], sizes = [2560, 128], strides = [1, 1]} : vector<2560x256xf32> to vector<2560x128xf32>
    %reshape3A_83 = vector.shape_cast %slice3A_82 : vector<2560x128xf32> to vector<20x128x128xf32>
    %broadcast_in_dim3A_84 = vector.shape_cast %add3A_9 : vector<128x128xf32> to vector<1x128x128xf32>
    %mul3A_85 = vector.broadcast %broadcast_in_dim3A_84 : vector<1x128x128xf32> to vector<20x128x128xf32>
    %mul3A_86 = arith.mulf %reshape3A_81, %mul3A_85 : vector<20x128x128xf32>
    %slice3A_87 = vector.extract_strided_slice %mul3A_86 {offsets = [0, 0, 0], sizes = [20, 128, 64], strides = [1, 1, 1]} : vector<20x128x128xf32> to vector<20x128x64xf32>
    %reduce_sum3A = arith.constant dense<0.000000e+00> : vector<20x128xf32>
    %reduce_sum3A_88 = vector.multi_reduction <add>, %slice3A_87, %reduce_sum3A [2] : vector<20x128x64xf32> to vector<20x128xf32>
    %broadcast_in_dim3A_89 = vector.shape_cast %reduce_sum3A_88 : vector<20x128xf32> to vector<20x128x1xf32>
    %mul3A_90 = arith.constant 1.250000e-01 : f32
    %mul3A_91 = vector.broadcast %mul3A_90 : f32 to vector<20x128x1xf32>
    %mul3A_92 = arith.mulf %broadcast_in_dim3A_89, %mul3A_91 : vector<20x128x1xf32>
    %reduce_max3A = arith.constant dense<0xFF800000> : vector<128x1xf32>
    %reduce_max3A_93 = vector.multi_reduction <maximumf>, %mul3A_92, %reduce_max3A [0] : vector<20x128x1xf32> to vector<128x1xf32>
    %broadcast_in_dim3A_94 = vector.shape_cast %reduce_max3A_93 : vector<128x1xf32> to vector<1x128x1xf32>
    %sub3A_95 = vector.broadcast %broadcast_in_dim3A_94 : vector<1x128x1xf32> to vector<20x128x1xf32>
    %sub3A_96 = arith.subf %mul3A_92, %sub3A_95 : vector<20x128x1xf32>
    %exp3A = math.exp %sub3A_96 : vector<20x128x1xf32>
    %reduce_sum3A_97 = arith.constant dense<0.000000e+00> : vector<128x1xf32>
    %reduce_sum3A_98 = vector.multi_reduction <add>, %exp3A, %reduce_sum3A_97 [0] : vector<20x128x1xf32> to vector<128x1xf32>
    %broadcast_in_dim3A_99 = vector.shape_cast %reduce_sum3A_98 : vector<128x1xf32> to vector<1x128x1xf32>
    %div3A = vector.broadcast %broadcast_in_dim3A_99 : vector<1x128x1xf32> to vector<20x128x1xf32>
    %div3A_100 = arith.divf %exp3A, %div3A : vector<20x128x1xf32>
    %slice3A_101 = vector.extract_strided_slice %reshape3A_83 {offsets = [0, 0, 0], sizes = [20, 128, 64], strides = [1, 1, 1]} : vector<20x128x128xf32> to vector<20x128x64xf32>
    %mul3A_102 = vector.broadcast %div3A_100 : vector<20x128x1xf32> to vector<20x128x64xf32>
    %mul3A_103 = arith.mulf %mul3A_102, %slice3A_101 : vector<20x128x64xf32>
    %reduce_sum3A_104 = arith.constant dense<0.000000e+00> : vector<128x64xf32>
    %reduce_sum3A_105 = vector.multi_reduction <add>, %mul3A_103, %reduce_sum3A_104 [0] : vector<20x128x64xf32> to vector<128x64xf32>
    %slice3A_106 = vector.extract_strided_slice %mul3A_86 {offsets = [0, 0, 64], sizes = [20, 128, 64], strides = [1, 1, 1]} : vector<20x128x128xf32> to vector<20x128x64xf32>
    %reduce_sum3A_107 = arith.constant dense<0.000000e+00> : vector<20x128xf32>
    %reduce_sum3A_108 = vector.multi_reduction <add>, %slice3A_106, %reduce_sum3A_107 [2] : vector<20x128x64xf32> to vector<20x128xf32>
    %broadcast_in_dim3A_109 = vector.shape_cast %reduce_sum3A_108 : vector<20x128xf32> to vector<20x128x1xf32>
    %mul3A_110 = arith.constant 1.250000e-01 : f32
    %mul3A_111 = vector.broadcast %mul3A_110 : f32 to vector<20x128x1xf32>
    %mul3A_112 = arith.mulf %broadcast_in_dim3A_109, %mul3A_111 : vector<20x128x1xf32>
    %reduce_max3A_113 = arith.constant dense<0xFF800000> : vector<128x1xf32>
    %reduce_max3A_114 = vector.multi_reduction <maximumf>, %mul3A_112, %reduce_max3A_113 [0] : vector<20x128x1xf32> to vector<128x1xf32>
    %broadcast_in_dim3A_115 = vector.shape_cast %reduce_max3A_114 : vector<128x1xf32> to vector<1x128x1xf32>
    %sub3A_116 = vector.broadcast %broadcast_in_dim3A_115 : vector<1x128x1xf32> to vector<20x128x1xf32>
    %sub3A_117 = arith.subf %mul3A_112, %sub3A_116 : vector<20x128x1xf32>
    %exp3A_118 = math.exp %sub3A_117 : vector<20x128x1xf32>
    %reduce_sum3A_119 = arith.constant dense<0.000000e+00> : vector<128x1xf32>
    %reduce_sum3A_120 = vector.multi_reduction <add>, %exp3A_118, %reduce_sum3A_119 [0] : vector<20x128x1xf32> to vector<128x1xf32>
    %broadcast_in_dim3A_121 = vector.shape_cast %reduce_sum3A_120 : vector<128x1xf32> to vector<1x128x1xf32>
    %div3A_122 = vector.broadcast %broadcast_in_dim3A_121 : vector<1x128x1xf32> to vector<20x128x1xf32>
    %div3A_123 = arith.divf %exp3A_118, %div3A_122 : vector<20x128x1xf32>
    %slice3A_124 = vector.extract_strided_slice %reshape3A_83 {offsets = [0, 0, 64], sizes = [20, 128, 64], strides = [1, 1, 1]} : vector<20x128x128xf32> to vector<20x128x64xf32>
    %mul3A_125 = vector.broadcast %div3A_123 : vector<20x128x1xf32> to vector<20x128x64xf32>
    %mul3A_126 = arith.mulf %mul3A_125, %slice3A_124 : vector<20x128x64xf32>
    %reduce_sum3A_127 = arith.constant dense<0.000000e+00> : vector<128x64xf32>
    %reduce_sum3A_128 = vector.multi_reduction <add>, %mul3A_126, %reduce_sum3A_127 [0] : vector<20x128x64xf32> to vector<128x64xf32>
    %concatenate3A = tpu.concatenate %reduce_sum3A_105, %reduce_sum3A_128 in 1 : vector<128x64xf32>, vector<128x64xf32> -> vector<128x128xf32>
    %get3A_129 = arith.constant 0 : index
    %get3A_130 = arith.constant 0 : index
    %get3A_131 = vector.load %arg13[%get3A_129, %get3A_130] : memref<128x128xf32, #tpu.memory_space<vmem>>, vector<128x128xf32>
    %dot_general3A_132 = arith.constant dense<0.000000e+00> : vector<128x128xf32>
    %dot_general3A_133 = tpu.matmul %concatenate3A, %get3A_131, %dot_general3A_132 {dimension_numbers = #tpu.dot_dimension_numbers<[1], [0], [0], [1], [0, 0, 1, 1], [], []>, transpose_lhs_hint = false} : vector<128x128xf32>, vector<128x128xf32>, vector<128x128xf32> -> vector<128x128xf32>
    %get3A_134 = arith.constant 0 : index
    %get3A_135 = arith.constant 0 : index
    %get3A_136 = vector.load %arg14[%get3A_134, %get3A_135] : memref<128x128xf32, #tpu.memory_space<vmem>>, vector<128x128xf32>
    %dot_general3A_137 = arith.constant dense<0.000000e+00> : vector<128x128xf32>
    %dot_general3A_138 = tpu.matmul %dot_general3A_133, %get3A_136, %dot_general3A_137 {dimension_numbers = #tpu.dot_dimension_numbers<[1], [0], [0], [1], [0, 0, 1, 1], [], []>, transpose_lhs_hint = false} : vector<128x128xf32>, vector<128x128xf32>, vector<128x128xf32> -> vector<128x128xf32>
    %get3A_139 = arith.constant 0 : index
    %get3A_140 = arith.constant 0 : index
    %get3A_141 = vector.load %arg2[%get3A_139, %get3A_140] : memref<128x128xf32, #tpu.memory_space<vmem>>, vector<128x128xf32>
    %get3A_142 = arith.constant 0 : index
    %get3A_143 = arith.constant 0 : index
    %get3A_144 = vector.load %arg15[%get3A_142, %get3A_143] : memref<128x128xf32, #tpu.memory_space<vmem>>, vector<128x128xf32>
    %dot_general3A_145 = arith.constant dense<0.000000e+00> : vector<128x128xf32>
    %dot_general3A_146 = tpu.matmul %get3A_141, %get3A_144, %dot_general3A_145 {dimension_numbers = #tpu.dot_dimension_numbers<[1], [0], [0], [1], [0, 0, 1, 1], [], []>, transpose_lhs_hint = false} : vector<128x128xf32>, vector<128x128xf32>, vector<128x128xf32> -> vector<128x128xf32>
    %add3A_147 = arith.addf %dot_general3A_138, %dot_general3A_146 : vector<128x128xf32>
    %get3A_148 = arith.constant 0 : index
    %get3A_149 = arith.constant 0 : index
    %get3A_150 = vector.load %arg16[%get3A_148, %get3A_149] : memref<1x128xf32, #tpu.memory_space<vmem>>, vector<1x128xf32>
    %add3A_151 = vector.broadcast %get3A_150 : vector<1x128xf32> to vector<128x128xf32>
    %add3A_152 = arith.addf %add3A_147, %add3A_151 : vector<128x128xf32>
    %max3A = arith.constant 0.000000e+00 : f32
    %max3A_153 = vector.broadcast %max3A : f32 to vector<128x128xf32>
    %max3A_154 = arith.maximumf %add3A_152, %max3A_153 : vector<128x128xf32>
    %get3A_155 = arith.constant 0 : index
    %get3A_156 = arith.constant 0 : index
    %get3A_157 = vector.load %arg17[%get3A_155, %get3A_156] : memref<128x128xf32, #tpu.memory_space<vmem>>, vector<128x128xf32>
    %dot_general3A_158 = arith.constant dense<0.000000e+00> : vector<128x128xf32>
    %dot_general3A_159 = tpu.matmul %max3A_154, %get3A_157, %dot_general3A_158 {dimension_numbers = #tpu.dot_dimension_numbers<[1], [0], [0], [1], [0, 0, 1, 1], [], []>, transpose_lhs_hint = false} : vector<128x128xf32>, vector<128x128xf32>, vector<128x128xf32> -> vector<128x128xf32>
    %get3A_160 = arith.constant 0 : index
    %get3A_161 = arith.constant 0 : index
    %get3A_162 = vector.load %arg18[%get3A_160, %get3A_161] : memref<1x128xf32, #tpu.memory_space<vmem>>, vector<1x128xf32>
    %add3A_163 = vector.broadcast %get3A_162 : vector<1x128xf32> to vector<128x128xf32>
    %add3A_164 = arith.addf %dot_general3A_159, %add3A_163 : vector<128x128xf32>
    %swap3A = arith.constant 0 : index
    %swap3A_165 = arith.constant 0 : index
    %swap3A_166 = vector.load %arg19[%swap3A, %swap3A_165] : memref<128x128xf32, #tpu.memory_space<vmem>>, vector<128x128xf32>
    tpu.vector_store %arg19[%swap3A, %swap3A_165], %add3A_164 {strides = array<i32>} : memref<128x128xf32, #tpu.memory_space<vmem>>, vector<128x128xf32>,
    return
  }
  func.func @transform_0(%arg0: i32) -> (i32, i32) {
    %c0_i32 = arith.constant 0 : i32
    %c0_i32_0 = arith.constant 0 : i32
    return %arg0, %c0_i32 : i32, i32
  }
  func.func @transform_1(%arg0: i32) -> (i32, i32) {
    %c0_i32 = arith.constant 0 : i32
    %c0_i32_0 = arith.constant 0 : i32
    return %arg0, %c0_i32 : i32, i32
  }
  func.func @transform_2(%arg0: i32) -> (i32, i32, i32) {
    %c0_i32 = arith.constant 0 : i32
    %c0_i32_0 = arith.constant 0 : i32
    %c0_i32_1 = arith.constant 0 : i32
    return %c0_i32, %arg0, %c0_i32_0 : i32, i32, i32
  }
  func.func @transform_3(%arg0: i32) -> (i32, i32, i32) {
    %c0_i32 = arith.constant 0 : i32
    %c0_i32_0 = arith.constant 0 : i32
    %c0_i32_1 = arith.constant 0 : i32
    return %c0_i32, %arg0, %c0_i32_0 : i32, i32, i32
  }
  func.func @transform_4(%arg0: i32) -> (i32, i32) {
    %c0_i32 = arith.constant 0 : i32
    %c0_i32_0 = arith.constant 0 : i32
    return %c0_i32, %arg0 : i32, i32
  }
  func.func @transform_5(%arg0: i32) -> (i32, i32) {
    %c0_i32 = arith.constant 0 : i32
    %c0_i32_0 = arith.constant 0 : i32
    %c0_i32_1 = arith.constant 0 : i32
    return %c0_i32, %c0_i32_0 : i32, i32
  }
  func.func @transform_6(%arg0: i32) -> (i32, i32) {
    %c0_i32 = arith.constant 0 : i32
    %c0_i32_0 = arith.constant 0 : i32
    %c0_i32_1 = arith.constant 0 : i32
    return %c0_i32, %c0_i32_0 : i32, i32
  }
  func.func @transform_7(%arg0: i32) -> (i32, i32) {
    %c0_i32 = arith.constant 0 : i32
    %c0_i32_0 = arith.constant 0 : i32
    %c0_i32_1 = arith.constant 0 : i32
    return %c0_i32, %c0_i32_0 : i32, i32
  }
  func.func @transform_8(%arg0: i32) -> (i32, i32) {
    %c0_i32 = arith.constant 0 : i32
    %c0_i32_0 = arith.constant 0 : i32
    %c0_i32_1 = arith.constant 0 : i32
    return %c0_i32, %c0_i32_0 : i32, i32
  }
  func.func @transform_9(%arg0: i32) -> (i32, i32) {
    %c0_i32 = arith.constant 0 : i32
    %c0_i32_0 = arith.constant 0 : i32
    %c0_i32_1 = arith.constant 0 : i32
    return %c0_i32, %c0_i32_0 : i32, i32
  }
  func.func @transform_10(%arg0: i32) -> (i32, i32) {
    %c0_i32 = arith.constant 0 : i32
    %c0_i32_0 = arith.constant 0 : i32
    %c0_i32_1 = arith.constant 0 : i32
    return %c0_i32, %c0_i32_0 : i32, i32
  }
  func.func @transform_11(%arg0: i32) -> (i32, i32) {
    %c0_i32 = arith.constant 0 : i32
    %c0_i32_0 = arith.constant 0 : i32
    %c0_i32_1 = arith.constant 0 : i32
    return %c0_i32, %c0_i32_0 : i32, i32
  }
  func.func @transform_12(%arg0: i32) -> (i32, i32) {
    %c0_i32 = arith.constant 0 : i32
    %c0_i32_0 = arith.constant 0 : i32
    %c0_i32_1 = arith.constant 0 : i32
    return %c0_i32, %c0_i32_0 : i32, i32
  }
  func.func @transform_13(%arg0: i32) -> (i32, i32) {
    %c0_i32 = arith.constant 0 : i32
    %c0_i32_0 = arith.constant 0 : i32
    %c0_i32_1 = arith.constant 0 : i32
    return %c0_i32, %c0_i32_0 : i32, i32
  }
  func.func @transform_14(%arg0: i32) -> (i32, i32) {
    %c0_i32 = arith.constant 0 : i32
    %c0_i32_0 = arith.constant 0 : i32
    %c0_i32_1 = arith.constant 0 : i32
    return %c0_i32, %c0_i32_0 : i32, i32
  }
  func.func @transform_15(%arg0: i32) -> (i32, i32) {
    %c0_i32 = arith.constant 0 : i32
    %c0_i32_0 = arith.constant 0 : i32
    %c0_i32_1 = arith.constant 0 : i32
    return %c0_i32, %c0_i32_0 : i32, i32
  }
  func.func @transform_16(%arg0: i32) -> (i32, i32) {
    %c0_i32 = arith.constant 0 : i32
    %c0_i32_0 = arith.constant 0 : i32
    %c0_i32_1 = arith.constant 0 : i32
    return %c0_i32, %c0_i32_0 : i32, i32
  }
  func.func @transform_17(%arg0: i32) -> (i32, i32) {
    %c0_i32 = arith.constant 0 : i32
    %c0_i32_0 = arith.constant 0 : i32
    %c0_i32_1 = arith.constant 0 : i32
    return %c0_i32, %c0_i32_0 : i32, i32
  }
  func.func @transform_18(%arg0: i32) -> (i32, i32) {
    %c0_i32 = arith.constant 0 : i32
    %c0_i32_0 = arith.constant 0 : i32
    return %arg0, %c0_i32 : i32, i32
  }
}

module attributes {stable_mosaic.version = 14 : i64} {
  func.func @body(%arg0: i32, %arg1: memref<3x512x128xf32, #tpu.memory_space<vmem>>, %arg2: memref<128x128xf32, #tpu.memory_space<vmem>>, %arg3: memref<128x128xf32, #tpu.memory_space<vmem>>, %arg4: memref<1x128xf32, #tpu.memory_space<vmem>>, %arg5: memref<128x1xf32, #tpu.memory_space<vmem>>, %arg6: memref<1x1xf32, #tpu.memory_space<vmem>>, %arg7: memref<2x512x1xf32, #tpu.memory_space<vmem>>) attributes {dimension_semantics = [#tpu.dimension_semantics<arbitrary>], iteration_bounds = array<i64: 8>, scalar_prefetch = 0 : i64, scratch_operands = 0 : i64, tpu.core_type = #tpu.core_type<tc>, window_params = [{transform_indices = @transform_0, window_bounds = array<i64: 3, 512, 128>}, {pipeline_mode = #tpu.pipeline_mode<synchronous>, transform_indices = @transform_1, window_bounds = array<i64: 128, 128>}, {pipeline_mode = #tpu.pipeline_mode<synchronous>, transform_indices = @transform_2, window_bounds = array<i64: 128, 128>}, {pipeline_mode = #tpu.pipeline_mode<synchronous>, transform_indices = @transform_3, window_bounds = array<i64: 1, 128>}, {pipeline_mode = #tpu.pipeline_mode<synchronous>, transform_indices = @transform_4, window_bounds = array<i64: 128, 1>}, {pipeline_mode = #tpu.pipeline_mode<synchronous>, transform_indices = @transform_5, window_bounds = array<i64: 1, 1>}, {transform_indices = @transform_6, window_bounds = array<i64: 2, 512, 1>}]} {
    %get3A = arith.constant 0 : index
    %get3A_0 = arith.constant 0 : index
    %get3A_1 = arith.constant 0 : index
    %get3A_2 = vector.load %arg1[%get3A, %get3A_0, %get3A_1] : memref<3x512x128xf32, #tpu.memory_space<vmem>>, vector<1x512x128xf32>
    %get3A_3 = vector.shape_cast %get3A_2 : vector<1x512x128xf32> to vector<512x128xf32>
    %get3A_4 = arith.constant 0 : index
    %get3A_5 = arith.constant 0 : index
    %get3A_6 = vector.load %arg2[%get3A_4, %get3A_5] : memref<128x128xf32, #tpu.memory_space<vmem>>, vector<128x128xf32>
    %dot_general3A = arith.constant dense<0.000000e+00> : vector<512x128xf32>
    %dot_general3A_7 = tpu.matmul %get3A_3, %get3A_6, %dot_general3A {dimension_numbers = #tpu.dot_dimension_numbers<[1], [0], [0], [1], [0, 0, 1, 1], [], []>, transpose_lhs_hint = false} : vector<512x128xf32>, vector<128x128xf32>, vector<512x128xf32> -> vector<512x128xf32>
    %get3A_8 = arith.constant 1 : index
    %get3A_9 = arith.constant 0 : index
    %get3A_10 = arith.constant 0 : index
    %get3A_11 = vector.load %arg1[%get3A_8, %get3A_9, %get3A_10] : memref<3x512x128xf32, #tpu.memory_space<vmem>>, vector<1x512x128xf32>
    %get3A_12 = vector.shape_cast %get3A_11 : vector<1x512x128xf32> to vector<512x128xf32>
    %get3A_13 = arith.constant 0 : index
    %get3A_14 = arith.constant 0 : index
    %get3A_15 = vector.load %arg3[%get3A_13, %get3A_14] : memref<128x128xf32, #tpu.memory_space<vmem>>, vector<128x128xf32>
    %dot_general3A_16 = arith.constant dense<0.000000e+00> : vector<512x128xf32>
    %dot_general3A_17 = tpu.matmul %get3A_12, %get3A_15, %dot_general3A_16 {dimension_numbers = #tpu.dot_dimension_numbers<[1], [0], [0], [1], [0, 0, 1, 1], [], []>, transpose_lhs_hint = false} : vector<512x128xf32>, vector<128x128xf32>, vector<512x128xf32> -> vector<512x128xf32>
    %add3A = arith.addf %dot_general3A_7, %dot_general3A_17 : vector<512x128xf32>
    %get3A_18 = arith.constant 0 : index
    %get3A_19 = arith.constant 0 : index
    %get3A_20 = vector.load %arg4[%get3A_18, %get3A_19] : memref<1x128xf32, #tpu.memory_space<vmem>>, vector<1x128xf32>
    %add3A_21 = vector.broadcast %get3A_20 : vector<1x128xf32> to vector<512x128xf32>
    %add3A_22 = arith.addf %add3A, %add3A_21 : vector<512x128xf32>
    %max3A = arith.constant 0.000000e+00 : f32
    %max3A_23 = vector.broadcast %max3A : f32 to vector<512x128xf32>
    %max3A_24 = arith.maximumf %add3A_22, %max3A_23 : vector<512x128xf32>
    %get3A_25 = arith.constant 2 : index
    %get3A_26 = arith.constant 0 : index
    %get3A_27 = arith.constant 0 : index
    %get3A_28 = vector.load %arg1[%get3A_25, %get3A_26, %get3A_27] : memref<3x512x128xf32, #tpu.memory_space<vmem>>, vector<1x512x128xf32>
    %get3A_29 = vector.shape_cast %get3A_28 : vector<1x512x128xf32> to vector<512x128xf32>
    %get3A_30 = arith.constant 0 : index
    %get3A_31 = arith.constant 0 : index
    %get3A_32 = vector.load %arg3[%get3A_30, %get3A_31] : memref<128x128xf32, #tpu.memory_space<vmem>>, vector<128x128xf32>
    %dot_general3A_33 = arith.constant dense<0.000000e+00> : vector<512x128xf32>
    %dot_general3A_34 = tpu.matmul %get3A_29, %get3A_32, %dot_general3A_33 {dimension_numbers = #tpu.dot_dimension_numbers<[1], [0], [0], [1], [0, 0, 1, 1], [], []>, transpose_lhs_hint = false} : vector<512x128xf32>, vector<128x128xf32>, vector<512x128xf32> -> vector<512x128xf32>
    %add3A_35 = arith.addf %dot_general3A_7, %dot_general3A_34 : vector<512x128xf32>
    %get3A_36 = arith.constant 0 : index
    %get3A_37 = arith.constant 0 : index
    %get3A_38 = vector.load %arg4[%get3A_36, %get3A_37] : memref<1x128xf32, #tpu.memory_space<vmem>>, vector<1x128xf32>
    %add3A_39 = vector.broadcast %get3A_38 : vector<1x128xf32> to vector<512x128xf32>
    %add3A_40 = arith.addf %add3A_35, %add3A_39 : vector<512x128xf32>
    %max3A_41 = arith.constant 0.000000e+00 : f32
    %max3A_42 = vector.broadcast %max3A_41 : f32 to vector<512x128xf32>
    %max3A_43 = arith.maximumf %add3A_40, %max3A_42 : vector<512x128xf32>
    %get3A_44 = arith.constant 0 : index
    %get3A_45 = arith.constant 0 : index
    %get3A_46 = vector.load %arg5[%get3A_44, %get3A_45] : memref<128x1xf32, #tpu.memory_space<vmem>>, vector<128x1xf32>
    %dot_general3A_47 = arith.constant dense<0.000000e+00> : vector<512x1xf32>
    %dot_general3A_48 = tpu.matmul %max3A_24, %get3A_46, %dot_general3A_47 {dimension_numbers = #tpu.dot_dimension_numbers<[1], [0], [0], [1], [0, 0, 1, 1], [], []>, transpose_lhs_hint = false} : vector<512x128xf32>, vector<128x1xf32>, vector<512x1xf32> -> vector<512x1xf32>
    %get3A_49 = arith.constant 0 : index
    %get3A_50 = arith.constant 0 : index
    %get3A_51 = vector.load %arg6[%get3A_49, %get3A_50] : memref<1x1xf32, #tpu.memory_space<vmem>>, vector<1x1xf32>
    %add3A_52 = vector.broadcast %get3A_51 : vector<1x1xf32> to vector<512x1xf32>
    %add3A_53 = arith.addf %dot_general3A_48, %add3A_52 : vector<512x1xf32>
    %swap3A = arith.constant 0 : index
    %swap3A_54 = arith.constant 0 : index
    %swap3A_55 = arith.constant 0 : index
    %swap3A_56 = vector.load %arg7[%swap3A, %swap3A_54, %swap3A_55] : memref<2x512x1xf32, #tpu.memory_space<vmem>>, vector<1x512x1xf32>
    %swap3A_57 = vector.shape_cast %swap3A_56 : vector<1x512x1xf32> to vector<512x1xf32>
    %swap3A_58 = vector.shape_cast %add3A_53 : vector<512x1xf32> to vector<1x512x1xf32>
    tpu.vector_store %arg7[%swap3A, %swap3A_54, %swap3A_55], %swap3A_58 {strides = array<i32>} : memref<2x512x1xf32, #tpu.memory_space<vmem>>, vector<1x512x1xf32>,
    %get3A_59 = arith.constant 0 : index
    %get3A_60 = arith.constant 0 : index
    %get3A_61 = vector.load %arg5[%get3A_59, %get3A_60] : memref<128x1xf32, #tpu.memory_space<vmem>>, vector<128x1xf32>
    %dot_general3A_62 = arith.constant dense<0.000000e+00> : vector<512x1xf32>
    %dot_general3A_63 = tpu.matmul %max3A_43, %get3A_61, %dot_general3A_62 {dimension_numbers = #tpu.dot_dimension_numbers<[1], [0], [0], [1], [0, 0, 1, 1], [], []>, transpose_lhs_hint = false} : vector<512x128xf32>, vector<128x1xf32>, vector<512x1xf32> -> vector<512x1xf32>
    %get3A_64 = arith.constant 0 : index
    %get3A_65 = arith.constant 0 : index
    %get3A_66 = vector.load %arg6[%get3A_64, %get3A_65] : memref<1x1xf32, #tpu.memory_space<vmem>>, vector<1x1xf32>
    %add3A_67 = vector.broadcast %get3A_66 : vector<1x1xf32> to vector<512x1xf32>
    %add3A_68 = arith.addf %dot_general3A_63, %add3A_67 : vector<512x1xf32>
    %swap3A_69 = arith.constant 1 : index
    %swap3A_70 = arith.constant 0 : index
    %swap3A_71 = arith.constant 0 : index
    %swap3A_72 = vector.load %arg7[%swap3A_69, %swap3A_70, %swap3A_71] : memref<2x512x1xf32, #tpu.memory_space<vmem>>, vector<1x512x1xf32>
    %swap3A_73 = vector.shape_cast %swap3A_72 : vector<1x512x1xf32> to vector<512x1xf32>
    %swap3A_74 = vector.shape_cast %add3A_68 : vector<512x1xf32> to vector<1x512x1xf32>
    tpu.vector_store %arg7[%swap3A_69, %swap3A_70, %swap3A_71], %swap3A_74 {strides = array<i32>} : memref<2x512x1xf32, #tpu.memory_space<vmem>>, vector<1x512x1xf32>,
    return
  }
  func.func @transform_0(%arg0: i32) -> (i32, i32, i32) {
    %c0_i32 = arith.constant 0 : i32
    %c0_i32_0 = arith.constant 0 : i32
    %c0_i32_1 = arith.constant 0 : i32
    return %c0_i32, %arg0, %c0_i32_0 : i32, i32, i32
  }
  func.func @transform_1(%arg0: i32) -> (i32, i32) {
    %c0_i32 = arith.constant 0 : i32
    %c0_i32_0 = arith.constant 0 : i32
    %c0_i32_1 = arith.constant 0 : i32
    return %c0_i32, %c0_i32_0 : i32, i32
  }
  func.func @transform_2(%arg0: i32) -> (i32, i32) {
    %c0_i32 = arith.constant 0 : i32
    %c0_i32_0 = arith.constant 0 : i32
    %c0_i32_1 = arith.constant 0 : i32
    return %c0_i32, %c0_i32_0 : i32, i32
  }
  func.func @transform_3(%arg0: i32) -> (i32, i32) {
    %c0_i32 = arith.constant 0 : i32
    %c0_i32_0 = arith.constant 0 : i32
    %c0_i32_1 = arith.constant 0 : i32
    return %c0_i32, %c0_i32_0 : i32, i32
  }
  func.func @transform_4(%arg0: i32) -> (i32, i32) {
    %c0_i32 = arith.constant 0 : i32
    %c0_i32_0 = arith.constant 0 : i32
    %c0_i32_1 = arith.constant 0 : i32
    return %c0_i32, %c0_i32_0 : i32, i32
  }
  func.func @transform_5(%arg0: i32) -> (i32, i32) {
    %c0_i32 = arith.constant 0 : i32
    %c0_i32_0 = arith.constant 0 : i32
    %c0_i32_1 = arith.constant 0 : i32
    return %c0_i32, %c0_i32_0 : i32, i32
  }
  func.func @transform_6(%arg0: i32) -> (i32, i32, i32) {
    %c0_i32 = arith.constant 0 : i32
    %c0_i32_0 = arith.constant 0 : i32
    %c0_i32_1 = arith.constant 0 : i32
    return %c0_i32, %arg0, %c0_i32_0 : i32, i32, i32
  }
}

</mosaic_0001>

<sc_bundles>
// kernel: gather_offload_async_start
scs
__scs_entry_jumppad:
0x0: {  	(pc) =	sbr.rel $0x88, $3  }
0x1: {  	(tag) =	ssettag $0x0;
	lr =	simm.s32 $0x1  }
0x2: {  	[smem:$0x3F7E] =	sst lr;
	_ =	strace $0xD0000000  }
0x3: {  	_ = 	snop  }
0x4: {  	_ = 	snop  }
0x5: {  	_ = 	snop  }
0x6: {  	_ = 	snop  }
0x7: {  	_ = 	snop  }
__scs_overlays_trampoline_lowered:
0x8: {  	[smem:$0x3F8D] =	sst s0  }
0x9: {  	[smem:$0x3F8E] =	sst s1  }
0xa: {  	[smem:$0x3F8F] =	sst s2  }
0xb: {  	[smem:$0x3F90] =	sst s3  }
0xc: {  	[smem:$0x3F91] =	sst s4  }
0xd: {  	[smem:$0x3F92] =	sst s5  }
0xe: {  	[smem:$0x3F93] =	sst s6  }
0xf: {  	[smem:$0x3F94] =	sst s7  }
0x10: {  	[smem:$0x3F95] =	sst s8  }
0x11: {  	[smem:$0x3F96] =	sst s9;
	s0 =	simm.s32 @!p0 $0x0  }
0x12: {  	s1 =	sld [smem:$0x3F7C];
	s0 =	simm.s32 @p0 $0x1  }
0x13: {  	[smem:$0x3F97] =	sst s0;
	s0 =	simm.s32 @!p1 $0x0  }
0x14: {  	s2 =	sld [smem:$0x3F7B];
	s0 =	simm.s32 @p1 $0x1  }
0x15: {  	[smem:$0x3F98] =	sst s0;
	s0 =	simm.s32 @!p2 $0x0  }
0x16: {  	s3 =	sld [smem:$0x3FDB];
	s0 =	simm.s32 @p2 $0x1  }
0x17: {  	s4 =	simm.s32 $0x1BF5;
	[smem:$0x3F9A] =	sst s0  }
0x18: {  	s0 =	sld [smem:$0x3F7D];
	_ =	swait.ge [sflag:s4], $0x0  }
0x19: {  	s7 =	sld [smem:$0x3F7E]  }
0x1a: {  	s8 =	sadd.s32 $0xFFFFE003, lr  }
0x1b: {  	s9 =	sadd.s32 $0xFFFFFEF7, lr;
	s5 =	simm.s32 $0xFFFFFFFF;
	p2 =	slt.u32 s8, $0xFFFFF086  }
0x1c: {  	p1 =	slt.u32 s9, $0xF7A;
	s5 =	simm.s32 @!p2 $0x0  }
0x1d: {  	s5 =	simm.s32 @p1 $0x1;
	p0 =	seq.s32 s7, s2  }
0x1e: {  	s7 =	smul.u32 @!p0 $0xF7A, s2;
	p2 =	seq.s32 @!p0 s5, $0x0  }
0x1f: {  	s9 =	smul.u32 $0xF7A, s1;
	s8 =	simm.s32 @!p0 $0x1BF5;
	p2 =	por !p2, p0  }
0x20: {  	[sflag:s8] =	ssyncset.s32 @!p0 $0xFFFFF086;
	s6 =	sadd.s32 @!p0 s3, s7;
	s7 =	simm.s32 @!p0 $0x108  }
0x21: {  	s3 =	sadd.s32 s3, s9;
	s6 =	sadd.s32 @!p0 $0x88, s6;
	s7 =	simm.s32 @p2 $0x1082  }
0x22: {  	[simem:s7], [sflag:s8] =	dma.local @!p0 [hbm:s6], $0xF7A  }
0x23: {  	s9 =	sor.u32 $0xD0000000, s2;
	s6 =	simm.s32 $0x108;
	_ =	swait.ge @!p0 [sflag:s8], $0x0  }
0x24: {  	s3 =	sadd.s32 $0x88, s3;
	s6 =	simm.s32 @!p1 $0x1082;
	[sflag:s4] =	ssyncset.s32 $0xFFFFF086  }
0x25: {  	[simem:s6], [sflag:s4] =	dma.local [hbm:s3], $0xF7A  }
0x26: {  	[smem:$0x3F7E] =	sst s1;
	(tag) =	ssettag s2;
	_ =	strace s9  }
0x27: {  	s1 =	sld [smem:$0x3F8E]  }
0x28: {  	s2 =	sld [smem:$0x3F8F]  }
0x29: {  	s4 =	sld [smem:$0x3F91]  }
0x2a: {  	p0 =	seq.s32 s5, $0x0;
	s5 =	sld [smem:$0x3F92]  }
0x2b: {  	s6 =	sld [smem:$0x3F93]  }
0x2c: {  	s7 =	sld [smem:$0x3F94]  }
0x2d: {  	s3 =	simm.s32 $0x108;
	s8 =	sld [smem:$0x3F95]  }
0x2e: {  	s3 =	simm.s32 @!p0 $0x1082;
	s9 =	sld [smem:$0x3F96]  }
0x2f: {  	lr =	sadd.s32 s0, s3;
	s0 =	sld [smem:$0x3F8D]  }
0x30: {  	s3 =	sld [smem:$0x3F90]  }
0x31: {  	[smem:$0x3F99] =	sst s10  }
0x32: {  	s10 =	sld [smem:$0x3F97];
	_ =	sdelay $0x3  }
0x33: {  	p0 =	seq.s32 s10, $0x1;
	s10 =	sld [smem:$0x3F99];
	_ =	sdelay $0x3  }
0x34: {  	[smem:$0x3F99] =	sst s10  }
0x35: {  	s10 =	sld [smem:$0x3F98];
	_ =	sdelay $0x3  }
0x36: {  	p1 =	seq.s32 s10, $0x1;
	s10 =	sld [smem:$0x3F99];
	_ =	sdelay $0x3  }
0x37: {  	[smem:$0x3F99] =	sst s10  }
0x38: {  	s10 =	sld [smem:$0x3F9A]  }
0x39: {  	_ = 	snop;
	(pc) =	sbr.ind lr, $3  }
0x3a: {  	_ = 	snop  }
0x3b: {  	_ = 	snop  }
0x3c: {  	p2 =	seq.s32 s10, $0x1;
	s10 =	sld [smem:$0x3F99]  }
0x3d: {  	_ =	shalt  }
0x3e: {  	_ =	shalt  }
0x3f: {  	_ =	shalt  }
0x40: {  	_ =	shalt  }
0x41: {  	_ =	shalt  }
0x42: {  	_ =	shalt  }
0x43: {  	_ =	shalt  }
0x44: {  	_ =	shalt  }
0x45: {  	_ =	shalt  }
0x46: {  	_ =	shalt  }
0x47: {  	_ =	shalt  }
0x48: {  	_ =	shalt  }
0x49: {  	_ =	shalt  }
0x4a: {  	_ =	shalt  }
0x4b: {  	_ =	shalt  }
0x4c: {  	_ =	shalt  }
0x4d: {  	_ =	shalt  }
0x4e: {  	_ =	shalt  }
0x4f: {  	_ =	shalt  }
0x50: {  	_ =	shalt  }
0x51: {  	_ =	shalt  }
0x52: {  	_ =	shalt  }
0x53: {  	_ =	shalt  }
0x54: {  	_ =	shalt  }
0x55: {  	_ =	shalt  }
0x56: {  	_ =	shalt  }
0x57: {  	_ =	shalt  }
0x58: {  	_ =	shalt  }
0x59: {  	_ =	shalt  }
0x5a: {  	_ =	shalt  }
0x5b: {  	_ =	shalt  }
0x5c: {  	_ =	shalt  }
0x5d: {  	_ =	shalt  }
0x5e: {  	_ =	shalt  }
0x5f: {  	_ =	shalt  }
0x60: {  	_ =	shalt  }
0x61: {  	_ =	shalt  }
0x62: {  	_ =	shalt  }
0x63: {  	_ =	shalt  }
0x64: {  	_ =	shalt  }
0x65: {  	_ =	shalt  }
0x66: {  	_ =	shalt  }
0x67: {  	_ =	shalt  }
0x68: {  	_ =	shalt  }
0x69: {  	_ =	shalt  }
0x6a: {  	_ =	shalt  }
0x6b: {  	_ =	shalt  }
0x6c: {  	_ =	shalt  }
0x6d: {  	_ =	shalt  }
0x6e: {  	_ =	shalt  }
0x6f: {  	_ =	shalt  }
0x70: {  	_ =	shalt  }
0x71: {  	_ =	shalt  }
0x72: {  	_ =	shalt  }
0x73: {  	_ =	shalt  }
0x74: {  	_ =	shalt  }
0x75: {  	_ =	shalt  }
0x76: {  	_ =	shalt  }
0x77: {  	_ =	shalt  }
0x78: {  	_ =	shalt  }
0x79: {  	_ =	shalt  }
0x7a: {  	_ =	shalt  }
0x7b: {  	_ =	shalt  }
0x7c: {  	_ =	shalt  }
0x7d: {  	_ =	shalt  }
0x7e: {  	_ =	shalt  }
0x7f: {  	_ =	shalt  }
0x80: {  	_ =	shalt  }
0x81: {  	_ =	shalt  }
0x82: {  	_ =	shalt  }
0x83: {  	_ =	shalt  }
0x84: {  	_ =	shalt  }
0x85: {  	_ =	shalt  }
0x86: {  	_ =	shalt  }
0x87: {  	_ =	shalt  }
.Lfunc_end0:
.L_simem_size_0:
called_computation.1_lowered:
.L_overlay_start_0:
0x88: {  	s2 =	sld [smem:$0x3FD9]  }
0x89: {  	s3 =	sld [smem:$0x3FFE];
	_ =	sdelay $0x1  }
0x8a: {  	s1 =	srdreg.scid  }
0x8b: {  	s0 =	sand.u32 $0x1, s1  }
0x8c: {  	s17 =	sshll.u32 s0, $0xA;
	s2 =	sadd.s32 s3, s2  }
0x8d: {  	s2 =	sadd.s32 s2, s17  }
0x8e: {  	[smem:$0x3FA5] =	sst s2  }
0x8f: {  	_ = 	snop  }
0x90: {  	s2 =	sld [smem:$0x3FD0];
	(tm) =	ssettm $0x1  }
0x91: {  	s18 =	sld [smem:$0x3FFB];
	_ =	sdelay $0x3  }
0x92: {  	_ =	strace s18  }
0x93: {  	s3 =	sld [smem:$0x3FFC];
	_ =	sdelay $0x3  }
0x94: {  	_ =	strace s3  }
0x95: {  	s3 =	sld [smem:$0x3FFD];
	_ =	sdelay $0x3  }
0x96: {  	_ =	strace s3  }
0x97: {  	_ =	strace $0x8FFFFFFF  }
0x98: {  	s19 =	sld [smem:$0x3FDB];
	_ =	sdelay $0x1  }
0x99: {  	s4 =	simm.s32 $_scs_section_size  }
0x9a: {  	s5 =	simm.s32 $_size__tile_overlayer_lowered;
	s6 =	simm.s32 $_tile_overlayer_lowered  }
0x9b: {  	s22 =	simm.s32 $0x1BFF;
	s21 =	sshll.u32 s6, $0x1;
	s3 =	sadd.s32 s4, s19  }
0x9c: {  	s7 =	simm.s32 $0x0;
	s20 =	sshll.u32 s5, $0x1;
	s5 =	sadd.s32 s21, s3  }
0x9d: {  	[timem:s7], [sflag:s22] =	dma.local [hbm:s5], s20  }
0x9e: {  	_ =	swait.ge [sflag:s22], s20  }
0x9f: {  	s4 =	ssub.s32 $0x0, s20;
	[sflag:s22] =	ssyncset.done $0x0  }
0xa0: {  	[sflag:s22] =	ssyncadd.s32 s4;
	_ =	sdelay $0x1  }
0xa1: {  	s23 =	simm.s32 $0x1B8B  }
0xa2: {  	_ =	swait.ge [sflag:s23], $0x1  }
0xa3: {  	[sflag:s23] =	ssyncset.done $0x0  }
0xa4: {  	s25 =	simm.s32 $0x1B8E;
	s24 =	sld [smem:$0x3FFE];
	[sflag:s23] =	ssyncadd.s32 $0xFFFFFFFF  }
0xa5: {  	s26 =	simm.s32 $execute0_lowered;
	[smem:$0x3FD2] =	sst s25  }
0xa6: {  	s5 =	sshll.u32 s26, $0x1;
	_ =	strace $0x80000049;
	[dreg:$0x1] =	wrdreg $0xFFFFFFFF  }
0xa7: {  	s28 =	simm.s32 $_size_execute0_lowered;
	s3 =	sadd.s32 s3, s5;
	[dreg:$0x0] =	wrdreg $0x0  }
0xa8: {  	s5 =	sshll.u32 s28, $0x1;
	[dreg:$0x2] =	wrdreg s3  }
0xa9: {  	[dreg:$0x3] =	wrdreg s5  }
0xaa: {  	[dreg:$0x4] =	wrdreg $0xC0  }
0xab: {  	_ =	task [dreg:s7], $0x5FFFF  }
0xac: {  	[dreg:$0x1] =	wrdreg $0xFFFFFFFF  }
0xad: {  	[dreg:$0x0] =	wrdreg $0x60  }
0xae: {  	[dreg:$0x2] =	wrdreg s24  }
0xaf: {  	[dreg:$0x3] =	wrdreg s2  }
0xb0: {  	[dreg:$0x4] =	wrdreg $0x9  }
0xb1: {  	_ =	task.clear_ibuf [dreg:s7], $0x5FFFF;
	_ =	strace $0x90000049  }
0xb2: {  	s29 =	simm.s32 $0x9;
	_ =	strace $0x8000004B  }
0xb3: {  	_ =	swait.ge [sflag:s29], $0x1  }
0xb4: {  	[sflag:s29] =	ssyncadd.s32 $0xFFFFFFFF  }
0xb5: {  	_ =	strace $0x9000004B  }
0xb6: {  	_ =	sfence  }
0xb7: {  	s30 =	sld [smem:$0x0];
	_ =	sdelay $0x2  }
0xb8: {  	s31 =	sshll.u32 s1, $0xD;
	s1 =	sshrl.u32 s1, $0x2  }
0xb9: {  	s3 =	sand.u32 $0x4000, s31;
	s1 =	sadd.s32 s1, s30  }
0xba: {  	s0 =	sor.u32 s3, s0;
	s1 =	sshll.u32 s1, $0x11  }
0xbb: {  	s0 =	sor.u32 s1, s0  }
0xbc: {  	s0 =	sadd.s32 $0x8F2B, s0  }
0xbd: {  	[sflag:s0] =	ssyncadd.remote.s32 $0x1  }
0xbe: {  	_ =	sfence.sel $0xFFFF  }
0xbf: {  	[dreg:$0x0] =	wrdreg $0xFFFFFFFF;
	(pc) =	sbr.abs _section_cstart, $3  }
0xc0: {  	[dreg:$0x1] =	wrdreg $0xFFFFFFFF  }
0xc1: {  	_ =	task.clear_ibuf [dreg:s7], $0x2FFFF;
	_ =	strace $0x9FFFFFFF  }
0xc2: {  	(tm) =	ssettm $0x7FFFFFFF  }
0xc3: {  	_ =	shalt  }
tec
execute0_lowered:
.L_overlay_start_1:
0x0: {  	(tag) =	ssettag $0x1  }
0x1: {  	s5 =	rddreg [dreg:$0x0];
	s0 =	srdreg.scid  }
0x2: {  	s2 =	rddreg [dreg:$0x1];
	s1 =	stileid.u32;
	s6 =	simm.s32 $0x1  }
0x3: {  	s9 =	simm.s32 $0x1;
	s10 =	simm.s32 $0x3;
	s3 =	sshll.u32 s0, $0x7  }
0x4: {  	s13 =	simm.s32 $0x0;
	s4 =	sshll.u32 s1, $0x8;
	s3 =	sand.u32 $0x80, s3  }
0x5: {  	s0 =	rddreg [dreg:$0x2];
	_ =	strace $0x8000004A;
	s3 =	sor.u32 s4, s3  }
0x6: {  	s12 =	simm.s32 $0x0;
	[sflag:s6] =	ssyncpa.u1 $0x0;
	s8 =	ssub.s32 $0x2000, s3  }
.Ltmp0:
0x7: {  	s4 =	sadd.s32 $0xC3CE00, s5;
	s7 =	sand.u32 $0xF80, s8;
	(pc) =	sbr.rel .LBB2_1-.Ltmp0, $4  }
0x8: {  	s5 =	sadd.s32 $0x7600, s5;
	s11 =	smov.u32 s3;
	p0 =	sne.s32 s7, $0x0  }
0x9: {  	s8 =	sshrl.u32 s8, $0xC;
	s7 =	simm.s32 $0x2;
	s9 =	simm.s32 @!p0 $0x0  }
0xa: {  	[sflag:s7] =	ssyncpa.u1 $0x0;
	p0 =	por $0x0, $0x0;
	s8 =	sadd.s32 s9, s8  }
0xb: {  	vm0 =	vmmov $0xffff;
	[sflag:s10] =	ssyncpa.u1 $0x0;
	s10 =	simm.s32 $0x0;
	s9 =	sadd.s32 $0x1, s8  }
.LBB2_4:
0xc: {  	v2 =	vnsel vm1, $0x0, v2  }
0xd: {  	vm1 =	vgt.s32 v0, $0x0;
	v2 =	vmin.u32 v2, $0xC34F  }
0xe: {  	v0 =	vnsel vm1, $0x0, v0  }
0xf: {  	v0 =	vmin.u32 v0, $0xC34F  }
0x10: {  	[tilespmem:s15], [sflag:$0x1] =	stream.indirect_vreg.gather [hbm4b:s4+s10], $0x1, v1, vm0, $0x4038;
	[tilespmem:$0x200] =	vst v63  }
0x11: {  	(ifvalue) =	ssetifvalue $0x7FFFFFFF  }
0x12: {  	[tilespmem:s16], [sflag:$0x1] =	stream.indirect_vreg.gather [hbm4b:s4+s10], $0x1, v2, vm0, $0x4038;
	[tilespmem:$0x200] =	vst v63  }
0x13: {  	s29 =	sadd.s32 $0x10, s16;
	(ifvalue) =	ssetifvalue $0x7FFFFFFF  }
0x14: {  	[tilespmem:s29], [sflag:$0x1] =	stream.indirect_vreg.gather [hbm4b:s4+s10], $0x1, v0, vm0, $0x4038;
	[tilespmem:$0x200] =	vst v63  }
0x15: {  	_ =	swait.ge [sflag:s6], $0x80  }
0x16: {  	s30 =	sshrl.u32 s13, $0x3;
	[sflag:s6] =	ssyncset.done $0x0  }
0x17: {  	s31 =	sand.u32 $0x7, s13;
	s15 =	sadd.s32 s2, s30;
	[sflag:s6] =	ssyncadd.s32 $0xFFFFFF80  }
0x18: {  	[hbm4b:s15+s31] =	stream.linear.scatter [tilespmem:s14], [sflag:$0x3], $0x80, $0x38;
	[tilespmem:$0x200] =	vst v63  }
.LBB2_5:
0x19: {  	s15 =	sadd.s32 $0x1000, s11  }
0x1a: {  	p2 =	sgt.s32 s15, $0x1FFF  }
0x1b: {  	s15 =	smov.u32 @p2 s3;
	p2 =	sne.s32 s12, s9  }
.Ltmp1:
0x1c: {  	p1 =	slt.u32 s12, $0x2;
	(pc) =	sbr.rel @!p2 .LBB2_6-.Ltmp1, $4  }
0x1d: {  	s14 =	simm.s32 @!p1 $0x3  }
0x1e: {  	s16 =	sadd.s32 $0x1, s12;
	_ =	swait.ge @!p1 [sflag:s14], $0x80  }
0x1f: {  	s13 =	smov.u32 s11;
	p0 =	por !p0, !p0;
	[sflag:s14] =	ssyncset.done @!p1 $0x0  }
0x20: {  	s12 =	smov.u32 s16;
	s11 =	smov.u32 s15;
	[sflag:s14] =	ssyncadd.s32 @!p1 $0xFFFFFF80  }
.LBB2_1:
0x21: {  	p1 =	sge.u32 s12, s8  }
0x22: {  	s14 =	sxor.u32 @!p1 $0xFFFFFFFF, s12  }
0x23: {  	s31 =	sadd.s32 $0xFFFFFFFF, s12;
	s15 =	sshrl.u32 @!p1 s11, $0x3;
	s14 =	sshll.u32 @!p1 s14, $0x7  }
0x24: {  	s16 =	sand.u32 @!p1 $0x7, s11;
	s15 =	sadd.s32 @!p1 s5, s15;
	s14 =	sand.u32 @!p1 $0x80, s14  }
0x25: {  	[tilespmem:s14], [sflag:$0x2] =	stream.linear.gather @!p1 [hbm4b:s15+s16], $0x80, $0x38;
	[tilespmem:$0x200] =	vst v63  }
0x26: {  	p1 =	sge.u32 s31, s8  }
.Ltmp2:
0x27: {  	_ = 	snop;
	(pc) =	sbr.rel @p1 .LBB2_5-.Ltmp2, $1  }
0x28: {  	_ =	sdelay $0x3  }
0x29: {  	s14 =	simm.s32 $0x1  }
0x2a: {  	_ =	swait.ge [sflag:s7], $0x80;
	s14 =	simm.s32 @!p0 $0x0  }
0x2b: {  	[sflag:s7] =	ssyncset.done $0x0;
	s14 =	sshll.u32 s14, $0x7  }
0x2c: {  	[sflag:s7] =	ssyncadd.s32 $0xFFFFFF80;
	(ifvalue) =	ssetifvalue $0x7FFFFFFF;
	v0 =	vld.msk [tilespmem:s14+$0x0 ss:$0x1], $0xffff;
	_ =	sdelay $0x4  }
0x2d: {  	s15 =	sadd.s32 $0x10, s14;
	vm1 =	vgt.s32 v0, $0x0  }
0x2e: {  	v2 =	vld.msk [tilespmem:s15+$0x0 ss:$0x1], $0xffff;
	v1 =	vnsel vm1, $0x0, v0  }
0x2f: {  	v1 =	vmin.u32 v1, $0xC34F;
	_ =	sdelay $0x1  }
0x30: {  	s16 =	sshll.u32 s12, $0x7;
	s18 =	simm.s32 $0x20  }
0x31: {  	s16 =	sand.u32 $0x80, s16;
	s17 =	sadd.s32 $0x10, s15;
	s15 =	sor.u32 $0x100, s14  }
0x32: {  	s14 =	sor.u32 $0x100, s16;
	s16 =	sadd.s32 $0x10, s15;
	v0 =	vld.msk [tilespmem:s17+$0x0 ss:$0x1], $0xffff;
	vm1 =	vgt.s32 v2, $0x0;
	(ifvalue) =	ssetifvalue $0x7FFFFFFF  }
.LBB2_3:
0x33: {  	[tilespmem:s15], [sflag:$0x1] =	stream.indirect_vreg.gather [hbm4b:s4+s10], $0x1, v1, vm0, $0x4038;
	[tilespmem:$0x200] =	vst v63  }
0x34: {  	s18 =	sadd.s32 $0x10, s18  }
0x35: {  	v2 =	vnsel vm1, $0x0, v2;
	p1 =	slt.u32 s18, $0x70  }
.Ltmp3:
0x36: {  	s15 =	smov.u32 s16;
	v1 =	vmin.u32 v2, $0xC34F;
	(pc) =	sbr.rel @p1 .LBB2_3-.Ltmp3, $3  }
0x37: {  	_ =	sdelay $0x1  }
0x38: {  	s17 =	sadd.s32 $0x10, s17  }
0x39: {  	vm1 =	vgt.s32 v0, $0x0;
	s16 =	sadd.s32 $0x10, s16;
	v2 =	vmov v0;
	(ifvalue) =	ssetifvalue $0x7FFFFFFF;
	v0 =	vld.msk [tilespmem:s17+$0x0 ss:$0x1], $0xffff  }
.Ltmp4:
0x3a: {  	_ = 	snop;
	(pc) =	sbr.rel .LBB2_4-.Ltmp4, $1  }
0x3b: {  	_ =	sdelay $0x3  }
.LBB2_6:
0x3c: {  	_ =	sfence.sel $0x180000  }
0x3d: {  	s2 =	simm.s32 $0x2;
	[bflag:$0x0] =	sbarrier.arrive $0xFFFF  }
0x3e: {  	s30 =	simm.s32 $0x3;
	[sflag:s2] =	ssyncpa.u1 $0x1  }
0x3f: {  	s31 =	simm.s32 $0x1;
	[sflag:s30] =	ssyncpa.u1 $0x1  }
0x40: {  	[sflag:s31] =	ssyncpa.u1 $0x1  }
0x41: {  	p0 =	sne.s32 s1, $0x0;
	_ =	strace $0x9000004A  }
0x42: {  	s0 =	sadd.s32 @!p0 $0x100000, s0;
	[bflag:$0x2] =	sbarrier.arrive $0xFFFF  }
0x43: {  	[sflag:s0] =	ssyncadd.tile.s32 @!p0 $0x1;
	_ =	shalt  }
.Lfunc_end2:
_tile_overlayer_lowered:
.L_overlay_start_2:
0x44: {  	(tag) =	ssettag $0x2  }
0x45: {  	s0 =	rddreg [dreg:$0x0];
	s2 =	stileid.u32  }
0x46: {  	s1 =	rddreg [dreg:$0x1];
	p0 =	sne.s32 s2, $0x0  }
0x47: {  	s3 =	rddreg [dreg:$0x2];
	[bflag:$0x3] =	sbarrier.arrive $0xFFFF;
	s2 =	simm.s32 @!p0 $0x1C01  }
0x48: {  	[timem:s3], [sflag:s2] =	dma.local @!p0 [hbm:s0], s1  }
0x49: {  	s0 =	simm.s32 @!p0 $0x1  }
0x4a: {  	_ =	swait.ge @!p0 [sflag:s0], s1  }
0x4b: {  	s1 =	ssub.s32 @!p0 $0x0, s1;
	[sflag:s0] =	ssyncset.done @!p0 $0x0  }
0x4c: {  	[sflag:s0] =	ssyncadd.s32 @!p0 s1  }
0x4d: {  	[bflag:$0x3] =	sbarrier.arrive $0xFFFF  }
0x4e: {  	_ =	shalt  }

// kernel: kernel.11.cloned.1.call-start
scs
__scs_entry_jumppad:
0x0: {  	(pc) =	sbr.rel $0x88, $3  }
0x1: {  	(tag) =	ssettag $0x0;
	lr =	simm.s32 $0x1  }
0x2: {  	[smem:$0x3F7E] =	sst lr;
	_ =	strace $0xD0000000  }
0x3: {  	_ = 	snop  }
0x4: {  	_ = 	snop  }
0x5: {  	_ = 	snop  }
0x6: {  	_ = 	snop  }
0x7: {  	_ = 	snop  }
__scs_overlays_trampoline_lowered:
0x8: {  	[smem:$0x3F8D] =	sst s0  }
0x9: {  	[smem:$0x3F8E] =	sst s1  }
0xa: {  	[smem:$0x3F8F] =	sst s2  }
0xb: {  	[smem:$0x3F90] =	sst s3  }
0xc: {  	[smem:$0x3F91] =	sst s4  }
0xd: {  	[smem:$0x3F92] =	sst s5  }
0xe: {  	[smem:$0x3F93] =	sst s6  }
0xf: {  	[smem:$0x3F94] =	sst s7  }
0x10: {  	[smem:$0x3F95] =	sst s8  }
0x11: {  	[smem:$0x3F96] =	sst s9;
	s0 =	simm.s32 @!p0 $0x0  }
0x12: {  	s1 =	sld [smem:$0x3F7C];
	s0 =	simm.s32 @p0 $0x1  }
0x13: {  	[smem:$0x3F97] =	sst s0;
	s0 =	simm.s32 @!p1 $0x0  }
0x14: {  	s2 =	sld [smem:$0x3F7B];
	s0 =	simm.s32 @p1 $0x1  }
0x15: {  	[smem:$0x3F98] =	sst s0;
	s0 =	simm.s32 @!p2 $0x0  }
0x16: {  	s3 =	sld [smem:$0x3FDB];
	s0 =	simm.s32 @p2 $0x1  }
0x17: {  	s4 =	simm.s32 $0x1BF5;
	[smem:$0x3F9A] =	sst s0  }
0x18: {  	s0 =	sld [smem:$0x3F7D];
	_ =	swait.ge [sflag:s4], $0x0  }
0x19: {  	s7 =	sld [smem:$0x3F7E]  }
0x1a: {  	s8 =	sadd.s32 $0xFFFFE003, lr  }
0x1b: {  	s9 =	sadd.s32 $0xFFFFFEF7, lr;
	s5 =	simm.s32 $0xFFFFFFFF;
	p2 =	slt.u32 s8, $0xFFFFF086  }
0x1c: {  	p1 =	slt.u32 s9, $0xF7A;
	s5 =	simm.s32 @!p2 $0x0  }
0x1d: {  	s5 =	simm.s32 @p1 $0x1;
	p0 =	seq.s32 s7, s2  }
0x1e: {  	s7 =	smul.u32 @!p0 $0xF7A, s2;
	p2 =	seq.s32 @!p0 s5, $0x0  }
0x1f: {  	s9 =	smul.u32 $0xF7A, s1;
	s8 =	simm.s32 @!p0 $0x1BF5;
	p2 =	por !p2, p0  }
0x20: {  	[sflag:s8] =	ssyncset.s32 @!p0 $0xFFFFF086;
	s6 =	sadd.s32 @!p0 s3, s7;
	s7 =	simm.s32 @!p0 $0x108  }
0x21: {  	s3 =	sadd.s32 s3, s9;
	s6 =	sadd.s32 @!p0 $0x88, s6;
	s7 =	simm.s32 @p2 $0x1082  }
0x22: {  	[simem:s7], [sflag:s8] =	dma.local @!p0 [hbm:s6], $0xF7A  }
0x23: {  	s9 =	sor.u32 $0xD0000000, s2;
	s6 =	simm.s32 $0x108;
	_ =	swait.ge @!p0 [sflag:s8], $0x0  }
0x24: {  	s3 =	sadd.s32 $0x88, s3;
	s6 =	simm.s32 @!p1 $0x1082;
	[sflag:s4] =	ssyncset.s32 $0xFFFFF086  }
0x25: {  	[simem:s6], [sflag:s4] =	dma.local [hbm:s3], $0xF7A  }
0x26: {  	[smem:$0x3F7E] =	sst s1;
	(tag) =	ssettag s2;
	_ =	strace s9  }
0x27: {  	s1 =	sld [smem:$0x3F8E]  }
0x28: {  	s2 =	sld [smem:$0x3F8F]  }
0x29: {  	s4 =	sld [smem:$0x3F91]  }
0x2a: {  	p0 =	seq.s32 s5, $0x0;
	s5 =	sld [smem:$0x3F92]  }
0x2b: {  	s6 =	sld [smem:$0x3F93]  }
0x2c: {  	s7 =	sld [smem:$0x3F94]  }
0x2d: {  	s3 =	simm.s32 $0x108;
	s8 =	sld [smem:$0x3F95]  }
0x2e: {  	s3 =	simm.s32 @!p0 $0x1082;
	s9 =	sld [smem:$0x3F96]  }
0x2f: {  	lr =	sadd.s32 s0, s3;
	s0 =	sld [smem:$0x3F8D]  }
0x30: {  	s3 =	sld [smem:$0x3F90]  }
0x31: {  	[smem:$0x3F99] =	sst s10  }
0x32: {  	s10 =	sld [smem:$0x3F97];
	_ =	sdelay $0x3  }
0x33: {  	p0 =	seq.s32 s10, $0x1;
	s10 =	sld [smem:$0x3F99];
	_ =	sdelay $0x3  }
0x34: {  	[smem:$0x3F99] =	sst s10  }
0x35: {  	s10 =	sld [smem:$0x3F98];
	_ =	sdelay $0x3  }
0x36: {  	p1 =	seq.s32 s10, $0x1;
	s10 =	sld [smem:$0x3F99];
	_ =	sdelay $0x3  }
0x37: {  	[smem:$0x3F99] =	sst s10  }
0x38: {  	s10 =	sld [smem:$0x3F9A]  }
0x39: {  	_ = 	snop;
	(pc) =	sbr.ind lr, $3  }
0x3a: {  	_ = 	snop  }
0x3b: {  	_ = 	snop  }
0x3c: {  	p2 =	seq.s32 s10, $0x1;
	s10 =	sld [smem:$0x3F99]  }
0x3d: {  	_ =	shalt  }
0x3e: {  	_ =	shalt  }
0x3f: {  	_ =	shalt  }
0x40: {  	_ =	shalt  }
0x41: {  	_ =	shalt  }
0x42: {  	_ =	shalt  }
0x43: {  	_ =	shalt  }
0x44: {  	_ =	shalt  }
0x45: {  	_ =	shalt  }
0x46: {  	_ =	shalt  }
0x47: {  	_ =	shalt  }
0x48: {  	_ =	shalt  }
0x49: {  	_ =	shalt  }
0x4a: {  	_ =	shalt  }
0x4b: {  	_ =	shalt  }
0x4c: {  	_ =	shalt  }
0x4d: {  	_ =	shalt  }
0x4e: {  	_ =	shalt  }
0x4f: {  	_ =	shalt  }
0x50: {  	_ =	shalt  }
0x51: {  	_ =	shalt  }
0x52: {  	_ =	shalt  }
0x53: {  	_ =	shalt  }
0x54: {  	_ =	shalt  }
0x55: {  	_ =	shalt  }
0x56: {  	_ =	shalt  }
0x57: {  	_ =	shalt  }
0x58: {  	_ =	shalt  }
0x59: {  	_ =	shalt  }
0x5a: {  	_ =	shalt  }
0x5b: {  	_ =	shalt  }
0x5c: {  	_ =	shalt  }
0x5d: {  	_ =	shalt  }
0x5e: {  	_ =	shalt  }
0x5f: {  	_ =	shalt  }
0x60: {  	_ =	shalt  }
0x61: {  	_ =	shalt  }
0x62: {  	_ =	shalt  }
0x63: {  	_ =	shalt  }
0x64: {  	_ =	shalt  }
0x65: {  	_ =	shalt  }
0x66: {  	_ =	shalt  }
0x67: {  	_ =	shalt  }
0x68: {  	_ =	shalt  }
0x69: {  	_ =	shalt  }
0x6a: {  	_ =	shalt  }
0x6b: {  	_ =	shalt  }
0x6c: {  	_ =	shalt  }
0x6d: {  	_ =	shalt  }
0x6e: {  	_ =	shalt  }
0x6f: {  	_ =	shalt  }
0x70: {  	_ =	shalt  }
0x71: {  	_ =	shalt  }
0x72: {  	_ =	shalt  }
0x73: {  	_ =	shalt  }
0x74: {  	_ =	shalt  }
0x75: {  	_ =	shalt  }
0x76: {  	_ =	shalt  }
0x77: {  	_ =	shalt  }
0x78: {  	_ =	shalt  }
0x79: {  	_ =	shalt  }
0x7a: {  	_ =	shalt  }
0x7b: {  	_ =	shalt  }
0x7c: {  	_ =	shalt  }
0x7d: {  	_ =	shalt  }
0x7e: {  	_ =	shalt  }
0x7f: {  	_ =	shalt  }
0x80: {  	_ =	shalt  }
0x81: {  	_ =	shalt  }
0x82: {  	_ =	shalt  }
0x83: {  	_ =	shalt  }
0x84: {  	_ =	shalt  }
0x85: {  	_ =	shalt  }
0x86: {  	_ =	shalt  }
0x87: {  	_ =	shalt  }
.Lfunc_end0:
.L_simem_size_0:
called_computation.2_lowered:
.L_overlay_start_0:
0x88: {  	s2 =	sld [smem:$0x3FD9]  }
0x89: {  	s3 =	sld [smem:$0x3FFE];
	_ =	sdelay $0x1  }
0x8a: {  	s1 =	srdreg.scid  }
0x8b: {  	s0 =	sand.u32 $0x1, s1  }
0x8c: {  	s17 =	sshll.u32 s0, $0xA;
	s2 =	sadd.s32 s3, s2  }
0x8d: {  	s2 =	sadd.s32 s2, s17  }
0x8e: {  	[smem:$0x3FA5] =	sst s2  }
0x8f: {  	_ = 	snop  }
0x90: {  	s2 =	sld [smem:$0x3FC5]  }
0x91: {  	s18 =	sld [smem:$0x3FC1]  }
0x92: {  	s4 =	sld [smem:$0x3FBF]  }
0x93: {  	s5 =	sld [smem:$0x3FD0];
	(tm) =	ssettm $0x1  }
0x94: {  	s6 =	sld [smem:$0x3FFB];
	_ =	sdelay $0x3  }
0x95: {  	_ =	strace s6  }
0x96: {  	s6 =	sld [smem:$0x3FFC];
	_ =	sdelay $0x3  }
0x97: {  	_ =	strace s6  }
0x98: {  	s6 =	sld [smem:$0x3FFD];
	_ =	sdelay $0x3  }
0x99: {  	_ =	strace s6  }
0x9a: {  	_ =	strace $0x8FFFFFFF  }
0x9b: {  	s19 =	sld [smem:$0x3FDB];
	_ =	sdelay $0x1  }
0x9c: {  	s7 =	simm.s32 $_scs_section_size  }
0x9d: {  	s8 =	simm.s32 $_size__tile_overlayer_lowered;
	s9 =	simm.s32 $_tile_overlayer_lowered  }
0x9e: {  	s22 =	simm.s32 $0x1BFF;
	s21 =	sshll.u32 s9, $0x1;
	s6 =	sadd.s32 s7, s19  }
0x9f: {  	s10 =	simm.s32 $0x0;
	s20 =	sshll.u32 s8, $0x1;
	s8 =	sadd.s32 s21, s6  }
0xa0: {  	[timem:s10], [sflag:s22] =	dma.local [hbm:s8], s20  }
0xa1: {  	_ =	swait.ge [sflag:s22], s20  }
0xa2: {  	s7 =	ssub.s32 $0x0, s20;
	[sflag:s22] =	ssyncset.done $0x0  }
0xa3: {  	[sflag:s22] =	ssyncadd.s32 s7;
	_ =	sdelay $0x1  }
0xa4: {  	s23 =	simm.s32 $0x1B8B  }
0xa5: {  	_ =	swait.ge [sflag:s23], $0x1  }
0xa6: {  	[sflag:s23] =	ssyncset.done $0x0  }
0xa7: {  	s25 =	simm.s32 $0x1B8E;
	s24 =	sld [smem:$0x3FFE];
	[sflag:s23] =	ssyncadd.s32 $0xFFFFFFFF  }
0xa8: {  	s26 =	simm.s32 $execute0_lowered;
	[smem:$0x3FD2] =	sst s25  }
0xa9: {  	s8 =	sshll.u32 s26, $0x1;
	_ =	strace $0x8000004C;
	[dreg:$0x1] =	wrdreg $0xFFFFFFFF  }
0xaa: {  	s28 =	simm.s32 $_size_execute0_lowered;
	s6 =	sadd.s32 s6, s8;
	[dreg:$0x0] =	wrdreg $0x0  }
0xab: {  	s8 =	sshll.u32 s28, $0x1;
	[dreg:$0x2] =	wrdreg s6  }
0xac: {  	[dreg:$0x3] =	wrdreg s8  }
0xad: {  	[dreg:$0x4] =	wrdreg $0xC0  }
0xae: {  	_ =	task [dreg:s10], $0x5FFFF  }
0xaf: {  	[dreg:$0x1] =	wrdreg $0xFFFFFFFF  }
0xb0: {  	[dreg:$0x0] =	wrdreg $0x60  }
0xb1: {  	[dreg:$0x2] =	wrdreg s4  }
0xb2: {  	[dreg:$0x3] =	wrdreg s18  }
0xb3: {  	[dreg:$0x4] =	wrdreg s24  }
0xb4: {  	[dreg:$0x5] =	wrdreg s5  }
0xb5: {  	[dreg:$0x6] =	wrdreg s2  }
0xb6: {  	[dreg:$0x7] =	wrdreg $0x9  }
0xb7: {  	_ =	task.clear_ibuf [dreg:s10], $0x8FFFF;
	_ =	strace $0x9000004C  }
0xb8: {  	s29 =	simm.s32 $0x9;
	_ =	strace $0x8000004E  }
0xb9: {  	_ =	swait.ge [sflag:s29], $0x1  }
0xba: {  	[sflag:s29] =	ssyncadd.s32 $0xFFFFFFFF  }
0xbb: {  	_ =	strace $0x9000004E  }
0xbc: {  	_ =	sfence  }
0xbd: {  	s30 =	sld [smem:$0x0];
	_ =	sdelay $0x2  }
0xbe: {  	s31 =	sshll.u32 s1, $0xD;
	s1 =	sshrl.u32 s1, $0x2  }
0xbf: {  	s3 =	sand.u32 $0x4000, s31;
	s1 =	sadd.s32 s1, s30  }
0xc0: {  	s0 =	sor.u32 s3, s0;
	s1 =	sshll.u32 s1, $0x11  }
0xc1: {  	s0 =	sor.u32 s1, s0  }
0xc2: {  	s0 =	sadd.s32 $0x8F2B, s0  }
0xc3: {  	[sflag:s0] =	ssyncadd.remote.s32 $0x1  }
0xc4: {  	_ =	sfence.sel $0xFFFF  }
0xc5: {  	[dreg:$0x0] =	wrdreg $0xFFFFFFFF;
	(pc) =	sbr.abs _section_cstart, $3  }
0xc6: {  	[dreg:$0x1] =	wrdreg $0xFFFFFFFF  }
0xc7: {  	_ =	task.clear_ibuf [dreg:s10], $0x2FFFF;
	_ =	strace $0x9FFFFFFF  }
0xc8: {  	(tm) =	ssettm $0x7FFFFFFF  }
0xc9: {  	_ =	shalt  }
tec
execute0_lowered:
.L_overlay_start_1:
0x0: {  	(tag) =	ssettag $0x1  }
0x1: {  	s1 =	rddreg [dreg:$0x0]  }
0x2: {  	s2 =	rddreg [dreg:$0x1]  }
0x3: {  	s17 =	rddreg [dreg:$0x2]  }
0x4: {  	s5 =	rddreg [dreg:$0x3]  }
0x5: {  	s3 =	srdreg.scid;
	s0 =	stileid.u32  }
0x6: {  	s14 =	rddreg [dreg:$0x4];
	s16 =	sand.u32 $0x1, s3;
	s6 =	sshll.u32 s0, $0x1  }
0x7: {  	s4 =	simm.s32 $0x0;
	s3 =	rddreg [dreg:$0x5];
	s18 =	sor.u32 s16, s6  }
0x8: {  	[smem:$0x7FF] =	sst s4;
	s6 =	sshll.u32 s18, $0x5  }
0x9: {  	_ =	strace $0x8000004D;
	s6 =	sadd.s32 s5, s6;
	s5 =	simm.s32 $0x3  }
0xa: {  	[tilespmem:s4], [sflag:$0x3] =	stream.linear.gather [hbm4b:s6+s4], $0x100, $0x38;
	[tilespmem:$0x8900] =	vst v63  }
0xb: {  	_ =	swait.ge [sflag:s5], $0x100  }
0xc: {  	[sflag:s5] =	ssyncset.done $0x0  }
0xd: {  	s7 =	simm.s32 $0x80;
	s8 =	simm.s32 $0x100;
	[sflag:s5] =	ssyncadd.s32 $0xFFFFFF00  }
0xe: {  	[tilespmem:s8], [sflag:$0x1] =	stream.indirect.gather [hbm4b:s1+s7], $0x80, s4, s7, $0xb8;
	[tilespmem:$0x8900] =	vst v63  }
0xf: {  	s9 =	simm.s32 $0x4100;
	s10 =	simm.s32 $0x1  }
0x10: {  	[tilespmem:s9], [sflag:$0x2] =	stream.indirect.gather [hbm4b:s1+s7], $0x80, s7, s7, $0xb8;
	[tilespmem:$0x8900] =	vst v63  }
0x11: {  	_ =	swait.ge [sflag:s10], $0x4000  }
0x12: {  	[sflag:s10] =	ssyncset.done $0x0  }
0x13: {  	s11 =	simm.s32 $0x2;
	[sflag:s10] =	ssyncadd.s32 $0xFFFFC000  }
0x14: {  	s12 =	sshll.u32 s18, $0xC;
	_ =	swait.ge [sflag:s11], $0x4000  }
0x15: {  	s13 =	sadd.s32 s12, s17;
	[sflag:s11] =	ssyncset.done $0x0  }
0x16: {  	s12 =	sadd.s32 $0x9A00, s13;
	[sflag:s11] =	ssyncadd.s32 $0xFFFFC000  }
0x17: {  	[hbm4b:s12+s4] =	stream.linear.scatter [tilespmem:s8], [sflag:$0x3], $0x8000, $0x38;
	[tilespmem:$0x8900] =	vst v63  }
0x18: {  	_ =	swait.ge [sflag:s5], $0x8000  }
0x19: {  	[sflag:s5] =	ssyncset.done $0x0  }
0x1a: {  	[sflag:s5] =	ssyncadd.s32 $0xFFFF8000  }
0x1b: {  	[tilespmem:s4], [sflag:$0x3] =	stream.linear.gather [hbm4b:s6+s4], $0x100, $0x38;
	[tilespmem:$0x8900] =	vst v63  }
0x1c: {  	_ =	swait.ge [sflag:s5], $0x100  }
0x1d: {  	[sflag:s5] =	ssyncset.done $0x0  }
0x1e: {  	[sflag:s5] =	ssyncadd.s32 $0xFFFFFF00  }
0x1f: {  	[tilespmem:s8], [sflag:$0x1] =	stream.indirect.gather [hbm4b:s2+s7], $0x80, s4, s7, $0xb8;
	[tilespmem:$0x8900] =	vst v63  }
0x20: {  	_ = 	snop  }
0x21: {  	[tilespmem:s9], [sflag:$0x2] =	stream.indirect.gather [hbm4b:s2+s7], $0x80, s7, s7, $0xb8;
	[tilespmem:$0x8900] =	vst v63  }
0x22: {  	_ =	swait.ge [sflag:s10], $0x4000  }
0x23: {  	[sflag:s10] =	ssyncset.done $0x0  }
0x24: {  	[sflag:s10] =	ssyncadd.s32 $0xFFFFC000  }
0x25: {  	_ =	swait.ge [sflag:s11], $0x4000  }
0x26: {  	[sflag:s11] =	ssyncset.done $0x0  }
0x27: {  	s13 =	sadd.s32 $0x29A00, s13;
	[sflag:s11] =	ssyncadd.s32 $0xFFFFC000  }
0x28: {  	[hbm4b:s13+s4] =	stream.linear.scatter [tilespmem:s8], [sflag:$0x3], $0x8000, $0x38;
	[tilespmem:$0x8900] =	vst v63  }
0x29: {  	_ =	swait.ge [sflag:s5], $0x8000  }
0x2a: {  	s19 =	ssub.s32 $0x2, s16;
	s15 =	sshll.u32 s18, $0x4;
	[sflag:s5] =	ssyncset.done $0x0  }
0x2b: {  	s16 =	simm.s32 $0x8100;
	s14 =	sadd.s32 s14, s15;
	[sflag:s5] =	ssyncadd.s32 $0xFFFF8000  }
0x2c: {  	[tilespmem:s4], [sflag:$0x3] =	stream.linear.gather [hbm4b:s14+s4], $0x80, $0x38;
	[tilespmem:$0x8900] =	vst v63  }
0x2d: {  	s18 =	sshll.u32 s18, $0x8;
	s20 =	sshrl.u32 s19, $0x1;
	_ =	swait.ge [sflag:s5], $0x80  }
0x2e: {  	s15 =	sadd.s32 $0xC3E800, s17;
	s31 =	ssub.s32 s19, s20;
	[sflag:s5] =	ssyncset.done $0x0  }
0x2f: {  	s17 =	sadd.s32 s18, s17;
	s18 =	smax.u32 s31, $0x1;
	[sflag:s5] =	ssyncadd.s32 $0xFFFFFF80  }
0x30: {  	[tilespmem:s16], [sflag:$0x1] =	stream.indirect.gather [hbm4b:s15+s7], $0x10, s4, s7, $0xb8;
	[tilespmem:$0x8900] =	vst v63  }
0x31: {  	p0 =	sne.s32 s18, $0x1;
	_ =	swait.ge [sflag:s10], $0x800  }
.Ltmp0:
0x32: {  	[sflag:s10] =	ssyncset.done $0x0;
	(pc) =	sbr.rel @!p0 .LBB2_2-.Ltmp0, $4  }
0x33: {  	s17 =	sadd.s32 $0x7A00, s17;
	[sflag:s10] =	ssyncadd.s32 $0xFFFFF800  }
0x34: {  	[hbm4b:s17+s4] =	stream.linear.scatter [tilespmem:s16], [sflag:$0x3], $0x800, $0x38;
	[tilespmem:$0x8900] =	vst v63  }
0x35: {  	_ =	swait.ge [sflag:s5], $0x800  }
0x36: {  	s18 =	sadd.s32 $0xFFFFFFFF, s18;
	[sflag:s5] =	ssyncset.done $0x0  }
.LBB2_1:
0x37: {  	p0 =	sne.s32 s18, $0x1;
	s18 =	sadd.s32 $0xFFFFFFFF, s18;
	[sflag:s5] =	ssyncadd.s32 $0xFFFFF800  }
0x38: {  	[tilespmem:s4], [sflag:$0x3] =	stream.linear.gather [hbm4b:s6+s4], $0x100, $0x38;
	[tilespmem:$0x8900] =	vst v63  }
0x39: {  	_ =	swait.ge [sflag:s5], $0x100  }
0x3a: {  	[sflag:s5] =	ssyncset.done $0x0  }
0x3b: {  	[sflag:s5] =	ssyncadd.s32 $0xFFFFFF00  }
0x3c: {  	[tilespmem:s8], [sflag:$0x1] =	stream.indirect.gather [hbm4b:s1+s7], $0x80, s4, s7, $0xb8;
	[tilespmem:$0x8900] =	vst v63  }
0x3d: {  	_ = 	snop  }
0x3e: {  	[tilespmem:s9], [sflag:$0x2] =	stream.indirect.gather [hbm4b:s1+s7], $0x80, s7, s7, $0xb8;
	[tilespmem:$0x8900] =	vst v63  }
0x3f: {  	_ =	swait.ge [sflag:s10], $0x4000  }
0x40: {  	[sflag:s10] =	ssyncset.done $0x0  }
0x41: {  	[sflag:s10] =	ssyncadd.s32 $0xFFFFC000  }
0x42: {  	_ =	swait.ge [sflag:s11], $0x4000  }
0x43: {  	[sflag:s11] =	ssyncset.done $0x0  }
0x44: {  	[sflag:s11] =	ssyncadd.s32 $0xFFFFC000  }
0x45: {  	[hbm4b:s12+s4] =	stream.linear.scatter [tilespmem:s8], [sflag:$0x3], $0x8000, $0x38;
	[tilespmem:$0x8900] =	vst v63  }
0x46: {  	_ =	swait.ge [sflag:s5], $0x8000  }
0x47: {  	[sflag:s5] =	ssyncset.done $0x0  }
0x48: {  	[sflag:s5] =	ssyncadd.s32 $0xFFFF8000  }
0x49: {  	[tilespmem:s4], [sflag:$0x3] =	stream.linear.gather [hbm4b:s6+s4], $0x100, $0x38;
	[tilespmem:$0x8900] =	vst v63  }
0x4a: {  	_ =	swait.ge [sflag:s5], $0x100  }
0x4b: {  	[sflag:s5] =	ssyncset.done $0x0  }
0x4c: {  	[sflag:s5] =	ssyncadd.s32 $0xFFFFFF00  }
0x4d: {  	[tilespmem:s8], [sflag:$0x1] =	stream.indirect.gather [hbm4b:s2+s7], $0x80, s4, s7, $0xb8;
	[tilespmem:$0x8900] =	vst v63  }
0x4e: {  	_ = 	snop  }
0x4f: {  	[tilespmem:s9], [sflag:$0x2] =	stream.indirect.gather [hbm4b:s2+s7], $0x80, s7, s7, $0xb8;
	[tilespmem:$0x8900] =	vst v63  }
0x50: {  	_ =	swait.ge [sflag:s10], $0x4000  }
0x51: {  	[sflag:s10] =	ssyncset.done $0x0  }
0x52: {  	[sflag:s10] =	ssyncadd.s32 $0xFFFFC000  }
0x53: {  	_ =	swait.ge [sflag:s11], $0x4000  }
0x54: {  	[sflag:s11] =	ssyncset.done $0x0  }
0x55: {  	[sflag:s11] =	ssyncadd.s32 $0xFFFFC000  }
0x56: {  	[hbm4b:s13+s4] =	stream.linear.scatter [tilespmem:s8], [sflag:$0x3], $0x8000, $0x38;
	[tilespmem:$0x8900] =	vst v63  }
0x57: {  	_ =	swait.ge [sflag:s5], $0x8000  }
0x58: {  	[sflag:s5] =	ssyncset.done $0x0  }
0x59: {  	[sflag:s5] =	ssyncadd.s32 $0xFFFF8000  }
0x5a: {  	[tilespmem:s4], [sflag:$0x3] =	stream.linear.gather [hbm4b:s14+s4], $0x80, $0x38;
	[tilespmem:$0x8900] =	vst v63  }
0x5b: {  	_ =	swait.ge [sflag:s5], $0x80  }
0x5c: {  	[sflag:s5] =	ssyncset.done $0x0  }
0x5d: {  	[sflag:s5] =	ssyncadd.s32 $0xFFFFFF80  }
0x5e: {  	[tilespmem:s16], [sflag:$0x1] =	stream.indirect.gather [hbm4b:s15+s7], $0x10, s4, s7, $0xb8;
	[tilespmem:$0x8900] =	vst v63  }
0x5f: {  	_ =	swait.ge [sflag:s10], $0x800  }
.Ltmp1:
0x60: {  	[sflag:s10] =	ssyncset.done $0x0;
	(pc) =	sbr.rel @p0 .LBB2_1-.Ltmp1, $4  }
0x61: {  	[sflag:s10] =	ssyncadd.s32 $0xFFFFF800  }
0x62: {  	[hbm4b:s17+s4] =	stream.linear.scatter [tilespmem:s16], [sflag:$0x3], $0x800, $0x38;
	[tilespmem:$0x8900] =	vst v63  }
0x63: {  	_ =	swait.ge [sflag:s5], $0x800  }
0x64: {  	[sflag:s5] =	ssyncset.done $0x0  }
.LBB2_2:
0x65: {  	[sflag:s5] =	ssyncadd.s32 $0xFFFFF800  }
0x66: {  	_ =	sfence.sel $0x180000  }
0x67: {  	[bflag:$0x0] =	sbarrier.arrive $0xFFFF  }
0x68: {  	p0 =	sne.s32 s0, $0x0;
	_ =	strace $0x9000004D  }
0x69: {  	s0 =	sadd.s32 @!p0 $0x100000, s3;
	[bflag:$0x2] =	sbarrier.arrive $0xFFFF  }
0x6a: {  	[sflag:s0] =	ssyncadd.tile.s32 @!p0 $0x1;
	_ =	shalt  }
.Lfunc_end2:
_tile_overlayer_lowered:
.L_overlay_start_2:
0x6b: {  	(tag) =	ssettag $0x2  }
0x6c: {  	s0 =	rddreg [dreg:$0x0];
	s2 =	stileid.u32  }
0x6d: {  	s1 =	rddreg [dreg:$0x1];
	p0 =	sne.s32 s2, $0x0  }
0x6e: {  	s3 =	rddreg [dreg:$0x2];
	[bflag:$0x3] =	sbarrier.arrive $0xFFFF;
	s2 =	simm.s32 @!p0 $0x1C03  }
0x6f: {  	[timem:s3], [sflag:s2] =	dma.local @!p0 [hbm:s0], s1  }
0x70: {  	s0 =	simm.s32 @!p0 $0x3  }
0x71: {  	_ =	swait.ge @!p0 [sflag:s0], s1  }
0x72: {  	s1 =	ssub.s32 @!p0 $0x0, s1;
	[sflag:s0] =	ssyncset.done @!p0 $0x0  }
0x73: {  	[sflag:s0] =	ssyncadd.s32 @!p0 s1  }
0x74: {  	[bflag:$0x3] =	sbarrier.arrive $0xFFFF  }
0x75: {  	_ =	shalt  }

// kernel: kernel.14.cloned.1.call-start
scs
__scs_entry_jumppad:
0x0: {  	(pc) =	sbr.rel $0x88, $3  }
0x1: {  	(tag) =	ssettag $0x0;
	lr =	simm.s32 $0x1  }
0x2: {  	[smem:$0x3F7E] =	sst lr;
	_ =	strace $0xD0000000  }
0x3: {  	_ = 	snop  }
0x4: {  	_ = 	snop  }
0x5: {  	_ = 	snop  }
0x6: {  	_ = 	snop  }
0x7: {  	_ = 	snop  }
__scs_overlays_trampoline_lowered:
0x8: {  	[smem:$0x3F8D] =	sst s0  }
0x9: {  	[smem:$0x3F8E] =	sst s1  }
0xa: {  	[smem:$0x3F8F] =	sst s2  }
0xb: {  	[smem:$0x3F90] =	sst s3  }
0xc: {  	[smem:$0x3F91] =	sst s4  }
0xd: {  	[smem:$0x3F92] =	sst s5  }
0xe: {  	[smem:$0x3F93] =	sst s6  }
0xf: {  	[smem:$0x3F94] =	sst s7  }
0x10: {  	[smem:$0x3F95] =	sst s8  }
0x11: {  	[smem:$0x3F96] =	sst s9;
	s0 =	simm.s32 @!p0 $0x0  }
0x12: {  	s1 =	sld [smem:$0x3F7C];
	s0 =	simm.s32 @p0 $0x1  }
0x13: {  	[smem:$0x3F97] =	sst s0;
	s0 =	simm.s32 @!p1 $0x0  }
0x14: {  	s2 =	sld [smem:$0x3F7B];
	s0 =	simm.s32 @p1 $0x1  }
0x15: {  	[smem:$0x3F98] =	sst s0;
	s0 =	simm.s32 @!p2 $0x0  }
0x16: {  	s3 =	sld [smem:$0x3FDB];
	s0 =	simm.s32 @p2 $0x1  }
0x17: {  	s4 =	simm.s32 $0x1BF5;
	[smem:$0x3F9A] =	sst s0  }
0x18: {  	s0 =	sld [smem:$0x3F7D];
	_ =	swait.ge [sflag:s4], $0x0  }
0x19: {  	s7 =	sld [smem:$0x3F7E]  }
0x1a: {  	s8 =	sadd.s32 $0xFFFFE003, lr  }
0x1b: {  	s9 =	sadd.s32 $0xFFFFFEF7, lr;
	s5 =	simm.s32 $0xFFFFFFFF;
	p2 =	slt.u32 s8, $0xFFFFF086  }
0x1c: {  	p1 =	slt.u32 s9, $0xF7A;
	s5 =	simm.s32 @!p2 $0x0  }
0x1d: {  	s5 =	simm.s32 @p1 $0x1;
	p0 =	seq.s32 s7, s2  }
0x1e: {  	s7 =	smul.u32 @!p0 $0xF7A, s2;
	p2 =	seq.s32 @!p0 s5, $0x0  }
0x1f: {  	s9 =	smul.u32 $0xF7A, s1;
	s8 =	simm.s32 @!p0 $0x1BF5;
	p2 =	por !p2, p0  }
0x20: {  	[sflag:s8] =	ssyncset.s32 @!p0 $0xFFFFF086;
	s6 =	sadd.s32 @!p0 s3, s7;
	s7 =	simm.s32 @!p0 $0x108  }
0x21: {  	s3 =	sadd.s32 s3, s9;
	s6 =	sadd.s32 @!p0 $0x88, s6;
	s7 =	simm.s32 @p2 $0x1082  }
0x22: {  	[simem:s7], [sflag:s8] =	dma.local @!p0 [hbm:s6], $0xF7A  }
0x23: {  	s9 =	sor.u32 $0xD0000000, s2;
	s6 =	simm.s32 $0x108;
	_ =	swait.ge @!p0 [sflag:s8], $0x0  }
0x24: {  	s3 =	sadd.s32 $0x88, s3;
	s6 =	simm.s32 @!p1 $0x1082;
	[sflag:s4] =	ssyncset.s32 $0xFFFFF086  }
0x25: {  	[simem:s6], [sflag:s4] =	dma.local [hbm:s3], $0xF7A  }
0x26: {  	[smem:$0x3F7E] =	sst s1;
	(tag) =	ssettag s2;
	_ =	strace s9  }
0x27: {  	s1 =	sld [smem:$0x3F8E]  }
0x28: {  	s2 =	sld [smem:$0x3F8F]  }
0x29: {  	s4 =	sld [smem:$0x3F91]  }
0x2a: {  	p0 =	seq.s32 s5, $0x0;
	s5 =	sld [smem:$0x3F92]  }
0x2b: {  	s6 =	sld [smem:$0x3F93]  }
0x2c: {  	s7 =	sld [smem:$0x3F94]  }
0x2d: {  	s3 =	simm.s32 $0x108;
	s8 =	sld [smem:$0x3F95]  }
0x2e: {  	s3 =	simm.s32 @!p0 $0x1082;
	s9 =	sld [smem:$0x3F96]  }
0x2f: {  	lr =	sadd.s32 s0, s3;
	s0 =	sld [smem:$0x3F8D]  }
0x30: {  	s3 =	sld [smem:$0x3F90]  }
0x31: {  	[smem:$0x3F99] =	sst s10  }
0x32: {  	s10 =	sld [smem:$0x3F97];
	_ =	sdelay $0x3  }
0x33: {  	p0 =	seq.s32 s10, $0x1;
	s10 =	sld [smem:$0x3F99];
	_ =	sdelay $0x3  }
0x34: {  	[smem:$0x3F99] =	sst s10  }
0x35: {  	s10 =	sld [smem:$0x3F98];
	_ =	sdelay $0x3  }
0x36: {  	p1 =	seq.s32 s10, $0x1;
	s10 =	sld [smem:$0x3F99];
	_ =	sdelay $0x3  }
0x37: {  	[smem:$0x3F99] =	sst s10  }
0x38: {  	s10 =	sld [smem:$0x3F9A]  }
0x39: {  	_ = 	snop;
	(pc) =	sbr.ind lr, $3  }
0x3a: {  	_ = 	snop  }
0x3b: {  	_ = 	snop  }
0x3c: {  	p2 =	seq.s32 s10, $0x1;
	s10 =	sld [smem:$0x3F99]  }
0x3d: {  	_ =	shalt  }
0x3e: {  	_ =	shalt  }
0x3f: {  	_ =	shalt  }
0x40: {  	_ =	shalt  }
0x41: {  	_ =	shalt  }
0x42: {  	_ =	shalt  }
0x43: {  	_ =	shalt  }
0x44: {  	_ =	shalt  }
0x45: {  	_ =	shalt  }
0x46: {  	_ =	shalt  }
0x47: {  	_ =	shalt  }
0x48: {  	_ =	shalt  }
0x49: {  	_ =	shalt  }
0x4a: {  	_ =	shalt  }
0x4b: {  	_ =	shalt  }
0x4c: {  	_ =	shalt  }
0x4d: {  	_ =	shalt  }
0x4e: {  	_ =	shalt  }
0x4f: {  	_ =	shalt  }
0x50: {  	_ =	shalt  }
0x51: {  	_ =	shalt  }
0x52: {  	_ =	shalt  }
0x53: {  	_ =	shalt  }
0x54: {  	_ =	shalt  }
0x55: {  	_ =	shalt  }
0x56: {  	_ =	shalt  }
0x57: {  	_ =	shalt  }
0x58: {  	_ =	shalt  }
0x59: {  	_ =	shalt  }
0x5a: {  	_ =	shalt  }
0x5b: {  	_ =	shalt  }
0x5c: {  	_ =	shalt  }
0x5d: {  	_ =	shalt  }
0x5e: {  	_ =	shalt  }
0x5f: {  	_ =	shalt  }
0x60: {  	_ =	shalt  }
0x61: {  	_ =	shalt  }
0x62: {  	_ =	shalt  }
0x63: {  	_ =	shalt  }
0x64: {  	_ =	shalt  }
0x65: {  	_ =	shalt  }
0x66: {  	_ =	shalt  }
0x67: {  	_ =	shalt  }
0x68: {  	_ =	shalt  }
0x69: {  	_ =	shalt  }
0x6a: {  	_ =	shalt  }
0x6b: {  	_ =	shalt  }
0x6c: {  	_ =	shalt  }
0x6d: {  	_ =	shalt  }
0x6e: {  	_ =	shalt  }
0x6f: {  	_ =	shalt  }
0x70: {  	_ =	shalt  }
0x71: {  	_ =	shalt  }
0x72: {  	_ =	shalt  }
0x73: {  	_ =	shalt  }
0x74: {  	_ =	shalt  }
0x75: {  	_ =	shalt  }
0x76: {  	_ =	shalt  }
0x77: {  	_ =	shalt  }
0x78: {  	_ =	shalt  }
0x79: {  	_ =	shalt  }
0x7a: {  	_ =	shalt  }
0x7b: {  	_ =	shalt  }
0x7c: {  	_ =	shalt  }
0x7d: {  	_ =	shalt  }
0x7e: {  	_ =	shalt  }
0x7f: {  	_ =	shalt  }
0x80: {  	_ =	shalt  }
0x81: {  	_ =	shalt  }
0x82: {  	_ =	shalt  }
0x83: {  	_ =	shalt  }
0x84: {  	_ =	shalt  }
0x85: {  	_ =	shalt  }
0x86: {  	_ =	shalt  }
0x87: {  	_ =	shalt  }
.Lfunc_end0:
.L_simem_size_0:
called_computation.3_lowered:
.L_overlay_start_0:
0x88: {  	s2 =	sld [smem:$0x3FD9]  }
0x89: {  	s3 =	sld [smem:$0x3FFE];
	_ =	sdelay $0x1  }
0x8a: {  	s1 =	srdreg.scid  }
0x8b: {  	s0 =	sand.u32 $0x1, s1  }
0x8c: {  	s17 =	sshll.u32 s0, $0xA;
	s2 =	sadd.s32 s3, s2  }
0x8d: {  	s2 =	sadd.s32 s2, s17  }
0x8e: {  	[smem:$0x3FA5] =	sst s2  }
0x8f: {  	_ = 	snop  }
0x90: {  	s18 =	sld [smem:$0x3FC1];
	(tm) =	ssettm $0x1  }
0x91: {  	s19 =	sld [smem:$0x3FFB];
	_ =	sdelay $0x3  }
0x92: {  	_ =	strace s19  }
0x93: {  	s2 =	sld [smem:$0x3FFC];
	_ =	sdelay $0x3  }
0x94: {  	_ =	strace s2  }
0x95: {  	s2 =	sld [smem:$0x3FFD];
	_ =	sdelay $0x3  }
0x96: {  	_ =	strace s2  }
0x97: {  	_ =	strace $0x8FFFFFFF  }
0x98: {  	s20 =	sld [smem:$0x3FDB];
	_ =	sdelay $0x1  }
0x99: {  	s4 =	simm.s32 $_scs_section_size  }
0x9a: {  	s5 =	simm.s32 $_size__tile_overlayer_lowered;
	s6 =	simm.s32 $_tile_overlayer_lowered  }
0x9b: {  	s7 =	simm.s32 $0x1BFF;
	s21 =	sshll.u32 s6, $0x1;
	s4 =	sadd.s32 s4, s20  }
0x9c: {  	s22 =	simm.s32 $0x0;
	s5 =	sshll.u32 s5, $0x1;
	s6 =	sadd.s32 s21, s4  }
0x9d: {  	[timem:s22], [sflag:s7] =	dma.local [hbm:s6], s5  }
0x9e: {  	_ =	swait.ge [sflag:s7], s5  }
0x9f: {  	s5 =	ssub.s32 $0x0, s5;
	[sflag:s7] =	ssyncset.done $0x0  }
0xa0: {  	[sflag:s7] =	ssyncadd.s32 s5;
	_ =	sdelay $0x1  }
0xa1: {  	s23 =	simm.s32 $0x1B8B  }
0xa2: {  	_ =	swait.ge [sflag:s23], $0x1  }
0xa3: {  	[sflag:s23] =	ssyncset.done $0x0  }
0xa4: {  	[sflag:s23] =	ssyncadd.s32 $0xFFFFFFFF  }
0xa5: {  	s5 =	sld [smem:$0x0]  }
0xa6: {  	s6 =	sand.u32 $0xFFFFFFFE, s1  }
0xa7: {  	p0 =	sne.s32 s1, s6  }
0xa8: {  	s6 =	sshll.u32 @p0 s6, $0xE  }
0xa9: {  	s6 =	sadd.s32 @p0 $0x11B8D, s6;
	s7 =	sshll.u32 @p0 s5, $0x11  }
0xaa: {  	s6 =	sor.u32 @p0 s7, s6  }
0xab: {  	[sflag:s6] =	ssyncadd.remote.s32 @p0 $0x1;
	_ =	sdelay $0x1  }
0xac: {  	s6 =	simm.s32 @p0 $0x1B8D  }
0xad: {  	_ =	swait.eq @p0 [sflag:s6], $0x1  }
0xae: {  	[sflag:s6] =	ssyncadd.s32 @p0 $0xFFFFFFFF  }
0xaf: {  	s7 =	sshll.u32 @!p0 s1, $0xE  }
0xb0: {  	s7 =	sor.u32 @!p0 $0x4000, s7;
	s6 =	simm.s32 @!p0 $0x1B8D  }
0xb1: {  	s5 =	sshll.u32 @!p0 s5, $0x11;
	s7 =	sadd.s32 @!p0 $0x11B8D, s7;
	_ =	swait.eq @!p0 [sflag:s6], $0x1  }
0xb2: {  	s5 =	sor.u32 @!p0 s5, s7;
	[sflag:s6] =	ssyncadd.s32 @!p0 $0xFFFFFFFF  }
0xb3: {  	s25 =	simm.s32 $0x1B8E;
	s24 =	sld [smem:$0x3FFE];
	[sflag:s5] =	ssyncadd.remote.s32 @!p0 $0x1  }
0xb4: {  	s26 =	simm.s32 $execute0_lowered;
	[smem:$0x3FD2] =	sst s25  }
0xb5: {  	s6 =	sshll.u32 s26, $0x1;
	_ =	strace $0x80000052;
	[dreg:$0x1] =	wrdreg $0xFFFFFFFF  }
0xb6: {  	s28 =	simm.s32 $_size_execute0_lowered;
	s4 =	sadd.s32 s4, s6;
	[dreg:$0x0] =	wrdreg $0x0  }
0xb7: {  	s6 =	sshll.u32 s28, $0x1;
	[dreg:$0x2] =	wrdreg s4  }
0xb8: {  	[dreg:$0x3] =	wrdreg s6  }
0xb9: {  	[dreg:$0x4] =	wrdreg $0xC0  }
0xba: {  	_ =	task [dreg:s22], $0x5FFFF  }
0xbb: {  	[dreg:$0x1] =	wrdreg $0xFFFFFFFF  }
0xbc: {  	[dreg:$0x0] =	wrdreg $0x60  }
0xbd: {  	[dreg:$0x2] =	wrdreg s18  }
0xbe: {  	[dreg:$0x3] =	wrdreg s24  }
0xbf: {  	[dreg:$0x4] =	wrdreg $0x9  }
0xc0: {  	_ =	task.clear_ibuf [dreg:s22], $0x5FFFF;
	_ =	strace $0x90000052  }
0xc1: {  	s29 =	simm.s32 $0x9;
	_ =	strace $0x80000054  }
0xc2: {  	_ =	swait.ge [sflag:s29], $0x1  }
0xc3: {  	[sflag:s29] =	ssyncadd.s32 $0xFFFFFFFF  }
0xc4: {  	_ =	strace $0x90000054  }
0xc5: {  	_ =	sfence  }
0xc6: {  	s30 =	sld [smem:$0x0];
	_ =	sdelay $0x2  }
0xc7: {  	s31 =	sshll.u32 s1, $0xD;
	s1 =	sshrl.u32 s1, $0x2  }
0xc8: {  	s4 =	sand.u32 $0x4000, s31;
	s1 =	sadd.s32 s1, s30  }
0xc9: {  	s0 =	sor.u32 s4, s0;
	s1 =	sshll.u32 s1, $0x11  }
0xca: {  	s0 =	sor.u32 s1, s0  }
0xcb: {  	s0 =	sadd.s32 $0x8F2B, s0  }
0xcc: {  	[sflag:s0] =	ssyncadd.remote.s32 $0x1  }
0xcd: {  	_ =	sfence.sel $0xFFFF  }
0xce: {  	[dreg:$0x0] =	wrdreg $0xFFFFFFFF;
	(pc) =	sbr.abs _section_cstart, $3  }
0xcf: {  	[dreg:$0x1] =	wrdreg $0xFFFFFFFF  }
0xd0: {  	_ =	task.clear_ibuf [dreg:s22], $0x2FFFF;
	_ =	strace $0x9FFFFFFF  }
0xd1: {  	(tm) =	ssettm $0x7FFFFFFF  }
tec
execute0_lowered:
.L_overlay_start_1:
0x0: {  	(tag) =	ssettag $0x1  }
0x1: {  	s0 =	srdreg.scid  }
0x2: {  	s8 =	stileid.u32;
	s2 =	rddreg [dreg:$0x0]  }
0x3: {  	s5 =	rddreg [dreg:$0x1];
	s3 =	simm.s32 $0x0;
	s11 =	simm.s32 $0x80  }
0x4: {  	s12 =	simm.s32 $0x1E00;
	s14 =	simm.s32 $0x100;
	s15 =	simm.s32 $0x9E00  }
0x5: {  	s16 =	simm.s32 $0x1;
	s17 =	simm.s32 $0x2;
	s18 =	simm.s32 $0x3  }
0x6: {  	s19 =	simm.s32 $0xDE00;
	s20 =	simm.s32 $0xE600;
	s21 =	simm.s32 $0xEE00  }
0x7: {  	s22 =	simm.s32 $0xF600;
	s23 =	simm.s32 $0xFE00;
	s24 =	simm.s32 $0x10600  }
0x8: {  	s25 =	simm.s32 $0x4;
	s26 =	simm.s32 $0x5;
	s28 =	simm.s32 $0x6  }
0x9: {  	s0 =	sand.u32 $0x1, s0;
	s1 =	sshll.u32 s8, $0x1;
	s8 =	smul.u32 $0x7800, s8  }
0xa: {  	s1 =	sor.u32 s0, s1;
	s9 =	ssub.s32 $0x2, s0;
	s0 =	smul.u32 $0x3C00, s0  }
0xb: {  	[smem:$0x7FF] =	sst s3;
	s4 =	sadd.s32 $0xC3E800, s5;
	s6 =	smul.u32 $0x30, s1  }
0xc: {  	s29 =	simm.s32 $0x0;
	_ =	strace $0x80000053;
	s7 =	smul.u32 $0x1E00, s1  }
0xd: {  	s1 =	smul.u32 $0x1800, s1;
	s10 =	sshrl.u32 s9, $0x1;
	s8 =	sadd.s32 s8, s5  }
0xe: {  	s9 =	ssub.s32 s9, s10;
	s0 =	sadd.s32 s0, s8;
	s10 =	simm.s32 $0x7  }
0xf: {  	s6 =	sadd.s32 s6, s5;
	s7 =	sshrl.u32 s7, $0x3;
	s1 =	sadd.s32 s1, s5  }
0x10: {  	s8 =	smax.u32 s9, $0x1;
	s9 =	sadd.s32 $0x10DA00, s0;
	s7 =	sadd.s32 s7, s5  }
0x11: {  	s5 =	sadd.s32 $0x2F200, s6;
	s6 =	sadd.s32 $0x185A00, s1;
	s7 =	sadd.s32 $0x27A00, s7  }
.LBB2_1:
0x12: {  	[tilespmem:s3], [sflag:$0x7] =	stream.linear.gather [hbm4b:s5+s3], $0x180, $0x38;
	[tilespmem:$0x10E00] =	vst v63  }
0x13: {  	_ =	swait.ge [sflag:s10], $0x180  }
0x14: {  	[sflag:s10] =	ssyncset.done $0x0  }
0x15: {  	[sflag:s10] =	ssyncadd.s32 $0xFFFFFE80  }
0x16: {  	[tilespmem:s12], [sflag:$0x1] =	stream.indirect.gather [hbm4b:s2+s11], $0x80, s3, s11, $0xb8;
	[tilespmem:$0x10E00] =	vst v63  }
0x17: {  	s0 =	simm.s32 $0x5E00  }
0x18: {  	[tilespmem:s0], [sflag:$0x2] =	stream.indirect.gather [hbm4b:s2+s11], $0x80, s11, s11, $0xb8;
	[tilespmem:$0x10E00] =	vst v63  }
0x19: {  	_ = 	snop  }
0x1a: {  	[tilespmem:s15], [sflag:$0x3] =	stream.indirect.gather [hbm4b:s2+s11], $0x80, s14, s11, $0xb8;
	[tilespmem:$0x10E00] =	vst v63  }
0x1b: {  	_ =	swait.ge [sflag:s16], $0x4000  }
0x1c: {  	[sflag:s16] =	ssyncset.done $0x0  }
0x1d: {  	[sflag:s16] =	ssyncadd.s32 $0xFFFFC000  }
0x1e: {  	_ =	swait.ge [sflag:s17], $0x4000  }
0x1f: {  	[sflag:s17] =	ssyncset.done $0x0  }
0x20: {  	[sflag:s17] =	ssyncadd.s32 $0xFFFFC000  }
0x21: {  	_ =	swait.ge [sflag:s18], $0x4000  }
0x22: {  	[sflag:s18] =	ssyncset.done $0x0  }
0x23: {  	[sflag:s18] =	ssyncadd.s32 $0xFFFFC000  }
0x24: {  	[hbm4b:s6+s3] =	stream.linear.scatter [tilespmem:s12], [sflag:$0x7], $0xC000, $0x38;
	[tilespmem:$0x10E00] =	vst v63  }
0x25: {  	_ =	swait.ge [sflag:s10], $0xC000  }
0x26: {  	[sflag:s10] =	ssyncset.done $0x0  }
0x27: {  	[sflag:s10] =	ssyncadd.s32 $0xFFFF4000  }
0x28: {  	[tilespmem:s3], [sflag:$0x7] =	stream.linear.gather [hbm4b:s7+s3], $0x1E00, $0x38;
	[tilespmem:$0x10E00] =	vst v63  }
0x29: {  	_ =	swait.ge [sflag:s10], $0x1E00  }
0x2a: {  	[sflag:s10] =	ssyncset.done $0x0  }
0x2b: {  	s1 =	simm.s32 $0x0;
	[sflag:s10] =	ssyncadd.s32 $0xFFFFE200  }
0x2c: {  	[tilespmem:s19], [sflag:$0x1] =	stream.indirect.gather [hbm4b:s4+s11], $0x10, s1, s11, $0xb8;
	[tilespmem:$0x10E00] =	vst v63  }
0x2d: {  	s13 =	simm.s32 $0x80  }
0x2e: {  	[tilespmem:s20], [sflag:$0x2] =	stream.indirect.gather [hbm4b:s4+s11], $0x10, s13, s11, $0xb8;
	[tilespmem:$0x10E00] =	vst v63  }
0x2f: {  	s1 =	simm.s32 $0x100  }
0x30: {  	[tilespmem:s21], [sflag:$0x3] =	stream.indirect.gather [hbm4b:s4+s11], $0x10, s1, s11, $0xb8;
	[tilespmem:$0x10E00] =	vst v63  }
0x31: {  	s13 =	simm.s32 $0x180  }
0x32: {  	[tilespmem:s22], [sflag:$0x4] =	stream.indirect.gather [hbm4b:s4+s11], $0x10, s13, s11, $0xb8;
	[tilespmem:$0x10E00] =	vst v63  }
0x33: {  	s1 =	simm.s32 $0x200  }
0x34: {  	[tilespmem:s23], [sflag:$0x5] =	stream.indirect.gather [hbm4b:s4+s11], $0x10, s1, s11, $0xb8;
	[tilespmem:$0x10E00] =	vst v63  }
0x35: {  	s13 =	simm.s32 $0x280  }
0x36: {  	[tilespmem:s24], [sflag:$0x6] =	stream.indirect.gather [hbm4b:s4+s11], $0x10, s13, s11, $0xb8;
	[tilespmem:$0x10E00] =	vst v63  }
0x37: {  	_ =	swait.ge [sflag:s16], $0x800  }
0x38: {  	[sflag:s16] =	ssyncset.done $0x0  }
0x39: {  	[sflag:s16] =	ssyncadd.s32 $0xFFFFF800  }
0x3a: {  	_ =	swait.ge [sflag:s17], $0x800  }
0x3b: {  	[sflag:s17] =	ssyncset.done $0x0  }
0x3c: {  	[sflag:s17] =	ssyncadd.s32 $0xFFFFF800  }
0x3d: {  	_ =	swait.ge [sflag:s18], $0x800  }
0x3e: {  	[sflag:s18] =	ssyncset.done $0x0  }
0x3f: {  	[sflag:s18] =	ssyncadd.s32 $0xFFFFF800  }
0x40: {  	_ =	swait.ge [sflag:s25], $0x800  }
0x41: {  	[sflag:s25] =	ssyncset.done $0x0  }
0x42: {  	[sflag:s25] =	ssyncadd.s32 $0xFFFFF800  }
0x43: {  	_ =	swait.ge [sflag:s26], $0x800  }
0x44: {  	[sflag:s26] =	ssyncset.done $0x0  }
0x45: {  	[sflag:s26] =	ssyncadd.s32 $0xFFFFF800  }
0x46: {  	_ =	swait.ge [sflag:s28], $0x800  }
0x47: {  	[sflag:s28] =	ssyncset.done $0x0  }
0x48: {  	[sflag:s28] =	ssyncadd.s32 $0xFFFFF800  }
0x49: {  	[hbm4b:s9+s3] =	stream.linear.scatter [tilespmem:s19], [sflag:$0x7], $0x3000, $0x38;
	[tilespmem:$0x10E00] =	vst v63  }
0x4a: {  	s31 =	simm.s32 $0xC00;
	_ =	swait.ge [sflag:s10], $0x3000  }
0x4b: {  	s30 =	sadd.s32 $0x600, s9;
	s1 =	simm.s32 $0x1800;
	[sflag:s10] =	ssyncset.done $0x0  }
.LBB2_2:
0x4c: {  	s13 =	sshra.s32 s31, $0x2  }
0x4d: {  	[sflag:s10] =	ssyncadd.s32 $0xFFFFD000;
	s31 =	smov.u32 s1;
	s0 =	sadd.s32 $0xC00, s1  }
0x4e: {  	[tilespmem:s19], [sflag:$0x1] =	stream.indirect.gather [hbm4b:s4+s11], $0x10, s13, s11, $0xb8;
	[tilespmem:$0x10E00] =	vst v63  }
0x4f: {  	p0 =	sne.s32 s1, $0x6C00;
	s1 =	sadd.s32 $0x80, s13  }
0x50: {  	[tilespmem:s20], [sflag:$0x2] =	stream.indirect.gather [hbm4b:s4+s11], $0x10, s1, s11, $0xb8;
	[tilespmem:$0x10E00] =	vst v63  }
0x51: {  	s1 =	sadd.s32 $0x100, s13  }
0x52: {  	[tilespmem:s21], [sflag:$0x3] =	stream.indirect.gather [hbm4b:s4+s11], $0x10, s1, s11, $0xb8;
	[tilespmem:$0x10E00] =	vst v63  }
0x53: {  	s1 =	sadd.s32 $0x180, s13  }
0x54: {  	[tilespmem:s22], [sflag:$0x4] =	stream.indirect.gather [hbm4b:s4+s11], $0x10, s1, s11, $0xb8;
	[tilespmem:$0x10E00] =	vst v63  }
0x55: {  	s1 =	sadd.s32 $0x200, s13  }
0x56: {  	[tilespmem:s23], [sflag:$0x5] =	stream.indirect.gather [hbm4b:s4+s11], $0x10, s1, s11, $0xb8;
	[tilespmem:$0x10E00] =	vst v63  }
0x57: {  	s1 =	sadd.s32 $0x280, s13  }
0x58: {  	[tilespmem:s24], [sflag:$0x6] =	stream.indirect.gather [hbm4b:s4+s11], $0x10, s1, s11, $0xb8;
	[tilespmem:$0x10E00] =	vst v63  }
0x59: {  	_ =	swait.ge [sflag:s16], $0x800  }
0x5a: {  	[sflag:s16] =	ssyncset.done $0x0  }
0x5b: {  	[sflag:s16] =	ssyncadd.s32 $0xFFFFF800  }
0x5c: {  	_ =	swait.ge [sflag:s17], $0x800  }
0x5d: {  	[sflag:s17] =	ssyncset.done $0x0  }
0x5e: {  	[sflag:s17] =	ssyncadd.s32 $0xFFFFF800  }
0x5f: {  	_ =	swait.ge [sflag:s18], $0x800  }
0x60: {  	[sflag:s18] =	ssyncset.done $0x0  }
0x61: {  	[sflag:s18] =	ssyncadd.s32 $0xFFFFF800  }
0x62: {  	_ =	swait.ge [sflag:s25], $0x800  }
0x63: {  	[sflag:s25] =	ssyncset.done $0x0  }
0x64: {  	[sflag:s25] =	ssyncadd.s32 $0xFFFFF800  }
0x65: {  	_ =	swait.ge [sflag:s26], $0x800  }
0x66: {  	[sflag:s26] =	ssyncset.done $0x0  }
0x67: {  	[sflag:s26] =	ssyncadd.s32 $0xFFFFF800  }
0x68: {  	_ =	swait.ge [sflag:s28], $0x800  }
.Ltmp0:
0x69: {  	[sflag:s28] =	ssyncset.done $0x0;
	(pc) =	sbr.rel @p0 .LBB2_2-.Ltmp0, $4  }
0x6a: {  	[sflag:s28] =	ssyncadd.s32 $0xFFFFF800  }
0x6b: {  	[hbm4b:s30+s3] =	stream.linear.scatter [tilespmem:s19], [sflag:$0x7], $0x3000, $0x38;
	[tilespmem:$0x10E00] =	vst v63  }
0x6c: {  	_ =	swait.ge [sflag:s10], $0x3000  }
0x6d: {  	s1 =	smov.u32 s0;
	s30 =	sadd.s32 $0x600, s30;
	[sflag:s10] =	ssyncset.done $0x0  }
0x6e: {  	s0 =	sshra.s32 s31, $0x2;
	[sflag:s10] =	ssyncadd.s32 $0xFFFFD000  }
0x6f: {  	[tilespmem:s19], [sflag:$0x1] =	stream.indirect.gather [hbm4b:s4+s11], $0x10, s0, s11, $0xb8;
	[tilespmem:$0x10E00] =	vst v63  }
0x70: {  	s1 =	sadd.s32 $0x80, s0  }
0x71: {  	[tilespmem:s20], [sflag:$0x2] =	stream.indirect.gather [hbm4b:s4+s11], $0x10, s1, s11, $0xb8;
	[tilespmem:$0x10E00] =	vst v63  }
0x72: {  	s31 =	sadd.s32 $0x100, s0  }
0x73: {  	[tilespmem:s21], [sflag:$0x3] =	stream.indirect.gather [hbm4b:s4+s11], $0x10, s31, s11, $0xb8;
	[tilespmem:$0x10E00] =	vst v63  }
0x74: {  	s13 =	sadd.s32 $0x180, s0  }
0x75: {  	[tilespmem:s22], [sflag:$0x4] =	stream.indirect.gather [hbm4b:s4+s11], $0x10, s13, s11, $0xb8;
	[tilespmem:$0x10E00] =	vst v63  }
0x76: {  	s31 =	sadd.s32 $0x200, s0  }
0x77: {  	[tilespmem:s23], [sflag:$0x5] =	stream.indirect.gather [hbm4b:s4+s11], $0x10, s31, s11, $0xb8;
	[tilespmem:$0x10E00] =	vst v63  }
0x78: {  	s0 =	sadd.s32 $0x280, s0  }
0x79: {  	[tilespmem:s24], [sflag:$0x6] =	stream.indirect.gather [hbm4b:s4+s11], $0x10, s0, s11, $0xb8;
	[tilespmem:$0x10E00] =	vst v63  }
0x7a: {  	_ =	swait.ge [sflag:s16], $0x800  }
0x7b: {  	[sflag:s16] =	ssyncset.done $0x0  }
0x7c: {  	[sflag:s16] =	ssyncadd.s32 $0xFFFFF800  }
0x7d: {  	_ =	swait.ge [sflag:s17], $0x800  }
0x7e: {  	[sflag:s17] =	ssyncset.done $0x0  }
0x7f: {  	[sflag:s17] =	ssyncadd.s32 $0xFFFFF800  }
0x80: {  	_ =	swait.ge [sflag:s18], $0x800  }
0x81: {  	[sflag:s18] =	ssyncset.done $0x0  }
0x82: {  	[sflag:s18] =	ssyncadd.s32 $0xFFFFF800  }
0x83: {  	_ =	swait.ge [sflag:s25], $0x800  }
0x84: {  	[sflag:s25] =	ssyncset.done $0x0  }
0x85: {  	[sflag:s25] =	ssyncadd.s32 $0xFFFFF800  }
0x86: {  	_ =	swait.ge [sflag:s26], $0x800  }
0x87: {  	[sflag:s26] =	ssyncset.done $0x0  }
0x88: {  	[sflag:s26] =	ssyncadd.s32 $0xFFFFF800  }
0x89: {  	s29 =	sadd.s32 $0x1, s29;
	_ =	swait.ge [sflag:s28], $0x800  }
0x8a: {  	p0 =	sne.s32 s29, s8;
	[sflag:s28] =	ssyncset.done $0x0  }
.Ltmp1:
0x8b: {  	[sflag:s28] =	ssyncadd.s32 $0xFFFFF800;
	(pc) =	sbr.rel @p0 .LBB2_1-.Ltmp1, $4  }
0x8c: {  	[hbm4b:s30+s3] =	stream.linear.scatter [tilespmem:s19], [sflag:$0x7], $0x3000, $0x38;
	[tilespmem:$0x10E00] =	vst v63  }
0x8d: {  	_ =	swait.ge [sflag:s10], $0x3000  }
0x8e: {  	[sflag:s10] =	ssyncset.done $0x0  }
0x8f: {  	[sflag:s10] =	ssyncadd.s32 $0xFFFFD000  }
0x90: {  	_ =	sfence.sel $0x180000  }
0x91: {  	[bflag:$0x0] =	sbarrier.arrive $0xFFFF  }
0x92: {  	_ =	strace $0x90000053  }
0x93: {  	s0 =	stileid.u32;
	[bflag:$0x2] =	sbarrier.arrive $0xFFFF  }
0x94: {  	p0 =	sne.s32 s0, $0x0;
	s0 =	rddreg [dreg:$0x2]  }
0x95: {  	s0 =	sadd.s32 @!p0 $0x100000, s0  }
0x96: {  	[sflag:s0] =	ssyncadd.tile.s32 @!p0 $0x1;
	_ =	shalt  }
.Lfunc_end2:
_tile_overlayer_lowered:
.L_overlay_start_2:
0x97: {  	(tag) =	ssettag $0x2  }
0x98: {  	s0 =	rddreg [dreg:$0x0];
	s2 =	stileid.u32  }
0x99: {  	s1 =	rddreg [dreg:$0x1];
	p0 =	sne.s32 s2, $0x0  }
0x9a: {  	s3 =	rddreg [dreg:$0x2];
	[bflag:$0x3] =	sbarrier.arrive $0xFFFF;
	s2 =	simm.s32 @!p0 $0x1C07  }
0x9b: {  	[timem:s3], [sflag:s2] =	dma.local @!p0 [hbm:s0], s1  }
0x9c: {  	s0 =	simm.s32 @!p0 $0x7  }
0x9d: {  	_ =	swait.ge @!p0 [sflag:s0], s1  }
0x9e: {  	s1 =	ssub.s32 @!p0 $0x0, s1;
	[sflag:s0] =	ssyncset.done @!p0 $0x0  }
0x9f: {  	[sflag:s0] =	ssyncadd.s32 @!p0 s1  }
0xa0: {  	[bflag:$0x3] =	sbarrier.arrive $0xFFFF  }
0xa1: {  	_ =	shalt  }

// kernel: kernel.17.cloned.1.call-start
scs
__scs_entry_jumppad:
0x0: {  	(pc) =	sbr.rel $0x88, $3  }
0x1: {  	(tag) =	ssettag $0x0;
	lr =	simm.s32 $0x1  }
0x2: {  	[smem:$0x3F7E] =	sst lr;
	_ =	strace $0xD0000000  }
0x3: {  	_ = 	snop  }
0x4: {  	_ = 	snop  }
0x5: {  	_ = 	snop  }
0x6: {  	_ = 	snop  }
0x7: {  	_ = 	snop  }
__scs_overlays_trampoline_lowered:
0x8: {  	[smem:$0x3F8D] =	sst s0  }
0x9: {  	[smem:$0x3F8E] =	sst s1  }
0xa: {  	[smem:$0x3F8F] =	sst s2  }
0xb: {  	[smem:$0x3F90] =	sst s3  }
0xc: {  	[smem:$0x3F91] =	sst s4  }
0xd: {  	[smem:$0x3F92] =	sst s5  }
0xe: {  	[smem:$0x3F93] =	sst s6  }
0xf: {  	[smem:$0x3F94] =	sst s7  }
0x10: {  	[smem:$0x3F95] =	sst s8  }
0x11: {  	[smem:$0x3F96] =	sst s9;
	s0 =	simm.s32 @!p0 $0x0  }
0x12: {  	s1 =	sld [smem:$0x3F7C];
	s0 =	simm.s32 @p0 $0x1  }
0x13: {  	[smem:$0x3F97] =	sst s0;
	s0 =	simm.s32 @!p1 $0x0  }
0x14: {  	s2 =	sld [smem:$0x3F7B];
	s0 =	simm.s32 @p1 $0x1  }
0x15: {  	[smem:$0x3F98] =	sst s0;
	s0 =	simm.s32 @!p2 $0x0  }
0x16: {  	s3 =	sld [smem:$0x3FDB];
	s0 =	simm.s32 @p2 $0x1  }
0x17: {  	s4 =	simm.s32 $0x1BF5;
	[smem:$0x3F9A] =	sst s0  }
0x18: {  	s0 =	sld [smem:$0x3F7D];
	_ =	swait.ge [sflag:s4], $0x0  }
0x19: {  	s7 =	sld [smem:$0x3F7E]  }
0x1a: {  	s8 =	sadd.s32 $0xFFFFE003, lr  }
0x1b: {  	s9 =	sadd.s32 $0xFFFFFEF7, lr;
	s5 =	simm.s32 $0xFFFFFFFF;
	p2 =	slt.u32 s8, $0xFFFFF086  }
0x1c: {  	p1 =	slt.u32 s9, $0xF7A;
	s5 =	simm.s32 @!p2 $0x0  }
0x1d: {  	s5 =	simm.s32 @p1 $0x1;
	p0 =	seq.s32 s7, s2  }
0x1e: {  	s7 =	smul.u32 @!p0 $0xF7A, s2;
	p2 =	seq.s32 @!p0 s5, $0x0  }
0x1f: {  	s9 =	smul.u32 $0xF7A, s1;
	s8 =	simm.s32 @!p0 $0x1BF5;
	p2 =	por !p2, p0  }
0x20: {  	[sflag:s8] =	ssyncset.s32 @!p0 $0xFFFFF086;
	s6 =	sadd.s32 @!p0 s3, s7;
	s7 =	simm.s32 @!p0 $0x108  }
0x21: {  	s3 =	sadd.s32 s3, s9;
	s6 =	sadd.s32 @!p0 $0x88, s6;
	s7 =	simm.s32 @p2 $0x1082  }
0x22: {  	[simem:s7], [sflag:s8] =	dma.local @!p0 [hbm:s6], $0xF7A  }
0x23: {  	s9 =	sor.u32 $0xD0000000, s2;
	s6 =	simm.s32 $0x108;
	_ =	swait.ge @!p0 [sflag:s8], $0x0  }
0x24: {  	s3 =	sadd.s32 $0x88, s3;
	s6 =	simm.s32 @!p1 $0x1082;
	[sflag:s4] =	ssyncset.s32 $0xFFFFF086  }
0x25: {  	[simem:s6], [sflag:s4] =	dma.local [hbm:s3], $0xF7A  }
0x26: {  	[smem:$0x3F7E] =	sst s1;
	(tag) =	ssettag s2;
	_ =	strace s9  }
0x27: {  	s1 =	sld [smem:$0x3F8E]  }
0x28: {  	s2 =	sld [smem:$0x3F8F]  }
0x29: {  	s4 =	sld [smem:$0x3F91]  }
0x2a: {  	p0 =	seq.s32 s5, $0x0;
	s5 =	sld [smem:$0x3F92]  }
0x2b: {  	s6 =	sld [smem:$0x3F93]  }
0x2c: {  	s7 =	sld [smem:$0x3F94]  }
0x2d: {  	s3 =	simm.s32 $0x108;
	s8 =	sld [smem:$0x3F95]  }
0x2e: {  	s3 =	simm.s32 @!p0 $0x1082;
	s9 =	sld [smem:$0x3F96]  }
0x2f: {  	lr =	sadd.s32 s0, s3;
	s0 =	sld [smem:$0x3F8D]  }
0x30: {  	s3 =	sld [smem:$0x3F90]  }
0x31: {  	[smem:$0x3F99] =	sst s10  }
0x32: {  	s10 =	sld [smem:$0x3F97];
	_ =	sdelay $0x3  }
0x33: {  	p0 =	seq.s32 s10, $0x1;
	s10 =	sld [smem:$0x3F99];
	_ =	sdelay $0x3  }
0x34: {  	[smem:$0x3F99] =	sst s10  }
0x35: {  	s10 =	sld [smem:$0x3F98];
	_ =	sdelay $0x3  }
0x36: {  	p1 =	seq.s32 s10, $0x1;
	s10 =	sld [smem:$0x3F99];
	_ =	sdelay $0x3  }
0x37: {  	[smem:$0x3F99] =	sst s10  }
0x38: {  	s10 =	sld [smem:$0x3F9A]  }
0x39: {  	_ = 	snop;
	(pc) =	sbr.ind lr, $3  }
0x3a: {  	_ = 	snop  }
0x3b: {  	_ = 	snop  }
0x3c: {  	p2 =	seq.s32 s10, $0x1;
	s10 =	sld [smem:$0x3F99]  }
0x3d: {  	_ =	shalt  }
0x3e: {  	_ =	shalt  }
0x3f: {  	_ =	shalt  }
0x40: {  	_ =	shalt  }
0x41: {  	_ =	shalt  }
0x42: {  	_ =	shalt  }
0x43: {  	_ =	shalt  }
0x44: {  	_ =	shalt  }
0x45: {  	_ =	shalt  }
0x46: {  	_ =	shalt  }
0x47: {  	_ =	shalt  }
0x48: {  	_ =	shalt  }
0x49: {  	_ =	shalt  }
0x4a: {  	_ =	shalt  }
0x4b: {  	_ =	shalt  }
0x4c: {  	_ =	shalt  }
0x4d: {  	_ =	shalt  }
0x4e: {  	_ =	shalt  }
0x4f: {  	_ =	shalt  }
0x50: {  	_ =	shalt  }
0x51: {  	_ =	shalt  }
0x52: {  	_ =	shalt  }
0x53: {  	_ =	shalt  }
0x54: {  	_ =	shalt  }
0x55: {  	_ =	shalt  }
0x56: {  	_ =	shalt  }
0x57: {  	_ =	shalt  }
0x58: {  	_ =	shalt  }
0x59: {  	_ =	shalt  }
0x5a: {  	_ =	shalt  }
0x5b: {  	_ =	shalt  }
0x5c: {  	_ =	shalt  }
0x5d: {  	_ =	shalt  }
0x5e: {  	_ =	shalt  }
0x5f: {  	_ =	shalt  }
0x60: {  	_ =	shalt  }
0x61: {  	_ =	shalt  }
0x62: {  	_ =	shalt  }
0x63: {  	_ =	shalt  }
0x64: {  	_ =	shalt  }
0x65: {  	_ =	shalt  }
0x66: {  	_ =	shalt  }
0x67: {  	_ =	shalt  }
0x68: {  	_ =	shalt  }
0x69: {  	_ =	shalt  }
0x6a: {  	_ =	shalt  }
0x6b: {  	_ =	shalt  }
0x6c: {  	_ =	shalt  }
0x6d: {  	_ =	shalt  }
0x6e: {  	_ =	shalt  }
0x6f: {  	_ =	shalt  }
0x70: {  	_ =	shalt  }
0x71: {  	_ =	shalt  }
0x72: {  	_ =	shalt  }
0x73: {  	_ =	shalt  }
0x74: {  	_ =	shalt  }
0x75: {  	_ =	shalt  }
0x76: {  	_ =	shalt  }
0x77: {  	_ =	shalt  }
0x78: {  	_ =	shalt  }
0x79: {  	_ =	shalt  }
0x7a: {  	_ =	shalt  }
0x7b: {  	_ =	shalt  }
0x7c: {  	_ =	shalt  }
0x7d: {  	_ =	shalt  }
0x7e: {  	_ =	shalt  }
0x7f: {  	_ =	shalt  }
0x80: {  	_ =	shalt  }
0x81: {  	_ =	shalt  }
0x82: {  	_ =	shalt  }
0x83: {  	_ =	shalt  }
0x84: {  	_ =	shalt  }
0x85: {  	_ =	shalt  }
0x86: {  	_ =	shalt  }
0x87: {  	_ =	shalt  }
.Lfunc_end0:
.L_simem_size_0:
called_computation.4_lowered:
.L_overlay_start_0:
0x88: {  	s2 =	sld [smem:$0x3FD9]  }
0x89: {  	s3 =	sld [smem:$0x3FFE];
	_ =	sdelay $0x1  }
0x8a: {  	s1 =	srdreg.scid  }
0x8b: {  	s0 =	sand.u32 $0x1, s1  }
0x8c: {  	s16 =	sshll.u32 s0, $0xA;
	s2 =	sadd.s32 s3, s2  }
0x8d: {  	s2 =	sadd.s32 s2, s16  }
0x8e: {  	[smem:$0x3FA5] =	sst s2  }
0x8f: {  	_ = 	snop  }
0x90: {  	(tm) =	ssettm $0x1  }
0x91: {  	s17 =	sld [smem:$0x3FFB];
	_ =	sdelay $0x3  }
0x92: {  	_ =	strace s17  }
0x93: {  	s2 =	sld [smem:$0x3FFC];
	_ =	sdelay $0x3  }
0x94: {  	_ =	strace s2  }
0x95: {  	s2 =	sld [smem:$0x3FFD];
	_ =	sdelay $0x3  }
0x96: {  	_ =	strace s2  }
0x97: {  	_ =	strace $0x8FFFFFFF  }
0x98: {  	s18 =	sld [smem:$0x3FDB];
	_ =	sdelay $0x1  }
0x99: {  	s19 =	simm.s32 $_scs_section_size  }
0x9a: {  	s4 =	simm.s32 $_size__tile_overlayer_lowered;
	s5 =	simm.s32 $_tile_overlayer_lowered  }
0x9b: {  	s22 =	simm.s32 $0x1BFF;
	s21 =	sshll.u32 s5, $0x1;
	s2 =	sadd.s32 s19, s18  }
0x9c: {  	s6 =	simm.s32 $0x0;
	s20 =	sshll.u32 s4, $0x1;
	s4 =	sadd.s32 s21, s2  }
0x9d: {  	[timem:s6], [sflag:s22] =	dma.local [hbm:s4], s20  }
0x9e: {  	_ =	swait.ge [sflag:s22], s20  }
0x9f: {  	s3 =	ssub.s32 $0x0, s20;
	[sflag:s22] =	ssyncset.done $0x0  }
0xa0: {  	[sflag:s22] =	ssyncadd.s32 s3;
	_ =	sdelay $0x1  }
0xa1: {  	s23 =	simm.s32 $0x1B8B  }
0xa2: {  	_ =	swait.ge [sflag:s23], $0x1  }
0xa3: {  	[sflag:s23] =	ssyncset.done $0x0  }
0xa4: {  	s25 =	simm.s32 $0x1B8E;
	s24 =	sld [smem:$0x3FFE];
	[sflag:s23] =	ssyncadd.s32 $0xFFFFFFFF  }
0xa5: {  	s26 =	simm.s32 $execute0_lowered;
	[smem:$0x3FD2] =	sst s25  }
0xa6: {  	s4 =	sshll.u32 s26, $0x1;
	_ =	strace $0x8000004F;
	[dreg:$0x1] =	wrdreg $0xFFFFFFFF  }
0xa7: {  	s28 =	simm.s32 $_size_execute0_lowered;
	s2 =	sadd.s32 s2, s4;
	[dreg:$0x0] =	wrdreg $0x0  }
0xa8: {  	s4 =	sshll.u32 s28, $0x1;
	[dreg:$0x2] =	wrdreg s2  }
0xa9: {  	[dreg:$0x3] =	wrdreg s4  }
0xaa: {  	[dreg:$0x4] =	wrdreg $0xC0  }
0xab: {  	_ =	task [dreg:s6], $0x5FFFF  }
0xac: {  	[dreg:$0x1] =	wrdreg $0xFFFFFFFF  }
0xad: {  	[dreg:$0x0] =	wrdreg $0x60  }
0xae: {  	[dreg:$0x2] =	wrdreg s24  }
0xaf: {  	[dreg:$0x3] =	wrdreg $0xA  }
0xb0: {  	_ =	task.clear_ibuf [dreg:s6], $0x4FFFF;
	_ =	strace $0x9000004F  }
0xb1: {  	s29 =	simm.s32 $0xA;
	_ =	strace $0x80000051  }
0xb2: {  	_ =	swait.ge [sflag:s29], $0x1  }
0xb3: {  	[sflag:s29] =	ssyncadd.s32 $0xFFFFFFFF  }
0xb4: {  	_ =	strace $0x90000051  }
0xb5: {  	_ =	sfence  }
0xb6: {  	s30 =	sld [smem:$0x0];
	_ =	sdelay $0x2  }
0xb7: {  	s31 =	sshll.u32 s1, $0xD;
	s1 =	sshrl.u32 s1, $0x2  }
0xb8: {  	s3 =	sand.u32 $0x4000, s31;
	s1 =	sadd.s32 s1, s30  }
0xb9: {  	s0 =	sor.u32 s3, s0;
	s1 =	sshll.u32 s1, $0x11  }
0xba: {  	s0 =	sor.u32 s1, s0  }
0xbb: {  	s0 =	sadd.s32 $0x8F2B, s0  }
0xbc: {  	[sflag:s0] =	ssyncadd.remote.s32 $0x1  }
0xbd: {  	_ =	sfence.sel $0xFFFF  }
0xbe: {  	[dreg:$0x0] =	wrdreg $0xFFFFFFFF;
	(pc) =	sbr.abs _section_cstart, $3  }
0xbf: {  	[dreg:$0x1] =	wrdreg $0xFFFFFFFF  }
0xc0: {  	_ =	task.clear_ibuf [dreg:s6], $0x2FFFF;
	_ =	strace $0x9FFFFFFF  }
0xc1: {  	(tm) =	ssettm $0x7FFFFFFF  }
tec
execute0_lowered:
.L_overlay_start_1:
0x0: {  	(tag) =	ssettag $0x1  }
0x1: {  	s1 =	srdreg.scid  }
0x2: {  	s0 =	stileid.u32;
	s10 =	sand.u32 $0x1, s1  }
0x3: {  	s30 =	sshll.u32 s0, $0x9;
	s2 =	sshll.u32 s10, $0x8  }
0x4: {  	s5 =	sor.u32 s2, s30  }
0x5: {  	s7 =	rddreg [dreg:$0x0];
	s2 =	simm.s32 $0x0;
	s3 =	sshrl.u32 s5, $0x3  }
0x6: {  	s4 =	simm.s32 $0x2;
	[smem:$0x7FF] =	sst s2;
	s3 =	sadd.s32 s3, s7  }
0x7: {  	s1 =	rddreg [dreg:$0x1];
	_ =	strace $0x80000050;
	s3 =	sadd.s32 $0x7600, s3  }
0x8: {  	[tilespmem:s2], [sflag:$0x2] =	stream.linear.gather [hbm4b:s3+s2], $0x100, $0x38;
	[tilespmem:$0x4100] =	vst v63  }
0x9: {  	s5 =	sshll.u32 s5, $0x4;
	_ =	swait.ge [sflag:s4], $0x100  }
0xa: {  	s11 =	sadd.s32 s5, s7;
	[sflag:s4] =	ssyncset.done $0x0  }
0xb: {  	s6 =	simm.s32 $0x100;
	s5 =	sadd.s32 $0x7A00, s11;
	[sflag:s4] =	ssyncadd.s32 $0xFFFFFF00  }
0xc: {  	[tilespmem:s6], [sflag:$0x2] =	stream.linear.gather [hbm4b:s5+s2], $0x4000, $0x38;
	[tilespmem:$0x4100] =	vst v63  }
0xd: {  	_ =	swait.ge [sflag:s4], $0x4000  }
0xe: {  	s9 =	simm.s32 $0x80;
	s8 =	simm.s32 $0x1;
	[sflag:s4] =	ssyncset.done $0x0  }
0xf: {  	s12 =	ssub.s32 $0x2, s10;
	s7 =	sadd.s32 $0x49A00, s7;
	[sflag:s4] =	ssyncadd.s32 $0xFFFFC000  }
0x10: {  	[hbm4b:s7+s9] =	stream.indirect.scatter [tilespmem:s6], [sflag:$0x1], $0x80, s2, s9, $0xb8;
	[tilespmem:$0x4100] =	vst v63  }
0x11: {  	s31 =	sshrl.u32 s12, $0x1;
	_ =	swait.ge [sflag:s8], $0x4000  }
0x12: {  	s10 =	sadd.s32 $0x8200, s11;
	s11 =	ssub.s32 s12, s31;
	[sflag:s8] =	ssyncset.done $0x0  }
0x13: {  	s11 =	smax.u32 s11, $0x1;
	[sflag:s8] =	ssyncadd.s32 $0xFFFFC000  }
0x14: {  	[tilespmem:s6], [sflag:$0x2] =	stream.linear.gather [hbm4b:s10+s2], $0x4000, $0x38;
	[tilespmem:$0x4100] =	vst v63  }
0x15: {  	p0 =	sne.s32 s11, $0x1;
	_ =	swait.ge [sflag:s4], $0x4000  }
.Ltmp0:
0x16: {  	[sflag:s4] =	ssyncset.done $0x0;
	(pc) =	sbr.rel @!p0 .LBB2_2-.Ltmp0, $4  }
0x17: {  	[sflag:s4] =	ssyncadd.s32 $0xFFFFC000  }
0x18: {  	[hbm4b:s7+s9] =	stream.indirect.scatter [tilespmem:s6], [sflag:$0x1], $0x80, s9, s9, $0xb8;
	[tilespmem:$0x4100] =	vst v63  }
0x19: {  	_ =	swait.ge [sflag:s8], $0x4000  }
0x1a: {  	s11 =	sadd.s32 $0xFFFFFFFF, s11;
	[sflag:s8] =	ssyncset.done $0x0  }
.LBB2_1:
0x1b: {  	p0 =	sne.s32 s11, $0x1;
	s11 =	sadd.s32 $0xFFFFFFFF, s11;
	[sflag:s8] =	ssyncadd.s32 $0xFFFFC000  }
0x1c: {  	[tilespmem:s2], [sflag:$0x2] =	stream.linear.gather [hbm4b:s3+s2], $0x100, $0x38;
	[tilespmem:$0x4100] =	vst v63  }
0x1d: {  	_ =	swait.ge [sflag:s4], $0x100  }
0x1e: {  	[sflag:s4] =	ssyncset.done $0x0  }
0x1f: {  	[sflag:s4] =	ssyncadd.s32 $0xFFFFFF00  }
0x20: {  	[tilespmem:s6], [sflag:$0x2] =	stream.linear.gather [hbm4b:s5+s2], $0x4000, $0x38;
	[tilespmem:$0x4100] =	vst v63  }
0x21: {  	_ =	swait.ge [sflag:s4], $0x4000  }
0x22: {  	[sflag:s4] =	ssyncset.done $0x0  }
0x23: {  	[sflag:s4] =	ssyncadd.s32 $0xFFFFC000  }
0x24: {  	[hbm4b:s7+s9] =	stream.indirect.scatter [tilespmem:s6], [sflag:$0x1], $0x80, s2, s9, $0xb8;
	[tilespmem:$0x4100] =	vst v63  }
0x25: {  	_ =	swait.ge [sflag:s8], $0x4000  }
0x26: {  	[sflag:s8] =	ssyncset.done $0x0  }
0x27: {  	[sflag:s8] =	ssyncadd.s32 $0xFFFFC000  }
0x28: {  	[tilespmem:s6], [sflag:$0x2] =	stream.linear.gather [hbm4b:s10+s2], $0x4000, $0x38;
	[tilespmem:$0x4100] =	vst v63  }
0x29: {  	_ =	swait.ge [sflag:s4], $0x4000  }
.Ltmp1:
0x2a: {  	[sflag:s4] =	ssyncset.done $0x0;
	(pc) =	sbr.rel @p0 .LBB2_1-.Ltmp1, $4  }
0x2b: {  	[sflag:s4] =	ssyncadd.s32 $0xFFFFC000  }
0x2c: {  	[hbm4b:s7+s9] =	stream.indirect.scatter [tilespmem:s6], [sflag:$0x1], $0x80, s9, s9, $0xb8;
	[tilespmem:$0x4100] =	vst v63  }
0x2d: {  	_ =	swait.ge [sflag:s8], $0x4000  }
0x2e: {  	[sflag:s8] =	ssyncset.done $0x0  }
.LBB2_2:
0x2f: {  	[sflag:s8] =	ssyncadd.s32 $0xFFFFC000  }
0x30: {  	_ =	sfence.sel $0x180000  }
0x31: {  	[bflag:$0x0] =	sbarrier.arrive $0xFFFF  }
0x32: {  	p0 =	sne.s32 s0, $0x0;
	_ =	strace $0x90000050  }
0x33: {  	s0 =	sadd.s32 @!p0 $0x100000, s1;
	[bflag:$0x2] =	sbarrier.arrive $0xFFFF  }
0x34: {  	[sflag:s0] =	ssyncadd.tile.s32 @!p0 $0x1;
	_ =	shalt  }
.Lfunc_end2:
_tile_overlayer_lowered:
.L_overlay_start_2:
0x35: {  	(tag) =	ssettag $0x2  }
0x36: {  	s0 =	rddreg [dreg:$0x0];
	s2 =	stileid.u32  }
0x37: {  	s1 =	rddreg [dreg:$0x1];
	p0 =	sne.s32 s2, $0x0  }
0x38: {  	s3 =	rddreg [dreg:$0x2];
	[bflag:$0x3] =	sbarrier.arrive $0xFFFF;
	s2 =	simm.s32 @!p0 $0x1C02  }
0x39: {  	[timem:s3], [sflag:s2] =	dma.local @!p0 [hbm:s0], s1  }
0x3a: {  	s0 =	simm.s32 @!p0 $0x2  }
0x3b: {  	_ =	swait.ge @!p0 [sflag:s0], s1  }
0x3c: {  	s1 =	ssub.s32 @!p0 $0x0, s1;
	[sflag:s0] =	ssyncset.done @!p0 $0x0  }
0x3d: {  	[sflag:s0] =	ssyncadd.s32 @!p0 s1  }
0x3e: {  	[bflag:$0x3] =	sbarrier.arrive $0xFFFF  }
0x3f: {  	_ =	shalt  }

// kernel: kernel.20.cloned.1.call-start
scs
__scs_entry_jumppad:
0x0: {  	(pc) =	sbr.rel $0x88, $3  }
0x1: {  	(tag) =	ssettag $0x0;
	lr =	simm.s32 $0x1  }
0x2: {  	[smem:$0x3F7E] =	sst lr;
	_ =	strace $0xD0000000  }
0x3: {  	_ = 	snop  }
0x4: {  	_ = 	snop  }
0x5: {  	_ = 	snop  }
0x6: {  	_ = 	snop  }
0x7: {  	_ = 	snop  }
__scs_overlays_trampoline_lowered:
0x8: {  	[smem:$0x3F8D] =	sst s0  }
0x9: {  	[smem:$0x3F8E] =	sst s1  }
0xa: {  	[smem:$0x3F8F] =	sst s2  }
0xb: {  	[smem:$0x3F90] =	sst s3  }
0xc: {  	[smem:$0x3F91] =	sst s4  }
0xd: {  	[smem:$0x3F92] =	sst s5  }
0xe: {  	[smem:$0x3F93] =	sst s6  }
0xf: {  	[smem:$0x3F94] =	sst s7  }
0x10: {  	[smem:$0x3F95] =	sst s8  }
0x11: {  	[smem:$0x3F96] =	sst s9;
	s0 =	simm.s32 @!p0 $0x0  }
0x12: {  	s1 =	sld [smem:$0x3F7C];
	s0 =	simm.s32 @p0 $0x1  }
0x13: {  	[smem:$0x3F97] =	sst s0;
	s0 =	simm.s32 @!p1 $0x0  }
0x14: {  	s2 =	sld [smem:$0x3F7B];
	s0 =	simm.s32 @p1 $0x1  }
0x15: {  	[smem:$0x3F98] =	sst s0;
	s0 =	simm.s32 @!p2 $0x0  }
0x16: {  	s3 =	sld [smem:$0x3FDB];
	s0 =	simm.s32 @p2 $0x1  }
0x17: {  	s4 =	simm.s32 $0x1BF5;
	[smem:$0x3F9A] =	sst s0  }
0x18: {  	s0 =	sld [smem:$0x3F7D];
	_ =	swait.ge [sflag:s4], $0x0  }
0x19: {  	s7 =	sld [smem:$0x3F7E]  }
0x1a: {  	s8 =	sadd.s32 $0xFFFFE003, lr  }
0x1b: {  	s9 =	sadd.s32 $0xFFFFFEF7, lr;
	s5 =	simm.s32 $0xFFFFFFFF;
	p2 =	slt.u32 s8, $0xFFFFF086  }
0x1c: {  	p1 =	slt.u32 s9, $0xF7A;
	s5 =	simm.s32 @!p2 $0x0  }
0x1d: {  	s5 =	simm.s32 @p1 $0x1;
	p0 =	seq.s32 s7, s2  }
0x1e: {  	s7 =	smul.u32 @!p0 $0xF7A, s2;
	p2 =	seq.s32 @!p0 s5, $0x0  }
0x1f: {  	s9 =	smul.u32 $0xF7A, s1;
	s8 =	simm.s32 @!p0 $0x1BF5;
	p2 =	por !p2, p0  }
0x20: {  	[sflag:s8] =	ssyncset.s32 @!p0 $0xFFFFF086;
	s6 =	sadd.s32 @!p0 s3, s7;
	s7 =	simm.s32 @!p0 $0x108  }
0x21: {  	s3 =	sadd.s32 s3, s9;
	s6 =	sadd.s32 @!p0 $0x88, s6;
	s7 =	simm.s32 @p2 $0x1082  }
0x22: {  	[simem:s7], [sflag:s8] =	dma.local @!p0 [hbm:s6], $0xF7A  }
0x23: {  	s9 =	sor.u32 $0xD0000000, s2;
	s6 =	simm.s32 $0x108;
	_ =	swait.ge @!p0 [sflag:s8], $0x0  }
0x24: {  	s3 =	sadd.s32 $0x88, s3;
	s6 =	simm.s32 @!p1 $0x1082;
	[sflag:s4] =	ssyncset.s32 $0xFFFFF086  }
0x25: {  	[simem:s6], [sflag:s4] =	dma.local [hbm:s3], $0xF7A  }
0x26: {  	[smem:$0x3F7E] =	sst s1;
	(tag) =	ssettag s2;
	_ =	strace s9  }
0x27: {  	s1 =	sld [smem:$0x3F8E]  }
0x28: {  	s2 =	sld [smem:$0x3F8F]  }
0x29: {  	s4 =	sld [smem:$0x3F91]  }
0x2a: {  	p0 =	seq.s32 s5, $0x0;
	s5 =	sld [smem:$0x3F92]  }
0x2b: {  	s6 =	sld [smem:$0x3F93]  }
0x2c: {  	s7 =	sld [smem:$0x3F94]  }
0x2d: {  	s3 =	simm.s32 $0x108;
	s8 =	sld [smem:$0x3F95]  }
0x2e: {  	s3 =	simm.s32 @!p0 $0x1082;
	s9 =	sld [smem:$0x3F96]  }
0x2f: {  	lr =	sadd.s32 s0, s3;
	s0 =	sld [smem:$0x3F8D]  }
0x30: {  	s3 =	sld [smem:$0x3F90]  }
0x31: {  	[smem:$0x3F99] =	sst s10  }
0x32: {  	s10 =	sld [smem:$0x3F97];
	_ =	sdelay $0x3  }
0x33: {  	p0 =	seq.s32 s10, $0x1;
	s10 =	sld [smem:$0x3F99];
	_ =	sdelay $0x3  }
0x34: {  	[smem:$0x3F99] =	sst s10  }
0x35: {  	s10 =	sld [smem:$0x3F98];
	_ =	sdelay $0x3  }
0x36: {  	p1 =	seq.s32 s10, $0x1;
	s10 =	sld [smem:$0x3F99];
	_ =	sdelay $0x3  }
0x37: {  	[smem:$0x3F99] =	sst s10  }
0x38: {  	s10 =	sld [smem:$0x3F9A]  }
0x39: {  	_ = 	snop;
	(pc) =	sbr.ind lr, $3  }
0x3a: {  	_ = 	snop  }
0x3b: {  	_ = 	snop  }
0x3c: {  	p2 =	seq.s32 s10, $0x1;
	s10 =	sld [smem:$0x3F99]  }
0x3d: {  	_ =	shalt  }
0x3e: {  	_ =	shalt  }
0x3f: {  	_ =	shalt  }
0x40: {  	_ =	shalt  }
0x41: {  	_ =	shalt  }
0x42: {  	_ =	shalt  }
0x43: {  	_ =	shalt  }
0x44: {  	_ =	shalt  }
0x45: {  	_ =	shalt  }
0x46: {  	_ =	shalt  }
0x47: {  	_ =	shalt  }
0x48: {  	_ =	shalt  }
0x49: {  	_ =	shalt  }
0x4a: {  	_ =	shalt  }
0x4b: {  	_ =	shalt  }
0x4c: {  	_ =	shalt  }
0x4d: {  	_ =	shalt  }
0x4e: {  	_ =	shalt  }
0x4f: {  	_ =	shalt  }
0x50: {  	_ =	shalt  }
0x51: {  	_ =	shalt  }
0x52: {  	_ =	shalt  }
0x53: {  	_ =	shalt  }
0x54: {  	_ =	shalt  }
0x55: {  	_ =	shalt  }
0x56: {  	_ =	shalt  }
0x57: {  	_ =	shalt  }
0x58: {  	_ =	shalt  }
0x59: {  	_ =	shalt  }
0x5a: {  	_ =	shalt  }
0x5b: {  	_ =	shalt  }
0x5c: {  	_ =	shalt  }
0x5d: {  	_ =	shalt  }
0x5e: {  	_ =	shalt  }
0x5f: {  	_ =	shalt  }
0x60: {  	_ =	shalt  }
0x61: {  	_ =	shalt  }
0x62: {  	_ =	shalt  }
0x63: {  	_ =	shalt  }
0x64: {  	_ =	shalt  }
0x65: {  	_ =	shalt  }
0x66: {  	_ =	shalt  }
0x67: {  	_ =	shalt  }
0x68: {  	_ =	shalt  }
0x69: {  	_ =	shalt  }
0x6a: {  	_ =	shalt  }
0x6b: {  	_ =	shalt  }
0x6c: {  	_ =	shalt  }
0x6d: {  	_ =	shalt  }
0x6e: {  	_ =	shalt  }
0x6f: {  	_ =	shalt  }
0x70: {  	_ =	shalt  }
0x71: {  	_ =	shalt  }
0x72: {  	_ =	shalt  }
0x73: {  	_ =	shalt  }
0x74: {  	_ =	shalt  }
0x75: {  	_ =	shalt  }
0x76: {  	_ =	shalt  }
0x77: {  	_ =	shalt  }
0x78: {  	_ =	shalt  }
0x79: {  	_ =	shalt  }
0x7a: {  	_ =	shalt  }
0x7b: {  	_ =	shalt  }
0x7c: {  	_ =	shalt  }
0x7d: {  	_ =	shalt  }
0x7e: {  	_ =	shalt  }
0x7f: {  	_ =	shalt  }
0x80: {  	_ =	shalt  }
0x81: {  	_ =	shalt  }
0x82: {  	_ =	shalt  }
0x83: {  	_ =	shalt  }
0x84: {  	_ =	shalt  }
0x85: {  	_ =	shalt  }
0x86: {  	_ =	shalt  }
0x87: {  	_ =	shalt  }
.Lfunc_end0:
.L_simem_size_0:
called_computation.5_lowered:
.L_overlay_start_0:
0x88: {  	s2 =	sld [smem:$0x3FD9]  }
0x89: {  	s3 =	sld [smem:$0x3FFE];
	_ =	sdelay $0x1  }
0x8a: {  	s1 =	srdreg.scid  }
0x8b: {  	s0 =	sand.u32 $0x1, s1  }
0x8c: {  	s17 =	sshll.u32 s0, $0xA;
	s2 =	sadd.s32 s3, s2  }
0x8d: {  	s2 =	sadd.s32 s2, s17  }
0x8e: {  	[smem:$0x3FA5] =	sst s2  }
0x8f: {  	_ = 	snop  }
0x90: {  	(tm) =	ssettm $0x1  }
0x91: {  	s18 =	sld [smem:$0x3FFB];
	_ =	sdelay $0x3  }
0x92: {  	_ =	strace s18  }
0x93: {  	s2 =	sld [smem:$0x3FFC];
	_ =	sdelay $0x3  }
0x94: {  	_ =	strace s2  }
0x95: {  	s2 =	sld [smem:$0x3FFD];
	_ =	sdelay $0x3  }
0x96: {  	_ =	strace s2  }
0x97: {  	_ =	strace $0x8FFFFFFF  }
0x98: {  	s19 =	sld [smem:$0x3FDB];
	_ =	sdelay $0x1  }
0x99: {  	s20 =	simm.s32 $_scs_section_size  }
0x9a: {  	s4 =	simm.s32 $_size__tile_overlayer_lowered;
	s5 =	simm.s32 $_tile_overlayer_lowered  }
0x9b: {  	s6 =	simm.s32 $0x1BFF;
	s21 =	sshll.u32 s5, $0x1;
	s3 =	sadd.s32 s20, s19  }
0x9c: {  	s22 =	simm.s32 $0x0;
	s4 =	sshll.u32 s4, $0x1;
	s5 =	sadd.s32 s21, s3  }
0x9d: {  	[timem:s22], [sflag:s6] =	dma.local [hbm:s5], s4  }
0x9e: {  	_ =	swait.ge [sflag:s6], s4  }
0x9f: {  	s4 =	ssub.s32 $0x0, s4;
	[sflag:s6] =	ssyncset.done $0x0  }
0xa0: {  	[sflag:s6] =	ssyncadd.s32 s4;
	_ =	sdelay $0x1  }
0xa1: {  	s23 =	simm.s32 $0x1B8B  }
0xa2: {  	_ =	swait.ge [sflag:s23], $0x1  }
0xa3: {  	[sflag:s23] =	ssyncset.done $0x0  }
0xa4: {  	[sflag:s23] =	ssyncadd.s32 $0xFFFFFFFF  }
0xa5: {  	s4 =	sld [smem:$0x0]  }
0xa6: {  	s5 =	sand.u32 $0xFFFFFFFE, s1  }
0xa7: {  	p0 =	sne.s32 s1, s5  }
0xa8: {  	s5 =	sshll.u32 @p0 s5, $0xE  }
0xa9: {  	s5 =	sadd.s32 @p0 $0x11B8D, s5;
	s6 =	sshll.u32 @p0 s4, $0x11  }
0xaa: {  	s5 =	sor.u32 @p0 s6, s5  }
0xab: {  	[sflag:s5] =	ssyncadd.remote.s32 @p0 $0x1;
	_ =	sdelay $0x1  }
0xac: {  	s5 =	simm.s32 @p0 $0x1B8D  }
0xad: {  	_ =	swait.eq @p0 [sflag:s5], $0x1  }
0xae: {  	[sflag:s5] =	ssyncadd.s32 @p0 $0xFFFFFFFF  }
0xaf: {  	s6 =	sshll.u32 @!p0 s1, $0xE  }
0xb0: {  	s6 =	sor.u32 @!p0 $0x4000, s6;
	s5 =	simm.s32 @!p0 $0x1B8D  }
0xb1: {  	s4 =	sshll.u32 @!p0 s4, $0x11;
	s6 =	sadd.s32 @!p0 $0x11B8D, s6;
	_ =	swait.eq @!p0 [sflag:s5], $0x1  }
0xb2: {  	s4 =	sor.u32 @!p0 s4, s6;
	[sflag:s5] =	ssyncadd.s32 @!p0 $0xFFFFFFFF  }
0xb3: {  	s25 =	simm.s32 $0x1B8E;
	s24 =	sld [smem:$0x3FFE];
	[sflag:s4] =	ssyncadd.remote.s32 @!p0 $0x1  }
0xb4: {  	s26 =	simm.s32 $execute0_lowered;
	[smem:$0x3FD2] =	sst s25  }
0xb5: {  	s5 =	sshll.u32 s26, $0x1;
	_ =	strace $0x80000055;
	[dreg:$0x1] =	wrdreg $0xFFFFFFFF  }
0xb6: {  	s28 =	simm.s32 $_size_execute0_lowered;
	s3 =	sadd.s32 s3, s5;
	[dreg:$0x0] =	wrdreg $0x0  }
0xb7: {  	s5 =	sshll.u32 s28, $0x1;
	[dreg:$0x2] =	wrdreg s3  }
0xb8: {  	[dreg:$0x3] =	wrdreg s5  }
0xb9: {  	[dreg:$0x4] =	wrdreg $0xC0  }
0xba: {  	_ =	task [dreg:s22], $0x5FFFF  }
0xbb: {  	[dreg:$0x1] =	wrdreg $0xFFFFFFFF  }
0xbc: {  	[dreg:$0x0] =	wrdreg $0x60  }
0xbd: {  	[dreg:$0x2] =	wrdreg s24  }
0xbe: {  	[dreg:$0x3] =	wrdreg $0xA  }
0xbf: {  	_ =	task.clear_ibuf [dreg:s22], $0x4FFFF;
	_ =	strace $0x90000055  }
0xc0: {  	s29 =	simm.s32 $0xA;
	_ =	strace $0x80000057  }
0xc1: {  	_ =	swait.ge [sflag:s29], $0x1  }
0xc2: {  	[sflag:s29] =	ssyncadd.s32 $0xFFFFFFFF  }
0xc3: {  	_ =	strace $0x90000057  }
0xc4: {  	_ =	sfence  }
0xc5: {  	s30 =	sld [smem:$0x0];
	_ =	sdelay $0x2  }
0xc6: {  	s31 =	sshll.u32 s1, $0xD;
	s1 =	sshrl.u32 s1, $0x2  }
0xc7: {  	s4 =	sand.u32 $0x4000, s31;
	s1 =	sadd.s32 s1, s30  }
0xc8: {  	s0 =	sor.u32 s4, s0;
	s1 =	sshll.u32 s1, $0x11  }
0xc9: {  	s0 =	sor.u32 s1, s0  }
0xca: {  	s0 =	sadd.s32 $0x8F2B, s0  }
0xcb: {  	[sflag:s0] =	ssyncadd.remote.s32 $0x1  }
0xcc: {  	_ =	sfence.sel $0xFFFF  }
0xcd: {  	[dreg:$0x0] =	wrdreg $0xFFFFFFFF;
	(pc) =	sbr.abs _section_cstart, $3  }
0xce: {  	[dreg:$0x1] =	wrdreg $0xFFFFFFFF  }
0xcf: {  	_ =	task.clear_ibuf [dreg:s22], $0x2FFFF;
	_ =	strace $0x9FFFFFFF  }
0xd0: {  	(tm) =	ssettm $0x7FFFFFFF  }
0xd1: {  	_ =	shalt  }
tec
execute0_lowered:
.L_overlay_start_1:
0x0: {  	(tag) =	ssettag $0x1  }
0x1: {  	s4 =	rddreg [dreg:$0x0]  }
0x2: {  	s0 =	rddreg [dreg:$0x1];
	s3 =	srdreg.scid  }
0x3: {  	s1 =	stileid.u32;
	s2 =	simm.s32 $0x0;
	s13 =	simm.s32 $0x100  }
0x4: {  	s14 =	simm.s32 $0xA000;
	s15 =	simm.s32 $0x1;
	s16 =	simm.s32 $0x2  }
0x5: {  	s17 =	simm.s32 $0x3;
	s18 =	simm.s32 $0xE000;
	s19 =	simm.s32 $0x12000  }
0x6: {  	s20 =	simm.s32 $0x16000;
	s21 =	simm.s32 $0x4;
	s22 =	simm.s32 $0x5  }
0x7: {  	s23 =	simm.s32 $0x6;
	s24 =	simm.s32 $0x0;
	s5 =	sand.u32 $0x1, s3  }
0x8: {  	s30 =	sshll.u32 s1, $0x1;
	[smem:$0x7FF] =	sst s2;
	s3 =	sadd.s32 $0x49A00, s4  }
0x9: {  	s9 =	smul.u32 $0x3C000, s1;
	s6 =	sor.u32 s5, s30;
	_ =	strace $0x80000056  }
0xa: {  	s10 =	ssub.s32 $0x2, s5;
	s12 =	smul.u32 $0x1E000, s5;
	s7 =	sshll.u32 s6, $0x6  }
0xb: {  	s8 =	sshll.u32 s6, $0xA;
	s6 =	smul.u32 $0x1800, s6;
	s11 =	sshrl.u32 s10, $0x1  }
0xc: {  	s9 =	sadd.s32 s9, s4;
	s7 =	sadd.s32 s7, s4;
	s8 =	sadd.s32 s8, s4  }
0xd: {  	s10 =	ssub.s32 s10, s11;
	s31 =	sadd.s32 s12, s9;
	s9 =	simm.s32 $0x7  }
0xe: {  	s11 =	simm.s32 $0x2000;
	s12 =	simm.s32 $0x6000;
	s6 =	sadd.s32 s6, s4  }
0xf: {  	s4 =	sadd.s32 $0x2F800, s7;
	s7 =	smax.u32 s10, $0x1;
	s5 =	sadd.s32 $0x1B5A00, s6  }
0x10: {  	s10 =	simm.s32 $0x80;
	s6 =	sadd.s32 $0x30000, s8;
	s8 =	sadd.s32 $0x1E5A00, s31  }
.LBB2_1:
0x11: {  	[tilespmem:s2], [sflag:$0x7] =	stream.linear.gather [hbm4b:s4+s2], $0x180, $0x38;
	[tilespmem:$0x1A000] =	vst v63  }
0x12: {  	_ =	swait.ge [sflag:s9], $0x180  }
0x13: {  	[sflag:s9] =	ssyncset.done $0x0  }
0x14: {  	[sflag:s9] =	ssyncadd.s32 $0xFFFFFE80  }
0x15: {  	[tilespmem:s11], [sflag:$0x1] =	stream.indirect.gather [hbm4b:s3+s10], $0x80, s2, s10, $0xb8;
	[tilespmem:$0x1A000] =	vst v63  }
0x16: {  	_ = 	snop  }
0x17: {  	[tilespmem:s12], [sflag:$0x2] =	stream.indirect.gather [hbm4b:s3+s10], $0x80, s10, s10, $0xb8;
	[tilespmem:$0x1A000] =	vst v63  }
0x18: {  	_ = 	snop  }
0x19: {  	[tilespmem:s14], [sflag:$0x3] =	stream.indirect.gather [hbm4b:s3+s10], $0x80, s13, s10, $0xb8;
	[tilespmem:$0x1A000] =	vst v63  }
0x1a: {  	_ =	swait.ge [sflag:s15], $0x4000  }
0x1b: {  	[sflag:s15] =	ssyncset.done $0x0  }
0x1c: {  	[sflag:s15] =	ssyncadd.s32 $0xFFFFC000  }
0x1d: {  	_ =	swait.ge [sflag:s16], $0x4000  }
0x1e: {  	[sflag:s16] =	ssyncset.done $0x0  }
0x1f: {  	[sflag:s16] =	ssyncadd.s32 $0xFFFFC000  }
0x20: {  	_ =	swait.ge [sflag:s17], $0x4000  }
0x21: {  	[sflag:s17] =	ssyncset.done $0x0  }
0x22: {  	[sflag:s17] =	ssyncadd.s32 $0xFFFFC000  }
0x23: {  	[hbm4b:s5+s2] =	stream.linear.scatter [tilespmem:s11], [sflag:$0x7], $0xC000, $0x38;
	[tilespmem:$0x1A000] =	vst v63  }
0x24: {  	_ =	swait.ge [sflag:s9], $0xC000  }
0x25: {  	[sflag:s9] =	ssyncset.done $0x0  }
0x26: {  	[sflag:s9] =	ssyncadd.s32 $0xFFFF4000  }
0x27: {  	[tilespmem:s2], [sflag:$0x7] =	stream.linear.gather [hbm4b:s6+s2], $0x1E00, $0x38;
	[tilespmem:$0x1A000] =	vst v63  }
0x28: {  	_ =	swait.ge [sflag:s9], $0x1E00  }
0x29: {  	[sflag:s9] =	ssyncset.done $0x0  }
0x2a: {  	s25 =	simm.s32 $0x0;
	[sflag:s9] =	ssyncadd.s32 $0xFFFFE200  }
0x2b: {  	[tilespmem:s11], [sflag:$0x1] =	stream.indirect.gather [hbm4b:s3+s10], $0x80, s25, s10, $0xb8;
	[tilespmem:$0x1A000] =	vst v63  }
0x2c: {  	s31 =	simm.s32 $0x80  }
0x2d: {  	[tilespmem:s12], [sflag:$0x2] =	stream.indirect.gather [hbm4b:s3+s10], $0x80, s31, s10, $0xb8;
	[tilespmem:$0x1A000] =	vst v63  }
0x2e: {  	s26 =	simm.s32 $0x100  }
0x2f: {  	[tilespmem:s14], [sflag:$0x3] =	stream.indirect.gather [hbm4b:s3+s10], $0x80, s26, s10, $0xb8;
	[tilespmem:$0x1A000] =	vst v63  }
0x30: {  	s28 =	simm.s32 $0x180  }
0x31: {  	[tilespmem:s18], [sflag:$0x4] =	stream.indirect.gather [hbm4b:s3+s10], $0x80, s28, s10, $0xb8;
	[tilespmem:$0x1A000] =	vst v63  }
0x32: {  	s30 =	simm.s32 $0x200  }
0x33: {  	[tilespmem:s19], [sflag:$0x5] =	stream.indirect.gather [hbm4b:s3+s10], $0x80, s30, s10, $0xb8;
	[tilespmem:$0x1A000] =	vst v63  }
0x34: {  	s31 =	simm.s32 $0x280  }
0x35: {  	[tilespmem:s20], [sflag:$0x6] =	stream.indirect.gather [hbm4b:s3+s10], $0x80, s31, s10, $0xb8;
	[tilespmem:$0x1A000] =	vst v63  }
0x36: {  	_ =	swait.ge [sflag:s15], $0x4000  }
0x37: {  	[sflag:s15] =	ssyncset.done $0x0  }
0x38: {  	[sflag:s15] =	ssyncadd.s32 $0xFFFFC000  }
0x39: {  	_ =	swait.ge [sflag:s16], $0x4000  }
0x3a: {  	[sflag:s16] =	ssyncset.done $0x0  }
0x3b: {  	[sflag:s16] =	ssyncadd.s32 $0xFFFFC000  }
0x3c: {  	_ =	swait.ge [sflag:s17], $0x4000  }
0x3d: {  	[sflag:s17] =	ssyncset.done $0x0  }
0x3e: {  	[sflag:s17] =	ssyncadd.s32 $0xFFFFC000  }
0x3f: {  	_ =	swait.ge [sflag:s21], $0x4000  }
0x40: {  	[sflag:s21] =	ssyncset.done $0x0  }
0x41: {  	[sflag:s21] =	ssyncadd.s32 $0xFFFFC000  }
0x42: {  	_ =	swait.ge [sflag:s22], $0x4000  }
0x43: {  	[sflag:s22] =	ssyncset.done $0x0  }
0x44: {  	[sflag:s22] =	ssyncadd.s32 $0xFFFFC000  }
0x45: {  	_ =	swait.ge [sflag:s23], $0x4000  }
0x46: {  	[sflag:s23] =	ssyncset.done $0x0  }
0x47: {  	[sflag:s23] =	ssyncadd.s32 $0xFFFFC000  }
0x48: {  	[hbm4b:s8+s2] =	stream.linear.scatter [tilespmem:s11], [sflag:$0x7], $0x18000, $0x38;
	[tilespmem:$0x1A000] =	vst v63  }
0x49: {  	s29 =	simm.s32 $0x1800;
	_ =	swait.ge [sflag:s9], $0x18000  }
0x4a: {  	s25 =	sadd.s32 $0x3000, s8;
	s26 =	simm.s32 $0xC00;
	[sflag:s9] =	ssyncset.done $0x0  }
.LBB2_2:
0x4b: {  	s30 =	sshra.s32 s26, $0x2  }
0x4c: {  	[sflag:s9] =	ssyncadd.s32 $0xFFFE8000;
	s26 =	smov.u32 s29;
	s28 =	sadd.s32 $0xC00, s29  }
0x4d: {  	[tilespmem:s11], [sflag:$0x1] =	stream.indirect.gather [hbm4b:s3+s10], $0x80, s30, s10, $0xb8;
	[tilespmem:$0x1A000] =	vst v63  }
0x4e: {  	p0 =	sne.s32 s29, $0x6C00;
	s29 =	sadd.s32 $0x80, s30  }
0x4f: {  	[tilespmem:s12], [sflag:$0x2] =	stream.indirect.gather [hbm4b:s3+s10], $0x80, s29, s10, $0xb8;
	[tilespmem:$0x1A000] =	vst v63  }
0x50: {  	s29 =	sadd.s32 $0x100, s30  }
0x51: {  	[tilespmem:s14], [sflag:$0x3] =	stream.indirect.gather [hbm4b:s3+s10], $0x80, s29, s10, $0xb8;
	[tilespmem:$0x1A000] =	vst v63  }
0x52: {  	s29 =	sadd.s32 $0x180, s30  }
0x53: {  	[tilespmem:s18], [sflag:$0x4] =	stream.indirect.gather [hbm4b:s3+s10], $0x80, s29, s10, $0xb8;
	[tilespmem:$0x1A000] =	vst v63  }
0x54: {  	s29 =	sadd.s32 $0x200, s30  }
0x55: {  	[tilespmem:s19], [sflag:$0x5] =	stream.indirect.gather [hbm4b:s3+s10], $0x80, s29, s10, $0xb8;
	[tilespmem:$0x1A000] =	vst v63  }
0x56: {  	s29 =	sadd.s32 $0x280, s30  }
0x57: {  	[tilespmem:s20], [sflag:$0x6] =	stream.indirect.gather [hbm4b:s3+s10], $0x80, s29, s10, $0xb8;
	[tilespmem:$0x1A000] =	vst v63  }
0x58: {  	_ =	swait.ge [sflag:s15], $0x4000  }
0x59: {  	[sflag:s15] =	ssyncset.done $0x0  }
0x5a: {  	[sflag:s15] =	ssyncadd.s32 $0xFFFFC000  }
0x5b: {  	_ =	swait.ge [sflag:s16], $0x4000  }
0x5c: {  	[sflag:s16] =	ssyncset.done $0x0  }
0x5d: {  	[sflag:s16] =	ssyncadd.s32 $0xFFFFC000  }
0x5e: {  	_ =	swait.ge [sflag:s17], $0x4000  }
0x5f: {  	[sflag:s17] =	ssyncset.done $0x0  }
0x60: {  	[sflag:s17] =	ssyncadd.s32 $0xFFFFC000  }
0x61: {  	_ =	swait.ge [sflag:s21], $0x4000  }
0x62: {  	[sflag:s21] =	ssyncset.done $0x0  }
0x63: {  	[sflag:s21] =	ssyncadd.s32 $0xFFFFC000  }
0x64: {  	_ =	swait.ge [sflag:s22], $0x4000  }
0x65: {  	[sflag:s22] =	ssyncset.done $0x0  }
0x66: {  	[sflag:s22] =	ssyncadd.s32 $0xFFFFC000  }
0x67: {  	_ =	swait.ge [sflag:s23], $0x4000  }
.Ltmp0:
0x68: {  	[sflag:s23] =	ssyncset.done $0x0;
	(pc) =	sbr.rel @p0 .LBB2_2-.Ltmp0, $4  }
0x69: {  	[sflag:s23] =	ssyncadd.s32 $0xFFFFC000  }
0x6a: {  	[hbm4b:s25+s2] =	stream.linear.scatter [tilespmem:s11], [sflag:$0x7], $0x18000, $0x38;
	[tilespmem:$0x1A000] =	vst v63  }
0x6b: {  	_ =	swait.ge [sflag:s9], $0x18000  }
0x6c: {  	s29 =	smov.u32 s28;
	s25 =	sadd.s32 $0x3000, s25;
	[sflag:s9] =	ssyncset.done $0x0  }
0x6d: {  	s26 =	sshra.s32 s26, $0x2;
	[sflag:s9] =	ssyncadd.s32 $0xFFFE8000  }
0x6e: {  	[tilespmem:s11], [sflag:$0x1] =	stream.indirect.gather [hbm4b:s3+s10], $0x80, s26, s10, $0xb8;
	[tilespmem:$0x1A000] =	vst v63  }
0x6f: {  	s28 =	sadd.s32 $0x80, s26  }
0x70: {  	[tilespmem:s12], [sflag:$0x2] =	stream.indirect.gather [hbm4b:s3+s10], $0x80, s28, s10, $0xb8;
	[tilespmem:$0x1A000] =	vst v63  }
0x71: {  	s29 =	sadd.s32 $0x100, s26  }
0x72: {  	[tilespmem:s14], [sflag:$0x3] =	stream.indirect.gather [hbm4b:s3+s10], $0x80, s29, s10, $0xb8;
	[tilespmem:$0x1A000] =	vst v63  }
0x73: {  	s30 =	sadd.s32 $0x180, s26  }
0x74: {  	[tilespmem:s18], [sflag:$0x4] =	stream.indirect.gather [hbm4b:s3+s10], $0x80, s30, s10, $0xb8;
	[tilespmem:$0x1A000] =	vst v63  }
0x75: {  	s31 =	sadd.s32 $0x200, s26  }
0x76: {  	[tilespmem:s19], [sflag:$0x5] =	stream.indirect.gather [hbm4b:s3+s10], $0x80, s31, s10, $0xb8;
	[tilespmem:$0x1A000] =	vst v63  }
0x77: {  	s26 =	sadd.s32 $0x280, s26  }
0x78: {  	[tilespmem:s20], [sflag:$0x6] =	stream.indirect.gather [hbm4b:s3+s10], $0x80, s26, s10, $0xb8;
	[tilespmem:$0x1A000] =	vst v63  }
0x79: {  	_ =	swait.ge [sflag:s15], $0x4000  }
0x7a: {  	[sflag:s15] =	ssyncset.done $0x0  }
0x7b: {  	[sflag:s15] =	ssyncadd.s32 $0xFFFFC000  }
0x7c: {  	_ =	swait.ge [sflag:s16], $0x4000  }
0x7d: {  	[sflag:s16] =	ssyncset.done $0x0  }
0x7e: {  	[sflag:s16] =	ssyncadd.s32 $0xFFFFC000  }
0x7f: {  	_ =	swait.ge [sflag:s17], $0x4000  }
0x80: {  	[sflag:s17] =	ssyncset.done $0x0  }
0x81: {  	[sflag:s17] =	ssyncadd.s32 $0xFFFFC000  }
0x82: {  	_ =	swait.ge [sflag:s21], $0x4000  }
0x83: {  	[sflag:s21] =	ssyncset.done $0x0  }
0x84: {  	[sflag:s21] =	ssyncadd.s32 $0xFFFFC000  }
0x85: {  	_ =	swait.ge [sflag:s22], $0x4000  }
0x86: {  	[sflag:s22] =	ssyncset.done $0x0  }
0x87: {  	[sflag:s22] =	ssyncadd.s32 $0xFFFFC000  }
0x88: {  	s24 =	sadd.s32 $0x1, s24;
	_ =	swait.ge [sflag:s23], $0x4000  }
0x89: {  	p0 =	sne.s32 s24, s7;
	[sflag:s23] =	ssyncset.done $0x0  }
.Ltmp1:
0x8a: {  	[sflag:s23] =	ssyncadd.s32 $0xFFFFC000;
	(pc) =	sbr.rel @p0 .LBB2_1-.Ltmp1, $4  }
0x8b: {  	[hbm4b:s25+s2] =	stream.linear.scatter [tilespmem:s11], [sflag:$0x7], $0x18000, $0x38;
	[tilespmem:$0x1A000] =	vst v63  }
0x8c: {  	_ =	swait.ge [sflag:s9], $0x18000  }
0x8d: {  	[sflag:s9] =	ssyncset.done $0x0  }
0x8e: {  	[sflag:s9] =	ssyncadd.s32 $0xFFFE8000  }
0x8f: {  	_ =	sfence.sel $0x180000  }
0x90: {  	[bflag:$0x0] =	sbarrier.arrive $0xFFFF  }
0x91: {  	p0 =	sne.s32 s1, $0x0;
	_ =	strace $0x90000056  }
0x92: {  	s0 =	sadd.s32 @!p0 $0x100000, s0;
	[bflag:$0x2] =	sbarrier.arrive $0xFFFF  }
0x93: {  	[sflag:s0] =	ssyncadd.tile.s32 @!p0 $0x1;
	_ =	shalt  }
.Lfunc_end2:
_tile_overlayer_lowered:
.L_overlay_start_2:
0x94: {  	(tag) =	ssettag $0x2  }
0x95: {  	s0 =	rddreg [dreg:$0x0];
	s2 =	stileid.u32  }
0x96: {  	s1 =	rddreg [dreg:$0x1];
	p0 =	sne.s32 s2, $0x0  }
0x97: {  	s3 =	rddreg [dreg:$0x2];
	[bflag:$0x3] =	sbarrier.arrive $0xFFFF;
	s2 =	simm.s32 @!p0 $0x1C07  }
0x98: {  	[timem:s3], [sflag:s2] =	dma.local @!p0 [hbm:s0], s1  }
0x99: {  	s0 =	simm.s32 @!p0 $0x7  }
0x9a: {  	_ =	swait.ge @!p0 [sflag:s0], s1  }
0x9b: {  	s1 =	ssub.s32 @!p0 $0x0, s1;
	[sflag:s0] =	ssyncset.done @!p0 $0x0  }
0x9c: {  	[sflag:s0] =	ssyncadd.s32 @!p0 s1  }
0x9d: {  	[bflag:$0x3] =	sbarrier.arrive $0xFFFF  }
0x9e: {  	_ =	shalt  }

// kernel: scatter_offload_async_start
scs
__scs_entry_jumppad:
0x0: {  	(pc) =	sbr.rel $0x88, $3  }
0x1: {  	(tag) =	ssettag $0x0;
	lr =	simm.s32 $0x1  }
0x2: {  	[smem:$0x3F7E] =	sst lr;
	_ =	strace $0xD0000000  }
0x3: {  	_ = 	snop  }
0x4: {  	_ = 	snop  }
0x5: {  	_ = 	snop  }
0x6: {  	_ = 	snop  }
0x7: {  	_ = 	snop  }
__scs_overlays_trampoline_lowered:
0x8: {  	[smem:$0x3F8D] =	sst s0  }
0x9: {  	[smem:$0x3F8E] =	sst s1  }
0xa: {  	[smem:$0x3F8F] =	sst s2  }
0xb: {  	[smem:$0x3F90] =	sst s3  }
0xc: {  	[smem:$0x3F91] =	sst s4  }
0xd: {  	[smem:$0x3F92] =	sst s5  }
0xe: {  	[smem:$0x3F93] =	sst s6  }
0xf: {  	[smem:$0x3F94] =	sst s7  }
0x10: {  	[smem:$0x3F95] =	sst s8  }
0x11: {  	[smem:$0x3F96] =	sst s9;
	s0 =	simm.s32 @!p0 $0x0  }
0x12: {  	s1 =	sld [smem:$0x3F7C];
	s0 =	simm.s32 @p0 $0x1  }
0x13: {  	[smem:$0x3F97] =	sst s0;
	s0 =	simm.s32 @!p1 $0x0  }
0x14: {  	s2 =	sld [smem:$0x3F7B];
	s0 =	simm.s32 @p1 $0x1  }
0x15: {  	[smem:$0x3F98] =	sst s0;
	s0 =	simm.s32 @!p2 $0x0  }
0x16: {  	s3 =	sld [smem:$0x3FDB];
	s0 =	simm.s32 @p2 $0x1  }
0x17: {  	s4 =	simm.s32 $0x1BF5;
	[smem:$0x3F9A] =	sst s0  }
0x18: {  	s0 =	sld [smem:$0x3F7D];
	_ =	swait.ge [sflag:s4], $0x0  }
0x19: {  	s7 =	sld [smem:$0x3F7E]  }
0x1a: {  	s8 =	sadd.s32 $0xFFFFE003, lr  }
0x1b: {  	s9 =	sadd.s32 $0xFFFFFEF7, lr;
	s5 =	simm.s32 $0xFFFFFFFF;
	p2 =	slt.u32 s8, $0xFFFFF086  }
0x1c: {  	p1 =	slt.u32 s9, $0xF7A;
	s5 =	simm.s32 @!p2 $0x0  }
0x1d: {  	s5 =	simm.s32 @p1 $0x1;
	p0 =	seq.s32 s7, s2  }
0x1e: {  	s7 =	smul.u32 @!p0 $0xF7A, s2;
	p2 =	seq.s32 @!p0 s5, $0x0  }
0x1f: {  	s9 =	smul.u32 $0xF7A, s1;
	s8 =	simm.s32 @!p0 $0x1BF5;
	p2 =	por !p2, p0  }
0x20: {  	[sflag:s8] =	ssyncset.s32 @!p0 $0xFFFFF086;
	s6 =	sadd.s32 @!p0 s3, s7;
	s7 =	simm.s32 @!p0 $0x108  }
0x21: {  	s3 =	sadd.s32 s3, s9;
	s6 =	sadd.s32 @!p0 $0x88, s6;
	s7 =	simm.s32 @p2 $0x1082  }
0x22: {  	[simem:s7], [sflag:s8] =	dma.local @!p0 [hbm:s6], $0xF7A  }
0x23: {  	s9 =	sor.u32 $0xD0000000, s2;
	s6 =	simm.s32 $0x108;
	_ =	swait.ge @!p0 [sflag:s8], $0x0  }
0x24: {  	s3 =	sadd.s32 $0x88, s3;
	s6 =	simm.s32 @!p1 $0x1082;
	[sflag:s4] =	ssyncset.s32 $0xFFFFF086  }
0x25: {  	[simem:s6], [sflag:s4] =	dma.local [hbm:s3], $0xF7A  }
0x26: {  	[smem:$0x3F7E] =	sst s1;
	(tag) =	ssettag s2;
	_ =	strace s9  }
0x27: {  	s1 =	sld [smem:$0x3F8E]  }
0x28: {  	s2 =	sld [smem:$0x3F8F]  }
0x29: {  	s4 =	sld [smem:$0x3F91]  }
0x2a: {  	p0 =	seq.s32 s5, $0x0;
	s5 =	sld [smem:$0x3F92]  }
0x2b: {  	s6 =	sld [smem:$0x3F93]  }
0x2c: {  	s7 =	sld [smem:$0x3F94]  }
0x2d: {  	s3 =	simm.s32 $0x108;
	s8 =	sld [smem:$0x3F95]  }
0x2e: {  	s3 =	simm.s32 @!p0 $0x1082;
	s9 =	sld [smem:$0x3F96]  }
0x2f: {  	lr =	sadd.s32 s0, s3;
	s0 =	sld [smem:$0x3F8D]  }
0x30: {  	s3 =	sld [smem:$0x3F90]  }
0x31: {  	[smem:$0x3F99] =	sst s10  }
0x32: {  	s10 =	sld [smem:$0x3F97];
	_ =	sdelay $0x3  }
0x33: {  	p0 =	seq.s32 s10, $0x1;
	s10 =	sld [smem:$0x3F99];
	_ =	sdelay $0x3  }
0x34: {  	[smem:$0x3F99] =	sst s10  }
0x35: {  	s10 =	sld [smem:$0x3F98];
	_ =	sdelay $0x3  }
0x36: {  	p1 =	seq.s32 s10, $0x1;
	s10 =	sld [smem:$0x3F99];
	_ =	sdelay $0x3  }
0x37: {  	[smem:$0x3F99] =	sst s10  }
0x38: {  	s10 =	sld [smem:$0x3F9A]  }
0x39: {  	_ = 	snop;
	(pc) =	sbr.ind lr, $3  }
0x3a: {  	_ = 	snop  }
0x3b: {  	_ = 	snop  }
0x3c: {  	p2 =	seq.s32 s10, $0x1;
	s10 =	sld [smem:$0x3F99]  }
0x3d: {  	_ =	shalt  }
0x3e: {  	_ =	shalt  }
0x3f: {  	_ =	shalt  }
0x40: {  	_ =	shalt  }
0x41: {  	_ =	shalt  }
0x42: {  	_ =	shalt  }
0x43: {  	_ =	shalt  }
0x44: {  	_ =	shalt  }
0x45: {  	_ =	shalt  }
0x46: {  	_ =	shalt  }
0x47: {  	_ =	shalt  }
0x48: {  	_ =	shalt  }
0x49: {  	_ =	shalt  }
0x4a: {  	_ =	shalt  }
0x4b: {  	_ =	shalt  }
0x4c: {  	_ =	shalt  }
0x4d: {  	_ =	shalt  }
0x4e: {  	_ =	shalt  }
0x4f: {  	_ =	shalt  }
0x50: {  	_ =	shalt  }
0x51: {  	_ =	shalt  }
0x52: {  	_ =	shalt  }
0x53: {  	_ =	shalt  }
0x54: {  	_ =	shalt  }
0x55: {  	_ =	shalt  }
0x56: {  	_ =	shalt  }
0x57: {  	_ =	shalt  }
0x58: {  	_ =	shalt  }
0x59: {  	_ =	shalt  }
0x5a: {  	_ =	shalt  }
0x5b: {  	_ =	shalt  }
0x5c: {  	_ =	shalt  }
0x5d: {  	_ =	shalt  }
0x5e: {  	_ =	shalt  }
0x5f: {  	_ =	shalt  }
0x60: {  	_ =	shalt  }
0x61: {  	_ =	shalt  }
0x62: {  	_ =	shalt  }
0x63: {  	_ =	shalt  }
0x64: {  	_ =	shalt  }
0x65: {  	_ =	shalt  }
0x66: {  	_ =	shalt  }
0x67: {  	_ =	shalt  }
0x68: {  	_ =	shalt  }
0x69: {  	_ =	shalt  }
0x6a: {  	_ =	shalt  }
0x6b: {  	_ =	shalt  }
0x6c: {  	_ =	shalt  }
0x6d: {  	_ =	shalt  }
0x6e: {  	_ =	shalt  }
0x6f: {  	_ =	shalt  }
0x70: {  	_ =	shalt  }
0x71: {  	_ =	shalt  }
0x72: {  	_ =	shalt  }
0x73: {  	_ =	shalt  }
0x74: {  	_ =	shalt  }
0x75: {  	_ =	shalt  }
0x76: {  	_ =	shalt  }
0x77: {  	_ =	shalt  }
0x78: {  	_ =	shalt  }
0x79: {  	_ =	shalt  }
0x7a: {  	_ =	shalt  }
0x7b: {  	_ =	shalt  }
0x7c: {  	_ =	shalt  }
0x7d: {  	_ =	shalt  }
0x7e: {  	_ =	shalt  }
0x7f: {  	_ =	shalt  }
0x80: {  	_ =	shalt  }
0x81: {  	_ =	shalt  }
0x82: {  	_ =	shalt  }
0x83: {  	_ =	shalt  }
0x84: {  	_ =	shalt  }
0x85: {  	_ =	shalt  }
0x86: {  	_ =	shalt  }
0x87: {  	_ =	shalt  }
.Lfunc_end0:
.L_simem_size_0:
called_computation_lowered:
.L_overlay_start_0:
0x88: {  	s0 =	sld [smem:$0x3FD9]  }
0x89: {  	s1 =	sld [smem:$0x3FFE];
	_ =	sdelay $0x3  }
0x8a: {  	s0 =	sadd.s32 s1, s0  }
0x8b: {  	[smem:$0x3FA5] =	sst s0  }
0x8c: {  	_ = 	snop  }
0x8d: {  	s0 =	sld [smem:$0x3FD0];
	(tm) =	ssettm $0x1  }
0x8e: {  	s16 =	sld [smem:$0x3FFB];
	_ =	sdelay $0x3  }
0x8f: {  	_ =	strace s16  }
0x90: {  	s1 =	sld [smem:$0x3FFC];
	_ =	sdelay $0x3  }
0x91: {  	_ =	strace s1  }
0x92: {  	s1 =	sld [smem:$0x3FFD];
	_ =	sdelay $0x3  }
0x93: {  	_ =	strace s1  }
0x94: {  	_ =	strace $0x8FFFFFFF  }
0x95: {  	s17 =	sld [smem:$0x3FDB];
	_ =	sdelay $0x1  }
0x96: {  	s2 =	simm.s32 $_scs_section_size  }
0x97: {  	s3 =	simm.s32 $_size__tile_overlayer_lowered;
	s4 =	simm.s32 $_tile_overlayer_lowered  }
0x98: {  	s20 =	simm.s32 $0x1BFF;
	s19 =	sshll.u32 s4, $0x1;
	s1 =	sadd.s32 s2, s17  }
0x99: {  	s5 =	simm.s32 $0x0;
	s18 =	sshll.u32 s3, $0x1;
	s3 =	sadd.s32 s19, s1  }
0x9a: {  	[timem:s5], [sflag:s20] =	dma.local [hbm:s3], s18  }
0x9b: {  	_ =	swait.ge [sflag:s20], s18  }
0x9c: {  	s2 =	ssub.s32 $0x0, s18;
	[sflag:s20] =	ssyncset.done $0x0  }
0x9d: {  	[sflag:s20] =	ssyncadd.s32 s2;
	_ =	sdelay $0x1  }
0x9e: {  	s21 =	simm.s32 $0x1B8B  }
0x9f: {  	_ =	swait.ge [sflag:s21], $0x1  }
0xa0: {  	[sflag:s21] =	ssyncset.done $0x0  }
0xa1: {  	s23 =	simm.s32 $0x1B8E;
	s22 =	sld [smem:$0x3FFE];
	[sflag:s21] =	ssyncadd.s32 $0xFFFFFFFF  }
0xa2: {  	s24 =	simm.s32 $execute0_lowered;
	[smem:$0x3FD2] =	sst s23  }
0xa3: {  	s3 =	sshll.u32 s24, $0x1;
	_ =	strace $0x80000046;
	[dreg:$0x1] =	wrdreg $0xFFFFFFFF  }
0xa4: {  	s25 =	simm.s32 $_size_execute0_lowered;
	s1 =	sadd.s32 s1, s3;
	[dreg:$0x0] =	wrdreg $0x0  }
0xa5: {  	s3 =	sshll.u32 s25, $0x1;
	[dreg:$0x2] =	wrdreg s1  }
0xa6: {  	[dreg:$0x3] =	wrdreg s3  }
0xa7: {  	[dreg:$0x4] =	wrdreg $0xC0  }
0xa8: {  	_ =	task [dreg:s5], $0x5FFFF  }
0xa9: {  	[dreg:$0x1] =	wrdreg $0xFFFFFFFF  }
0xaa: {  	[dreg:$0x0] =	wrdreg $0x60  }
0xab: {  	[dreg:$0x2] =	wrdreg s22  }
0xac: {  	[dreg:$0x3] =	wrdreg s0  }
0xad: {  	[dreg:$0x4] =	wrdreg $0x9  }
0xae: {  	_ =	task.clear_ibuf [dreg:s5], $0x5FFFF;
	_ =	strace $0x90000046  }
0xaf: {  	s26 =	simm.s32 $0x9;
	_ =	strace $0x80000048  }
0xb0: {  	_ =	swait.ge [sflag:s26], $0x1  }
0xb1: {  	[sflag:s26] =	ssyncadd.s32 $0xFFFFFFFF  }
0xb2: {  	_ =	strace $0x90000048  }
0xb3: {  	_ =	sfence  }
0xb4: {  	s28 =	sld [smem:$0x0];
	_ =	sdelay $0x1  }
0xb5: {  	s29 =	srdreg.scid  }
0xb6: {  	s30 =	sshll.u32 s29, $0xD;
	s31 =	sshrl.u32 s29, $0x2  }
0xb7: {  	s2 =	sand.u32 $0x4000, s30;
	s1 =	sand.u32 $0x1, s29;
	s0 =	sadd.s32 s31, s28  }
0xb8: {  	s1 =	sor.u32 s2, s1;
	s0 =	sshll.u32 s0, $0x11  }
0xb9: {  	s0 =	sor.u32 s0, s1  }
0xba: {  	s0 =	sadd.s32 $0x8F2B, s0  }
0xbb: {  	[sflag:s0] =	ssyncadd.remote.s32 $0x1  }
0xbc: {  	_ =	sfence.sel $0xFFFF  }
0xbd: {  	[dreg:$0x0] =	wrdreg $0xFFFFFFFF;
	(pc) =	sbr.abs _section_cstart, $3  }
0xbe: {  	[dreg:$0x1] =	wrdreg $0xFFFFFFFF  }
0xbf: {  	_ =	task.clear_ibuf [dreg:s5], $0x2FFFF;
	_ =	strace $0x9FFFFFFF  }
0xc0: {  	(tm) =	ssettm $0x7FFFFFFF  }
0xc1: {  	_ =	shalt  }
tec
execute0_lowered:
.L_overlay_start_1:
0x0: {  	(tag) =	ssettag $0x1  }
0x1: {  	s0 =	rddreg [dreg:$0x0];
	_ =	strace $0x80000047;
	s4 =	simm.s32 $0x1  }
0x2: {  	v1 =	vimm.s32 $0xFFFFFFFF;
	[sflag:s4] =	ssyncpa.u1 $0x0  }
0x3: {  	[tilespmem:$0x10] =	vst v1  }
0x4: {  	v0 =	vimm.s32 $0x80000000;
	[tilespmem:$0x20] =	vst v1  }
0x5: {  	[tilespmem:$0x30] =	vst v0  }
0x6: {  	s2 =	simm.s32 $0x2;
	s6 =	simm.s32 $0x7;
	[tilespmem:$0x40] =	vst v0  }
0x7: {  	s26 =	stileid.u32;
	s7 =	simm.s32 $0x8;
	s31 =	simm.s32 $0x9;
	[tilespmem:$0x50] =	vst v0  }
0x8: {  	s14 =	simm.s32 $0x0;
	s15 =	simm.s32 $0x100;
	s18 =	simm.s32 $0x10;
	[tilespmem:$0x60] =	vst v1  }
0x9: {  	s19 =	simm.s32 $0x1300;
	s20 =	simm.s32 $0xF;
	s21 =	simm.s32 $0x50;
	[tilespmem:$0x70] =	vst v1  }
0xa: {  	s22 =	simm.s32 $0x8FF;
	s23 =	simm.s32 $0x20;
	s24 =	simm.s32 $0x30;
	[tilespmem:$0x80] =	vst v1  }
0xb: {  	s25 =	simm.s32 $0x10FF;
	s30 =	simm.s32 $0x0;
	s29 =	simm.s32 $0x0;
	v1 =	vimm.s32 $0x0;
	[tilespmem:$0xB0] =	vst v0  }
.Ltmp0:
0xc: {  	s1 =	sadd.s32 $0xC3CE00, s0;
	s5 =	sadd.s32 $0x7A00, s0;
	[tilespmem:$0x90] =	vst v1;
	(pc) =	sbr.rel .LBB2_1-.Ltmp0, $4  }
0xd: {  	s8 =	sshll.u32 s26, $0x9;
	s10 =	sshll.u32 s26, $0x1;
	[tilespmem:$0xA0] =	vst v1;
	[sflag:s2] =	ssyncpa.u1 $0x0  }
0xe: {  	s12 =	sshllo.u32 s26, $0x1;
	s26 =	simm.s32 $0x80;
	[sflag:s6] =	ssyncpa.u1 $0x0  }
0xf: {  	vm0 =	vmmov $0xffff;
	v2 =	vlaneseq.u32;
	s9 =	sadd.s32 $0x200, s8;
	s11 =	sor.u32 $0x81, s10;
	[sflag:s7] =	ssyncpa.u1 $0x0  }
0x10: {  	vm1 =	vmxor vm1, vm1;
	vm2 =	vmmov $0x1;
	vm3 =	vcmask $0x3F3C;
	s13 =	sor.u32 $0x80, s10;
	s28 =	smov.u32 s8;
	[sflag:s31] =	ssyncpa.u1 $0x0  }
.LBB2_3:
0x11: {  	s0 =	sshrl.u32 s28, $0x3;
	s2 =	rddreg [dreg:$0x1]  }
0x12: {  	s31 =	sand.u32 $0x7, s28;
	s0 =	sadd.s32 s2, s0  }
0x13: {  	[tilespmem:s15], [sflag:$0x7] =	stream.linear.gather [hbm4b:s0+s31], $0x200, $0x38;
	[tilespmem:$0x1320] =	vst v63  }
.LBB2_4:
0x14: {  	s0 =	sadd.s32 $0x200, s28  }
0x15: {  	s2 =	smov.u32 s8;
	s29 =	sadd.s32 $0x1, s29;
	p0 =	slt.s32 s0, s9  }
0x16: {  	s2 =	smov.u32 @p0 s0;
	p0 =	sne.s32 s29, $0x4  }
.Ltmp1:
0x17: {  	_ = 	snop;
	(pc) =	sbr.rel @!p0 .LBB2_13-.Ltmp1, $2  }
0x18: {  	_ =	sdelay $0x2  }
0x19: {  	s30 =	smov.u32 s28;
	s28 =	smov.u32 s2  }
.LBB2_1:
0x1a: {  	p0 =	sgt.s32 s29, $0x1  }
.Ltmp2:
0x1b: {  	_ = 	snop;
	(pc) =	sbr.rel @p0 .LBB2_11-.Ltmp2, $1  }
0x1c: {  	_ =	sdelay $0x3  }
0x1d: {  	p0 =	seq.s32 s29, $0x0  }
.Ltmp3:
0x1e: {  	_ = 	snop;
	(pc) =	sbr.rel @p0 .LBB2_3-.Ltmp3, $1  }
0x1f: {  	_ =	sdelay $0x3  }
0x20: {  	_ =	swait.ge [sflag:s6], $0x200  }
0x21: {  	[sflag:s6] =	ssyncset.done $0x0  }
0x22: {  	[sflag:s6] =	ssyncadd.s32 $0xFFFFFE00;
	(ifvalue) =	ssetifvalue $0xFFFFFFFF;
	v3 =	vld.msk [tilespmem:s15+$0x0 ss:$0x1], $0xffff;
	_ =	sdelay $0x4  }
0x23: {  	v4 =	vperm.xlane v3, v1  }
0x24: {  	vm4 =	vlt.u32 v3, $0xC400  }
0x25: {  	v3 =	vnsel vm4, $0xFFFFFFFE, v3;
	vm4 =	vlt.u32 v4, $0xC400  }
0x26: {  	[tilespmem:$0x70] =	vst v3;
	v3 =	vnsel vm4, $0xFFFFFFFE, v4  }
0x27: {  	s16 =	simm.s32 $0x2F0;
	[tilespmem:$0x80] =	vst v3  }
0x28: {  	v3 =	vld.msk [tilespmem:s16+$0x0 ss:$0x1], $0xffff;
	_ =	sdelay $0x4  }
0x29: {  	(xrf1) =	vunique.msk.u32 $0xffff, v3;
	_ =	sdelay $0xd  }
0x2a: {  	v4 =	vimm.s32 $0xFFFFFFFF;
	v5, _, _ =	vpop (xrf1)  }
0x2b: {  	vm5 =	vne.s32 v3, v4;
	vm4 =	veq.s32 v5, v2  }
0x2c: {  	vm6 =	vlt.u32 v3, $0xC400;
	vm4 =	vmand vm5, vm4  }
0x2d: {  	vm4 =	vmand vm6, vm4  }
0x2e: {  	v4 =	vnsel vm4, $0xFFFFFFFF, v3;
	_ =	sdelay $0x3  }
0x2f: {  	s0 =	simm.s32 $0x8F0;
	(ifvalue) =	ssetifvalue $0xFFFFFFFF  }
0x30: {  	v3 =	vperm.xlane v3, v1;
	[tilespmem:s0], [sflag:$0x8] =	stream.indirect_vreg.gather [hbm4b:s1+s14], $0x1, v4, vm0, $0x4038;
	v4 =	vnsel vm6, $0xFFFFFFFE, v4;
	[tilespmem:$0x1320] =	vst v63  }
0x31: {  	s2 =	simm.s32 $0x0;
	s3 =	simm.s32 $0x2E0;
	[tilespmem:s16+$0x0] =	vst v4  }
.LBB2_6:
0x32: {  	v4 =	vld.msk [tilespmem:s3+$0x0 ss:$0x1], $0xffff;
	s2 =	sadd.s32 $0x10, s2;
	v5 =	vmov v3;
	s16 =	smov.u32 s3  }
0x33: {  	p0 =	slt.u32 s2, $0x1F0;
	_ =	sdelay $0x4  }
0x34: {  	v3 =	vperm.xlane v4, v1;
	(xrf1) =	vunique.msk.u32 $0xffff, v4;
	_ =	sdelay $0xd  }
0x35: {  	v6, _, _ =	vpop (xrf1)  }
0x36: {  	vm5 =	vne.s32 v4, v5;
	vm4 =	veq.s32 v6, v2  }
0x37: {  	vm6 =	vlt.u32 v4, $0xC400;
	vm4 =	vmand vm5, vm4  }
0x38: {  	vm4 =	vmand vm6, vm4  }
0x39: {  	v4 =	vnsel vm4, $0xFFFFFFFF, v4  }
.Ltmp4:
0x3a: {  	v5 =	vnsel vm6, $0xFFFFFFFE, v4;
	(pc) =	sbr.rel @p0 .LBB2_6-.Ltmp4, $3  }
0x3b: {  	_ =	sdelay $0x1  }
0x3c: {  	s3 =	sadd.s32 $0xFFFFFFF0, s3;
	s0 =	sadd.s32 $0xFFFFFFF0, s0;
	(ifvalue) =	ssetifvalue $0xFFFFFFFF  }
0x3d: {  	[tilespmem:s0], [sflag:$0x8] =	stream.indirect_vreg.gather [hbm4b:s1+s14], $0x1, v4, vm0, $0x4038;
	[tilespmem:s16+$0x0] =	vst v5  }
.Ltmp5:
0x3e: {  	(pc) =	sbr.rel .LBB2_4-.Ltmp5, $4  }
0x3f: {  	_ = 	snop  }
0x40: {  	s0 =	sshrl.u32 s30, $0x3  }
0x41: {  	s2 =	simm.s32 $0xB00;
	s0 =	sadd.s32 s5, s0  }
0x42: {  	[tilespmem:s2], [sflag:$0x8] =	stream.linear.gather [hbm:s0], $0x200, $0x38;
	[tilespmem:$0x1320] =	vst v63  }
.LBB2_11:
0x43: {  	p0 =	seq.s32 s29, $0x2  }
.Ltmp6:
0x44: {  	_ = 	snop;
	(pc) =	sbr.rel @!p0 .LBB2_12-.Ltmp6, $1  }
0x45: {  	_ =	sdelay $0x3  }
0x46: {  	_ =	swait.ge [sflag:s7], $0x400  }
0x47: {  	[sflag:s7] =	ssyncset.done $0x0  }
0x48: {  	s0 =	simm.s32 $0x2FF;
	[sflag:s7] =	ssyncadd.s32 $0xFFFFFC00  }
0x49: {  	[spmem:s11] =	stream.linear.scatter [tilespmem:s0], [sflag:$0x1], $0x1, $0x38;
	[tilespmem:$0x1320] =	vst v63  }
0x4a: {  	_ =	swait.ge [sflag:s4], $0x1  }
0x4b: {  	[sflag:s4] =	ssyncset.done $0x0  }
0x4c: {  	[sflag:s4] =	ssyncadd.s32 $0xFFFFFFFF  }
0x4d: {  	v4 =	vld [tilespmem:$0x10]  }
0x4e: {  	v5 =	vld [tilespmem:$0x70]  }
0x4f: {  	v3 =	vld [tilespmem:$0x80];
	_ =	sdelay $0x2  }
0x50: {  	(v2sf) =	vpush v4, $0x0  }
0x51: {  	(v2sf) =	vpush v5, $0x0  }
0x52: {  	(v2sf) =	vpush v3, $0x0;
	_ =	sdelay $0xc  }
0x53: {  	s17 =	spop (v2sf)  }
0x54: {  	s2 =	spop (v2sf)  }
0x55: {  	s30 =	spop (v2sf)  }
0x56: {  	p0 =	seq.s32 s17, s2;
	p1 =	seq.s32 s30, s17  }
0x57: {  	p1 =	por p0, p1  }
0x58: {  	v4 =	vpsel p1, $0xFFFFFFFF, v4  }
0x59: {  	[tilespmem:s18+$0x0] =	vst.msk $0x1, v4  }
0x5a: {  	v4 =	vld [tilespmem:$0x30]  }
0x5b: {  	v5 =	vld [tilespmem:$0xB00]  }
0x5c: {  	v6 =	vld [tilespmem:$0x40];
	_ =	sdelay $0x3  }
0x5d: {  	vm4 =	vmmov vm1;
	vm6 =	vmmov vm2;
	vm5 =	vgt.s32 v4, v5  }
0x5e: {  	s3 =	simm.s32 $0xB00;
	vm4 =	vmmov @p0 vm2;
	v5 =	vsel vm5, v4, v5;
	vm5 =	vgt.s32 v4, v6  }
0x5f: {  	vm6 =	vmmov @p1 vm1;
	v4 =	vsel vm5, v4, v6;
	[tilespmem:s3+$0x0] =	vst.msk vm4, v5  }
0x60: {  	[tilespmem:s19+$0x0] =	vst.msk vm6, v4  }
0x61: {  	v4 =	vld [tilespmem:$0x8F0];
	_ =	sdelay $0x4  }
0x62: {  	v4 =	vshift.insert v4, v1, s20;
	_ =	sdelay $0x1  }
0x63: {  	v5 =	vimm.s32 $0x80000000;
	[tilespmem:s21+$0x0] =	vst.msk $0x1, v4  }
0x64: {  	[tilespmem:s22+$0x0] =	vst.msk $0x1, v5  }
0x65: {  	v4 =	vld [tilespmem:$0x2F0];
	_ =	sdelay $0x4  }
0x66: {  	v4 =	vshift.insert v4, v1, s20;
	_ =	sdelay $0x1  }
0x67: {  	[tilespmem:s23+$0x0] =	vst.msk $0x1, v4  }
0x68: {  	v6 =	vld [tilespmem:s3+$0x0]  }
0x69: {  	s16 =	simm.s32 $0x100  }
0x6a: {  	v7 =	vld [tilespmem:s16+$0x0];
	_ =	sdelay $0x2  }
0x6b: {  	vm4 =	vgt.s32 v6, v5  }
0x6c: {  	v5 =	vsel vm4, v6, v5  }
0x6d: {  	vm4 =	vne.s32 v7, $0xFFFFFFFF;
	v5 =	vxor.u32 $0x80000000, v5  }
0x6e: {  	(xrf0) =	vmax.seg.scan.u32 vm4, v5  }
0x6f: {  	s17 =	simm.s32 $0x700  }
0x70: {  	v8 =	vld [tilespmem:s17+$0x0]  }
0x71: {  	v6 =	vld [tilespmem:$0xA0];
	_ =	sdelay $0x2  }
0x72: {  	v5 =	vperm.xlane v4, v1;
	v9, _, _ =	vpop (xrf0)  }
0x73: {  	vm6 =	veq.s32 v7, v3;
	v9 =	vxor.u32 $0x80000000, v9  }
0x74: {  	vm8 =	veq.s32 v7, v5;
	vm5 =	veq.s32 v6, $0x1;
	vm7 =	vgt.s32 v9, v8  }
0x75: {  	vm8 =	vmor vm8, vm6;
	v6 =	vsel vm7, v9, v8;
	vm7 =	vgt.u32 v7, $0xFFFFFFFD  }
0x76: {  	v10 =	vld [tilespmem:$0x90];
	vm9 =	vmand vm4, vm3;
	vm4 =	vmor vm5, vm6;
	vm5 =	vmor vm8, vm7  }
0x77: {  	v8 =	vsel vm5, $0xFFFFFFFF, v7;
	_ =	sdelay $0x1  }
0x78: {  	s31 =	simm.s32 $0xF00  }
0x79: {  	s0 =	simm.s32 $0x0;
	s2 =	simm.s32 $0xB10;
	s3 =	simm.s32 $0x110;
	v11 =	vsel vm9, $0x80000000, v9;
	v6 =	vsel vm6, v9, v6  }
0x7a: {  	s16 =	simm.s32 $0xF10;
	s17 =	simm.s32 $0x710;
	[tilespmem:s31+$0x0] =	vst v6;
	v6 =	vsel vm6, v9, v10;
	v7 =	vshift.insert v11, v0, s20;
	(ifvalue) =	ssetifvalue $0xFFFFFFFF  }
.LBB2_9:
0x7b: {  	[hbm4b:s1+s14] =	stream.indirect_vreg.scatter [tilespmem:s31], [sflag:$0x2], $0x1, v8, vm0, $0x4038;
	[tilespmem:$0x1320] =	vst v63  }
0x7c: {  	s0 =	sadd.s32 $0x10, s0;
	s31 =	smov.u32 s16;
	v8 =	vld [tilespmem:s2+$0x0]  }
0x7d: {  	p0 =	slt.u32 s0, $0x1F0  }
0x7e: {  	v9 =	vld [tilespmem:s3+$0x0];
	_ =	sdelay $0x2  }
0x7f: {  	vm5 =	vgt.s32 v8, v7  }
0x80: {  	v7 =	vsel vm5, v8, v7  }
0x81: {  	vm5 =	vne.s32 v9, $0xFFFFFFFF;
	v7 =	vxor.u32 $0x80000000, v7  }
0x82: {  	(xrf0) =	vmax.seg.scan.u32 vm5, v7;
	_ =	sdelay $0x2  }
0x83: {  	v7 =	vld [tilespmem:s17+$0x0];
	_ =	sdelay $0x1  }
0x84: {  	vm6 =	veq.s32 v9, v3;
	vm7 =	veq.s32 v9, v5  }
0x85: {  	vm8 =	vgt.u32 v9, $0xFFFFFFFD;
	vm4 =	vmor vm4, vm6;
	vm7 =	vmor vm7, vm6;
	v8, _, _ =	vpop (xrf0)  }
0x86: {  	vm5 =	vmand vm5, vm3;
	vm7 =	vmor vm7, vm8;
	v10 =	vxor.u32 $0x80000000, v8  }
.Ltmp7:
0x87: {  	v8 =	vsel vm7, $0xFFFFFFFF, v9;
	vm7 =	vgt.s32 v10, v7;
	v9 =	vsel vm5, $0x80000000, v10;
	(pc) =	sbr.rel @p0 .LBB2_9-.Ltmp7, $4  }
0x88: {  	v6 =	vsel vm6, v10, v6;
	v11 =	vsel vm7, v10, v7;
	v7 =	vshift.insert v9, v0, s20  }
0x89: {  	v9 =	vsel vm6, v10, v11  }
0x8a: {  	s2 =	sadd.s32 $0x10, s2;
	s3 =	sadd.s32 $0x10, s3;
	[tilespmem:s16+$0x0] =	vst v9  }
0x8b: {  	s17 =	sadd.s32 $0x10, s17;
	s16 =	sadd.s32 $0x10, s16;
	(ifvalue) =	ssetifvalue $0xFFFFFFFF  }
0x8c: {  	_ =	sdelay $0x3  }
0x8d: {  	[hbm4b:s1+s14] =	stream.indirect_vreg.scatter [tilespmem:s31], [sflag:$0x2], $0x1, v8, vm0, $0x4038;
	[tilespmem:$0x1320] =	vst v63  }
0x8e: {  	v3 =	vld [tilespmem:$0x10F0];
	_ =	sdelay $0x4  }
0x8f: {  	v3 =	vshift.insert v3, v1, s20;
	_ =	sdelay $0x1  }
0x90: {  	[tilespmem:s24+$0x0] =	vst.msk $0x1, v3  }
0x91: {  	v3 =	vsel vm4, $0x1, v1;
	[tilespmem:$0x90] =	vst v6  }
0x92: {  	[tilespmem:$0xA0] =	vst v3  }
0x93: {  	[spmem:s12] =	stream.linear.scatter [tilespmem:s25], [sflag:$0x1], $0x1, $0x38;
	[tilespmem:$0x1320] =	vst v63  }
0x94: {  	v3 =	vmctz.xlane vm4;
	_ =	swait.ge [sflag:s4], $0x1  }
0x95: {  	(v2sf) =	vpush v4, $0x0  }
0x96: {  	(v2sf) =	vpush v3, $0x0;
	_ =	sdelay $0xd  }
0x97: {  	s0 =	spop (v2sf)  }
0x98: {  	s2 =	spop (v2sf)  }
0x99: {  	[sflag:s4] =	ssyncset.done $0x0;
	p0 =	sne.s32 s30, s0;
	p1 =	slt.s32 s2, $0xF  }
0x9a: {  	[sflag:s4] =	ssyncadd.s32 $0xFFFFFFFF;
	v3 =	vimm.s32 @!p0 $0xFFFFFFFF;
	s2 =	simm.s32 @!p1 $0xF  }
0x9b: {  	[tilespmem:$0x80] =	vst @!p0 v3;
	s31 =	sadd.s32 $0x90, s2  }
0x9c: {  	[spmem:s10] =	stream.linear.scatter [tilespmem:s31], [sflag:$0x1], $0x1, $0x38;
	[tilespmem:$0x1320] =	vst v63  }
0x9d: {  	_ =	swait.ge [sflag:s4], $0x1  }
0x9e: {  	[sflag:s4] =	ssyncset.done $0x0  }
0x9f: {  	[sflag:s4] =	ssyncadd.s32 $0xFFFFFFFF  }
0xa0: {  	[spmem:s13] =	stream.linear.scatter [tilespmem:s26], [sflag:$0x1], $0x1, $0x38;
	[tilespmem:$0x1320] =	vst v63  }
0xa1: {  	_ =	swait.ge [sflag:s4], $0x1  }
0xa2: {  	[sflag:s4] =	ssyncset.done $0x0  }
0xa3: {  	[sflag:s4] =	ssyncadd.s32 $0xFFFFFFFF;
	(ifvalue) =	ssetifvalue $0xFFFFFFFF;
	v3 =	vld [tilespmem:$0x10];
	_ =	sdelay $0x3  }
.Ltmp8:
0xa4: {  	_ = 	snop;
	(pc) =	sbr.rel .LBB2_4-.Ltmp8, $3  }
0xa5: {  	_ =	sdelay $0x1  }
0xa6: {  	(ifvalue) =	ssetifvalue $0xFFFFFFFF  }
0xa7: {  	[hbm4b:s1+s14] =	stream.indirect_vreg.scatter [tilespmem:s19], [sflag:$0x9], $0x1, v3, vm0, $0x4038;
	[tilespmem:$0x1320] =	vst v63  }
.LBB2_12:
0xa8: {  	s0 =	simm.s32 $0x2  }
0xa9: {  	_ =	swait.ge [sflag:s0], $0x200  }
0xaa: {  	[sflag:s0] =	ssyncset.done $0x0  }
0xab: {  	s31 =	simm.s32 $0x9;
	[sflag:s0] =	ssyncadd.s32 $0xFFFFFE00  }
0xac: {  	_ =	swait.ge [sflag:s31], $0x10  }
0xad: {  	[sflag:s31] =	ssyncset.done $0x0  }
0xae: {  	[sflag:s31] =	ssyncadd.s32 $0xFFFFFFF0  }
.LBB2_13:
0xaf: {  	_ =	sfence.sel $0x180000  }
0xb0: {  	s0 =	simm.s32 $0x7;
	[bflag:$0x0] =	sbarrier.arrive $0xFFFF  }
0xb1: {  	s26 =	simm.s32 $0x8;
	[sflag:s0] =	ssyncpa.u1 $0x1  }
0xb2: {  	s28 =	simm.s32 $0x9;
	[sflag:s26] =	ssyncpa.u1 $0x1  }
0xb3: {  	[sflag:s28] =	ssyncpa.u1 $0x1  }
0xb4: {  	_ =	sfence.stream.spmem  }
0xb5: {  	s29 =	simm.s32 $0x3;
	[bflag:$0x0] =	sbarrier.arrive $0xFFFF  }
0xb6: {  	s30 =	simm.s32 $0x4;
	[sflag:s29] =	ssyncpa.u1 $0x1  }
0xb7: {  	s31 =	simm.s32 $0x3C;
	s2 =	stileid.u32;
	[sflag:s30] =	ssyncpa.u1 $0x1  }
0xb8: {  	p0 =	sne.s32 s2, $0x0;
	[sflag:s31] =	ssyncpa.u1 $0x1  }
0xb9: {  	s0 =	simm.s32 @p0 $0x1;
	_ =	sfence @p0  }
0xba: {  	[sflag:s0] =	ssyncpa.u1 @p0 $0x1;
	s0 =	simm.s32 @p0 $0x2  }
0xbb: {  	[sflag:s0] =	ssyncpa.u1 @p0 $0x1  }
0xbc: {  	_ =	strace @p0 $0x90000047  }
0xbd: {  	[bflag:$0x2] =	sbarrier.arrive @p0 $0xFFFF  }
0xbe: {  	_ =	shalt @p0  }
.LBB2_14:
0xbf: {  	_ =	sfence.stream.spmem;
	s0 =	simm.s32 $0x5  }
0xc0: {  	s2 =	simm.s32 $0x80;
	s3 =	simm.s32 $0xC0;
	[sflag:s0] =	ssyncpa.u1 $0x0  }
0xc1: {  	[tilespmem:s3], [sflag:$0x5] =	stream.linear.gather [spmem:s2], $0x20, $0x38;
	[tilespmem:$0x1320] =	vst v63  }
0xc2: {  	s30 =	simm.s32 $0xE0;
	s2 =	simm.s32 $0x0  }
0xc3: {  	[tilespmem:s30], [sflag:$0x5] =	stream.linear.gather [spmem:s2], $0x20, $0x38;
	[tilespmem:$0x1320] =	vst v63  }
.Ltmp9:
0xc4: {  	_ = 	snop;
	(pc) =	sbr.rel .LBB2_15-.Ltmp9, $4  }
0xc5: {  	_ =	swait.ge [sflag:s0], $0x40  }
0xc6: {  	[sflag:s0] =	ssyncset.done $0x0  }
0xc7: {  	s31 =	simm.s32 $0x6;
	[sflag:s0] =	ssyncadd.s32 $0xFFFFFFC0  }
0xc8: {  	s3 =	simm.s32 $0x0;
	[sflag:s31] =	ssyncpa.u1 $0x0  }
.LBB2_20:
0xc9: {  	p0 =	sgt.u32 s4, $0xC3FF  }
0xca: {  	s0 =	sshrl.u32 @!p0 s4, $0x3  }
0xcb: {  	s4 =	sand.u32 @!p0 $0x7, s4;
	s5 =	simm.s32 @!p0 $0xB0;
	s0 =	sadd.s32 @!p0 s1, s0  }
0xcc: {  	[tilespmem:s5], [sflag:$0x6] =	stream.linear.gather @!p0 [hbm4b:s0+s4], $0x1, $0x38;
	[tilespmem:$0x1320] =	vst v63  }
0xcd: {  	s0 =	simm.s32 @!p0 $0x6  }
0xce: {  	_ =	swait.ge @!p0 [sflag:s0], $0x1  }
0xcf: {  	[sflag:s0] =	ssyncset.done @!p0 $0x0  }
0xd0: {  	[sflag:s0] =	ssyncadd.s32 @!p0 $0xFFFFFFFF  }
0xd1: {  	v1 =	vld.msk @!p0 [tilespmem:$0xB0], $0x1  }
0xd2: {  	v2 =	vld.msk @!p0 [tilespmem:s3+$0xE0], $0x1;
	_ =	sdelay $0x4  }
0xd3: {  	vm0 =	vgt.s32 @!p0 v2, v1  }
0xd4: {  	v1 =	vsel @!p0 vm0, v2, v1  }
0xd5: {  	[tilespmem:s3+$0xE0] =	vst.msk @!p0 $0x1, v1  }
0xd6: {  	[tilespmem:s2+$0xC0] =	vst.msk $0x1, v0  }
0xd7: {  	v0 =	vld.msk [tilespmem:s3+$0xE0], $0x1;
	_ =	sdelay $0x4  }
0xd8: {  	[tilespmem:s2+$0xE0] =	vst.msk $0x1, v0;
	s2 =	sadd.s32 $0x1, s2  }
.LBB2_22:
0xd9: {  	s3 =	sadd.s32 $0x1, s3  }
0xda: {  	p0 =	sne.s32 s3, $0x20  }
.Ltmp10:
0xdb: {  	_ = 	snop;
	(pc) =	sbr.rel @!p0 .LBB2_23-.Ltmp10, $1  }
0xdc: {  	_ =	sdelay $0x3  }
.LBB2_15:
0xdd: {  	v0 =	vld.msk [tilespmem:s3+$0xC0], $0x1;
	_ =	sdelay $0x4  }
0xde: {  	(v2sf) =	vpush v0, $0x0;
	_ =	sdelay $0xe  }
0xdf: {  	s4 =	spop (v2sf)  }
0xe0: {  	p0 =	seq.s32 s4, $0xFFFFFFFF  }
.Ltmp11:
0xe1: {  	_ = 	snop;
	(pc) =	sbr.rel @p0 .LBB2_22-.Ltmp11, $1  }
0xe2: {  	_ =	sdelay $0x3  }
0xe3: {  	p0 =	slt.s32 s2, $0x1  }
.Ltmp12:
0xe4: {  	_ = 	snop;
	(pc) =	sbr.rel @p0 .LBB2_20-.Ltmp12, $1  }
0xe5: {  	_ =	sdelay $0x3  }
0xe6: {  	s0 =	simm.s32 $0xC0;
	p0 =	por $0x0, $0x0  }
0xe7: {  	v1 =	vld.msk @!p0 [tilespmem:s0+$0x0], $0x1;
	_ =	sdelay $0x4  }
0xe8: {  	(v2sf) =	vpush @!p0 v1, $0x0;
	_ =	sdelay $0xd  }
0xe9: {  	p2 =	sne.s32 s2, $0x1  }
.Ltmp13:
0xea: {  	s5 =	spop @!p0 (v2sf);
	(pc) =	sbr.rel @!p2 .LBB2_19-.Ltmp13, $4  }
0xeb: {  	p1 =	seq.s32 @!p0 s4, s5  }
0xec: {  	s5 =	simm.s32 $0x0;
	p1 =	por !p1, p0  }
0xed: {  	s7 =	simm.s32 $0xFFFFFFFF;
	s5 =	simm.s32 @p1 $0xFFFFFFFF  }
0xee: {  	s6 =	simm.s32 $0x1;
	s5 =	smov.u32 @p0 s7  }
.LBB2_18:
0xef: {  	s7 =	smov.u32 s5;
	p0 =	sne.s32 s5, $0xFFFFFFFF  }
0xf0: {  	s0 =	sadd.s32 $0x1, s0;
	s5 =	smov.u32 s6;
	s6 =	sadd.s32 $0x1, s6  }
0xf1: {  	p1 =	sne.s32 s2, s6;
	v1 =	vld.msk @!p0 [tilespmem:s0+$0x0], $0x1;
	_ =	sdelay $0x4  }
0xf2: {  	(v2sf) =	vpush @!p0 v1, $0x0;
	_ =	sdelay $0xe  }
.Ltmp14:
0xf3: {  	s8 =	spop @!p0 (v2sf);
	(pc) =	sbr.rel @p1 .LBB2_18-.Ltmp14, $4  }
0xf4: {  	p2 =	seq.s32 @!p0 s4, s8  }
0xf5: {  	p2 =	por !p2, p0  }
0xf6: {  	s5 =	simm.s32 @p2 $0xFFFFFFFF  }
0xf7: {  	s5 =	smov.u32 @p0 s7  }
.LBB2_19:
0xf8: {  	p0 =	sne.s32 s5, $0xFFFFFFFF  }
.Ltmp15:
0xf9: {  	_ = 	snop;
	(pc) =	sbr.rel @!p0 .LBB2_20-.Ltmp15, $1  }
0xfa: {  	_ =	sdelay $0x3  }
0xfb: {  	v0 =	vld.msk [tilespmem:s3+$0xE0], $0x1  }
0xfc: {  	v1 =	vld.msk [tilespmem:s5+$0xE0], $0x1;
	_ =	sdelay $0x2  }
.Ltmp16:
0xfd: {  	_ = 	snop;
	(pc) =	sbr.rel .LBB2_22-.Ltmp16, $4  }
0xfe: {  	_ = 	snop  }
0xff: {  	vm0 =	vgt.s32 v1, v0  }
0x100: {  	v0 =	vsel vm0, v1, v0  }
0x101: {  	[tilespmem:s5+$0xE0] =	vst.msk $0x1, v0  }
.LBB2_23:
0x102: {  	p0 =	slt.s32 s2, $0x1  }
.Ltmp17:
0x103: {  	_ = 	snop;
	(pc) =	sbr.rel @p0 .LBB2_27-.Ltmp17, $3  }
0x104: {  	_ =	sdelay $0x1  }
0x105: {  	s0 =	simm.s32 $0x6  }
0x106: {  	[sflag:s0] =	ssyncpa.u1 $0x1;
	s0 =	simm.s32 $0x0  }
0x107: {  	s3 =	simm.s32 $0xC0  }
0x108: {  	v0 =	vld.msk [tilespmem:s3+$0x0], $0x1;
	_ =	sdelay $0x4  }
0x109: {  	(v2sf) =	vpush v0, $0x0;
	_ =	sdelay $0xe  }
0x10a: {  	s2 =	sadd.s32 $0xFFFFFFFF, s2;
	s4 =	spop (v2sf)  }
0x10b: {  	p1 =	sne.s32 s2, $0x0;
	p0 =	sgt.u32 s4, $0xC3FF  }
.Ltmp18:
0x10c: {  	s5 =	sshrl.u32 @!p0 s4, $0x3;
	(pc) =	sbr.rel @!p1 .LBB2_26-.Ltmp18, $4  }
0x10d: {  	s3 =	simm.s32 $0xE0;
	s4 =	sand.u32 @!p0 $0x7, s4;
	s5 =	sadd.s32 @!p0 s1, s5  }
0x10e: {  	[hbm4b:s5+s4] =	stream.linear.scatter @!p0 [tilespmem:s3], [sflag:$0x5], $0x1, $0x38;
	[tilespmem:$0x1320] =	vst v63  }
0x10f: {  	s5 =	simm.s32 $0x0  }
0x110: {  	s4 =	simm.s32 $0xC1;
	s5 =	simm.s32 @!p0 $0x4  }
.LBB2_25:
0x111: {  	v0 =	vld.msk [tilespmem:s4+$0x0], $0x1;
	s2 =	sadd.s32 $0xFFFFFFFF, s2;
	s0 =	sadd.s32 s0, s5  }
0x112: {  	p0 =	sne.s32 s2, $0x0;
	_ =	sdelay $0x3  }
0x113: {  	(v2sf) =	vpush v0, $0x0;
	_ =	sdelay $0xe  }
.Ltmp19:
0x114: {  	s6 =	spop (v2sf);
	(pc) =	sbr.rel @p0 .LBB2_25-.Ltmp19, $4  }
0x115: {  	s5 =	simm.s32 $0x0;
	p1 =	sgt.u32 s6, $0xC3FF  }
0x116: {  	s3 =	sadd.s32 $0x1, s3;
	s5 =	simm.s32 @!p1 $0x4;
	s7 =	sshrl.u32 @!p1 s6, $0x3  }
0x117: {  	s4 =	sadd.s32 $0x1, s4;
	s6 =	sand.u32 @!p1 $0x7, s6;
	s7 =	sadd.s32 @!p1 s1, s7  }
0x118: {  	[hbm4b:s7+s6] =	stream.linear.scatter @!p1 [tilespmem:s3], [sflag:$0x5], $0x1, $0x38;
	[tilespmem:$0x1320] =	vst v63  }
.LBB2_26:
0x119: {  	s0 =	sadd.s32 s0, s5  }
0x11a: {  	s0 =	sshrl.u32 s0, $0x2  }
.LBB2_27:
0x11b: {  	s1 =	simm.s32 $0x5  }
0x11c: {  	_ =	swait.ge [sflag:s1], s0  }
0x11d: {  	s28 =	ssub.s32 $0x0, s0;
	[sflag:s1] =	ssyncset.done $0x0  }
0x11e: {  	[sflag:s1] =	ssyncadd.s32 s28  }
0x11f: {  	[sflag:s1] =	ssyncpa.u1 $0x1  }
0x120: {  	s29 =	simm.s32 $0x1;
	_ =	sfence  }
0x121: {  	s30 =	simm.s32 $0x2;
	[sflag:s29] =	ssyncpa.u1 $0x1  }
0x122: {  	[sflag:s30] =	ssyncpa.u1 $0x1  }
0x123: {  	_ =	strace $0x90000047  }
0x124: {  	[bflag:$0x2] =	sbarrier.arrive $0xFFFF  }
0x125: {  	s31 =	rddreg [dreg:$0x2]  }
0x126: {  	s0 =	sadd.s32 $0x100000, s31  }
0x127: {  	[sflag:s0] =	ssyncadd.tile.s32 $0x1;
	_ =	shalt  }
.Lfunc_end2:
_tile_overlayer_lowered:
.L_overlay_start_2:
0x128: {  	(tag) =	ssettag $0x2  }
0x129: {  	s0 =	rddreg [dreg:$0x0];
	s2 =	stileid.u32  }
0x12a: {  	s1 =	rddreg [dreg:$0x1];
	p0 =	sne.s32 s2, $0x0  }
0x12b: {  	s3 =	rddreg [dreg:$0x2];
	[bflag:$0x3] =	sbarrier.arrive $0xFFFF;
	s2 =	simm.s32 @!p0 $0x1C01  }
0x12c: {  	[timem:s3], [sflag:s2] =	dma.local @!p0 [hbm:s0], s1  }
0x12d: {  	s0 =	simm.s32 @!p0 $0x1  }
0x12e: {  	_ =	swait.ge @!p0 [sflag:s0], s1  }
0x12f: {  	s1 =	ssub.s32 @!p0 $0x0, s1;
	[sflag:s0] =	ssyncset.done @!p0 $0x0  }
0x130: {  	[sflag:s0] =	ssyncadd.s32 @!p0 s1  }
0x131: {  	[bflag:$0x3] =	sbarrier.arrive $0xFFFF  }
0x132: {  	_ =	shalt  }

</sc_bundles>
